<compile_context>
chip_gen: v7x
topology: tpu7x:2x2x1
jax: 0.10.2.dev20260603
libtpu: 0.0.44.dev20260713+nightly
codegen_flags: <defaults>
</compile_context>

<pallas_src>
import functools

import jax
import jax.numpy as jnp
from jax import lax
from jax.experimental import pallas as pl
from jax.experimental.pallas import tpu as pltpu
from jax.experimental.pallas import tpu_sc as plsc

N_QUANT = 8
CODEBOOK_SIZE = 8192
CHUNK = 128
BATCH = 16
SEQ = 4096
TOKENS = BATCH * SEQ
NUM_WORKERS = 32
TOK_W = TOKENS // NUM_WORKERS
CT = 16
CROWS = CT * N_QUANT
NCH = TOK_W // CT
BT = 64
NBLK = TOK_W // BT
NSLOT = 4

_mesh = plsc.VectorSubcoreMesh(core_axis_name="c", subcore_axis_name="s")


@functools.partial(
    pl.kernel,
    mesh=_mesh,
    out_type=jax.ShapeDtypeStruct((BATCH, SEQ * N_QUANT, CHUNK), jnp.float32),
    scratch_types=(
        [pltpu.VMEM((BT, N_QUANT), jnp.int32) for _ in range(2)]
        + [pltpu.VMEM((CROWS,), jnp.int32) for _ in range(NSLOT)]
        + [pltpu.VMEM((CROWS, CHUNK), jnp.float32) for _ in range(NSLOT)]
        + [pltpu.SemaphoreType.DMA((NSLOT,)) for _ in range(2)]
        + [pltpu.SemaphoreType.DMA for _ in range(2)]
    ),
    compiler_params=pltpu.CompilerParams(needs_layout_passes=False),
)
def _emb_lookup(tbl_hbm, x_hbm, out_hbm, xsA, xsB,
                ip0, ip1, ip2, ip3, rv0, rv1, rv2, rv3,
                gsem, osem, xsemA, xsemB):
    ips = (ip0, ip1, ip2, ip3)
    rvs = (rv0, rv1, rv2, rv3)
    wid = lax.axis_index("s") * 2 + lax.axis_index("c")
    b = wid // 2
    t_base = (wid % 2) * TOK_W
    r_base = t_base * N_QUANT

    lanes = lax.iota(jnp.int32, 16)

    def stage_x(blk, xs, xsem):
        pltpu.async_copy(x_hbm.at[b, pl.ds(t_base + blk * BT, BT)], xs, xsem)

    def drain_x(xs, xsem):
        pltpu.make_async_copy(x_hbm.at[0, pl.ds(0, BT)], xs, xsem).wait()

    def build_perm(k, xs, ip):
        for g in range(CROWS // 16):
            tg = 16 * g // 64
            i_vec = (16 * g) % 64 // 8 + lanes // 8
            row = k * CT + tg * 8 + lanes % 8
            vals = plsc.load_gather(xs, [row, i_vec])
            ip[pl.ds(16 * g, 16)] = vals + i_vec * CODEBOOK_SIZE

    def fire_gather(s):
        pltpu.async_copy(tbl_hbm.at[ips[s]], rvs[s], gsem.at[s])

    def drain_gather(s):
        pltpu.make_async_copy(tbl_hbm.at[pl.ds(0, CROWS)], rvs[s],
                              gsem.at[s]).wait()

    def fire_writeback(c, s):
        pltpu.async_copy(rvs[s],
                         out_hbm.at[b, pl.ds(r_base + c * CROWS, CROWS)],
                         osem.at[s])

    def drain_writeback(s):
        pltpu.make_async_copy(tbl_hbm.at[pl.ds(0, CROWS)], rvs[s],
                              osem.at[s]).wait()

    stage_x(0, xsA, xsemA)
    drain_x(xsA, xsemA)
    stage_x(1, xsB, xsemB)
    build_perm(0, xsA, ips[0])
    fire_gather(0)
    build_perm(1, xsA, ips[1])
    fire_gather(1)

    def body(h, carry):
        c0 = 8 * h

        @pl.when(h > 0)
        def _():
            drain_writeback(2)
        build_perm(2, xsA, ips[2])
        fire_gather(2)
        drain_gather(0)
        fire_writeback(c0, 0)

        @pl.when(h > 0)
        def _():
            drain_writeback(3)
        build_perm(3, xsA, ips[3])
        fire_gather(3)

        @pl.when(h < NBLK // 2 - 1)
        def _():
            stage_x(2 * h + 2, xsA, xsemA)
        drain_gather(1)
        fire_writeback(c0 + 1, 1)

        drain_x(xsB, xsemB)
        drain_writeback(0)
        build_perm(0, xsB, ips[0])
        fire_gather(0)
        drain_gather(2)
        fire_writeback(c0 + 2, 2)

        drain_writeback(1)
        build_perm(1, xsB, ips[1])
        fire_gather(1)
        drain_gather(3)
        fire_writeback(c0 + 3, 3)

        drain_writeback(2)
        build_perm(2, xsB, ips[2])
        fire_gather(2)
        drain_gather(0)
        fire_writeback(c0 + 4, 0)

        drain_writeback(3)
        build_perm(3, xsB, ips[3])
        fire_gather(3)

        @pl.when(h < NBLK // 2 - 1)
        def _():
            stage_x(2 * h + 3, xsB, xsemB)
        drain_gather(1)
        fire_writeback(c0 + 5, 1)

        @pl.when(h < NBLK // 2 - 1)
        def _():
            drain_x(xsA, xsemA)
            drain_writeback(0)
            build_perm(0, xsA, ips[0])
            fire_gather(0)
        drain_gather(2)
        fire_writeback(c0 + 6, 2)

        @pl.when(h < NBLK // 2 - 1)
        def _():
            drain_writeback(1)
            build_perm(1, xsA, ips[1])
            fire_gather(1)
        drain_gather(3)
        fire_writeback(c0 + 7, 3)
        return carry

    lax.fori_loop(0, NBLK // 2, body, 0)
    for s in range(NSLOT):
        drain_writeback(s)


def kernel(x, tables):
    tbl = tables.reshape(N_QUANT * CODEBOOK_SIZE, CHUNK)
    out3 = _emb_lookup(tbl, x)
    y5 = out3.reshape(BATCH, SEQ // 8, N_QUANT, 8, CHUNK)
    return y5.transpose(0, 1, 3, 2, 4).reshape(BATCH, SEQ, N_QUANT * CHUNK)

# --- scband reference (transcript-rebuilt; emitter-appended) ---
"""Pipeline reference for scband-chunked-embedding-81965155877507 (READ-ONLY COPY).

The authoritative reference and input builder live on the scoring server;
editing this copy changes nothing except your own understanding.
"""

import jax, jax.numpy as jnp
import numpy as np

N_QUANT = 8
CODEBOOK_SIZE = 8192
DIM = 1024
CHUNK = DIM // N_QUANT


def setup_inputs(seed: int = 0) -> dict:
    key = jax.random.key(seed)
    k1, k2 = jax.random.split(key)
    x = jax.random.randint(k1, (16, 4096, N_QUANT), 0, CODEBOOK_SIZE, dtype=jnp.int64 if jax.config.jax_enable_x64 else jnp.int32)
    # Stacked embedding tables: one (codebook_size, dim//n_quantizer) table per quantizer
    tables = jax.random.normal(k2, (N_QUANT, CODEBOOK_SIZE, CHUNK), dtype=jnp.float32) * 0.02
    return {"x": x, "tables": tables}


def reference(x, tables):
    # For each quantizer i, embed x[..., i] with tables[i], then concat along feature dim
    y = jnp.concatenate([jnp.take(tables[i], x[..., i], axis=0) for i in range(N_QUANT)], axis=-1)
    return y

if __name__ == "__main__":
    import jax
    _d = setup_inputs()
    print(jax.jit(kernel)(*tuple(_d.values())))

</pallas_src>

<mosaic_0001>
#map = affine_map<(d0, d1) -> (0, 0)>
#map1 = affine_map<(d0, d1) -> (0, 0, 0)>
module attributes {stable_mosaic.version = 14 : i64} {
  func.func @_emb_lookup(%arg0: i32, %arg1: i32, %arg2: memref<65536x128xf32, #tpu.memory_space<hbm>>, %arg3: memref<16x4096x8xi32, #tpu.memory_space<hbm>>, %arg4: memref<16x32768x128xf32, #tpu.memory_space<hbm>>, %arg5: memref<64x8xi32, #tpu.memory_space<vmem>>, %arg6: memref<64x8xi32, #tpu.memory_space<vmem>>, %arg7: memref<128xi32, #tpu.memory_space<vmem>>, %arg8: memref<128xi32, #tpu.memory_space<vmem>>, %arg9: memref<128xi32, #tpu.memory_space<vmem>>, %arg10: memref<128xi32, #tpu.memory_space<vmem>>, %arg11: memref<128x128xf32, #tpu.memory_space<vmem>>, %arg12: memref<128x128xf32, #tpu.memory_space<vmem>>, %arg13: memref<128x128xf32, #tpu.memory_space<vmem>>, %arg14: memref<128x128xf32, #tpu.memory_space<vmem>>, %arg15: memref<4x!tpu.dma_semaphore, #tpu.memory_space<semaphore_mem>>, %arg16: memref<4x!tpu.dma_semaphore, #tpu.memory_space<semaphore_mem>>, %arg17: memref<!tpu.dma_semaphore, #tpu.memory_space<semaphore_mem>>, %arg18: memref<!tpu.dma_semaphore, #tpu.memory_space<semaphore_mem>>) attributes {dimension_semantics = [#tpu.dimension_semantics<core_parallel>, #tpu.dimension_semantics<subcore_parallel>], iteration_bounds = array<i64: 2, 16>, scalar_prefetch = 0 : i64, scratch_operands = 14 : i64, tpu.core_type = #tpu.core_type<sc_vector_subcore>, window_params = [{transform_indices = #map}, {transform_indices = #map1}, {transform_indices = #map1}]} {
    %mul3A = arith.constant 2 : i32
    %mul3A_0 = arith.muli %arg1, %mul3A : i32
    %add3A = arith.addi %mul3A_0, %arg0 : i32
    %jit3A = arith.constant 2 : i32
    %div3A = arith.divsi %add3A, %jit3A : i32
    %sign3A = arith.constant 0 : i32
    %sign3A_1 = arith.cmpi sgt, %add3A, %sign3A : i32
    %sign3A_2 = arith.extui %sign3A_1 : i1 to i32
    %sign3A_3 = arith.constant 0 : i32
    %sign3A_4 = arith.cmpi slt, %add3A, %sign3A_3 : i32
    %sign3A_5 = arith.extui %sign3A_4 : i1 to i32
    %sign3A_6 = arith.subi %sign3A_2, %sign3A_5 : i32
    %sign3A_7 = arith.constant 0 : i32
    %sign3A_8 = arith.cmpi sgt, %jit3A, %sign3A_7 : i32
    %sign3A_9 = arith.extui %sign3A_8 : i1 to i32
    %sign3A_10 = arith.constant 0 : i32
    %sign3A_11 = arith.cmpi slt, %jit3A, %sign3A_10 : i32
    %sign3A_12 = arith.extui %sign3A_11 : i1 to i32
    %sign3A_13 = arith.subi %sign3A_9, %sign3A_12 : i32
    %ne3A = arith.cmpi ne, %sign3A_6, %sign3A_13 : i32
    %rem3A = arith.remsi %add3A, %jit3A : i32
    %ne3A_14 = arith.constant 0 : i32
    %ne3A_15 = arith.cmpi ne, %rem3A, %ne3A_14 : i32
    %and3A = arith.andi %ne3A, %ne3A_15 : i1
    %sub3A = arith.constant 1 : i32
    %sub3A_16 = arith.subi %div3A, %sub3A : i32
    %select_n3A = arith.select %and3A, %sub3A_16, %div3A : i32
    %jit3A_17 = arith.constant 2 : i32
    %eq3A = arith.constant 0 : i32
    %eq3A_18 = arith.cmpi eq, %jit3A_17, %eq3A : i32
    %jit3A_19 = arith.constant 1 : i32
    %select_n3A_20 = arith.select %eq3A_18, %jit3A_19, %jit3A_17 : i32
    %rem3A_21 = arith.remsi %add3A, %select_n3A_20 : i32
    %ne3A_22 = arith.constant 0 : i32
    %ne3A_23 = arith.cmpi ne, %rem3A_21, %ne3A_22 : i32
    %lt3A = arith.constant 0 : i32
    %lt3A_24 = arith.cmpi slt, %rem3A_21, %lt3A : i32
    %lt3A_25 = arith.constant 0 : i32
    %lt3A_26 = arith.cmpi slt, %select_n3A_20, %lt3A_25 : i32
    %ne3A_27 = arith.xori %lt3A_24, %lt3A_26 : i1
    %and3A_28 = arith.andi %ne3A_27, %ne3A_23 : i1
    %add3A_29 = arith.addi %rem3A_21, %select_n3A_20 : i32
    %select_n3A_30 = arith.select %and3A_28, %add3A_29, %rem3A_21 : i32
    %mul3A_31 = arith.constant 2048 : i32
    %mul3A_32 = arith.muli %select_n3A_30, %mul3A_31 : i32
    %mul3A_33 = arith.constant 8 : i32
    %mul3A_34 = arith.muli %mul3A_32, %mul3A_33 : i32
    %iota3A = tpu.iota {dimensions = array<i32: 0>} : vector<16xi32>
    %add3A_35 = arith.constant 0 : i32
    %add3A_36 = arith.addi %mul3A_32, %add3A_35 : i32
    %dma_start3A = arith.constant 0 : i32
    %dma_start3A_37 = tpu.memref_slice %arg3[%select_n3A, %add3A_36, %dma_start3A] : memref<16x4096x8xi32, #tpu.memory_space<hbm>> -> memref<1x64x8xi32, #tpu.memory_space<hbm>>
    %dma_start3A_38 = tpu.memref_squeeze %dma_start3A_37 : memref<1x64x8xi32, #tpu.memory_space<hbm>> -> memref<64x8xi32, #tpu.memory_space<hbm>>
    %dma_start3A_39 = arith.constant 0 : i32
    %dma_start3A_40 = tpu.memref_slice %arg3[%select_n3A, %add3A_36, %dma_start3A_39] : memref<16x4096x8xi32, #tpu.memory_space<hbm>> -> memref<1x64x8xi32, #tpu.memory_space<hbm>>
    %dma_start3A_41 = tpu.memref_squeeze %dma_start3A_40 : memref<1x64x8xi32, #tpu.memory_space<hbm>> -> memref<64x8xi32, #tpu.memory_space<hbm>>
    tpu.enqueue_dma source(%dma_start3A_41 : memref<64x8xi32, #tpu.memory_space<hbm>>) target(%arg5 : memref<64x8xi32, #tpu.memory_space<vmem>>) target_semaphore(%arg17 : memref<!tpu.dma_semaphore, #tpu.memory_space<semaphore_mem>>)
    %dma_wait3A = arith.constant 0 : i32
    %dma_wait3A_42 = arith.constant 0 : i32
    %dma_wait3A_43 = arith.constant 0 : i32
    %dma_wait3A_44 = tpu.memref_slice %arg3[%dma_wait3A, %dma_wait3A_42, %dma_wait3A_43] : memref<16x4096x8xi32, #tpu.memory_space<hbm>> -> memref<1x64x8xi32, #tpu.memory_space<hbm>>
    %dma_wait3A_45 = tpu.memref_squeeze %dma_wait3A_44 : memref<1x64x8xi32, #tpu.memory_space<hbm>> -> memref<64x8xi32, #tpu.memory_space<hbm>>
    %dma_wait3A_46 = arith.constant 0 : i32
    %dma_wait3A_47 = arith.constant 0 : i32
    %dma_wait3A_48 = tpu.memref_slice %arg3[%dma_wait3A, %dma_wait3A_46, %dma_wait3A_47] : memref<16x4096x8xi32, #tpu.memory_space<hbm>> -> memref<1x64x8xi32, #tpu.memory_space<hbm>>
    %dma_wait3A_49 = tpu.memref_squeeze %dma_wait3A_48 : memref<1x64x8xi32, #tpu.memory_space<hbm>> -> memref<64x8xi32, #tpu.memory_space<hbm>>
    tpu.wait_dma2 semaphore(%arg17 : memref<!tpu.dma_semaphore, #tpu.memory_space<semaphore_mem>>) src(%dma_wait3A_49 : memref<64x8xi32, #tpu.memory_space<hbm>>) dst(%arg5 : memref<64x8xi32, #tpu.memory_space<vmem>>)
    %add3A_50 = arith.constant 64 : i32
    %add3A_51 = arith.addi %mul3A_32, %add3A_50 : i32
    %dma_start3A_52 = arith.constant 0 : i32
    %dma_start3A_53 = tpu.memref_slice %arg3[%select_n3A, %add3A_51, %dma_start3A_52] : memref<16x4096x8xi32, #tpu.memory_space<hbm>> -> memref<1x64x8xi32, #tpu.memory_space<hbm>>
    %dma_start3A_54 = tpu.memref_squeeze %dma_start3A_53 : memref<1x64x8xi32, #tpu.memory_space<hbm>> -> memref<64x8xi32, #tpu.memory_space<hbm>>
    %dma_start3A_55 = arith.constant 0 : i32
    %dma_start3A_56 = tpu.memref_slice %arg3[%select_n3A, %add3A_51, %dma_start3A_55] : memref<16x4096x8xi32, #tpu.memory_space<hbm>> -> memref<1x64x8xi32, #tpu.memory_space<hbm>>
    %dma_start3A_57 = tpu.memref_squeeze %dma_start3A_56 : memref<1x64x8xi32, #tpu.memory_space<hbm>> -> memref<64x8xi32, #tpu.memory_space<hbm>>
    tpu.enqueue_dma source(%dma_start3A_57 : memref<64x8xi32, #tpu.memory_space<hbm>>) target(%arg6 : memref<64x8xi32, #tpu.memory_space<vmem>>) target_semaphore(%arg18 : memref<!tpu.dma_semaphore, #tpu.memory_space<semaphore_mem>>)
    %jit3A_58 = arith.constant 8 : i32
    %div3A_59 = vector.broadcast %jit3A_58 : i32 to vector<16xi32>
    %div3A_60 = arith.divsi %iota3A, %div3A_59 : vector<16xi32>
    %sign3A_61 = arith.constant 0 : i32
    %sign3A_62 = vector.broadcast %sign3A_61 : i32 to vector<16xi32>
    %sign3A_63 = arith.cmpi sgt, %iota3A, %sign3A_62 : vector<16xi32>
    %sign3A_64 = arith.extui %sign3A_63 : vector<16xi1> to vector<16xi32>
    %sign3A_65 = arith.constant 0 : i32
    %sign3A_66 = vector.broadcast %sign3A_65 : i32 to vector<16xi32>
    %sign3A_67 = arith.cmpi slt, %iota3A, %sign3A_66 : vector<16xi32>
    %sign3A_68 = arith.extui %sign3A_67 : vector<16xi1> to vector<16xi32>
    %sign3A_69 = arith.subi %sign3A_64, %sign3A_68 : vector<16xi32>
    %sign3A_70 = arith.constant 0 : i32
    %sign3A_71 = arith.cmpi sgt, %jit3A_58, %sign3A_70 : i32
    %sign3A_72 = arith.extui %sign3A_71 : i1 to i32
    %sign3A_73 = arith.constant 0 : i32
    %sign3A_74 = arith.cmpi slt, %jit3A_58, %sign3A_73 : i32
    %sign3A_75 = arith.extui %sign3A_74 : i1 to i32
    %sign3A_76 = arith.subi %sign3A_72, %sign3A_75 : i32
    %ne3A_77 = vector.broadcast %sign3A_76 : i32 to vector<16xi32>
    %ne3A_78 = arith.cmpi ne, %sign3A_69, %ne3A_77 : vector<16xi32>
    %rem3A_79 = vector.broadcast %jit3A_58 : i32 to vector<16xi32>
    %rem3A_80 = arith.remsi %iota3A, %rem3A_79 : vector<16xi32>
    %ne3A_81 = arith.constant 0 : i32
    %ne3A_82 = vector.broadcast %ne3A_81 : i32 to vector<16xi32>
    %ne3A_83 = arith.cmpi ne, %rem3A_80, %ne3A_82 : vector<16xi32>
    %and3A_84 = arith.andi %ne3A_78, %ne3A_83 : vector<16xi1>
    %sub3A_85 = arith.constant 1 : i32
    %sub3A_86 = vector.broadcast %sub3A_85 : i32 to vector<16xi32>
    %sub3A_87 = arith.subi %div3A_60, %sub3A_86 : vector<16xi32>
    %select_n3A_88 = arith.select %and3A_84, %sub3A_87, %div3A_60 : vector<16xi1>, vector<16xi32>
    %add3A_89 = arith.constant 0 : i32
    %add3A_90 = vector.broadcast %add3A_89 : i32 to vector<16xi32>
    %add3A_91 = arith.addi %add3A_90, %select_n3A_88 : vector<16xi32>
    %jit3A_92 = arith.constant 8 : i32
    %eq3A_93 = arith.constant 0 : i32
    %eq3A_94 = arith.cmpi eq, %jit3A_92, %eq3A_93 : i32
    %jit3A_95 = arith.constant 1 : i32
    %select_n3A_96 = arith.select %eq3A_94, %jit3A_95, %jit3A_92 : i32
    %rem3A_97 = vector.broadcast %select_n3A_96 : i32 to vector<16xi32>
    %rem3A_98 = arith.remsi %iota3A, %rem3A_97 : vector<16xi32>
    %ne3A_99 = arith.constant 0 : i32
    %ne3A_100 = vector.broadcast %ne3A_99 : i32 to vector<16xi32>
    %ne3A_101 = arith.cmpi ne, %rem3A_98, %ne3A_100 : vector<16xi32>
    %lt3A_102 = arith.constant 0 : i32
    %lt3A_103 = vector.broadcast %lt3A_102 : i32 to vector<16xi32>
    %lt3A_104 = arith.cmpi slt, %rem3A_98, %lt3A_103 : vector<16xi32>
    %lt3A_105 = arith.constant 0 : i32
    %lt3A_106 = arith.cmpi slt, %select_n3A_96, %lt3A_105 : i32
    %ne3A_107 = vector.broadcast %lt3A_106 : i1 to vector<16xi1>
    %ne3A_108 = vector.broadcast %ne3A_107 : vector<16xi1> to vector<16xi1>
    %ne3A_109 = arith.xori %lt3A_104, %ne3A_108 : vector<16xi1>
    %and3A_110 = arith.andi %ne3A_109, %ne3A_101 : vector<16xi1>
    %add3A_111 = vector.broadcast %select_n3A_96 : i32 to vector<16xi32>
    %add3A_112 = arith.addi %rem3A_98, %add3A_111 : vector<16xi32>
    %select_n3A_113 = arith.select %and3A_110, %add3A_112, %rem3A_98 : vector<16xi1>, vector<16xi32>
    %add3A_114 = arith.constant 0 : i32
    %add3A_115 = vector.broadcast %add3A_114 : i32 to vector<16xi32>
    %add3A_116 = arith.addi %add3A_115, %select_n3A_113 : vector<16xi32>
    %gather3A = tpu.vector_load_idx %arg5[%add3A_116, %add3A_91] : memref<64x8xi32, #tpu.memory_space<vmem>>[vector<16xi32>, vector<16xi32>], vector<16xi32>,
    %mul3A_117 = arith.constant 8192 : i32
    %mul3A_118 = vector.broadcast %mul3A_117 : i32 to vector<16xi32>
    %mul3A_119 = arith.muli %add3A_91, %mul3A_118 : vector<16xi32>
    %add3A_120 = arith.addi %gather3A, %mul3A_119 : vector<16xi32>
    %swap3A = arith.constant 0 : index
    %swap3A_121 = tpu.vector_load %arg7[%swap3A] {strides = array<i32>} : memref<128xi32, #tpu.memory_space<vmem>>, vector<16xi32>,
    tpu.vector_store %arg7[%swap3A], %add3A_120 {strides = array<i32>} : memref<128xi32, #tpu.memory_space<vmem>>, vector<16xi32>,
    %jit3A_122 = arith.constant 8 : i32
    %div3A_123 = vector.broadcast %jit3A_122 : i32 to vector<16xi32>
    %div3A_124 = arith.divsi %iota3A, %div3A_123 : vector<16xi32>
    %sign3A_125 = arith.constant 0 : i32
    %sign3A_126 = vector.broadcast %sign3A_125 : i32 to vector<16xi32>
    %sign3A_127 = arith.cmpi sgt, %iota3A, %sign3A_126 : vector<16xi32>
    %sign3A_128 = arith.extui %sign3A_127 : vector<16xi1> to vector<16xi32>
    %sign3A_129 = arith.constant 0 : i32
    %sign3A_130 = vector.broadcast %sign3A_129 : i32 to vector<16xi32>
    %sign3A_131 = arith.cmpi slt, %iota3A, %sign3A_130 : vector<16xi32>
    %sign3A_132 = arith.extui %sign3A_131 : vector<16xi1> to vector<16xi32>
    %sign3A_133 = arith.subi %sign3A_128, %sign3A_132 : vector<16xi32>
    %sign3A_134 = arith.constant 0 : i32
    %sign3A_135 = arith.cmpi sgt, %jit3A_122, %sign3A_134 : i32
    %sign3A_136 = arith.extui %sign3A_135 : i1 to i32
    %sign3A_137 = arith.constant 0 : i32
    %sign3A_138 = arith.cmpi slt, %jit3A_122, %sign3A_137 : i32
    %sign3A_139 = arith.extui %sign3A_138 : i1 to i32
    %sign3A_140 = arith.subi %sign3A_136, %sign3A_139 : i32
    %ne3A_141 = vector.broadcast %sign3A_140 : i32 to vector<16xi32>
    %ne3A_142 = arith.cmpi ne, %sign3A_133, %ne3A_141 : vector<16xi32>
    %rem3A_143 = vector.broadcast %jit3A_122 : i32 to vector<16xi32>
    %rem3A_144 = arith.remsi %iota3A, %rem3A_143 : vector<16xi32>
    %ne3A_145 = arith.constant 0 : i32
    %ne3A_146 = vector.broadcast %ne3A_145 : i32 to vector<16xi32>
    %ne3A_147 = arith.cmpi ne, %rem3A_144, %ne3A_146 : vector<16xi32>
    %and3A_148 = arith.andi %ne3A_142, %ne3A_147 : vector<16xi1>
    %sub3A_149 = arith.constant 1 : i32
    %sub3A_150 = vector.broadcast %sub3A_149 : i32 to vector<16xi32>
    %sub3A_151 = arith.subi %div3A_124, %sub3A_150 : vector<16xi32>
    %select_n3A_152 = arith.select %and3A_148, %sub3A_151, %div3A_124 : vector<16xi1>, vector<16xi32>
    %add3A_153 = arith.constant 2 : i32
    %add3A_154 = vector.broadcast %add3A_153 : i32 to vector<16xi32>
    %add3A_155 = arith.addi %add3A_154, %select_n3A_152 : vector<16xi32>
    %jit3A_156 = arith.constant 8 : i32
    %eq3A_157 = arith.constant 0 : i32
    %eq3A_158 = arith.cmpi eq, %jit3A_156, %eq3A_157 : i32
    %jit3A_159 = arith.constant 1 : i32
    %select_n3A_160 = arith.select %eq3A_158, %jit3A_159, %jit3A_156 : i32
    %rem3A_161 = vector.broadcast %select_n3A_160 : i32 to vector<16xi32>
    %rem3A_162 = arith.remsi %iota3A, %rem3A_161 : vector<16xi32>
    %ne3A_163 = arith.constant 0 : i32
    %ne3A_164 = vector.broadcast %ne3A_163 : i32 to vector<16xi32>
    %ne3A_165 = arith.cmpi ne, %rem3A_162, %ne3A_164 : vector<16xi32>
    %lt3A_166 = arith.constant 0 : i32
    %lt3A_167 = vector.broadcast %lt3A_166 : i32 to vector<16xi32>
    %lt3A_168 = arith.cmpi slt, %rem3A_162, %lt3A_167 : vector<16xi32>
    %lt3A_169 = arith.constant 0 : i32
    %lt3A_170 = arith.cmpi slt, %select_n3A_160, %lt3A_169 : i32
    %ne3A_171 = vector.broadcast %lt3A_170 : i1 to vector<16xi1>
    %ne3A_172 = vector.broadcast %ne3A_171 : vector<16xi1> to vector<16xi1>
    %ne3A_173 = arith.xori %lt3A_168, %ne3A_172 : vector<16xi1>
    %and3A_174 = arith.andi %ne3A_173, %ne3A_165 : vector<16xi1>
    %add3A_175 = vector.broadcast %select_n3A_160 : i32 to vector<16xi32>
    %add3A_176 = arith.addi %rem3A_162, %add3A_175 : vector<16xi32>
    %select_n3A_177 = arith.select %and3A_174, %add3A_176, %rem3A_162 : vector<16xi1>, vector<16xi32>
    %add3A_178 = arith.constant 0 : i32
    %add3A_179 = vector.broadcast %add3A_178 : i32 to vector<16xi32>
    %add3A_180 = arith.addi %add3A_179, %select_n3A_177 : vector<16xi32>
    %gather3A_181 = tpu.vector_load_idx %arg5[%add3A_180, %add3A_155] : memref<64x8xi32, #tpu.memory_space<vmem>>[vector<16xi32>, vector<16xi32>], vector<16xi32>,
    %mul3A_182 = arith.constant 8192 : i32
    %mul3A_183 = vector.broadcast %mul3A_182 : i32 to vector<16xi32>
    %mul3A_184 = arith.muli %add3A_155, %mul3A_183 : vector<16xi32>
    %add3A_185 = arith.addi %gather3A_181, %mul3A_184 : vector<16xi32>
    %swap3A_186 = arith.constant 16 : index
    %swap3A_187 = tpu.vector_load %arg7[%swap3A_186] {strides = array<i32>} : memref<128xi32, #tpu.memory_space<vmem>>, vector<16xi32>,
    tpu.vector_store %arg7[%swap3A_186], %add3A_185 {strides = array<i32>} : memref<128xi32, #tpu.memory_space<vmem>>, vector<16xi32>,
    %jit3A_188 = arith.constant 8 : i32
    %div3A_189 = vector.broadcast %jit3A_188 : i32 to vector<16xi32>
    %div3A_190 = arith.divsi %iota3A, %div3A_189 : vector<16xi32>
    %sign3A_191 = arith.constant 0 : i32
    %sign3A_192 = vector.broadcast %sign3A_191 : i32 to vector<16xi32>
    %sign3A_193 = arith.cmpi sgt, %iota3A, %sign3A_192 : vector<16xi32>
    %sign3A_194 = arith.extui %sign3A_193 : vector<16xi1> to vector<16xi32>
    %sign3A_195 = arith.constant 0 : i32
    %sign3A_196 = vector.broadcast %sign3A_195 : i32 to vector<16xi32>
    %sign3A_197 = arith.cmpi slt, %iota3A, %sign3A_196 : vector<16xi32>
    %sign3A_198 = arith.extui %sign3A_197 : vector<16xi1> to vector<16xi32>
    %sign3A_199 = arith.subi %sign3A_194, %sign3A_198 : vector<16xi32>
    %sign3A_200 = arith.constant 0 : i32
    %sign3A_201 = arith.cmpi sgt, %jit3A_188, %sign3A_200 : i32
    %sign3A_202 = arith.extui %sign3A_201 : i1 to i32
    %sign3A_203 = arith.constant 0 : i32
    %sign3A_204 = arith.cmpi slt, %jit3A_188, %sign3A_203 : i32
    %sign3A_205 = arith.extui %sign3A_204 : i1 to i32
    %sign3A_206 = arith.subi %sign3A_202, %sign3A_205 : i32
    %ne3A_207 = vector.broadcast %sign3A_206 : i32 to vector<16xi32>
    %ne3A_208 = arith.cmpi ne, %sign3A_199, %ne3A_207 : vector<16xi32>
    %rem3A_209 = vector.broadcast %jit3A_188 : i32 to vector<16xi32>
    %rem3A_210 = arith.remsi %iota3A, %rem3A_209 : vector<16xi32>
    %ne3A_211 = arith.constant 0 : i32
    %ne3A_212 = vector.broadcast %ne3A_211 : i32 to vector<16xi32>
    %ne3A_213 = arith.cmpi ne, %rem3A_210, %ne3A_212 : vector<16xi32>
    %and3A_214 = arith.andi %ne3A_208, %ne3A_213 : vector<16xi1>
    %sub3A_215 = arith.constant 1 : i32
    %sub3A_216 = vector.broadcast %sub3A_215 : i32 to vector<16xi32>
    %sub3A_217 = arith.subi %div3A_190, %sub3A_216 : vector<16xi32>
    %select_n3A_218 = arith.select %and3A_214, %sub3A_217, %div3A_190 : vector<16xi1>, vector<16xi32>
    %add3A_219 = arith.constant 4 : i32
    %add3A_220 = vector.broadcast %add3A_219 : i32 to vector<16xi32>
    %add3A_221 = arith.addi %add3A_220, %select_n3A_218 : vector<16xi32>
    %jit3A_222 = arith.constant 8 : i32
    %eq3A_223 = arith.constant 0 : i32
    %eq3A_224 = arith.cmpi eq, %jit3A_222, %eq3A_223 : i32
    %jit3A_225 = arith.constant 1 : i32
    %select_n3A_226 = arith.select %eq3A_224, %jit3A_225, %jit3A_222 : i32
    %rem3A_227 = vector.broadcast %select_n3A_226 : i32 to vector<16xi32>
    %rem3A_228 = arith.remsi %iota3A, %rem3A_227 : vector<16xi32>
    %ne3A_229 = arith.constant 0 : i32
    %ne3A_230 = vector.broadcast %ne3A_229 : i32 to vector<16xi32>
    %ne3A_231 = arith.cmpi ne, %rem3A_228, %ne3A_230 : vector<16xi32>
    %lt3A_232 = arith.constant 0 : i32
    %lt3A_233 = vector.broadcast %lt3A_232 : i32 to vector<16xi32>
    %lt3A_234 = arith.cmpi slt, %rem3A_228, %lt3A_233 : vector<16xi32>
    %lt3A_235 = arith.constant 0 : i32
    %lt3A_236 = arith.cmpi slt, %select_n3A_226, %lt3A_235 : i32
    %ne3A_237 = vector.broadcast %lt3A_236 : i1 to vector<16xi1>
    %ne3A_238 = vector.broadcast %ne3A_237 : vector<16xi1> to vector<16xi1>
    %ne3A_239 = arith.xori %lt3A_234, %ne3A_238 : vector<16xi1>
    %and3A_240 = arith.andi %ne3A_239, %ne3A_231 : vector<16xi1>
    %add3A_241 = vector.broadcast %select_n3A_226 : i32 to vector<16xi32>
    %add3A_242 = arith.addi %rem3A_228, %add3A_241 : vector<16xi32>
    %select_n3A_243 = arith.select %and3A_240, %add3A_242, %rem3A_228 : vector<16xi1>, vector<16xi32>
    %add3A_244 = arith.constant 0 : i32
    %add3A_245 = vector.broadcast %add3A_244 : i32 to vector<16xi32>
    %add3A_246 = arith.addi %add3A_245, %select_n3A_243 : vector<16xi32>
    %gather3A_247 = tpu.vector_load_idx %arg5[%add3A_246, %add3A_221] : memref<64x8xi32, #tpu.memory_space<vmem>>[vector<16xi32>, vector<16xi32>], vector<16xi32>,
    %mul3A_248 = arith.constant 8192 : i32
    %mul3A_249 = vector.broadcast %mul3A_248 : i32 to vector<16xi32>
    %mul3A_250 = arith.muli %add3A_221, %mul3A_249 : vector<16xi32>
    %add3A_251 = arith.addi %gather3A_247, %mul3A_250 : vector<16xi32>
    %swap3A_252 = arith.constant 32 : index
    %swap3A_253 = tpu.vector_load %arg7[%swap3A_252] {strides = array<i32>} : memref<128xi32, #tpu.memory_space<vmem>>, vector<16xi32>,
    tpu.vector_store %arg7[%swap3A_252], %add3A_251 {strides = array<i32>} : memref<128xi32, #tpu.memory_space<vmem>>, vector<16xi32>,
    %jit3A_254 = arith.constant 8 : i32
    %div3A_255 = vector.broadcast %jit3A_254 : i32 to vector<16xi32>
    %div3A_256 = arith.divsi %iota3A, %div3A_255 : vector<16xi32>
    %sign3A_257 = arith.constant 0 : i32
    %sign3A_258 = vector.broadcast %sign3A_257 : i32 to vector<16xi32>
    %sign3A_259 = arith.cmpi sgt, %iota3A, %sign3A_258 : vector<16xi32>
    %sign3A_260 = arith.extui %sign3A_259 : vector<16xi1> to vector<16xi32>
    %sign3A_261 = arith.constant 0 : i32
    %sign3A_262 = vector.broadcast %sign3A_261 : i32 to vector<16xi32>
    %sign3A_263 = arith.cmpi slt, %iota3A, %sign3A_262 : vector<16xi32>
    %sign3A_264 = arith.extui %sign3A_263 : vector<16xi1> to vector<16xi32>
    %sign3A_265 = arith.subi %sign3A_260, %sign3A_264 : vector<16xi32>
    %sign3A_266 = arith.constant 0 : i32
    %sign3A_267 = arith.cmpi sgt, %jit3A_254, %sign3A_266 : i32
    %sign3A_268 = arith.extui %sign3A_267 : i1 to i32
    %sign3A_269 = arith.constant 0 : i32
    %sign3A_270 = arith.cmpi slt, %jit3A_254, %sign3A_269 : i32
    %sign3A_271 = arith.extui %sign3A_270 : i1 to i32
    %sign3A_272 = arith.subi %sign3A_268, %sign3A_271 : i32
    %ne3A_273 = vector.broadcast %sign3A_272 : i32 to vector<16xi32>
    %ne3A_274 = arith.cmpi ne, %sign3A_265, %ne3A_273 : vector<16xi32>
    %rem3A_275 = vector.broadcast %jit3A_254 : i32 to vector<16xi32>
    %rem3A_276 = arith.remsi %iota3A, %rem3A_275 : vector<16xi32>
    %ne3A_277 = arith.constant 0 : i32
    %ne3A_278 = vector.broadcast %ne3A_277 : i32 to vector<16xi32>
    %ne3A_279 = arith.cmpi ne, %rem3A_276, %ne3A_278 : vector<16xi32>
    %and3A_280 = arith.andi %ne3A_274, %ne3A_279 : vector<16xi1>
    %sub3A_281 = arith.constant 1 : i32
    %sub3A_282 = vector.broadcast %sub3A_281 : i32 to vector<16xi32>
    %sub3A_283 = arith.subi %div3A_256, %sub3A_282 : vector<16xi32>
    %select_n3A_284 = arith.select %and3A_280, %sub3A_283, %div3A_256 : vector<16xi1>, vector<16xi32>
    %add3A_285 = arith.constant 6 : i32
    %add3A_286 = vector.broadcast %add3A_285 : i32 to vector<16xi32>
    %add3A_287 = arith.addi %add3A_286, %select_n3A_284 : vector<16xi32>
    %jit3A_288 = arith.constant 8 : i32
    %eq3A_289 = arith.constant 0 : i32
    %eq3A_290 = arith.cmpi eq, %jit3A_288, %eq3A_289 : i32
    %jit3A_291 = arith.constant 1 : i32
    %select_n3A_292 = arith.select %eq3A_290, %jit3A_291, %jit3A_288 : i32
    %rem3A_293 = vector.broadcast %select_n3A_292 : i32 to vector<16xi32>
    %rem3A_294 = arith.remsi %iota3A, %rem3A_293 : vector<16xi32>
    %ne3A_295 = arith.constant 0 : i32
    %ne3A_296 = vector.broadcast %ne3A_295 : i32 to vector<16xi32>
    %ne3A_297 = arith.cmpi ne, %rem3A_294, %ne3A_296 : vector<16xi32>
    %lt3A_298 = arith.constant 0 : i32
    %lt3A_299 = vector.broadcast %lt3A_298 : i32 to vector<16xi32>
    %lt3A_300 = arith.cmpi slt, %rem3A_294, %lt3A_299 : vector<16xi32>
    %lt3A_301 = arith.constant 0 : i32
    %lt3A_302 = arith.cmpi slt, %select_n3A_292, %lt3A_301 : i32
    %ne3A_303 = vector.broadcast %lt3A_302 : i1 to vector<16xi1>
    %ne3A_304 = vector.broadcast %ne3A_303 : vector<16xi1> to vector<16xi1>
    %ne3A_305 = arith.xori %lt3A_300, %ne3A_304 : vector<16xi1>
    %and3A_306 = arith.andi %ne3A_305, %ne3A_297 : vector<16xi1>
    %add3A_307 = vector.broadcast %select_n3A_292 : i32 to vector<16xi32>
    %add3A_308 = arith.addi %rem3A_294, %add3A_307 : vector<16xi32>
    %select_n3A_309 = arith.select %and3A_306, %add3A_308, %rem3A_294 : vector<16xi1>, vector<16xi32>
    %add3A_310 = arith.constant 0 : i32
    %add3A_311 = vector.broadcast %add3A_310 : i32 to vector<16xi32>
    %add3A_312 = arith.addi %add3A_311, %select_n3A_309 : vector<16xi32>
    %gather3A_313 = tpu.vector_load_idx %arg5[%add3A_312, %add3A_287] : memref<64x8xi32, #tpu.memory_space<vmem>>[vector<16xi32>, vector<16xi32>], vector<16xi32>,
    %mul3A_314 = arith.constant 8192 : i32
    %mul3A_315 = vector.broadcast %mul3A_314 : i32 to vector<16xi32>
    %mul3A_316 = arith.muli %add3A_287, %mul3A_315 : vector<16xi32>
    %add3A_317 = arith.addi %gather3A_313, %mul3A_316 : vector<16xi32>
    %swap3A_318 = arith.constant 48 : index
    %swap3A_319 = tpu.vector_load %arg7[%swap3A_318] {strides = array<i32>} : memref<128xi32, #tpu.memory_space<vmem>>, vector<16xi32>,
    tpu.vector_store %arg7[%swap3A_318], %add3A_317 {strides = array<i32>} : memref<128xi32, #tpu.memory_space<vmem>>, vector<16xi32>,
    %jit3A_320 = arith.constant 8 : i32
    %div3A_321 = vector.broadcast %jit3A_320 : i32 to vector<16xi32>
    %div3A_322 = arith.divsi %iota3A, %div3A_321 : vector<16xi32>
    %sign3A_323 = arith.constant 0 : i32
    %sign3A_324 = vector.broadcast %sign3A_323 : i32 to vector<16xi32>
    %sign3A_325 = arith.cmpi sgt, %iota3A, %sign3A_324 : vector<16xi32>
    %sign3A_326 = arith.extui %sign3A_325 : vector<16xi1> to vector<16xi32>
    %sign3A_327 = arith.constant 0 : i32
    %sign3A_328 = vector.broadcast %sign3A_327 : i32 to vector<16xi32>
    %sign3A_329 = arith.cmpi slt, %iota3A, %sign3A_328 : vector<16xi32>
    %sign3A_330 = arith.extui %sign3A_329 : vector<16xi1> to vector<16xi32>
    %sign3A_331 = arith.subi %sign3A_326, %sign3A_330 : vector<16xi32>
    %sign3A_332 = arith.constant 0 : i32
    %sign3A_333 = arith.cmpi sgt, %jit3A_320, %sign3A_332 : i32
    %sign3A_334 = arith.extui %sign3A_333 : i1 to i32
    %sign3A_335 = arith.constant 0 : i32
    %sign3A_336 = arith.cmpi slt, %jit3A_320, %sign3A_335 : i32
    %sign3A_337 = arith.extui %sign3A_336 : i1 to i32
    %sign3A_338 = arith.subi %sign3A_334, %sign3A_337 : i32
    %ne3A_339 = vector.broadcast %sign3A_338 : i32 to vector<16xi32>
    %ne3A_340 = arith.cmpi ne, %sign3A_331, %ne3A_339 : vector<16xi32>
    %rem3A_341 = vector.broadcast %jit3A_320 : i32 to vector<16xi32>
    %rem3A_342 = arith.remsi %iota3A, %rem3A_341 : vector<16xi32>
    %ne3A_343 = arith.constant 0 : i32
    %ne3A_344 = vector.broadcast %ne3A_343 : i32 to vector<16xi32>
    %ne3A_345 = arith.cmpi ne, %rem3A_342, %ne3A_344 : vector<16xi32>
    %and3A_346 = arith.andi %ne3A_340, %ne3A_345 : vector<16xi1>
    %sub3A_347 = arith.constant 1 : i32
    %sub3A_348 = vector.broadcast %sub3A_347 : i32 to vector<16xi32>
    %sub3A_349 = arith.subi %div3A_322, %sub3A_348 : vector<16xi32>
    %select_n3A_350 = arith.select %and3A_346, %sub3A_349, %div3A_322 : vector<16xi1>, vector<16xi32>
    %add3A_351 = arith.constant 0 : i32
    %add3A_352 = vector.broadcast %add3A_351 : i32 to vector<16xi32>
    %add3A_353 = arith.addi %add3A_352, %select_n3A_350 : vector<16xi32>
    %jit3A_354 = arith.constant 8 : i32
    %eq3A_355 = arith.constant 0 : i32
    %eq3A_356 = arith.cmpi eq, %jit3A_354, %eq3A_355 : i32
    %jit3A_357 = arith.constant 1 : i32
    %select_n3A_358 = arith.select %eq3A_356, %jit3A_357, %jit3A_354 : i32
    %rem3A_359 = vector.broadcast %select_n3A_358 : i32 to vector<16xi32>
    %rem3A_360 = arith.remsi %iota3A, %rem3A_359 : vector<16xi32>
    %ne3A_361 = arith.constant 0 : i32
    %ne3A_362 = vector.broadcast %ne3A_361 : i32 to vector<16xi32>
    %ne3A_363 = arith.cmpi ne, %rem3A_360, %ne3A_362 : vector<16xi32>
    %lt3A_364 = arith.constant 0 : i32
    %lt3A_365 = vector.broadcast %lt3A_364 : i32 to vector<16xi32>
    %lt3A_366 = arith.cmpi slt, %rem3A_360, %lt3A_365 : vector<16xi32>
    %lt3A_367 = arith.constant 0 : i32
    %lt3A_368 = arith.cmpi slt, %select_n3A_358, %lt3A_367 : i32
    %ne3A_369 = vector.broadcast %lt3A_368 : i1 to vector<16xi1>
    %ne3A_370 = vector.broadcast %ne3A_369 : vector<16xi1> to vector<16xi1>
    %ne3A_371 = arith.xori %lt3A_366, %ne3A_370 : vector<16xi1>
    %and3A_372 = arith.andi %ne3A_371, %ne3A_363 : vector<16xi1>
    %add3A_373 = vector.broadcast %select_n3A_358 : i32 to vector<16xi32>
    %add3A_374 = arith.addi %rem3A_360, %add3A_373 : vector<16xi32>
    %select_n3A_375 = arith.select %and3A_372, %add3A_374, %rem3A_360 : vector<16xi1>, vector<16xi32>
    %add3A_376 = arith.constant 8 : i32
    %add3A_377 = vector.broadcast %add3A_376 : i32 to vector<16xi32>
    %add3A_378 = arith.addi %add3A_377, %select_n3A_375 : vector<16xi32>
    %gather3A_379 = tpu.vector_load_idx %arg5[%add3A_378, %add3A_353] : memref<64x8xi32, #tpu.memory_space<vmem>>[vector<16xi32>, vector<16xi32>], vector<16xi32>,
    %mul3A_380 = arith.constant 8192 : i32
    %mul3A_381 = vector.broadcast %mul3A_380 : i32 to vector<16xi32>
    %mul3A_382 = arith.muli %add3A_353, %mul3A_381 : vector<16xi32>
    %add3A_383 = arith.addi %gather3A_379, %mul3A_382 : vector<16xi32>
    %swap3A_384 = arith.constant 64 : index
    %swap3A_385 = tpu.vector_load %arg7[%swap3A_384] {strides = array<i32>} : memref<128xi32, #tpu.memory_space<vmem>>, vector<16xi32>,
    tpu.vector_store %arg7[%swap3A_384], %add3A_383 {strides = array<i32>} : memref<128xi32, #tpu.memory_space<vmem>>, vector<16xi32>,
    %jit3A_386 = arith.constant 8 : i32
    %div3A_387 = vector.broadcast %jit3A_386 : i32 to vector<16xi32>
    %div3A_388 = arith.divsi %iota3A, %div3A_387 : vector<16xi32>
    %sign3A_389 = arith.constant 0 : i32
    %sign3A_390 = vector.broadcast %sign3A_389 : i32 to vector<16xi32>
    %sign3A_391 = arith.cmpi sgt, %iota3A, %sign3A_390 : vector<16xi32>
    %sign3A_392 = arith.extui %sign3A_391 : vector<16xi1> to vector<16xi32>
    %sign3A_393 = arith.constant 0 : i32
    %sign3A_394 = vector.broadcast %sign3A_393 : i32 to vector<16xi32>
    %sign3A_395 = arith.cmpi slt, %iota3A, %sign3A_394 : vector<16xi32>
    %sign3A_396 = arith.extui %sign3A_395 : vector<16xi1> to vector<16xi32>
    %sign3A_397 = arith.subi %sign3A_392, %sign3A_396 : vector<16xi32>
    %sign3A_398 = arith.constant 0 : i32
    %sign3A_399 = arith.cmpi sgt, %jit3A_386, %sign3A_398 : i32
    %sign3A_400 = arith.extui %sign3A_399 : i1 to i32
    %sign3A_401 = arith.constant 0 : i32
    %sign3A_402 = arith.cmpi slt, %jit3A_386, %sign3A_401 : i32
    %sign3A_403 = arith.extui %sign3A_402 : i1 to i32
    %sign3A_404 = arith.subi %sign3A_400, %sign3A_403 : i32
    %ne3A_405 = vector.broadcast %sign3A_404 : i32 to vector<16xi32>
    %ne3A_406 = arith.cmpi ne, %sign3A_397, %ne3A_405 : vector<16xi32>
    %rem3A_407 = vector.broadcast %jit3A_386 : i32 to vector<16xi32>
    %rem3A_408 = arith.remsi %iota3A, %rem3A_407 : vector<16xi32>
    %ne3A_409 = arith.constant 0 : i32
    %ne3A_410 = vector.broadcast %ne3A_409 : i32 to vector<16xi32>
    %ne3A_411 = arith.cmpi ne, %rem3A_408, %ne3A_410 : vector<16xi32>
    %and3A_412 = arith.andi %ne3A_406, %ne3A_411 : vector<16xi1>
    %sub3A_413 = arith.constant 1 : i32
    %sub3A_414 = vector.broadcast %sub3A_413 : i32 to vector<16xi32>
    %sub3A_415 = arith.subi %div3A_388, %sub3A_414 : vector<16xi32>
    %select_n3A_416 = arith.select %and3A_412, %sub3A_415, %div3A_388 : vector<16xi1>, vector<16xi32>
    %add3A_417 = arith.constant 2 : i32
    %add3A_418 = vector.broadcast %add3A_417 : i32 to vector<16xi32>
    %add3A_419 = arith.addi %add3A_418, %select_n3A_416 : vector<16xi32>
    %jit3A_420 = arith.constant 8 : i32
    %eq3A_421 = arith.constant 0 : i32
    %eq3A_422 = arith.cmpi eq, %jit3A_420, %eq3A_421 : i32
    %jit3A_423 = arith.constant 1 : i32
    %select_n3A_424 = arith.select %eq3A_422, %jit3A_423, %jit3A_420 : i32
    %rem3A_425 = vector.broadcast %select_n3A_424 : i32 to vector<16xi32>
    %rem3A_426 = arith.remsi %iota3A, %rem3A_425 : vector<16xi32>
    %ne3A_427 = arith.constant 0 : i32
    %ne3A_428 = vector.broadcast %ne3A_427 : i32 to vector<16xi32>
    %ne3A_429 = arith.cmpi ne, %rem3A_426, %ne3A_428 : vector<16xi32>
    %lt3A_430 = arith.constant 0 : i32
    %lt3A_431 = vector.broadcast %lt3A_430 : i32 to vector<16xi32>
    %lt3A_432 = arith.cmpi slt, %rem3A_426, %lt3A_431 : vector<16xi32>
    %lt3A_433 = arith.constant 0 : i32
    %lt3A_434 = arith.cmpi slt, %select_n3A_424, %lt3A_433 : i32
    %ne3A_435 = vector.broadcast %lt3A_434 : i1 to vector<16xi1>
    %ne3A_436 = vector.broadcast %ne3A_435 : vector<16xi1> to vector<16xi1>
    %ne3A_437 = arith.xori %lt3A_432, %ne3A_436 : vector<16xi1>
    %and3A_438 = arith.andi %ne3A_437, %ne3A_429 : vector<16xi1>
    %add3A_439 = vector.broadcast %select_n3A_424 : i32 to vector<16xi32>
    %add3A_440 = arith.addi %rem3A_426, %add3A_439 : vector<16xi32>
    %select_n3A_441 = arith.select %and3A_438, %add3A_440, %rem3A_426 : vector<16xi1>, vector<16xi32>
    %add3A_442 = arith.constant 8 : i32
    %add3A_443 = vector.broadcast %add3A_442 : i32 to vector<16xi32>
    %add3A_444 = arith.addi %add3A_443, %select_n3A_441 : vector<16xi32>
    %gather3A_445 = tpu.vector_load_idx %arg5[%add3A_444, %add3A_419] : memref<64x8xi32, #tpu.memory_space<vmem>>[vector<16xi32>, vector<16xi32>], vector<16xi32>,
    %mul3A_446 = arith.constant 8192 : i32
    %mul3A_447 = vector.broadcast %mul3A_446 : i32 to vector<16xi32>
    %mul3A_448 = arith.muli %add3A_419, %mul3A_447 : vector<16xi32>
    %add3A_449 = arith.addi %gather3A_445, %mul3A_448 : vector<16xi32>
    %swap3A_450 = arith.constant 80 : index
    %swap3A_451 = tpu.vector_load %arg7[%swap3A_450] {strides = array<i32>} : memref<128xi32, #tpu.memory_space<vmem>>, vector<16xi32>,
    tpu.vector_store %arg7[%swap3A_450], %add3A_449 {strides = array<i32>} : memref<128xi32, #tpu.memory_space<vmem>>, vector<16xi32>,
    %jit3A_452 = arith.constant 8 : i32
    %div3A_453 = vector.broadcast %jit3A_452 : i32 to vector<16xi32>
    %div3A_454 = arith.divsi %iota3A, %div3A_453 : vector<16xi32>
    %sign3A_455 = arith.constant 0 : i32
    %sign3A_456 = vector.broadcast %sign3A_455 : i32 to vector<16xi32>
    %sign3A_457 = arith.cmpi sgt, %iota3A, %sign3A_456 : vector<16xi32>
    %sign3A_458 = arith.extui %sign3A_457 : vector<16xi1> to vector<16xi32>
    %sign3A_459 = arith.constant 0 : i32
    %sign3A_460 = vector.broadcast %sign3A_459 : i32 to vector<16xi32>
    %sign3A_461 = arith.cmpi slt, %iota3A, %sign3A_460 : vector<16xi32>
    %sign3A_462 = arith.extui %sign3A_461 : vector<16xi1> to vector<16xi32>
    %sign3A_463 = arith.subi %sign3A_458, %sign3A_462 : vector<16xi32>
    %sign3A_464 = arith.constant 0 : i32
    %sign3A_465 = arith.cmpi sgt, %jit3A_452, %sign3A_464 : i32
    %sign3A_466 = arith.extui %sign3A_465 : i1 to i32
    %sign3A_467 = arith.constant 0 : i32
    %sign3A_468 = arith.cmpi slt, %jit3A_452, %sign3A_467 : i32
    %sign3A_469 = arith.extui %sign3A_468 : i1 to i32
    %sign3A_470 = arith.subi %sign3A_466, %sign3A_469 : i32
    %ne3A_471 = vector.broadcast %sign3A_470 : i32 to vector<16xi32>
    %ne3A_472 = arith.cmpi ne, %sign3A_463, %ne3A_471 : vector<16xi32>
    %rem3A_473 = vector.broadcast %jit3A_452 : i32 to vector<16xi32>
    %rem3A_474 = arith.remsi %iota3A, %rem3A_473 : vector<16xi32>
    %ne3A_475 = arith.constant 0 : i32
    %ne3A_476 = vector.broadcast %ne3A_475 : i32 to vector<16xi32>
    %ne3A_477 = arith.cmpi ne, %rem3A_474, %ne3A_476 : vector<16xi32>
    %and3A_478 = arith.andi %ne3A_472, %ne3A_477 : vector<16xi1>
    %sub3A_479 = arith.constant 1 : i32
    %sub3A_480 = vector.broadcast %sub3A_479 : i32 to vector<16xi32>
    %sub3A_481 = arith.subi %div3A_454, %sub3A_480 : vector<16xi32>
    %select_n3A_482 = arith.select %and3A_478, %sub3A_481, %div3A_454 : vector<16xi1>, vector<16xi32>
    %add3A_483 = arith.constant 4 : i32
    %add3A_484 = vector.broadcast %add3A_483 : i32 to vector<16xi32>
    %add3A_485 = arith.addi %add3A_484, %select_n3A_482 : vector<16xi32>
    %jit3A_486 = arith.constant 8 : i32
    %eq3A_487 = arith.constant 0 : i32
    %eq3A_488 = arith.cmpi eq, %jit3A_486, %eq3A_487 : i32
    %jit3A_489 = arith.constant 1 : i32
    %select_n3A_490 = arith.select %eq3A_488, %jit3A_489, %jit3A_486 : i32
    %rem3A_491 = vector.broadcast %select_n3A_490 : i32 to vector<16xi32>
    %rem3A_492 = arith.remsi %iota3A, %rem3A_491 : vector<16xi32>
    %ne3A_493 = arith.constant 0 : i32
    %ne3A_494 = vector.broadcast %ne3A_493 : i32 to vector<16xi32>
    %ne3A_495 = arith.cmpi ne, %rem3A_492, %ne3A_494 : vector<16xi32>
    %lt3A_496 = arith.constant 0 : i32
    %lt3A_497 = vector.broadcast %lt3A_496 : i32 to vector<16xi32>
    %lt3A_498 = arith.cmpi slt, %rem3A_492, %lt3A_497 : vector<16xi32>
    %lt3A_499 = arith.constant 0 : i32
    %lt3A_500 = arith.cmpi slt, %select_n3A_490, %lt3A_499 : i32
    %ne3A_501 = vector.broadcast %lt3A_500 : i1 to vector<16xi1>
    %ne3A_502 = vector.broadcast %ne3A_501 : vector<16xi1> to vector<16xi1>
    %ne3A_503 = arith.xori %lt3A_498, %ne3A_502 : vector<16xi1>
    %and3A_504 = arith.andi %ne3A_503, %ne3A_495 : vector<16xi1>
    %add3A_505 = vector.broadcast %select_n3A_490 : i32 to vector<16xi32>
    %add3A_506 = arith.addi %rem3A_492, %add3A_505 : vector<16xi32>
    %select_n3A_507 = arith.select %and3A_504, %add3A_506, %rem3A_492 : vector<16xi1>, vector<16xi32>
    %add3A_508 = arith.constant 8 : i32
    %add3A_509 = vector.broadcast %add3A_508 : i32 to vector<16xi32>
    %add3A_510 = arith.addi %add3A_509, %select_n3A_507 : vector<16xi32>
    %gather3A_511 = tpu.vector_load_idx %arg5[%add3A_510, %add3A_485] : memref<64x8xi32, #tpu.memory_space<vmem>>[vector<16xi32>, vector<16xi32>], vector<16xi32>,
    %mul3A_512 = arith.constant 8192 : i32
    %mul3A_513 = vector.broadcast %mul3A_512 : i32 to vector<16xi32>
    %mul3A_514 = arith.muli %add3A_485, %mul3A_513 : vector<16xi32>
    %add3A_515 = arith.addi %gather3A_511, %mul3A_514 : vector<16xi32>
    %swap3A_516 = arith.constant 96 : index
    %swap3A_517 = tpu.vector_load %arg7[%swap3A_516] {strides = array<i32>} : memref<128xi32, #tpu.memory_space<vmem>>, vector<16xi32>,
    tpu.vector_store %arg7[%swap3A_516], %add3A_515 {strides = array<i32>} : memref<128xi32, #tpu.memory_space<vmem>>, vector<16xi32>,
    %jit3A_518 = arith.constant 8 : i32
    %div3A_519 = vector.broadcast %jit3A_518 : i32 to vector<16xi32>
    %div3A_520 = arith.divsi %iota3A, %div3A_519 : vector<16xi32>
    %sign3A_521 = arith.constant 0 : i32
    %sign3A_522 = vector.broadcast %sign3A_521 : i32 to vector<16xi32>
    %sign3A_523 = arith.cmpi sgt, %iota3A, %sign3A_522 : vector<16xi32>
    %sign3A_524 = arith.extui %sign3A_523 : vector<16xi1> to vector<16xi32>
    %sign3A_525 = arith.constant 0 : i32
    %sign3A_526 = vector.broadcast %sign3A_525 : i32 to vector<16xi32>
    %sign3A_527 = arith.cmpi slt, %iota3A, %sign3A_526 : vector<16xi32>
    %sign3A_528 = arith.extui %sign3A_527 : vector<16xi1> to vector<16xi32>
    %sign3A_529 = arith.subi %sign3A_524, %sign3A_528 : vector<16xi32>
    %sign3A_530 = arith.constant 0 : i32
    %sign3A_531 = arith.cmpi sgt, %jit3A_518, %sign3A_530 : i32
    %sign3A_532 = arith.extui %sign3A_531 : i1 to i32
    %sign3A_533 = arith.constant 0 : i32
    %sign3A_534 = arith.cmpi slt, %jit3A_518, %sign3A_533 : i32
    %sign3A_535 = arith.extui %sign3A_534 : i1 to i32
    %sign3A_536 = arith.subi %sign3A_532, %sign3A_535 : i32
    %ne3A_537 = vector.broadcast %sign3A_536 : i32 to vector<16xi32>
    %ne3A_538 = arith.cmpi ne, %sign3A_529, %ne3A_537 : vector<16xi32>
    %rem3A_539 = vector.broadcast %jit3A_518 : i32 to vector<16xi32>
    %rem3A_540 = arith.remsi %iota3A, %rem3A_539 : vector<16xi32>
    %ne3A_541 = arith.constant 0 : i32
    %ne3A_542 = vector.broadcast %ne3A_541 : i32 to vector<16xi32>
    %ne3A_543 = arith.cmpi ne, %rem3A_540, %ne3A_542 : vector<16xi32>
    %and3A_544 = arith.andi %ne3A_538, %ne3A_543 : vector<16xi1>
    %sub3A_545 = arith.constant 1 : i32
    %sub3A_546 = vector.broadcast %sub3A_545 : i32 to vector<16xi32>
    %sub3A_547 = arith.subi %div3A_520, %sub3A_546 : vector<16xi32>
    %select_n3A_548 = arith.select %and3A_544, %sub3A_547, %div3A_520 : vector<16xi1>, vector<16xi32>
    %add3A_549 = arith.constant 6 : i32
    %add3A_550 = vector.broadcast %add3A_549 : i32 to vector<16xi32>
    %add3A_551 = arith.addi %add3A_550, %select_n3A_548 : vector<16xi32>
    %jit3A_552 = arith.constant 8 : i32
    %eq3A_553 = arith.constant 0 : i32
    %eq3A_554 = arith.cmpi eq, %jit3A_552, %eq3A_553 : i32
    %jit3A_555 = arith.constant 1 : i32
    %select_n3A_556 = arith.select %eq3A_554, %jit3A_555, %jit3A_552 : i32
    %rem3A_557 = vector.broadcast %select_n3A_556 : i32 to vector<16xi32>
    %rem3A_558 = arith.remsi %iota3A, %rem3A_557 : vector<16xi32>
    %ne3A_559 = arith.constant 0 : i32
    %ne3A_560 = vector.broadcast %ne3A_559 : i32 to vector<16xi32>
    %ne3A_561 = arith.cmpi ne, %rem3A_558, %ne3A_560 : vector<16xi32>
    %lt3A_562 = arith.constant 0 : i32
    %lt3A_563 = vector.broadcast %lt3A_562 : i32 to vector<16xi32>
    %lt3A_564 = arith.cmpi slt, %rem3A_558, %lt3A_563 : vector<16xi32>
    %lt3A_565 = arith.constant 0 : i32
    %lt3A_566 = arith.cmpi slt, %select_n3A_556, %lt3A_565 : i32
    %ne3A_567 = vector.broadcast %lt3A_566 : i1 to vector<16xi1>
    %ne3A_568 = vector.broadcast %ne3A_567 : vector<16xi1> to vector<16xi1>
    %ne3A_569 = arith.xori %lt3A_564, %ne3A_568 : vector<16xi1>
    %and3A_570 = arith.andi %ne3A_569, %ne3A_561 : vector<16xi1>
    %add3A_571 = vector.broadcast %select_n3A_556 : i32 to vector<16xi32>
    %add3A_572 = arith.addi %rem3A_558, %add3A_571 : vector<16xi32>
    %select_n3A_573 = arith.select %and3A_570, %add3A_572, %rem3A_558 : vector<16xi1>, vector<16xi32>
    %add3A_574 = arith.constant 8 : i32
    %add3A_575 = vector.broadcast %add3A_574 : i32 to vector<16xi32>
    %add3A_576 = arith.addi %add3A_575, %select_n3A_573 : vector<16xi32>
    %gather3A_577 = tpu.vector_load_idx %arg5[%add3A_576, %add3A_551] : memref<64x8xi32, #tpu.memory_space<vmem>>[vector<16xi32>, vector<16xi32>], vector<16xi32>,
    %mul3A_578 = arith.constant 8192 : i32
    %mul3A_579 = vector.broadcast %mul3A_578 : i32 to vector<16xi32>
    %mul3A_580 = arith.muli %add3A_551, %mul3A_579 : vector<16xi32>
    %add3A_581 = arith.addi %gather3A_577, %mul3A_580 : vector<16xi32>
    %swap3A_582 = arith.constant 112 : index
    %swap3A_583 = tpu.vector_load %arg7[%swap3A_582] {strides = array<i32>} : memref<128xi32, #tpu.memory_space<vmem>>, vector<16xi32>,
    tpu.vector_store %arg7[%swap3A_582], %add3A_581 {strides = array<i32>} : memref<128xi32, #tpu.memory_space<vmem>>, vector<16xi32>,
    %dma_start3A_584 = arith.constant 0 : i32
    %dma_start3A_585 = arith.constant 0 : i32
    %dma_start3A_586 = arith.constant 0 : i32
    %dma_start3A_587 = tpu.memref_slice %arg2[%dma_start3A_585, %dma_start3A_586] : memref<65536x128xf32, #tpu.memory_space<hbm>> -> memref<65536x128xf32, #tpu.memory_space<hbm>>
    %dma_start3A_588 = tpu.memref_slice %arg15[%dma_start3A_584] : memref<4x!tpu.dma_semaphore, #tpu.memory_space<semaphore_mem>> -> memref<1x!tpu.dma_semaphore, #tpu.memory_space<semaphore_mem>>
    %dma_start3A_589 = tpu.memref_squeeze %dma_start3A_588 : memref<1x!tpu.dma_semaphore, #tpu.memory_space<semaphore_mem>> -> memref<!tpu.dma_semaphore, #tpu.memory_space<semaphore_mem>>
    tpu.enqueue_indirect_dma source(%dma_start3A_587 : memref<65536x128xf32, #tpu.memory_space<hbm>>) target(%arg11 : memref<128x128xf32, #tpu.memory_space<vmem>>) offsets(%arg7 : memref<128xi32, #tpu.memory_space<vmem>>) semaphore(%dma_start3A_589 : memref<!tpu.dma_semaphore, #tpu.memory_space<semaphore_mem>>)
    %jit3A_590 = arith.constant 8 : i32
    %div3A_591 = vector.broadcast %jit3A_590 : i32 to vector<16xi32>
    %div3A_592 = arith.divsi %iota3A, %div3A_591 : vector<16xi32>
    %sign3A_593 = arith.constant 0 : i32
    %sign3A_594 = vector.broadcast %sign3A_593 : i32 to vector<16xi32>
    %sign3A_595 = arith.cmpi sgt, %iota3A, %sign3A_594 : vector<16xi32>
    %sign3A_596 = arith.extui %sign3A_595 : vector<16xi1> to vector<16xi32>
    %sign3A_597 = arith.constant 0 : i32
    %sign3A_598 = vector.broadcast %sign3A_597 : i32 to vector<16xi32>
    %sign3A_599 = arith.cmpi slt, %iota3A, %sign3A_598 : vector<16xi32>
    %sign3A_600 = arith.extui %sign3A_599 : vector<16xi1> to vector<16xi32>
    %sign3A_601 = arith.subi %sign3A_596, %sign3A_600 : vector<16xi32>
    %sign3A_602 = arith.constant 0 : i32
    %sign3A_603 = arith.cmpi sgt, %jit3A_590, %sign3A_602 : i32
    %sign3A_604 = arith.extui %sign3A_603 : i1 to i32
    %sign3A_605 = arith.constant 0 : i32
    %sign3A_606 = arith.cmpi slt, %jit3A_590, %sign3A_605 : i32
    %sign3A_607 = arith.extui %sign3A_606 : i1 to i32
    %sign3A_608 = arith.subi %sign3A_604, %sign3A_607 : i32
    %ne3A_609 = vector.broadcast %sign3A_608 : i32 to vector<16xi32>
    %ne3A_610 = arith.cmpi ne, %sign3A_601, %ne3A_609 : vector<16xi32>
    %rem3A_611 = vector.broadcast %jit3A_590 : i32 to vector<16xi32>
    %rem3A_612 = arith.remsi %iota3A, %rem3A_611 : vector<16xi32>
    %ne3A_613 = arith.constant 0 : i32
    %ne3A_614 = vector.broadcast %ne3A_613 : i32 to vector<16xi32>
    %ne3A_615 = arith.cmpi ne, %rem3A_612, %ne3A_614 : vector<16xi32>
    %and3A_616 = arith.andi %ne3A_610, %ne3A_615 : vector<16xi1>
    %sub3A_617 = arith.constant 1 : i32
    %sub3A_618 = vector.broadcast %sub3A_617 : i32 to vector<16xi32>
    %sub3A_619 = arith.subi %div3A_592, %sub3A_618 : vector<16xi32>
    %select_n3A_620 = arith.select %and3A_616, %sub3A_619, %div3A_592 : vector<16xi1>, vector<16xi32>
    %add3A_621 = arith.constant 0 : i32
    %add3A_622 = vector.broadcast %add3A_621 : i32 to vector<16xi32>
    %add3A_623 = arith.addi %add3A_622, %select_n3A_620 : vector<16xi32>
    %jit3A_624 = arith.constant 8 : i32
    %eq3A_625 = arith.constant 0 : i32
    %eq3A_626 = arith.cmpi eq, %jit3A_624, %eq3A_625 : i32
    %jit3A_627 = arith.constant 1 : i32
    %select_n3A_628 = arith.select %eq3A_626, %jit3A_627, %jit3A_624 : i32
    %rem3A_629 = vector.broadcast %select_n3A_628 : i32 to vector<16xi32>
    %rem3A_630 = arith.remsi %iota3A, %rem3A_629 : vector<16xi32>
    %ne3A_631 = arith.constant 0 : i32
    %ne3A_632 = vector.broadcast %ne3A_631 : i32 to vector<16xi32>
    %ne3A_633 = arith.cmpi ne, %rem3A_630, %ne3A_632 : vector<16xi32>
    %lt3A_634 = arith.constant 0 : i32
    %lt3A_635 = vector.broadcast %lt3A_634 : i32 to vector<16xi32>
    %lt3A_636 = arith.cmpi slt, %rem3A_630, %lt3A_635 : vector<16xi32>
    %lt3A_637 = arith.constant 0 : i32
    %lt3A_638 = arith.cmpi slt, %select_n3A_628, %lt3A_637 : i32
    %ne3A_639 = vector.broadcast %lt3A_638 : i1 to vector<16xi1>
    %ne3A_640 = vector.broadcast %ne3A_639 : vector<16xi1> to vector<16xi1>
    %ne3A_641 = arith.xori %lt3A_636, %ne3A_640 : vector<16xi1>
    %and3A_642 = arith.andi %ne3A_641, %ne3A_633 : vector<16xi1>
    %add3A_643 = vector.broadcast %select_n3A_628 : i32 to vector<16xi32>
    %add3A_644 = arith.addi %rem3A_630, %add3A_643 : vector<16xi32>
    %select_n3A_645 = arith.select %and3A_642, %add3A_644, %rem3A_630 : vector<16xi1>, vector<16xi32>
    %add3A_646 = arith.constant 16 : i32
    %add3A_647 = vector.broadcast %add3A_646 : i32 to vector<16xi32>
    %add3A_648 = arith.addi %add3A_647, %select_n3A_645 : vector<16xi32>
    %gather3A_649 = tpu.vector_load_idx %arg5[%add3A_648, %add3A_623] : memref<64x8xi32, #tpu.memory_space<vmem>>[vector<16xi32>, vector<16xi32>], vector<16xi32>,
    %mul3A_650 = arith.constant 8192 : i32
    %mul3A_651 = vector.broadcast %mul3A_650 : i32 to vector<16xi32>
    %mul3A_652 = arith.muli %add3A_623, %mul3A_651 : vector<16xi32>
    %add3A_653 = arith.addi %gather3A_649, %mul3A_652 : vector<16xi32>
    %swap3A_654 = arith.constant 0 : index
    %swap3A_655 = tpu.vector_load %arg8[%swap3A_654] {strides = array<i32>} : memref<128xi32, #tpu.memory_space<vmem>>, vector<16xi32>,
    tpu.vector_store %arg8[%swap3A_654], %add3A_653 {strides = array<i32>} : memref<128xi32, #tpu.memory_space<vmem>>, vector<16xi32>,
    %jit3A_656 = arith.constant 8 : i32
    %div3A_657 = vector.broadcast %jit3A_656 : i32 to vector<16xi32>
    %div3A_658 = arith.divsi %iota3A, %div3A_657 : vector<16xi32>
    %sign3A_659 = arith.constant 0 : i32
    %sign3A_660 = vector.broadcast %sign3A_659 : i32 to vector<16xi32>
    %sign3A_661 = arith.cmpi sgt, %iota3A, %sign3A_660 : vector<16xi32>
    %sign3A_662 = arith.extui %sign3A_661 : vector<16xi1> to vector<16xi32>
    %sign3A_663 = arith.constant 0 : i32
    %sign3A_664 = vector.broadcast %sign3A_663 : i32 to vector<16xi32>
    %sign3A_665 = arith.cmpi slt, %iota3A, %sign3A_664 : vector<16xi32>
    %sign3A_666 = arith.extui %sign3A_665 : vector<16xi1> to vector<16xi32>
    %sign3A_667 = arith.subi %sign3A_662, %sign3A_666 : vector<16xi32>
    %sign3A_668 = arith.constant 0 : i32
    %sign3A_669 = arith.cmpi sgt, %jit3A_656, %sign3A_668 : i32
    %sign3A_670 = arith.extui %sign3A_669 : i1 to i32
    %sign3A_671 = arith.constant 0 : i32
    %sign3A_672 = arith.cmpi slt, %jit3A_656, %sign3A_671 : i32
    %sign3A_673 = arith.extui %sign3A_672 : i1 to i32
    %sign3A_674 = arith.subi %sign3A_670, %sign3A_673 : i32
    %ne3A_675 = vector.broadcast %sign3A_674 : i32 to vector<16xi32>
    %ne3A_676 = arith.cmpi ne, %sign3A_667, %ne3A_675 : vector<16xi32>
    %rem3A_677 = vector.broadcast %jit3A_656 : i32 to vector<16xi32>
    %rem3A_678 = arith.remsi %iota3A, %rem3A_677 : vector<16xi32>
    %ne3A_679 = arith.constant 0 : i32
    %ne3A_680 = vector.broadcast %ne3A_679 : i32 to vector<16xi32>
    %ne3A_681 = arith.cmpi ne, %rem3A_678, %ne3A_680 : vector<16xi32>
    %and3A_682 = arith.andi %ne3A_676, %ne3A_681 : vector<16xi1>
    %sub3A_683 = arith.constant 1 : i32
    %sub3A_684 = vector.broadcast %sub3A_683 : i32 to vector<16xi32>
    %sub3A_685 = arith.subi %div3A_658, %sub3A_684 : vector<16xi32>
    %select_n3A_686 = arith.select %and3A_682, %sub3A_685, %div3A_658 : vector<16xi1>, vector<16xi32>
    %add3A_687 = arith.constant 2 : i32
    %add3A_688 = vector.broadcast %add3A_687 : i32 to vector<16xi32>
    %add3A_689 = arith.addi %add3A_688, %select_n3A_686 : vector<16xi32>
    %jit3A_690 = arith.constant 8 : i32
    %eq3A_691 = arith.constant 0 : i32
    %eq3A_692 = arith.cmpi eq, %jit3A_690, %eq3A_691 : i32
    %jit3A_693 = arith.constant 1 : i32
    %select_n3A_694 = arith.select %eq3A_692, %jit3A_693, %jit3A_690 : i32
    %rem3A_695 = vector.broadcast %select_n3A_694 : i32 to vector<16xi32>
    %rem3A_696 = arith.remsi %iota3A, %rem3A_695 : vector<16xi32>
    %ne3A_697 = arith.constant 0 : i32
    %ne3A_698 = vector.broadcast %ne3A_697 : i32 to vector<16xi32>
    %ne3A_699 = arith.cmpi ne, %rem3A_696, %ne3A_698 : vector<16xi32>
    %lt3A_700 = arith.constant 0 : i32
    %lt3A_701 = vector.broadcast %lt3A_700 : i32 to vector<16xi32>
    %lt3A_702 = arith.cmpi slt, %rem3A_696, %lt3A_701 : vector<16xi32>
    %lt3A_703 = arith.constant 0 : i32
    %lt3A_704 = arith.cmpi slt, %select_n3A_694, %lt3A_703 : i32
    %ne3A_705 = vector.broadcast %lt3A_704 : i1 to vector<16xi1>
    %ne3A_706 = vector.broadcast %ne3A_705 : vector<16xi1> to vector<16xi1>
    %ne3A_707 = arith.xori %lt3A_702, %ne3A_706 : vector<16xi1>
    %and3A_708 = arith.andi %ne3A_707, %ne3A_699 : vector<16xi1>
    %add3A_709 = vector.broadcast %select_n3A_694 : i32 to vector<16xi32>
    %add3A_710 = arith.addi %rem3A_696, %add3A_709 : vector<16xi32>
    %select_n3A_711 = arith.select %and3A_708, %add3A_710, %rem3A_696 : vector<16xi1>, vector<16xi32>
    %add3A_712 = arith.constant 16 : i32
    %add3A_713 = vector.broadcast %add3A_712 : i32 to vector<16xi32>
    %add3A_714 = arith.addi %add3A_713, %select_n3A_711 : vector<16xi32>
    %gather3A_715 = tpu.vector_load_idx %arg5[%add3A_714, %add3A_689] : memref<64x8xi32, #tpu.memory_space<vmem>>[vector<16xi32>, vector<16xi32>], vector<16xi32>,
    %mul3A_716 = arith.constant 8192 : i32
    %mul3A_717 = vector.broadcast %mul3A_716 : i32 to vector<16xi32>
    %mul3A_718 = arith.muli %add3A_689, %mul3A_717 : vector<16xi32>
    %add3A_719 = arith.addi %gather3A_715, %mul3A_718 : vector<16xi32>
    %swap3A_720 = arith.constant 16 : index
    %swap3A_721 = tpu.vector_load %arg8[%swap3A_720] {strides = array<i32>} : memref<128xi32, #tpu.memory_space<vmem>>, vector<16xi32>,
    tpu.vector_store %arg8[%swap3A_720], %add3A_719 {strides = array<i32>} : memref<128xi32, #tpu.memory_space<vmem>>, vector<16xi32>,
    %jit3A_722 = arith.constant 8 : i32
    %div3A_723 = vector.broadcast %jit3A_722 : i32 to vector<16xi32>
    %div3A_724 = arith.divsi %iota3A, %div3A_723 : vector<16xi32>
    %sign3A_725 = arith.constant 0 : i32
    %sign3A_726 = vector.broadcast %sign3A_725 : i32 to vector<16xi32>
    %sign3A_727 = arith.cmpi sgt, %iota3A, %sign3A_726 : vector<16xi32>
    %sign3A_728 = arith.extui %sign3A_727 : vector<16xi1> to vector<16xi32>
    %sign3A_729 = arith.constant 0 : i32
    %sign3A_730 = vector.broadcast %sign3A_729 : i32 to vector<16xi32>
    %sign3A_731 = arith.cmpi slt, %iota3A, %sign3A_730 : vector<16xi32>
    %sign3A_732 = arith.extui %sign3A_731 : vector<16xi1> to vector<16xi32>
    %sign3A_733 = arith.subi %sign3A_728, %sign3A_732 : vector<16xi32>
    %sign3A_734 = arith.constant 0 : i32
    %sign3A_735 = arith.cmpi sgt, %jit3A_722, %sign3A_734 : i32
    %sign3A_736 = arith.extui %sign3A_735 : i1 to i32
    %sign3A_737 = arith.constant 0 : i32
    %sign3A_738 = arith.cmpi slt, %jit3A_722, %sign3A_737 : i32
    %sign3A_739 = arith.extui %sign3A_738 : i1 to i32
    %sign3A_740 = arith.subi %sign3A_736, %sign3A_739 : i32
    %ne3A_741 = vector.broadcast %sign3A_740 : i32 to vector<16xi32>
    %ne3A_742 = arith.cmpi ne, %sign3A_733, %ne3A_741 : vector<16xi32>
    %rem3A_743 = vector.broadcast %jit3A_722 : i32 to vector<16xi32>
    %rem3A_744 = arith.remsi %iota3A, %rem3A_743 : vector<16xi32>
    %ne3A_745 = arith.constant 0 : i32
    %ne3A_746 = vector.broadcast %ne3A_745 : i32 to vector<16xi32>
    %ne3A_747 = arith.cmpi ne, %rem3A_744, %ne3A_746 : vector<16xi32>
    %and3A_748 = arith.andi %ne3A_742, %ne3A_747 : vector<16xi1>
    %sub3A_749 = arith.constant 1 : i32
    %sub3A_750 = vector.broadcast %sub3A_749 : i32 to vector<16xi32>
    %sub3A_751 = arith.subi %div3A_724, %sub3A_750 : vector<16xi32>
    %select_n3A_752 = arith.select %and3A_748, %sub3A_751, %div3A_724 : vector<16xi1>, vector<16xi32>
    %add3A_753 = arith.constant 4 : i32
    %add3A_754 = vector.broadcast %add3A_753 : i32 to vector<16xi32>
    %add3A_755 = arith.addi %add3A_754, %select_n3A_752 : vector<16xi32>
    %jit3A_756 = arith.constant 8 : i32
    %eq3A_757 = arith.constant 0 : i32
    %eq3A_758 = arith.cmpi eq, %jit3A_756, %eq3A_757 : i32
    %jit3A_759 = arith.constant 1 : i32
    %select_n3A_760 = arith.select %eq3A_758, %jit3A_759, %jit3A_756 : i32
    %rem3A_761 = vector.broadcast %select_n3A_760 : i32 to vector<16xi32>
    %rem3A_762 = arith.remsi %iota3A, %rem3A_761 : vector<16xi32>
    %ne3A_763 = arith.constant 0 : i32
    %ne3A_764 = vector.broadcast %ne3A_763 : i32 to vector<16xi32>
    %ne3A_765 = arith.cmpi ne, %rem3A_762, %ne3A_764 : vector<16xi32>
    %lt3A_766 = arith.constant 0 : i32
    %lt3A_767 = vector.broadcast %lt3A_766 : i32 to vector<16xi32>
    %lt3A_768 = arith.cmpi slt, %rem3A_762, %lt3A_767 : vector<16xi32>
    %lt3A_769 = arith.constant 0 : i32
    %lt3A_770 = arith.cmpi slt, %select_n3A_760, %lt3A_769 : i32
    %ne3A_771 = vector.broadcast %lt3A_770 : i1 to vector<16xi1>
    %ne3A_772 = vector.broadcast %ne3A_771 : vector<16xi1> to vector<16xi1>
    %ne3A_773 = arith.xori %lt3A_768, %ne3A_772 : vector<16xi1>
    %and3A_774 = arith.andi %ne3A_773, %ne3A_765 : vector<16xi1>
    %add3A_775 = vector.broadcast %select_n3A_760 : i32 to vector<16xi32>
    %add3A_776 = arith.addi %rem3A_762, %add3A_775 : vector<16xi32>
    %select_n3A_777 = arith.select %and3A_774, %add3A_776, %rem3A_762 : vector<16xi1>, vector<16xi32>
    %add3A_778 = arith.constant 16 : i32
    %add3A_779 = vector.broadcast %add3A_778 : i32 to vector<16xi32>
    %add3A_780 = arith.addi %add3A_779, %select_n3A_777 : vector<16xi32>
    %gather3A_781 = tpu.vector_load_idx %arg5[%add3A_780, %add3A_755] : memref<64x8xi32, #tpu.memory_space<vmem>>[vector<16xi32>, vector<16xi32>], vector<16xi32>,
    %mul3A_782 = arith.constant 8192 : i32
    %mul3A_783 = vector.broadcast %mul3A_782 : i32 to vector<16xi32>
    %mul3A_784 = arith.muli %add3A_755, %mul3A_783 : vector<16xi32>
    %add3A_785 = arith.addi %gather3A_781, %mul3A_784 : vector<16xi32>
    %swap3A_786 = arith.constant 32 : index
    %swap3A_787 = tpu.vector_load %arg8[%swap3A_786] {strides = array<i32>} : memref<128xi32, #tpu.memory_space<vmem>>, vector<16xi32>,
    tpu.vector_store %arg8[%swap3A_786], %add3A_785 {strides = array<i32>} : memref<128xi32, #tpu.memory_space<vmem>>, vector<16xi32>,
    %jit3A_788 = arith.constant 8 : i32
    %div3A_789 = vector.broadcast %jit3A_788 : i32 to vector<16xi32>
    %div3A_790 = arith.divsi %iota3A, %div3A_789 : vector<16xi32>
    %sign3A_791 = arith.constant 0 : i32
    %sign3A_792 = vector.broadcast %sign3A_791 : i32 to vector<16xi32>
    %sign3A_793 = arith.cmpi sgt, %iota3A, %sign3A_792 : vector<16xi32>
    %sign3A_794 = arith.extui %sign3A_793 : vector<16xi1> to vector<16xi32>
    %sign3A_795 = arith.constant 0 : i32
    %sign3A_796 = vector.broadcast %sign3A_795 : i32 to vector<16xi32>
    %sign3A_797 = arith.cmpi slt, %iota3A, %sign3A_796 : vector<16xi32>
    %sign3A_798 = arith.extui %sign3A_797 : vector<16xi1> to vector<16xi32>
    %sign3A_799 = arith.subi %sign3A_794, %sign3A_798 : vector<16xi32>
    %sign3A_800 = arith.constant 0 : i32
    %sign3A_801 = arith.cmpi sgt, %jit3A_788, %sign3A_800 : i32
    %sign3A_802 = arith.extui %sign3A_801 : i1 to i32
    %sign3A_803 = arith.constant 0 : i32
    %sign3A_804 = arith.cmpi slt, %jit3A_788, %sign3A_803 : i32
    %sign3A_805 = arith.extui %sign3A_804 : i1 to i32
    %sign3A_806 = arith.subi %sign3A_802, %sign3A_805 : i32
    %ne3A_807 = vector.broadcast %sign3A_806 : i32 to vector<16xi32>
    %ne3A_808 = arith.cmpi ne, %sign3A_799, %ne3A_807 : vector<16xi32>
    %rem3A_809 = vector.broadcast %jit3A_788 : i32 to vector<16xi32>
    %rem3A_810 = arith.remsi %iota3A, %rem3A_809 : vector<16xi32>
    %ne3A_811 = arith.constant 0 : i32
    %ne3A_812 = vector.broadcast %ne3A_811 : i32 to vector<16xi32>
    %ne3A_813 = arith.cmpi ne, %rem3A_810, %ne3A_812 : vector<16xi32>
    %and3A_814 = arith.andi %ne3A_808, %ne3A_813 : vector<16xi1>
    %sub3A_815 = arith.constant 1 : i32
    %sub3A_816 = vector.broadcast %sub3A_815 : i32 to vector<16xi32>
    %sub3A_817 = arith.subi %div3A_790, %sub3A_816 : vector<16xi32>
    %select_n3A_818 = arith.select %and3A_814, %sub3A_817, %div3A_790 : vector<16xi1>, vector<16xi32>
    %add3A_819 = arith.constant 6 : i32
    %add3A_820 = vector.broadcast %add3A_819 : i32 to vector<16xi32>
    %add3A_821 = arith.addi %add3A_820, %select_n3A_818 : vector<16xi32>
    %jit3A_822 = arith.constant 8 : i32
    %eq3A_823 = arith.constant 0 : i32
    %eq3A_824 = arith.cmpi eq, %jit3A_822, %eq3A_823 : i32
    %jit3A_825 = arith.constant 1 : i32
    %select_n3A_826 = arith.select %eq3A_824, %jit3A_825, %jit3A_822 : i32
    %rem3A_827 = vector.broadcast %select_n3A_826 : i32 to vector<16xi32>
    %rem3A_828 = arith.remsi %iota3A, %rem3A_827 : vector<16xi32>
    %ne3A_829 = arith.constant 0 : i32
    %ne3A_830 = vector.broadcast %ne3A_829 : i32 to vector<16xi32>
    %ne3A_831 = arith.cmpi ne, %rem3A_828, %ne3A_830 : vector<16xi32>
    %lt3A_832 = arith.constant 0 : i32
    %lt3A_833 = vector.broadcast %lt3A_832 : i32 to vector<16xi32>
    %lt3A_834 = arith.cmpi slt, %rem3A_828, %lt3A_833 : vector<16xi32>
    %lt3A_835 = arith.constant 0 : i32
    %lt3A_836 = arith.cmpi slt, %select_n3A_826, %lt3A_835 : i32
    %ne3A_837 = vector.broadcast %lt3A_836 : i1 to vector<16xi1>
    %ne3A_838 = vector.broadcast %ne3A_837 : vector<16xi1> to vector<16xi1>
    %ne3A_839 = arith.xori %lt3A_834, %ne3A_838 : vector<16xi1>
    %and3A_840 = arith.andi %ne3A_839, %ne3A_831 : vector<16xi1>
    %add3A_841 = vector.broadcast %select_n3A_826 : i32 to vector<16xi32>
    %add3A_842 = arith.addi %rem3A_828, %add3A_841 : vector<16xi32>
    %select_n3A_843 = arith.select %and3A_840, %add3A_842, %rem3A_828 : vector<16xi1>, vector<16xi32>
    %add3A_844 = arith.constant 16 : i32
    %add3A_845 = vector.broadcast %add3A_844 : i32 to vector<16xi32>
    %add3A_846 = arith.addi %add3A_845, %select_n3A_843 : vector<16xi32>
    %gather3A_847 = tpu.vector_load_idx %arg5[%add3A_846, %add3A_821] : memref<64x8xi32, #tpu.memory_space<vmem>>[vector<16xi32>, vector<16xi32>], vector<16xi32>,
    %mul3A_848 = arith.constant 8192 : i32
    %mul3A_849 = vector.broadcast %mul3A_848 : i32 to vector<16xi32>
    %mul3A_850 = arith.muli %add3A_821, %mul3A_849 : vector<16xi32>
    %add3A_851 = arith.addi %gather3A_847, %mul3A_850 : vector<16xi32>
    %swap3A_852 = arith.constant 48 : index
    %swap3A_853 = tpu.vector_load %arg8[%swap3A_852] {strides = array<i32>} : memref<128xi32, #tpu.memory_space<vmem>>, vector<16xi32>,
    tpu.vector_store %arg8[%swap3A_852], %add3A_851 {strides = array<i32>} : memref<128xi32, #tpu.memory_space<vmem>>, vector<16xi32>,
    %jit3A_854 = arith.constant 8 : i32
    %div3A_855 = vector.broadcast %jit3A_854 : i32 to vector<16xi32>
    %div3A_856 = arith.divsi %iota3A, %div3A_855 : vector<16xi32>
    %sign3A_857 = arith.constant 0 : i32
    %sign3A_858 = vector.broadcast %sign3A_857 : i32 to vector<16xi32>
    %sign3A_859 = arith.cmpi sgt, %iota3A, %sign3A_858 : vector<16xi32>
    %sign3A_860 = arith.extui %sign3A_859 : vector<16xi1> to vector<16xi32>
    %sign3A_861 = arith.constant 0 : i32
    %sign3A_862 = vector.broadcast %sign3A_861 : i32 to vector<16xi32>
    %sign3A_863 = arith.cmpi slt, %iota3A, %sign3A_862 : vector<16xi32>
    %sign3A_864 = arith.extui %sign3A_863 : vector<16xi1> to vector<16xi32>
    %sign3A_865 = arith.subi %sign3A_860, %sign3A_864 : vector<16xi32>
    %sign3A_866 = arith.constant 0 : i32
    %sign3A_867 = arith.cmpi sgt, %jit3A_854, %sign3A_866 : i32
    %sign3A_868 = arith.extui %sign3A_867 : i1 to i32
    %sign3A_869 = arith.constant 0 : i32
    %sign3A_870 = arith.cmpi slt, %jit3A_854, %sign3A_869 : i32
    %sign3A_871 = arith.extui %sign3A_870 : i1 to i32
    %sign3A_872 = arith.subi %sign3A_868, %sign3A_871 : i32
    %ne3A_873 = vector.broadcast %sign3A_872 : i32 to vector<16xi32>
    %ne3A_874 = arith.cmpi ne, %sign3A_865, %ne3A_873 : vector<16xi32>
    %rem3A_875 = vector.broadcast %jit3A_854 : i32 to vector<16xi32>
    %rem3A_876 = arith.remsi %iota3A, %rem3A_875 : vector<16xi32>
    %ne3A_877 = arith.constant 0 : i32
    %ne3A_878 = vector.broadcast %ne3A_877 : i32 to vector<16xi32>
    %ne3A_879 = arith.cmpi ne, %rem3A_876, %ne3A_878 : vector<16xi32>
    %and3A_880 = arith.andi %ne3A_874, %ne3A_879 : vector<16xi1>
    %sub3A_881 = arith.constant 1 : i32
    %sub3A_882 = vector.broadcast %sub3A_881 : i32 to vector<16xi32>
    %sub3A_883 = arith.subi %div3A_856, %sub3A_882 : vector<16xi32>
    %select_n3A_884 = arith.select %and3A_880, %sub3A_883, %div3A_856 : vector<16xi1>, vector<16xi32>
    %add3A_885 = arith.constant 0 : i32
    %add3A_886 = vector.broadcast %add3A_885 : i32 to vector<16xi32>
    %add3A_887 = arith.addi %add3A_886, %select_n3A_884 : vector<16xi32>
    %jit3A_888 = arith.constant 8 : i32
    %eq3A_889 = arith.constant 0 : i32
    %eq3A_890 = arith.cmpi eq, %jit3A_888, %eq3A_889 : i32
    %jit3A_891 = arith.constant 1 : i32
    %select_n3A_892 = arith.select %eq3A_890, %jit3A_891, %jit3A_888 : i32
    %rem3A_893 = vector.broadcast %select_n3A_892 : i32 to vector<16xi32>
    %rem3A_894 = arith.remsi %iota3A, %rem3A_893 : vector<16xi32>
    %ne3A_895 = arith.constant 0 : i32
    %ne3A_896 = vector.broadcast %ne3A_895 : i32 to vector<16xi32>
    %ne3A_897 = arith.cmpi ne, %rem3A_894, %ne3A_896 : vector<16xi32>
    %lt3A_898 = arith.constant 0 : i32
    %lt3A_899 = vector.broadcast %lt3A_898 : i32 to vector<16xi32>
    %lt3A_900 = arith.cmpi slt, %rem3A_894, %lt3A_899 : vector<16xi32>
    %lt3A_901 = arith.constant 0 : i32
    %lt3A_902 = arith.cmpi slt, %select_n3A_892, %lt3A_901 : i32
    %ne3A_903 = vector.broadcast %lt3A_902 : i1 to vector<16xi1>
    %ne3A_904 = vector.broadcast %ne3A_903 : vector<16xi1> to vector<16xi1>
    %ne3A_905 = arith.xori %lt3A_900, %ne3A_904 : vector<16xi1>
    %and3A_906 = arith.andi %ne3A_905, %ne3A_897 : vector<16xi1>
    %add3A_907 = vector.broadcast %select_n3A_892 : i32 to vector<16xi32>
    %add3A_908 = arith.addi %rem3A_894, %add3A_907 : vector<16xi32>
    %select_n3A_909 = arith.select %and3A_906, %add3A_908, %rem3A_894 : vector<16xi1>, vector<16xi32>
    %add3A_910 = arith.constant 24 : i32
    %add3A_911 = vector.broadcast %add3A_910 : i32 to vector<16xi32>
    %add3A_912 = arith.addi %add3A_911, %select_n3A_909 : vector<16xi32>
    %gather3A_913 = tpu.vector_load_idx %arg5[%add3A_912, %add3A_887] : memref<64x8xi32, #tpu.memory_space<vmem>>[vector<16xi32>, vector<16xi32>], vector<16xi32>,
    %mul3A_914 = arith.constant 8192 : i32
    %mul3A_915 = vector.broadcast %mul3A_914 : i32 to vector<16xi32>
    %mul3A_916 = arith.muli %add3A_887, %mul3A_915 : vector<16xi32>
    %add3A_917 = arith.addi %gather3A_913, %mul3A_916 : vector<16xi32>
    %swap3A_918 = arith.constant 64 : index
    %swap3A_919 = tpu.vector_load %arg8[%swap3A_918] {strides = array<i32>} : memref<128xi32, #tpu.memory_space<vmem>>, vector<16xi32>,
    tpu.vector_store %arg8[%swap3A_918], %add3A_917 {strides = array<i32>} : memref<128xi32, #tpu.memory_space<vmem>>, vector<16xi32>,
    %jit3A_920 = arith.constant 8 : i32
    %div3A_921 = vector.broadcast %jit3A_920 : i32 to vector<16xi32>
    %div3A_922 = arith.divsi %iota3A, %div3A_921 : vector<16xi32>
    %sign3A_923 = arith.constant 0 : i32
    %sign3A_924 = vector.broadcast %sign3A_923 : i32 to vector<16xi32>
    %sign3A_925 = arith.cmpi sgt, %iota3A, %sign3A_924 : vector<16xi32>
    %sign3A_926 = arith.extui %sign3A_925 : vector<16xi1> to vector<16xi32>
    %sign3A_927 = arith.constant 0 : i32
    %sign3A_928 = vector.broadcast %sign3A_927 : i32 to vector<16xi32>
    %sign3A_929 = arith.cmpi slt, %iota3A, %sign3A_928 : vector<16xi32>
    %sign3A_930 = arith.extui %sign3A_929 : vector<16xi1> to vector<16xi32>
    %sign3A_931 = arith.subi %sign3A_926, %sign3A_930 : vector<16xi32>
    %sign3A_932 = arith.constant 0 : i32
    %sign3A_933 = arith.cmpi sgt, %jit3A_920, %sign3A_932 : i32
    %sign3A_934 = arith.extui %sign3A_933 : i1 to i32
    %sign3A_935 = arith.constant 0 : i32
    %sign3A_936 = arith.cmpi slt, %jit3A_920, %sign3A_935 : i32
    %sign3A_937 = arith.extui %sign3A_936 : i1 to i32
    %sign3A_938 = arith.subi %sign3A_934, %sign3A_937 : i32
    %ne3A_939 = vector.broadcast %sign3A_938 : i32 to vector<16xi32>
    %ne3A_940 = arith.cmpi ne, %sign3A_931, %ne3A_939 : vector<16xi32>
    %rem3A_941 = vector.broadcast %jit3A_920 : i32 to vector<16xi32>
    %rem3A_942 = arith.remsi %iota3A, %rem3A_941 : vector<16xi32>
    %ne3A_943 = arith.constant 0 : i32
    %ne3A_944 = vector.broadcast %ne3A_943 : i32 to vector<16xi32>
    %ne3A_945 = arith.cmpi ne, %rem3A_942, %ne3A_944 : vector<16xi32>
    %and3A_946 = arith.andi %ne3A_940, %ne3A_945 : vector<16xi1>
    %sub3A_947 = arith.constant 1 : i32
    %sub3A_948 = vector.broadcast %sub3A_947 : i32 to vector<16xi32>
    %sub3A_949 = arith.subi %div3A_922, %sub3A_948 : vector<16xi32>
    %select_n3A_950 = arith.select %and3A_946, %sub3A_949, %div3A_922 : vector<16xi1>, vector<16xi32>
    %add3A_951 = arith.constant 2 : i32
    %add3A_952 = vector.broadcast %add3A_951 : i32 to vector<16xi32>
    %add3A_953 = arith.addi %add3A_952, %select_n3A_950 : vector<16xi32>
    %jit3A_954 = arith.constant 8 : i32
    %eq3A_955 = arith.constant 0 : i32
    %eq3A_956 = arith.cmpi eq, %jit3A_954, %eq3A_955 : i32
    %jit3A_957 = arith.constant 1 : i32
    %select_n3A_958 = arith.select %eq3A_956, %jit3A_957, %jit3A_954 : i32
    %rem3A_959 = vector.broadcast %select_n3A_958 : i32 to vector<16xi32>
    %rem3A_960 = arith.remsi %iota3A, %rem3A_959 : vector<16xi32>
    %ne3A_961 = arith.constant 0 : i32
    %ne3A_962 = vector.broadcast %ne3A_961 : i32 to vector<16xi32>
    %ne3A_963 = arith.cmpi ne, %rem3A_960, %ne3A_962 : vector<16xi32>
    %lt3A_964 = arith.constant 0 : i32
    %lt3A_965 = vector.broadcast %lt3A_964 : i32 to vector<16xi32>
    %lt3A_966 = arith.cmpi slt, %rem3A_960, %lt3A_965 : vector<16xi32>
    %lt3A_967 = arith.constant 0 : i32
    %lt3A_968 = arith.cmpi slt, %select_n3A_958, %lt3A_967 : i32
    %ne3A_969 = vector.broadcast %lt3A_968 : i1 to vector<16xi1>
    %ne3A_970 = vector.broadcast %ne3A_969 : vector<16xi1> to vector<16xi1>
    %ne3A_971 = arith.xori %lt3A_966, %ne3A_970 : vector<16xi1>
    %and3A_972 = arith.andi %ne3A_971, %ne3A_963 : vector<16xi1>
    %add3A_973 = vector.broadcast %select_n3A_958 : i32 to vector<16xi32>
    %add3A_974 = arith.addi %rem3A_960, %add3A_973 : vector<16xi32>
    %select_n3A_975 = arith.select %and3A_972, %add3A_974, %rem3A_960 : vector<16xi1>, vector<16xi32>
    %add3A_976 = arith.constant 24 : i32
    %add3A_977 = vector.broadcast %add3A_976 : i32 to vector<16xi32>
    %add3A_978 = arith.addi %add3A_977, %select_n3A_975 : vector<16xi32>
    %gather3A_979 = tpu.vector_load_idx %arg5[%add3A_978, %add3A_953] : memref<64x8xi32, #tpu.memory_space<vmem>>[vector<16xi32>, vector<16xi32>], vector<16xi32>,
    %mul3A_980 = arith.constant 8192 : i32
    %mul3A_981 = vector.broadcast %mul3A_980 : i32 to vector<16xi32>
    %mul3A_982 = arith.muli %add3A_953, %mul3A_981 : vector<16xi32>
    %add3A_983 = arith.addi %gather3A_979, %mul3A_982 : vector<16xi32>
    %swap3A_984 = arith.constant 80 : index
    %swap3A_985 = tpu.vector_load %arg8[%swap3A_984] {strides = array<i32>} : memref<128xi32, #tpu.memory_space<vmem>>, vector<16xi32>,
    tpu.vector_store %arg8[%swap3A_984], %add3A_983 {strides = array<i32>} : memref<128xi32, #tpu.memory_space<vmem>>, vector<16xi32>,
    %jit3A_986 = arith.constant 8 : i32
    %div3A_987 = vector.broadcast %jit3A_986 : i32 to vector<16xi32>
    %div3A_988 = arith.divsi %iota3A, %div3A_987 : vector<16xi32>
    %sign3A_989 = arith.constant 0 : i32
    %sign3A_990 = vector.broadcast %sign3A_989 : i32 to vector<16xi32>
    %sign3A_991 = arith.cmpi sgt, %iota3A, %sign3A_990 : vector<16xi32>
    %sign3A_992 = arith.extui %sign3A_991 : vector<16xi1> to vector<16xi32>
    %sign3A_993 = arith.constant 0 : i32
    %sign3A_994 = vector.broadcast %sign3A_993 : i32 to vector<16xi32>
    %sign3A_995 = arith.cmpi slt, %iota3A, %sign3A_994 : vector<16xi32>
    %sign3A_996 = arith.extui %sign3A_995 : vector<16xi1> to vector<16xi32>
    %sign3A_997 = arith.subi %sign3A_992, %sign3A_996 : vector<16xi32>
    %sign3A_998 = arith.constant 0 : i32
    %sign3A_999 = arith.cmpi sgt, %jit3A_986, %sign3A_998 : i32
    %sign3A_1000 = arith.extui %sign3A_999 : i1 to i32
    %sign3A_1001 = arith.constant 0 : i32
    %sign3A_1002 = arith.cmpi slt, %jit3A_986, %sign3A_1001 : i32
    %sign3A_1003 = arith.extui %sign3A_1002 : i1 to i32
    %sign3A_1004 = arith.subi %sign3A_1000, %sign3A_1003 : i32
    %ne3A_1005 = vector.broadcast %sign3A_1004 : i32 to vector<16xi32>
    %ne3A_1006 = arith.cmpi ne, %sign3A_997, %ne3A_1005 : vector<16xi32>
    %rem3A_1007 = vector.broadcast %jit3A_986 : i32 to vector<16xi32>
    %rem3A_1008 = arith.remsi %iota3A, %rem3A_1007 : vector<16xi32>
    %ne3A_1009 = arith.constant 0 : i32
    %ne3A_1010 = vector.broadcast %ne3A_1009 : i32 to vector<16xi32>
    %ne3A_1011 = arith.cmpi ne, %rem3A_1008, %ne3A_1010 : vector<16xi32>
    %and3A_1012 = arith.andi %ne3A_1006, %ne3A_1011 : vector<16xi1>
    %sub3A_1013 = arith.constant 1 : i32
    %sub3A_1014 = vector.broadcast %sub3A_1013 : i32 to vector<16xi32>
    %sub3A_1015 = arith.subi %div3A_988, %sub3A_1014 : vector<16xi32>
    %select_n3A_1016 = arith.select %and3A_1012, %sub3A_1015, %div3A_988 : vector<16xi1>, vector<16xi32>
    %add3A_1017 = arith.constant 4 : i32
    %add3A_1018 = vector.broadcast %add3A_1017 : i32 to vector<16xi32>
    %add3A_1019 = arith.addi %add3A_1018, %select_n3A_1016 : vector<16xi32>
    %jit3A_1020 = arith.constant 8 : i32
    %eq3A_1021 = arith.constant 0 : i32
    %eq3A_1022 = arith.cmpi eq, %jit3A_1020, %eq3A_1021 : i32
    %jit3A_1023 = arith.constant 1 : i32
    %select_n3A_1024 = arith.select %eq3A_1022, %jit3A_1023, %jit3A_1020 : i32
    %rem3A_1025 = vector.broadcast %select_n3A_1024 : i32 to vector<16xi32>
    %rem3A_1026 = arith.remsi %iota3A, %rem3A_1025 : vector<16xi32>
    %ne3A_1027 = arith.constant 0 : i32
    %ne3A_1028 = vector.broadcast %ne3A_1027 : i32 to vector<16xi32>
    %ne3A_1029 = arith.cmpi ne, %rem3A_1026, %ne3A_1028 : vector<16xi32>
    %lt3A_1030 = arith.constant 0 : i32
    %lt3A_1031 = vector.broadcast %lt3A_1030 : i32 to vector<16xi32>
    %lt3A_1032 = arith.cmpi slt, %rem3A_1026, %lt3A_1031 : vector<16xi32>
    %lt3A_1033 = arith.constant 0 : i32
    %lt3A_1034 = arith.cmpi slt, %select_n3A_1024, %lt3A_1033 : i32
    %ne3A_1035 = vector.broadcast %lt3A_1034 : i1 to vector<16xi1>
    %ne3A_1036 = vector.broadcast %ne3A_1035 : vector<16xi1> to vector<16xi1>
    %ne3A_1037 = arith.xori %lt3A_1032, %ne3A_1036 : vector<16xi1>
    %and3A_1038 = arith.andi %ne3A_1037, %ne3A_1029 : vector<16xi1>
    %add3A_1039 = vector.broadcast %select_n3A_1024 : i32 to vector<16xi32>
    %add3A_1040 = arith.addi %rem3A_1026, %add3A_1039 : vector<16xi32>
    %select_n3A_1041 = arith.select %and3A_1038, %add3A_1040, %rem3A_1026 : vector<16xi1>, vector<16xi32>
    %add3A_1042 = arith.constant 24 : i32
    %add3A_1043 = vector.broadcast %add3A_1042 : i32 to vector<16xi32>
    %add3A_1044 = arith.addi %add3A_1043, %select_n3A_1041 : vector<16xi32>
    %gather3A_1045 = tpu.vector_load_idx %arg5[%add3A_1044, %add3A_1019] : memref<64x8xi32, #tpu.memory_space<vmem>>[vector<16xi32>, vector<16xi32>], vector<16xi32>,
    %mul3A_1046 = arith.constant 8192 : i32
    %mul3A_1047 = vector.broadcast %mul3A_1046 : i32 to vector<16xi32>
    %mul3A_1048 = arith.muli %add3A_1019, %mul3A_1047 : vector<16xi32>
    %add3A_1049 = arith.addi %gather3A_1045, %mul3A_1048 : vector<16xi32>
    %swap3A_1050 = arith.constant 96 : index
    %swap3A_1051 = tpu.vector_load %arg8[%swap3A_1050] {strides = array<i32>} : memref<128xi32, #tpu.memory_space<vmem>>, vector<16xi32>,
    tpu.vector_store %arg8[%swap3A_1050], %add3A_1049 {strides = array<i32>} : memref<128xi32, #tpu.memory_space<vmem>>, vector<16xi32>,
    %jit3A_1052 = arith.constant 8 : i32
    %div3A_1053 = vector.broadcast %jit3A_1052 : i32 to vector<16xi32>
    %div3A_1054 = arith.divsi %iota3A, %div3A_1053 : vector<16xi32>
    %sign3A_1055 = arith.constant 0 : i32
    %sign3A_1056 = vector.broadcast %sign3A_1055 : i32 to vector<16xi32>
    %sign3A_1057 = arith.cmpi sgt, %iota3A, %sign3A_1056 : vector<16xi32>
    %sign3A_1058 = arith.extui %sign3A_1057 : vector<16xi1> to vector<16xi32>
    %sign3A_1059 = arith.constant 0 : i32
    %sign3A_1060 = vector.broadcast %sign3A_1059 : i32 to vector<16xi32>
    %sign3A_1061 = arith.cmpi slt, %iota3A, %sign3A_1060 : vector<16xi32>
    %sign3A_1062 = arith.extui %sign3A_1061 : vector<16xi1> to vector<16xi32>
    %sign3A_1063 = arith.subi %sign3A_1058, %sign3A_1062 : vector<16xi32>
    %sign3A_1064 = arith.constant 0 : i32
    %sign3A_1065 = arith.cmpi sgt, %jit3A_1052, %sign3A_1064 : i32
    %sign3A_1066 = arith.extui %sign3A_1065 : i1 to i32
    %sign3A_1067 = arith.constant 0 : i32
    %sign3A_1068 = arith.cmpi slt, %jit3A_1052, %sign3A_1067 : i32
    %sign3A_1069 = arith.extui %sign3A_1068 : i1 to i32
    %sign3A_1070 = arith.subi %sign3A_1066, %sign3A_1069 : i32
    %ne3A_1071 = vector.broadcast %sign3A_1070 : i32 to vector<16xi32>
    %ne3A_1072 = arith.cmpi ne, %sign3A_1063, %ne3A_1071 : vector<16xi32>
    %rem3A_1073 = vector.broadcast %jit3A_1052 : i32 to vector<16xi32>
    %rem3A_1074 = arith.remsi %iota3A, %rem3A_1073 : vector<16xi32>
    %ne3A_1075 = arith.constant 0 : i32
    %ne3A_1076 = vector.broadcast %ne3A_1075 : i32 to vector<16xi32>
    %ne3A_1077 = arith.cmpi ne, %rem3A_1074, %ne3A_1076 : vector<16xi32>
    %and3A_1078 = arith.andi %ne3A_1072, %ne3A_1077 : vector<16xi1>
    %sub3A_1079 = arith.constant 1 : i32
    %sub3A_1080 = vector.broadcast %sub3A_1079 : i32 to vector<16xi32>
    %sub3A_1081 = arith.subi %div3A_1054, %sub3A_1080 : vector<16xi32>
    %select_n3A_1082 = arith.select %and3A_1078, %sub3A_1081, %div3A_1054 : vector<16xi1>, vector<16xi32>
    %add3A_1083 = arith.constant 6 : i32
    %add3A_1084 = vector.broadcast %add3A_1083 : i32 to vector<16xi32>
    %add3A_1085 = arith.addi %add3A_1084, %select_n3A_1082 : vector<16xi32>
    %jit3A_1086 = arith.constant 8 : i32
    %eq3A_1087 = arith.constant 0 : i32
    %eq3A_1088 = arith.cmpi eq, %jit3A_1086, %eq3A_1087 : i32
    %jit3A_1089 = arith.constant 1 : i32
    %select_n3A_1090 = arith.select %eq3A_1088, %jit3A_1089, %jit3A_1086 : i32
    %rem3A_1091 = vector.broadcast %select_n3A_1090 : i32 to vector<16xi32>
    %rem3A_1092 = arith.remsi %iota3A, %rem3A_1091 : vector<16xi32>
    %ne3A_1093 = arith.constant 0 : i32
    %ne3A_1094 = vector.broadcast %ne3A_1093 : i32 to vector<16xi32>
    %ne3A_1095 = arith.cmpi ne, %rem3A_1092, %ne3A_1094 : vector<16xi32>
    %lt3A_1096 = arith.constant 0 : i32
    %lt3A_1097 = vector.broadcast %lt3A_1096 : i32 to vector<16xi32>
    %lt3A_1098 = arith.cmpi slt, %rem3A_1092, %lt3A_1097 : vector<16xi32>
    %lt3A_1099 = arith.constant 0 : i32
    %lt3A_1100 = arith.cmpi slt, %select_n3A_1090, %lt3A_1099 : i32
    %ne3A_1101 = vector.broadcast %lt3A_1100 : i1 to vector<16xi1>
    %ne3A_1102 = vector.broadcast %ne3A_1101 : vector<16xi1> to vector<16xi1>
    %ne3A_1103 = arith.xori %lt3A_1098, %ne3A_1102 : vector<16xi1>
    %and3A_1104 = arith.andi %ne3A_1103, %ne3A_1095 : vector<16xi1>
    %add3A_1105 = vector.broadcast %select_n3A_1090 : i32 to vector<16xi32>
    %add3A_1106 = arith.addi %rem3A_1092, %add3A_1105 : vector<16xi32>
    %select_n3A_1107 = arith.select %and3A_1104, %add3A_1106, %rem3A_1092 : vector<16xi1>, vector<16xi32>
    %add3A_1108 = arith.constant 24 : i32
    %add3A_1109 = vector.broadcast %add3A_1108 : i32 to vector<16xi32>
    %add3A_1110 = arith.addi %add3A_1109, %select_n3A_1107 : vector<16xi32>
    %gather3A_1111 = tpu.vector_load_idx %arg5[%add3A_1110, %add3A_1085] : memref<64x8xi32, #tpu.memory_space<vmem>>[vector<16xi32>, vector<16xi32>], vector<16xi32>,
    %mul3A_1112 = arith.constant 8192 : i32
    %mul3A_1113 = vector.broadcast %mul3A_1112 : i32 to vector<16xi32>
    %mul3A_1114 = arith.muli %add3A_1085, %mul3A_1113 : vector<16xi32>
    %add3A_1115 = arith.addi %gather3A_1111, %mul3A_1114 : vector<16xi32>
    %swap3A_1116 = arith.constant 112 : index
    %swap3A_1117 = tpu.vector_load %arg8[%swap3A_1116] {strides = array<i32>} : memref<128xi32, #tpu.memory_space<vmem>>, vector<16xi32>,
    tpu.vector_store %arg8[%swap3A_1116], %add3A_1115 {strides = array<i32>} : memref<128xi32, #tpu.memory_space<vmem>>, vector<16xi32>,
    %dma_start3A_1118 = arith.constant 1 : i32
    %dma_start3A_1119 = arith.constant 0 : i32
    %dma_start3A_1120 = arith.constant 0 : i32
    %dma_start3A_1121 = tpu.memref_slice %arg2[%dma_start3A_1119, %dma_start3A_1120] : memref<65536x128xf32, #tpu.memory_space<hbm>> -> memref<65536x128xf32, #tpu.memory_space<hbm>>
    %dma_start3A_1122 = tpu.memref_slice %arg15[%dma_start3A_1118] : memref<4x!tpu.dma_semaphore, #tpu.memory_space<semaphore_mem>> -> memref<1x!tpu.dma_semaphore, #tpu.memory_space<semaphore_mem>>
    %dma_start3A_1123 = tpu.memref_squeeze %dma_start3A_1122 : memref<1x!tpu.dma_semaphore, #tpu.memory_space<semaphore_mem>> -> memref<!tpu.dma_semaphore, #tpu.memory_space<semaphore_mem>>
    tpu.enqueue_indirect_dma source(%dma_start3A_1121 : memref<65536x128xf32, #tpu.memory_space<hbm>>) target(%arg12 : memref<128x128xf32, #tpu.memory_space<vmem>>) offsets(%arg8 : memref<128xi32, #tpu.memory_space<vmem>>) semaphore(%dma_start3A_1123 : memref<!tpu.dma_semaphore, #tpu.memory_space<semaphore_mem>>)
    %scan3A = arith.constant 0 : i32
    %scan3A_1124 = arith.constant 0 : i32
    %scan3A_1125 = arith.constant 16 : i32
    %scan3A_1126 = arith.addi %scan3A_1124, %scan3A_1125 : i32
    %scan3A_1127 = arith.constant 1 : i32
    scf.for %scan3A_1165 = %scan3A_1124 to %scan3A_1126 step %scan3A_1127  : i32 {
      %mul3A_1166 = arith.constant 8 : i32
      %mul3A_1167 = arith.muli %mul3A_1166, %scan3A_1165 : i32
      %gt3A = arith.constant 0 : i32
      %gt3A_1168 = arith.cmpi sgt, %scan3A_1165, %gt3A : i32
      %convert_element_type3A = arith.extui %gt3A_1168 : i1 to i32
      %cond3A = arith.constant 0 : i32
      %cond3A_1169 = arith.cmpi ne, %convert_element_type3A, %cond3A : i32
      scf.if %cond3A_1169 {
        %dma_wait3A_4626 = arith.constant 2 : i32
        %dma_wait3A_4627 = arith.constant 0 : i32
        %dma_wait3A_4628 = arith.constant 0 : i32
        %dma_wait3A_4629 = tpu.memref_slice %arg2[%dma_wait3A_4627, %dma_wait3A_4628] : memref<65536x128xf32, #tpu.memory_space<hbm>> -> memref<128x128xf32, #tpu.memory_space<hbm>>
        %dma_wait3A_4630 = tpu.memref_slice %arg16[%dma_wait3A_4626] : memref<4x!tpu.dma_semaphore, #tpu.memory_space<semaphore_mem>> -> memref<1x!tpu.dma_semaphore, #tpu.memory_space<semaphore_mem>>
        %dma_wait3A_4631 = tpu.memref_squeeze %dma_wait3A_4630 : memref<1x!tpu.dma_semaphore, #tpu.memory_space<semaphore_mem>> -> memref<!tpu.dma_semaphore, #tpu.memory_space<semaphore_mem>>
        %dma_wait3A_4632 = arith.constant 0 : i32
        %dma_wait3A_4633 = arith.constant 0 : i32
        %dma_wait3A_4634 = tpu.memref_slice %arg2[%dma_wait3A_4632, %dma_wait3A_4633] : memref<65536x128xf32, #tpu.memory_space<hbm>> -> memref<128x128xf32, #tpu.memory_space<hbm>>
        tpu.wait_dma2 semaphore(%dma_wait3A_4631 : memref<!tpu.dma_semaphore, #tpu.memory_space<semaphore_mem>>) src(%dma_wait3A_4634 : memref<128x128xf32, #tpu.memory_space<hbm>>) dst(%arg13 : memref<128x128xf32, #tpu.memory_space<vmem>>)
      } else {
      }
      %jit3A_1170 = arith.constant 8 : i32
      %div3A_1171 = vector.broadcast %jit3A_1170 : i32 to vector<16xi32>
      %div3A_1172 = arith.divsi %iota3A, %div3A_1171 : vector<16xi32>
      %sign3A_1173 = arith.constant 0 : i32
      %sign3A_1174 = vector.broadcast %sign3A_1173 : i32 to vector<16xi32>
      %sign3A_1175 = arith.cmpi sgt, %iota3A, %sign3A_1174 : vector<16xi32>
      %sign3A_1176 = arith.extui %sign3A_1175 : vector<16xi1> to vector<16xi32>
      %sign3A_1177 = arith.constant 0 : i32
      %sign3A_1178 = vector.broadcast %sign3A_1177 : i32 to vector<16xi32>
      %sign3A_1179 = arith.cmpi slt, %iota3A, %sign3A_1178 : vector<16xi32>
      %sign3A_1180 = arith.extui %sign3A_1179 : vector<16xi1> to vector<16xi32>
      %sign3A_1181 = arith.subi %sign3A_1176, %sign3A_1180 : vector<16xi32>
      %sign3A_1182 = arith.constant 0 : i32
      %sign3A_1183 = arith.cmpi sgt, %jit3A_1170, %sign3A_1182 : i32
      %sign3A_1184 = arith.extui %sign3A_1183 : i1 to i32
      %sign3A_1185 = arith.constant 0 : i32
      %sign3A_1186 = arith.cmpi slt, %jit3A_1170, %sign3A_1185 : i32
      %sign3A_1187 = arith.extui %sign3A_1186 : i1 to i32
      %sign3A_1188 = arith.subi %sign3A_1184, %sign3A_1187 : i32
      %ne3A_1189 = vector.broadcast %sign3A_1188 : i32 to vector<16xi32>
      %ne3A_1190 = arith.cmpi ne, %sign3A_1181, %ne3A_1189 : vector<16xi32>
      %rem3A_1191 = vector.broadcast %jit3A_1170 : i32 to vector<16xi32>
      %rem3A_1192 = arith.remsi %iota3A, %rem3A_1191 : vector<16xi32>
      %ne3A_1193 = arith.constant 0 : i32
      %ne3A_1194 = vector.broadcast %ne3A_1193 : i32 to vector<16xi32>
      %ne3A_1195 = arith.cmpi ne, %rem3A_1192, %ne3A_1194 : vector<16xi32>
      %and3A_1196 = arith.andi %ne3A_1190, %ne3A_1195 : vector<16xi1>
      %sub3A_1197 = arith.constant 1 : i32
      %sub3A_1198 = vector.broadcast %sub3A_1197 : i32 to vector<16xi32>
      %sub3A_1199 = arith.subi %div3A_1172, %sub3A_1198 : vector<16xi32>
      %select_n3A_1200 = arith.select %and3A_1196, %sub3A_1199, %div3A_1172 : vector<16xi1>, vector<16xi32>
      %add3A_1201 = arith.constant 0 : i32
      %add3A_1202 = vector.broadcast %add3A_1201 : i32 to vector<16xi32>
      %add3A_1203 = arith.addi %add3A_1202, %select_n3A_1200 : vector<16xi32>
      %jit3A_1204 = arith.constant 8 : i32
      %eq3A_1205 = arith.constant 0 : i32
      %eq3A_1206 = arith.cmpi eq, %jit3A_1204, %eq3A_1205 : i32
      %jit3A_1207 = arith.constant 1 : i32
      %select_n3A_1208 = arith.select %eq3A_1206, %jit3A_1207, %jit3A_1204 : i32
      %rem3A_1209 = vector.broadcast %select_n3A_1208 : i32 to vector<16xi32>
      %rem3A_1210 = arith.remsi %iota3A, %rem3A_1209 : vector<16xi32>
      %ne3A_1211 = arith.constant 0 : i32
      %ne3A_1212 = vector.broadcast %ne3A_1211 : i32 to vector<16xi32>
      %ne3A_1213 = arith.cmpi ne, %rem3A_1210, %ne3A_1212 : vector<16xi32>
      %lt3A_1214 = arith.constant 0 : i32
      %lt3A_1215 = vector.broadcast %lt3A_1214 : i32 to vector<16xi32>
      %lt3A_1216 = arith.cmpi slt, %rem3A_1210, %lt3A_1215 : vector<16xi32>
      %lt3A_1217 = arith.constant 0 : i32
      %lt3A_1218 = arith.cmpi slt, %select_n3A_1208, %lt3A_1217 : i32
      %ne3A_1219 = vector.broadcast %lt3A_1218 : i1 to vector<16xi1>
      %ne3A_1220 = vector.broadcast %ne3A_1219 : vector<16xi1> to vector<16xi1>
      %ne3A_1221 = arith.xori %lt3A_1216, %ne3A_1220 : vector<16xi1>
      %and3A_1222 = arith.andi %ne3A_1221, %ne3A_1213 : vector<16xi1>
      %add3A_1223 = vector.broadcast %select_n3A_1208 : i32 to vector<16xi32>
      %add3A_1224 = arith.addi %rem3A_1210, %add3A_1223 : vector<16xi32>
      %select_n3A_1225 = arith.select %and3A_1222, %add3A_1224, %rem3A_1210 : vector<16xi1>, vector<16xi32>
      %add3A_1226 = arith.constant 32 : i32
      %add3A_1227 = vector.broadcast %add3A_1226 : i32 to vector<16xi32>
      %add3A_1228 = arith.addi %add3A_1227, %select_n3A_1225 : vector<16xi32>
      %gather3A_1229 = tpu.vector_load_idx %arg5[%add3A_1228, %add3A_1203] : memref<64x8xi32, #tpu.memory_space<vmem>>[vector<16xi32>, vector<16xi32>], vector<16xi32>,
      %mul3A_1230 = arith.constant 8192 : i32
      %mul3A_1231 = vector.broadcast %mul3A_1230 : i32 to vector<16xi32>
      %mul3A_1232 = arith.muli %add3A_1203, %mul3A_1231 : vector<16xi32>
      %add3A_1233 = arith.addi %gather3A_1229, %mul3A_1232 : vector<16xi32>
      %swap3A_1234 = arith.constant 0 : index
      %swap3A_1235 = tpu.vector_load %arg9[%swap3A_1234] {strides = array<i32>} : memref<128xi32, #tpu.memory_space<vmem>>, vector<16xi32>,
      tpu.vector_store %arg9[%swap3A_1234], %add3A_1233 {strides = array<i32>} : memref<128xi32, #tpu.memory_space<vmem>>, vector<16xi32>,
      %jit3A_1236 = arith.constant 8 : i32
      %div3A_1237 = vector.broadcast %jit3A_1236 : i32 to vector<16xi32>
      %div3A_1238 = arith.divsi %iota3A, %div3A_1237 : vector<16xi32>
      %sign3A_1239 = arith.constant 0 : i32
      %sign3A_1240 = vector.broadcast %sign3A_1239 : i32 to vector<16xi32>
      %sign3A_1241 = arith.cmpi sgt, %iota3A, %sign3A_1240 : vector<16xi32>
      %sign3A_1242 = arith.extui %sign3A_1241 : vector<16xi1> to vector<16xi32>
      %sign3A_1243 = arith.constant 0 : i32
      %sign3A_1244 = vector.broadcast %sign3A_1243 : i32 to vector<16xi32>
      %sign3A_1245 = arith.cmpi slt, %iota3A, %sign3A_1244 : vector<16xi32>
      %sign3A_1246 = arith.extui %sign3A_1245 : vector<16xi1> to vector<16xi32>
      %sign3A_1247 = arith.subi %sign3A_1242, %sign3A_1246 : vector<16xi32>
      %sign3A_1248 = arith.constant 0 : i32
      %sign3A_1249 = arith.cmpi sgt, %jit3A_1236, %sign3A_1248 : i32
      %sign3A_1250 = arith.extui %sign3A_1249 : i1 to i32
      %sign3A_1251 = arith.constant 0 : i32
      %sign3A_1252 = arith.cmpi slt, %jit3A_1236, %sign3A_1251 : i32
      %sign3A_1253 = arith.extui %sign3A_1252 : i1 to i32
      %sign3A_1254 = arith.subi %sign3A_1250, %sign3A_1253 : i32
      %ne3A_1255 = vector.broadcast %sign3A_1254 : i32 to vector<16xi32>
      %ne3A_1256 = arith.cmpi ne, %sign3A_1247, %ne3A_1255 : vector<16xi32>
      %rem3A_1257 = vector.broadcast %jit3A_1236 : i32 to vector<16xi32>
      %rem3A_1258 = arith.remsi %iota3A, %rem3A_1257 : vector<16xi32>
      %ne3A_1259 = arith.constant 0 : i32
      %ne3A_1260 = vector.broadcast %ne3A_1259 : i32 to vector<16xi32>
      %ne3A_1261 = arith.cmpi ne, %rem3A_1258, %ne3A_1260 : vector<16xi32>
      %and3A_1262 = arith.andi %ne3A_1256, %ne3A_1261 : vector<16xi1>
      %sub3A_1263 = arith.constant 1 : i32
      %sub3A_1264 = vector.broadcast %sub3A_1263 : i32 to vector<16xi32>
      %sub3A_1265 = arith.subi %div3A_1238, %sub3A_1264 : vector<16xi32>
      %select_n3A_1266 = arith.select %and3A_1262, %sub3A_1265, %div3A_1238 : vector<16xi1>, vector<16xi32>
      %add3A_1267 = arith.constant 2 : i32
      %add3A_1268 = vector.broadcast %add3A_1267 : i32 to vector<16xi32>
      %add3A_1269 = arith.addi %add3A_1268, %select_n3A_1266 : vector<16xi32>
      %jit3A_1270 = arith.constant 8 : i32
      %eq3A_1271 = arith.constant 0 : i32
      %eq3A_1272 = arith.cmpi eq, %jit3A_1270, %eq3A_1271 : i32
      %jit3A_1273 = arith.constant 1 : i32
      %select_n3A_1274 = arith.select %eq3A_1272, %jit3A_1273, %jit3A_1270 : i32
      %rem3A_1275 = vector.broadcast %select_n3A_1274 : i32 to vector<16xi32>
      %rem3A_1276 = arith.remsi %iota3A, %rem3A_1275 : vector<16xi32>
      %ne3A_1277 = arith.constant 0 : i32
      %ne3A_1278 = vector.broadcast %ne3A_1277 : i32 to vector<16xi32>
      %ne3A_1279 = arith.cmpi ne, %rem3A_1276, %ne3A_1278 : vector<16xi32>
      %lt3A_1280 = arith.constant 0 : i32
      %lt3A_1281 = vector.broadcast %lt3A_1280 : i32 to vector<16xi32>
      %lt3A_1282 = arith.cmpi slt, %rem3A_1276, %lt3A_1281 : vector<16xi32>
      %lt3A_1283 = arith.constant 0 : i32
      %lt3A_1284 = arith.cmpi slt, %select_n3A_1274, %lt3A_1283 : i32
      %ne3A_1285 = vector.broadcast %lt3A_1284 : i1 to vector<16xi1>
      %ne3A_1286 = vector.broadcast %ne3A_1285 : vector<16xi1> to vector<16xi1>
      %ne3A_1287 = arith.xori %lt3A_1282, %ne3A_1286 : vector<16xi1>
      %and3A_1288 = arith.andi %ne3A_1287, %ne3A_1279 : vector<16xi1>
      %add3A_1289 = vector.broadcast %select_n3A_1274 : i32 to vector<16xi32>
      %add3A_1290 = arith.addi %rem3A_1276, %add3A_1289 : vector<16xi32>
      %select_n3A_1291 = arith.select %and3A_1288, %add3A_1290, %rem3A_1276 : vector<16xi1>, vector<16xi32>
      %add3A_1292 = arith.constant 32 : i32
      %add3A_1293 = vector.broadcast %add3A_1292 : i32 to vector<16xi32>
      %add3A_1294 = arith.addi %add3A_1293, %select_n3A_1291 : vector<16xi32>
      %gather3A_1295 = tpu.vector_load_idx %arg5[%add3A_1294, %add3A_1269] : memref<64x8xi32, #tpu.memory_space<vmem>>[vector<16xi32>, vector<16xi32>], vector<16xi32>,
      %mul3A_1296 = arith.constant 8192 : i32
      %mul3A_1297 = vector.broadcast %mul3A_1296 : i32 to vector<16xi32>
      %mul3A_1298 = arith.muli %add3A_1269, %mul3A_1297 : vector<16xi32>
      %add3A_1299 = arith.addi %gather3A_1295, %mul3A_1298 : vector<16xi32>
      %swap3A_1300 = arith.constant 16 : index
      %swap3A_1301 = tpu.vector_load %arg9[%swap3A_1300] {strides = array<i32>} : memref<128xi32, #tpu.memory_space<vmem>>, vector<16xi32>,
      tpu.vector_store %arg9[%swap3A_1300], %add3A_1299 {strides = array<i32>} : memref<128xi32, #tpu.memory_space<vmem>>, vector<16xi32>,
      %jit3A_1302 = arith.constant 8 : i32
      %div3A_1303 = vector.broadcast %jit3A_1302 : i32 to vector<16xi32>
      %div3A_1304 = arith.divsi %iota3A, %div3A_1303 : vector<16xi32>
      %sign3A_1305 = arith.constant 0 : i32
      %sign3A_1306 = vector.broadcast %sign3A_1305 : i32 to vector<16xi32>
      %sign3A_1307 = arith.cmpi sgt, %iota3A, %sign3A_1306 : vector<16xi32>
      %sign3A_1308 = arith.extui %sign3A_1307 : vector<16xi1> to vector<16xi32>
      %sign3A_1309 = arith.constant 0 : i32
      %sign3A_1310 = vector.broadcast %sign3A_1309 : i32 to vector<16xi32>
      %sign3A_1311 = arith.cmpi slt, %iota3A, %sign3A_1310 : vector<16xi32>
      %sign3A_1312 = arith.extui %sign3A_1311 : vector<16xi1> to vector<16xi32>
      %sign3A_1313 = arith.subi %sign3A_1308, %sign3A_1312 : vector<16xi32>
      %sign3A_1314 = arith.constant 0 : i32
      %sign3A_1315 = arith.cmpi sgt, %jit3A_1302, %sign3A_1314 : i32
      %sign3A_1316 = arith.extui %sign3A_1315 : i1 to i32
      %sign3A_1317 = arith.constant 0 : i32
      %sign3A_1318 = arith.cmpi slt, %jit3A_1302, %sign3A_1317 : i32
      %sign3A_1319 = arith.extui %sign3A_1318 : i1 to i32
      %sign3A_1320 = arith.subi %sign3A_1316, %sign3A_1319 : i32
      %ne3A_1321 = vector.broadcast %sign3A_1320 : i32 to vector<16xi32>
      %ne3A_1322 = arith.cmpi ne, %sign3A_1313, %ne3A_1321 : vector<16xi32>
      %rem3A_1323 = vector.broadcast %jit3A_1302 : i32 to vector<16xi32>
      %rem3A_1324 = arith.remsi %iota3A, %rem3A_1323 : vector<16xi32>
      %ne3A_1325 = arith.constant 0 : i32
      %ne3A_1326 = vector.broadcast %ne3A_1325 : i32 to vector<16xi32>
      %ne3A_1327 = arith.cmpi ne, %rem3A_1324, %ne3A_1326 : vector<16xi32>
      %and3A_1328 = arith.andi %ne3A_1322, %ne3A_1327 : vector<16xi1>
      %sub3A_1329 = arith.constant 1 : i32
      %sub3A_1330 = vector.broadcast %sub3A_1329 : i32 to vector<16xi32>
      %sub3A_1331 = arith.subi %div3A_1304, %sub3A_1330 : vector<16xi32>
      %select_n3A_1332 = arith.select %and3A_1328, %sub3A_1331, %div3A_1304 : vector<16xi1>, vector<16xi32>
      %add3A_1333 = arith.constant 4 : i32
      %add3A_1334 = vector.broadcast %add3A_1333 : i32 to vector<16xi32>
      %add3A_1335 = arith.addi %add3A_1334, %select_n3A_1332 : vector<16xi32>
      %jit3A_1336 = arith.constant 8 : i32
      %eq3A_1337 = arith.constant 0 : i32
      %eq3A_1338 = arith.cmpi eq, %jit3A_1336, %eq3A_1337 : i32
      %jit3A_1339 = arith.constant 1 : i32
      %select_n3A_1340 = arith.select %eq3A_1338, %jit3A_1339, %jit3A_1336 : i32
      %rem3A_1341 = vector.broadcast %select_n3A_1340 : i32 to vector<16xi32>
      %rem3A_1342 = arith.remsi %iota3A, %rem3A_1341 : vector<16xi32>
      %ne3A_1343 = arith.constant 0 : i32
      %ne3A_1344 = vector.broadcast %ne3A_1343 : i32 to vector<16xi32>
      %ne3A_1345 = arith.cmpi ne, %rem3A_1342, %ne3A_1344 : vector<16xi32>
      %lt3A_1346 = arith.constant 0 : i32
      %lt3A_1347 = vector.broadcast %lt3A_1346 : i32 to vector<16xi32>
      %lt3A_1348 = arith.cmpi slt, %rem3A_1342, %lt3A_1347 : vector<16xi32>
      %lt3A_1349 = arith.constant 0 : i32
      %lt3A_1350 = arith.cmpi slt, %select_n3A_1340, %lt3A_1349 : i32
      %ne3A_1351 = vector.broadcast %lt3A_1350 : i1 to vector<16xi1>
      %ne3A_1352 = vector.broadcast %ne3A_1351 : vector<16xi1> to vector<16xi1>
      %ne3A_1353 = arith.xori %lt3A_1348, %ne3A_1352 : vector<16xi1>
      %and3A_1354 = arith.andi %ne3A_1353, %ne3A_1345 : vector<16xi1>
      %add3A_1355 = vector.broadcast %select_n3A_1340 : i32 to vector<16xi32>
      %add3A_1356 = arith.addi %rem3A_1342, %add3A_1355 : vector<16xi32>
      %select_n3A_1357 = arith.select %and3A_1354, %add3A_1356, %rem3A_1342 : vector<16xi1>, vector<16xi32>
      %add3A_1358 = arith.constant 32 : i32
      %add3A_1359 = vector.broadcast %add3A_1358 : i32 to vector<16xi32>
      %add3A_1360 = arith.addi %add3A_1359, %select_n3A_1357 : vector<16xi32>
      %gather3A_1361 = tpu.vector_load_idx %arg5[%add3A_1360, %add3A_1335] : memref<64x8xi32, #tpu.memory_space<vmem>>[vector<16xi32>, vector<16xi32>], vector<16xi32>,
      %mul3A_1362 = arith.constant 8192 : i32
      %mul3A_1363 = vector.broadcast %mul3A_1362 : i32 to vector<16xi32>
      %mul3A_1364 = arith.muli %add3A_1335, %mul3A_1363 : vector<16xi32>
      %add3A_1365 = arith.addi %gather3A_1361, %mul3A_1364 : vector<16xi32>
      %swap3A_1366 = arith.constant 32 : index
      %swap3A_1367 = tpu.vector_load %arg9[%swap3A_1366] {strides = array<i32>} : memref<128xi32, #tpu.memory_space<vmem>>, vector<16xi32>,
      tpu.vector_store %arg9[%swap3A_1366], %add3A_1365 {strides = array<i32>} : memref<128xi32, #tpu.memory_space<vmem>>, vector<16xi32>,
      %jit3A_1368 = arith.constant 8 : i32
      %div3A_1369 = vector.broadcast %jit3A_1368 : i32 to vector<16xi32>
      %div3A_1370 = arith.divsi %iota3A, %div3A_1369 : vector<16xi32>
      %sign3A_1371 = arith.constant 0 : i32
      %sign3A_1372 = vector.broadcast %sign3A_1371 : i32 to vector<16xi32>
      %sign3A_1373 = arith.cmpi sgt, %iota3A, %sign3A_1372 : vector<16xi32>
      %sign3A_1374 = arith.extui %sign3A_1373 : vector<16xi1> to vector<16xi32>
      %sign3A_1375 = arith.constant 0 : i32
      %sign3A_1376 = vector.broadcast %sign3A_1375 : i32 to vector<16xi32>
      %sign3A_1377 = arith.cmpi slt, %iota3A, %sign3A_1376 : vector<16xi32>
      %sign3A_1378 = arith.extui %sign3A_1377 : vector<16xi1> to vector<16xi32>
      %sign3A_1379 = arith.subi %sign3A_1374, %sign3A_1378 : vector<16xi32>
      %sign3A_1380 = arith.constant 0 : i32
      %sign3A_1381 = arith.cmpi sgt, %jit3A_1368, %sign3A_1380 : i32
      %sign3A_1382 = arith.extui %sign3A_1381 : i1 to i32
      %sign3A_1383 = arith.constant 0 : i32
      %sign3A_1384 = arith.cmpi slt, %jit3A_1368, %sign3A_1383 : i32
      %sign3A_1385 = arith.extui %sign3A_1384 : i1 to i32
      %sign3A_1386 = arith.subi %sign3A_1382, %sign3A_1385 : i32
      %ne3A_1387 = vector.broadcast %sign3A_1386 : i32 to vector<16xi32>
      %ne3A_1388 = arith.cmpi ne, %sign3A_1379, %ne3A_1387 : vector<16xi32>
      %rem3A_1389 = vector.broadcast %jit3A_1368 : i32 to vector<16xi32>
      %rem3A_1390 = arith.remsi %iota3A, %rem3A_1389 : vector<16xi32>
      %ne3A_1391 = arith.constant 0 : i32
      %ne3A_1392 = vector.broadcast %ne3A_1391 : i32 to vector<16xi32>
      %ne3A_1393 = arith.cmpi ne, %rem3A_1390, %ne3A_1392 : vector<16xi32>
      %and3A_1394 = arith.andi %ne3A_1388, %ne3A_1393 : vector<16xi1>
      %sub3A_1395 = arith.constant 1 : i32
      %sub3A_1396 = vector.broadcast %sub3A_1395 : i32 to vector<16xi32>
      %sub3A_1397 = arith.subi %div3A_1370, %sub3A_1396 : vector<16xi32>
      %select_n3A_1398 = arith.select %and3A_1394, %sub3A_1397, %div3A_1370 : vector<16xi1>, vector<16xi32>
      %add3A_1399 = arith.constant 6 : i32
      %add3A_1400 = vector.broadcast %add3A_1399 : i32 to vector<16xi32>
      %add3A_1401 = arith.addi %add3A_1400, %select_n3A_1398 : vector<16xi32>
      %jit3A_1402 = arith.constant 8 : i32
      %eq3A_1403 = arith.constant 0 : i32
      %eq3A_1404 = arith.cmpi eq, %jit3A_1402, %eq3A_1403 : i32
      %jit3A_1405 = arith.constant 1 : i32
      %select_n3A_1406 = arith.select %eq3A_1404, %jit3A_1405, %jit3A_1402 : i32
      %rem3A_1407 = vector.broadcast %select_n3A_1406 : i32 to vector<16xi32>
      %rem3A_1408 = arith.remsi %iota3A, %rem3A_1407 : vector<16xi32>
      %ne3A_1409 = arith.constant 0 : i32
      %ne3A_1410 = vector.broadcast %ne3A_1409 : i32 to vector<16xi32>
      %ne3A_1411 = arith.cmpi ne, %rem3A_1408, %ne3A_1410 : vector<16xi32>
      %lt3A_1412 = arith.constant 0 : i32
      %lt3A_1413 = vector.broadcast %lt3A_1412 : i32 to vector<16xi32>
      %lt3A_1414 = arith.cmpi slt, %rem3A_1408, %lt3A_1413 : vector<16xi32>
      %lt3A_1415 = arith.constant 0 : i32
      %lt3A_1416 = arith.cmpi slt, %select_n3A_1406, %lt3A_1415 : i32
      %ne3A_1417 = vector.broadcast %lt3A_1416 : i1 to vector<16xi1>
      %ne3A_1418 = vector.broadcast %ne3A_1417 : vector<16xi1> to vector<16xi1>
      %ne3A_1419 = arith.xori %lt3A_1414, %ne3A_1418 : vector<16xi1>
      %and3A_1420 = arith.andi %ne3A_1419, %ne3A_1411 : vector<16xi1>
      %add3A_1421 = vector.broadcast %select_n3A_1406 : i32 to vector<16xi32>
      %add3A_1422 = arith.addi %rem3A_1408, %add3A_1421 : vector<16xi32>
      %select_n3A_1423 = arith.select %and3A_1420, %add3A_1422, %rem3A_1408 : vector<16xi1>, vector<16xi32>
      %add3A_1424 = arith.constant 32 : i32
      %add3A_1425 = vector.broadcast %add3A_1424 : i32 to vector<16xi32>
      %add3A_1426 = arith.addi %add3A_1425, %select_n3A_1423 : vector<16xi32>
      %gather3A_1427 = tpu.vector_load_idx %arg5[%add3A_1426, %add3A_1401] : memref<64x8xi32, #tpu.memory_space<vmem>>[vector<16xi32>, vector<16xi32>], vector<16xi32>,
      %mul3A_1428 = arith.constant 8192 : i32
      %mul3A_1429 = vector.broadcast %mul3A_1428 : i32 to vector<16xi32>
      %mul3A_1430 = arith.muli %add3A_1401, %mul3A_1429 : vector<16xi32>
      %add3A_1431 = arith.addi %gather3A_1427, %mul3A_1430 : vector<16xi32>
      %swap3A_1432 = arith.constant 48 : index
      %swap3A_1433 = tpu.vector_load %arg9[%swap3A_1432] {strides = array<i32>} : memref<128xi32, #tpu.memory_space<vmem>>, vector<16xi32>,
      tpu.vector_store %arg9[%swap3A_1432], %add3A_1431 {strides = array<i32>} : memref<128xi32, #tpu.memory_space<vmem>>, vector<16xi32>,
      %jit3A_1434 = arith.constant 8 : i32
      %div3A_1435 = vector.broadcast %jit3A_1434 : i32 to vector<16xi32>
      %div3A_1436 = arith.divsi %iota3A, %div3A_1435 : vector<16xi32>
      %sign3A_1437 = arith.constant 0 : i32
      %sign3A_1438 = vector.broadcast %sign3A_1437 : i32 to vector<16xi32>
      %sign3A_1439 = arith.cmpi sgt, %iota3A, %sign3A_1438 : vector<16xi32>
      %sign3A_1440 = arith.extui %sign3A_1439 : vector<16xi1> to vector<16xi32>
      %sign3A_1441 = arith.constant 0 : i32
      %sign3A_1442 = vector.broadcast %sign3A_1441 : i32 to vector<16xi32>
      %sign3A_1443 = arith.cmpi slt, %iota3A, %sign3A_1442 : vector<16xi32>
      %sign3A_1444 = arith.extui %sign3A_1443 : vector<16xi1> to vector<16xi32>
      %sign3A_1445 = arith.subi %sign3A_1440, %sign3A_1444 : vector<16xi32>
      %sign3A_1446 = arith.constant 0 : i32
      %sign3A_1447 = arith.cmpi sgt, %jit3A_1434, %sign3A_1446 : i32
      %sign3A_1448 = arith.extui %sign3A_1447 : i1 to i32
      %sign3A_1449 = arith.constant 0 : i32
      %sign3A_1450 = arith.cmpi slt, %jit3A_1434, %sign3A_1449 : i32
      %sign3A_1451 = arith.extui %sign3A_1450 : i1 to i32
      %sign3A_1452 = arith.subi %sign3A_1448, %sign3A_1451 : i32
      %ne3A_1453 = vector.broadcast %sign3A_1452 : i32 to vector<16xi32>
      %ne3A_1454 = arith.cmpi ne, %sign3A_1445, %ne3A_1453 : vector<16xi32>
      %rem3A_1455 = vector.broadcast %jit3A_1434 : i32 to vector<16xi32>
      %rem3A_1456 = arith.remsi %iota3A, %rem3A_1455 : vector<16xi32>
      %ne3A_1457 = arith.constant 0 : i32
      %ne3A_1458 = vector.broadcast %ne3A_1457 : i32 to vector<16xi32>
      %ne3A_1459 = arith.cmpi ne, %rem3A_1456, %ne3A_1458 : vector<16xi32>
      %and3A_1460 = arith.andi %ne3A_1454, %ne3A_1459 : vector<16xi1>
      %sub3A_1461 = arith.constant 1 : i32
      %sub3A_1462 = vector.broadcast %sub3A_1461 : i32 to vector<16xi32>
      %sub3A_1463 = arith.subi %div3A_1436, %sub3A_1462 : vector<16xi32>
      %select_n3A_1464 = arith.select %and3A_1460, %sub3A_1463, %div3A_1436 : vector<16xi1>, vector<16xi32>
      %add3A_1465 = arith.constant 0 : i32
      %add3A_1466 = vector.broadcast %add3A_1465 : i32 to vector<16xi32>
      %add3A_1467 = arith.addi %add3A_1466, %select_n3A_1464 : vector<16xi32>
      %jit3A_1468 = arith.constant 8 : i32
      %eq3A_1469 = arith.constant 0 : i32
      %eq3A_1470 = arith.cmpi eq, %jit3A_1468, %eq3A_1469 : i32
      %jit3A_1471 = arith.constant 1 : i32
      %select_n3A_1472 = arith.select %eq3A_1470, %jit3A_1471, %jit3A_1468 : i32
      %rem3A_1473 = vector.broadcast %select_n3A_1472 : i32 to vector<16xi32>
      %rem3A_1474 = arith.remsi %iota3A, %rem3A_1473 : vector<16xi32>
      %ne3A_1475 = arith.constant 0 : i32
      %ne3A_1476 = vector.broadcast %ne3A_1475 : i32 to vector<16xi32>
      %ne3A_1477 = arith.cmpi ne, %rem3A_1474, %ne3A_1476 : vector<16xi32>
      %lt3A_1478 = arith.constant 0 : i32
      %lt3A_1479 = vector.broadcast %lt3A_1478 : i32 to vector<16xi32>
      %lt3A_1480 = arith.cmpi slt, %rem3A_1474, %lt3A_1479 : vector<16xi32>
      %lt3A_1481 = arith.constant 0 : i32
      %lt3A_1482 = arith.cmpi slt, %select_n3A_1472, %lt3A_1481 : i32
      %ne3A_1483 = vector.broadcast %lt3A_1482 : i1 to vector<16xi1>
      %ne3A_1484 = vector.broadcast %ne3A_1483 : vector<16xi1> to vector<16xi1>
      %ne3A_1485 = arith.xori %lt3A_1480, %ne3A_1484 : vector<16xi1>
      %and3A_1486 = arith.andi %ne3A_1485, %ne3A_1477 : vector<16xi1>
      %add3A_1487 = vector.broadcast %select_n3A_1472 : i32 to vector<16xi32>
      %add3A_1488 = arith.addi %rem3A_1474, %add3A_1487 : vector<16xi32>
      %select_n3A_1489 = arith.select %and3A_1486, %add3A_1488, %rem3A_1474 : vector<16xi1>, vector<16xi32>
      %add3A_1490 = arith.constant 40 : i32
      %add3A_1491 = vector.broadcast %add3A_1490 : i32 to vector<16xi32>
      %add3A_1492 = arith.addi %add3A_1491, %select_n3A_1489 : vector<16xi32>
      %gather3A_1493 = tpu.vector_load_idx %arg5[%add3A_1492, %add3A_1467] : memref<64x8xi32, #tpu.memory_space<vmem>>[vector<16xi32>, vector<16xi32>], vector<16xi32>,
      %mul3A_1494 = arith.constant 8192 : i32
      %mul3A_1495 = vector.broadcast %mul3A_1494 : i32 to vector<16xi32>
      %mul3A_1496 = arith.muli %add3A_1467, %mul3A_1495 : vector<16xi32>
      %add3A_1497 = arith.addi %gather3A_1493, %mul3A_1496 : vector<16xi32>
      %swap3A_1498 = arith.constant 64 : index
      %swap3A_1499 = tpu.vector_load %arg9[%swap3A_1498] {strides = array<i32>} : memref<128xi32, #tpu.memory_space<vmem>>, vector<16xi32>,
      tpu.vector_store %arg9[%swap3A_1498], %add3A_1497 {strides = array<i32>} : memref<128xi32, #tpu.memory_space<vmem>>, vector<16xi32>,
      %jit3A_1500 = arith.constant 8 : i32
      %div3A_1501 = vector.broadcast %jit3A_1500 : i32 to vector<16xi32>
      %div3A_1502 = arith.divsi %iota3A, %div3A_1501 : vector<16xi32>
      %sign3A_1503 = arith.constant 0 : i32
      %sign3A_1504 = vector.broadcast %sign3A_1503 : i32 to vector<16xi32>
      %sign3A_1505 = arith.cmpi sgt, %iota3A, %sign3A_1504 : vector<16xi32>
      %sign3A_1506 = arith.extui %sign3A_1505 : vector<16xi1> to vector<16xi32>
      %sign3A_1507 = arith.constant 0 : i32
      %sign3A_1508 = vector.broadcast %sign3A_1507 : i32 to vector<16xi32>
      %sign3A_1509 = arith.cmpi slt, %iota3A, %sign3A_1508 : vector<16xi32>
      %sign3A_1510 = arith.extui %sign3A_1509 : vector<16xi1> to vector<16xi32>
      %sign3A_1511 = arith.subi %sign3A_1506, %sign3A_1510 : vector<16xi32>
      %sign3A_1512 = arith.constant 0 : i32
      %sign3A_1513 = arith.cmpi sgt, %jit3A_1500, %sign3A_1512 : i32
      %sign3A_1514 = arith.extui %sign3A_1513 : i1 to i32
      %sign3A_1515 = arith.constant 0 : i32
      %sign3A_1516 = arith.cmpi slt, %jit3A_1500, %sign3A_1515 : i32
      %sign3A_1517 = arith.extui %sign3A_1516 : i1 to i32
      %sign3A_1518 = arith.subi %sign3A_1514, %sign3A_1517 : i32
      %ne3A_1519 = vector.broadcast %sign3A_1518 : i32 to vector<16xi32>
      %ne3A_1520 = arith.cmpi ne, %sign3A_1511, %ne3A_1519 : vector<16xi32>
      %rem3A_1521 = vector.broadcast %jit3A_1500 : i32 to vector<16xi32>
      %rem3A_1522 = arith.remsi %iota3A, %rem3A_1521 : vector<16xi32>
      %ne3A_1523 = arith.constant 0 : i32
      %ne3A_1524 = vector.broadcast %ne3A_1523 : i32 to vector<16xi32>
      %ne3A_1525 = arith.cmpi ne, %rem3A_1522, %ne3A_1524 : vector<16xi32>
      %and3A_1526 = arith.andi %ne3A_1520, %ne3A_1525 : vector<16xi1>
      %sub3A_1527 = arith.constant 1 : i32
      %sub3A_1528 = vector.broadcast %sub3A_1527 : i32 to vector<16xi32>
      %sub3A_1529 = arith.subi %div3A_1502, %sub3A_1528 : vector<16xi32>
      %select_n3A_1530 = arith.select %and3A_1526, %sub3A_1529, %div3A_1502 : vector<16xi1>, vector<16xi32>
      %add3A_1531 = arith.constant 2 : i32
      %add3A_1532 = vector.broadcast %add3A_1531 : i32 to vector<16xi32>
      %add3A_1533 = arith.addi %add3A_1532, %select_n3A_1530 : vector<16xi32>
      %jit3A_1534 = arith.constant 8 : i32
      %eq3A_1535 = arith.constant 0 : i32
      %eq3A_1536 = arith.cmpi eq, %jit3A_1534, %eq3A_1535 : i32
      %jit3A_1537 = arith.constant 1 : i32
      %select_n3A_1538 = arith.select %eq3A_1536, %jit3A_1537, %jit3A_1534 : i32
      %rem3A_1539 = vector.broadcast %select_n3A_1538 : i32 to vector<16xi32>
      %rem3A_1540 = arith.remsi %iota3A, %rem3A_1539 : vector<16xi32>
      %ne3A_1541 = arith.constant 0 : i32
      %ne3A_1542 = vector.broadcast %ne3A_1541 : i32 to vector<16xi32>
      %ne3A_1543 = arith.cmpi ne, %rem3A_1540, %ne3A_1542 : vector<16xi32>
      %lt3A_1544 = arith.constant 0 : i32
      %lt3A_1545 = vector.broadcast %lt3A_1544 : i32 to vector<16xi32>
      %lt3A_1546 = arith.cmpi slt, %rem3A_1540, %lt3A_1545 : vector<16xi32>
      %lt3A_1547 = arith.constant 0 : i32
      %lt3A_1548 = arith.cmpi slt, %select_n3A_1538, %lt3A_1547 : i32
      %ne3A_1549 = vector.broadcast %lt3A_1548 : i1 to vector<16xi1>
      %ne3A_1550 = vector.broadcast %ne3A_1549 : vector<16xi1> to vector<16xi1>
      %ne3A_1551 = arith.xori %lt3A_1546, %ne3A_1550 : vector<16xi1>
      %and3A_1552 = arith.andi %ne3A_1551, %ne3A_1543 : vector<16xi1>
      %add3A_1553 = vector.broadcast %select_n3A_1538 : i32 to vector<16xi32>
      %add3A_1554 = arith.addi %rem3A_1540, %add3A_1553 : vector<16xi32>
      %select_n3A_1555 = arith.select %and3A_1552, %add3A_1554, %rem3A_1540 : vector<16xi1>, vector<16xi32>
      %add3A_1556 = arith.constant 40 : i32
      %add3A_1557 = vector.broadcast %add3A_1556 : i32 to vector<16xi32>
      %add3A_1558 = arith.addi %add3A_1557, %select_n3A_1555 : vector<16xi32>
      %gather3A_1559 = tpu.vector_load_idx %arg5[%add3A_1558, %add3A_1533] : memref<64x8xi32, #tpu.memory_space<vmem>>[vector<16xi32>, vector<16xi32>], vector<16xi32>,
      %mul3A_1560 = arith.constant 8192 : i32
      %mul3A_1561 = vector.broadcast %mul3A_1560 : i32 to vector<16xi32>
      %mul3A_1562 = arith.muli %add3A_1533, %mul3A_1561 : vector<16xi32>
      %add3A_1563 = arith.addi %gather3A_1559, %mul3A_1562 : vector<16xi32>
      %swap3A_1564 = arith.constant 80 : index
      %swap3A_1565 = tpu.vector_load %arg9[%swap3A_1564] {strides = array<i32>} : memref<128xi32, #tpu.memory_space<vmem>>, vector<16xi32>,
      tpu.vector_store %arg9[%swap3A_1564], %add3A_1563 {strides = array<i32>} : memref<128xi32, #tpu.memory_space<vmem>>, vector<16xi32>,
      %jit3A_1566 = arith.constant 8 : i32
      %div3A_1567 = vector.broadcast %jit3A_1566 : i32 to vector<16xi32>
      %div3A_1568 = arith.divsi %iota3A, %div3A_1567 : vector<16xi32>
      %sign3A_1569 = arith.constant 0 : i32
      %sign3A_1570 = vector.broadcast %sign3A_1569 : i32 to vector<16xi32>
      %sign3A_1571 = arith.cmpi sgt, %iota3A, %sign3A_1570 : vector<16xi32>
      %sign3A_1572 = arith.extui %sign3A_1571 : vector<16xi1> to vector<16xi32>
      %sign3A_1573 = arith.constant 0 : i32
      %sign3A_1574 = vector.broadcast %sign3A_1573 : i32 to vector<16xi32>
      %sign3A_1575 = arith.cmpi slt, %iota3A, %sign3A_1574 : vector<16xi32>
      %sign3A_1576 = arith.extui %sign3A_1575 : vector<16xi1> to vector<16xi32>
      %sign3A_1577 = arith.subi %sign3A_1572, %sign3A_1576 : vector<16xi32>
      %sign3A_1578 = arith.constant 0 : i32
      %sign3A_1579 = arith.cmpi sgt, %jit3A_1566, %sign3A_1578 : i32
      %sign3A_1580 = arith.extui %sign3A_1579 : i1 to i32
      %sign3A_1581 = arith.constant 0 : i32
      %sign3A_1582 = arith.cmpi slt, %jit3A_1566, %sign3A_1581 : i32
      %sign3A_1583 = arith.extui %sign3A_1582 : i1 to i32
      %sign3A_1584 = arith.subi %sign3A_1580, %sign3A_1583 : i32
      %ne3A_1585 = vector.broadcast %sign3A_1584 : i32 to vector<16xi32>
      %ne3A_1586 = arith.cmpi ne, %sign3A_1577, %ne3A_1585 : vector<16xi32>
      %rem3A_1587 = vector.broadcast %jit3A_1566 : i32 to vector<16xi32>
      %rem3A_1588 = arith.remsi %iota3A, %rem3A_1587 : vector<16xi32>
      %ne3A_1589 = arith.constant 0 : i32
      %ne3A_1590 = vector.broadcast %ne3A_1589 : i32 to vector<16xi32>
      %ne3A_1591 = arith.cmpi ne, %rem3A_1588, %ne3A_1590 : vector<16xi32>
      %and3A_1592 = arith.andi %ne3A_1586, %ne3A_1591 : vector<16xi1>
      %sub3A_1593 = arith.constant 1 : i32
      %sub3A_1594 = vector.broadcast %sub3A_1593 : i32 to vector<16xi32>
      %sub3A_1595 = arith.subi %div3A_1568, %sub3A_1594 : vector<16xi32>
      %select_n3A_1596 = arith.select %and3A_1592, %sub3A_1595, %div3A_1568 : vector<16xi1>, vector<16xi32>
      %add3A_1597 = arith.constant 4 : i32
      %add3A_1598 = vector.broadcast %add3A_1597 : i32 to vector<16xi32>
      %add3A_1599 = arith.addi %add3A_1598, %select_n3A_1596 : vector<16xi32>
      %jit3A_1600 = arith.constant 8 : i32
      %eq3A_1601 = arith.constant 0 : i32
      %eq3A_1602 = arith.cmpi eq, %jit3A_1600, %eq3A_1601 : i32
      %jit3A_1603 = arith.constant 1 : i32
      %select_n3A_1604 = arith.select %eq3A_1602, %jit3A_1603, %jit3A_1600 : i32
      %rem3A_1605 = vector.broadcast %select_n3A_1604 : i32 to vector<16xi32>
      %rem3A_1606 = arith.remsi %iota3A, %rem3A_1605 : vector<16xi32>
      %ne3A_1607 = arith.constant 0 : i32
      %ne3A_1608 = vector.broadcast %ne3A_1607 : i32 to vector<16xi32>
      %ne3A_1609 = arith.cmpi ne, %rem3A_1606, %ne3A_1608 : vector<16xi32>
      %lt3A_1610 = arith.constant 0 : i32
      %lt3A_1611 = vector.broadcast %lt3A_1610 : i32 to vector<16xi32>
      %lt3A_1612 = arith.cmpi slt, %rem3A_1606, %lt3A_1611 : vector<16xi32>
      %lt3A_1613 = arith.constant 0 : i32
      %lt3A_1614 = arith.cmpi slt, %select_n3A_1604, %lt3A_1613 : i32
      %ne3A_1615 = vector.broadcast %lt3A_1614 : i1 to vector<16xi1>
      %ne3A_1616 = vector.broadcast %ne3A_1615 : vector<16xi1> to vector<16xi1>
      %ne3A_1617 = arith.xori %lt3A_1612, %ne3A_1616 : vector<16xi1>
      %and3A_1618 = arith.andi %ne3A_1617, %ne3A_1609 : vector<16xi1>
      %add3A_1619 = vector.broadcast %select_n3A_1604 : i32 to vector<16xi32>
      %add3A_1620 = arith.addi %rem3A_1606, %add3A_1619 : vector<16xi32>
      %select_n3A_1621 = arith.select %and3A_1618, %add3A_1620, %rem3A_1606 : vector<16xi1>, vector<16xi32>
      %add3A_1622 = arith.constant 40 : i32
      %add3A_1623 = vector.broadcast %add3A_1622 : i32 to vector<16xi32>
      %add3A_1624 = arith.addi %add3A_1623, %select_n3A_1621 : vector<16xi32>
      %gather3A_1625 = tpu.vector_load_idx %arg5[%add3A_1624, %add3A_1599] : memref<64x8xi32, #tpu.memory_space<vmem>>[vector<16xi32>, vector<16xi32>], vector<16xi32>,
      %mul3A_1626 = arith.constant 8192 : i32
      %mul3A_1627 = vector.broadcast %mul3A_1626 : i32 to vector<16xi32>
      %mul3A_1628 = arith.muli %add3A_1599, %mul3A_1627 : vector<16xi32>
      %add3A_1629 = arith.addi %gather3A_1625, %mul3A_1628 : vector<16xi32>
      %swap3A_1630 = arith.constant 96 : index
      %swap3A_1631 = tpu.vector_load %arg9[%swap3A_1630] {strides = array<i32>} : memref<128xi32, #tpu.memory_space<vmem>>, vector<16xi32>,
      tpu.vector_store %arg9[%swap3A_1630], %add3A_1629 {strides = array<i32>} : memref<128xi32, #tpu.memory_space<vmem>>, vector<16xi32>,
      %jit3A_1632 = arith.constant 8 : i32
      %div3A_1633 = vector.broadcast %jit3A_1632 : i32 to vector<16xi32>
      %div3A_1634 = arith.divsi %iota3A, %div3A_1633 : vector<16xi32>
      %sign3A_1635 = arith.constant 0 : i32
      %sign3A_1636 = vector.broadcast %sign3A_1635 : i32 to vector<16xi32>
      %sign3A_1637 = arith.cmpi sgt, %iota3A, %sign3A_1636 : vector<16xi32>
      %sign3A_1638 = arith.extui %sign3A_1637 : vector<16xi1> to vector<16xi32>
      %sign3A_1639 = arith.constant 0 : i32
      %sign3A_1640 = vector.broadcast %sign3A_1639 : i32 to vector<16xi32>
      %sign3A_1641 = arith.cmpi slt, %iota3A, %sign3A_1640 : vector<16xi32>
      %sign3A_1642 = arith.extui %sign3A_1641 : vector<16xi1> to vector<16xi32>
      %sign3A_1643 = arith.subi %sign3A_1638, %sign3A_1642 : vector<16xi32>
      %sign3A_1644 = arith.constant 0 : i32
      %sign3A_1645 = arith.cmpi sgt, %jit3A_1632, %sign3A_1644 : i32
      %sign3A_1646 = arith.extui %sign3A_1645 : i1 to i32
      %sign3A_1647 = arith.constant 0 : i32
      %sign3A_1648 = arith.cmpi slt, %jit3A_1632, %sign3A_1647 : i32
      %sign3A_1649 = arith.extui %sign3A_1648 : i1 to i32
      %sign3A_1650 = arith.subi %sign3A_1646, %sign3A_1649 : i32
      %ne3A_1651 = vector.broadcast %sign3A_1650 : i32 to vector<16xi32>
      %ne3A_1652 = arith.cmpi ne, %sign3A_1643, %ne3A_1651 : vector<16xi32>
      %rem3A_1653 = vector.broadcast %jit3A_1632 : i32 to vector<16xi32>
      %rem3A_1654 = arith.remsi %iota3A, %rem3A_1653 : vector<16xi32>
      %ne3A_1655 = arith.constant 0 : i32
      %ne3A_1656 = vector.broadcast %ne3A_1655 : i32 to vector<16xi32>
      %ne3A_1657 = arith.cmpi ne, %rem3A_1654, %ne3A_1656 : vector<16xi32>
      %and3A_1658 = arith.andi %ne3A_1652, %ne3A_1657 : vector<16xi1>
      %sub3A_1659 = arith.constant 1 : i32
      %sub3A_1660 = vector.broadcast %sub3A_1659 : i32 to vector<16xi32>
      %sub3A_1661 = arith.subi %div3A_1634, %sub3A_1660 : vector<16xi32>
      %select_n3A_1662 = arith.select %and3A_1658, %sub3A_1661, %div3A_1634 : vector<16xi1>, vector<16xi32>
      %add3A_1663 = arith.constant 6 : i32
      %add3A_1664 = vector.broadcast %add3A_1663 : i32 to vector<16xi32>
      %add3A_1665 = arith.addi %add3A_1664, %select_n3A_1662 : vector<16xi32>
      %jit3A_1666 = arith.constant 8 : i32
      %eq3A_1667 = arith.constant 0 : i32
      %eq3A_1668 = arith.cmpi eq, %jit3A_1666, %eq3A_1667 : i32
      %jit3A_1669 = arith.constant 1 : i32
      %select_n3A_1670 = arith.select %eq3A_1668, %jit3A_1669, %jit3A_1666 : i32
      %rem3A_1671 = vector.broadcast %select_n3A_1670 : i32 to vector<16xi32>
      %rem3A_1672 = arith.remsi %iota3A, %rem3A_1671 : vector<16xi32>
      %ne3A_1673 = arith.constant 0 : i32
      %ne3A_1674 = vector.broadcast %ne3A_1673 : i32 to vector<16xi32>
      %ne3A_1675 = arith.cmpi ne, %rem3A_1672, %ne3A_1674 : vector<16xi32>
      %lt3A_1676 = arith.constant 0 : i32
      %lt3A_1677 = vector.broadcast %lt3A_1676 : i32 to vector<16xi32>
      %lt3A_1678 = arith.cmpi slt, %rem3A_1672, %lt3A_1677 : vector<16xi32>
      %lt3A_1679 = arith.constant 0 : i32
      %lt3A_1680 = arith.cmpi slt, %select_n3A_1670, %lt3A_1679 : i32
      %ne3A_1681 = vector.broadcast %lt3A_1680 : i1 to vector<16xi1>
      %ne3A_1682 = vector.broadcast %ne3A_1681 : vector<16xi1> to vector<16xi1>
      %ne3A_1683 = arith.xori %lt3A_1678, %ne3A_1682 : vector<16xi1>
      %and3A_1684 = arith.andi %ne3A_1683, %ne3A_1675 : vector<16xi1>
      %add3A_1685 = vector.broadcast %select_n3A_1670 : i32 to vector<16xi32>
      %add3A_1686 = arith.addi %rem3A_1672, %add3A_1685 : vector<16xi32>
      %select_n3A_1687 = arith.select %and3A_1684, %add3A_1686, %rem3A_1672 : vector<16xi1>, vector<16xi32>
      %add3A_1688 = arith.constant 40 : i32
      %add3A_1689 = vector.broadcast %add3A_1688 : i32 to vector<16xi32>
      %add3A_1690 = arith.addi %add3A_1689, %select_n3A_1687 : vector<16xi32>
      %gather3A_1691 = tpu.vector_load_idx %arg5[%add3A_1690, %add3A_1665] : memref<64x8xi32, #tpu.memory_space<vmem>>[vector<16xi32>, vector<16xi32>], vector<16xi32>,
      %mul3A_1692 = arith.constant 8192 : i32
      %mul3A_1693 = vector.broadcast %mul3A_1692 : i32 to vector<16xi32>
      %mul3A_1694 = arith.muli %add3A_1665, %mul3A_1693 : vector<16xi32>
      %add3A_1695 = arith.addi %gather3A_1691, %mul3A_1694 : vector<16xi32>
      %swap3A_1696 = arith.constant 112 : index
      %swap3A_1697 = tpu.vector_load %arg9[%swap3A_1696] {strides = array<i32>} : memref<128xi32, #tpu.memory_space<vmem>>, vector<16xi32>,
      tpu.vector_store %arg9[%swap3A_1696], %add3A_1695 {strides = array<i32>} : memref<128xi32, #tpu.memory_space<vmem>>, vector<16xi32>,
      %dma_start3A_1698 = arith.constant 2 : i32
      %dma_start3A_1699 = arith.constant 0 : i32
      %dma_start3A_1700 = arith.constant 0 : i32
      %dma_start3A_1701 = tpu.memref_slice %arg2[%dma_start3A_1699, %dma_start3A_1700] : memref<65536x128xf32, #tpu.memory_space<hbm>> -> memref<65536x128xf32, #tpu.memory_space<hbm>>
      %dma_start3A_1702 = tpu.memref_slice %arg15[%dma_start3A_1698] : memref<4x!tpu.dma_semaphore, #tpu.memory_space<semaphore_mem>> -> memref<1x!tpu.dma_semaphore, #tpu.memory_space<semaphore_mem>>
      %dma_start3A_1703 = tpu.memref_squeeze %dma_start3A_1702 : memref<1x!tpu.dma_semaphore, #tpu.memory_space<semaphore_mem>> -> memref<!tpu.dma_semaphore, #tpu.memory_space<semaphore_mem>>
      tpu.enqueue_indirect_dma source(%dma_start3A_1701 : memref<65536x128xf32, #tpu.memory_space<hbm>>) target(%arg13 : memref<128x128xf32, #tpu.memory_space<vmem>>) offsets(%arg9 : memref<128xi32, #tpu.memory_space<vmem>>) semaphore(%dma_start3A_1703 : memref<!tpu.dma_semaphore, #tpu.memory_space<semaphore_mem>>)
      %dma_wait3A_1704 = arith.constant 0 : i32
      %dma_wait3A_1705 = arith.constant 0 : i32
      %dma_wait3A_1706 = arith.constant 0 : i32
      %dma_wait3A_1707 = tpu.memref_slice %arg2[%dma_wait3A_1705, %dma_wait3A_1706] : memref<65536x128xf32, #tpu.memory_space<hbm>> -> memref<128x128xf32, #tpu.memory_space<hbm>>
      %dma_wait3A_1708 = tpu.memref_slice %arg15[%dma_wait3A_1704] : memref<4x!tpu.dma_semaphore, #tpu.memory_space<semaphore_mem>> -> memref<1x!tpu.dma_semaphore, #tpu.memory_space<semaphore_mem>>
      %dma_wait3A_1709 = tpu.memref_squeeze %dma_wait3A_1708 : memref<1x!tpu.dma_semaphore, #tpu.memory_space<semaphore_mem>> -> memref<!tpu.dma_semaphore, #tpu.memory_space<semaphore_mem>>
      %dma_wait3A_1710 = arith.constant 0 : i32
      %dma_wait3A_1711 = arith.constant 0 : i32
      %dma_wait3A_1712 = tpu.memref_slice %arg2[%dma_wait3A_1710, %dma_wait3A_1711] : memref<65536x128xf32, #tpu.memory_space<hbm>> -> memref<128x128xf32, #tpu.memory_space<hbm>>
      tpu.wait_dma2 semaphore(%dma_wait3A_1709 : memref<!tpu.dma_semaphore, #tpu.memory_space<semaphore_mem>>) src(%dma_wait3A_1712 : memref<128x128xf32, #tpu.memory_space<hbm>>) dst(%arg11 : memref<128x128xf32, #tpu.memory_space<vmem>>)
      %mul3A_1713 = arith.constant 128 : i32
      %mul3A_1714 = arith.muli %mul3A_1167, %mul3A_1713 : i32
      %add3A_1715 = arith.addi %mul3A_34, %mul3A_1714 : i32
      %dma_start3A_1716 = arith.constant 0 : i32
      %dma_start3A_1717 = arith.constant 0 : i32
      %dma_start3A_1718 = tpu.memref_slice %arg4[%select_n3A, %add3A_1715, %dma_start3A_1717] : memref<16x32768x128xf32, #tpu.memory_space<hbm>> -> memref<1x128x128xf32, #tpu.memory_space<hbm>>
      %dma_start3A_1719 = tpu.memref_squeeze %dma_start3A_1718 : memref<1x128x128xf32, #tpu.memory_space<hbm>> -> memref<128x128xf32, #tpu.memory_space<hbm>>
      %dma_start3A_1720 = tpu.memref_slice %arg16[%dma_start3A_1716] : memref<4x!tpu.dma_semaphore, #tpu.memory_space<semaphore_mem>> -> memref<1x!tpu.dma_semaphore, #tpu.memory_space<semaphore_mem>>
      %dma_start3A_1721 = tpu.memref_squeeze %dma_start3A_1720 : memref<1x!tpu.dma_semaphore, #tpu.memory_space<semaphore_mem>> -> memref<!tpu.dma_semaphore, #tpu.memory_space<semaphore_mem>>
      %dma_start3A_1722 = arith.constant 0 : i32
      %dma_start3A_1723 = tpu.memref_slice %arg4[%select_n3A, %add3A_1715, %dma_start3A_1722] : memref<16x32768x128xf32, #tpu.memory_space<hbm>> -> memref<1x128x128xf32, #tpu.memory_space<hbm>>
      %dma_start3A_1724 = tpu.memref_squeeze %dma_start3A_1723 : memref<1x128x128xf32, #tpu.memory_space<hbm>> -> memref<128x128xf32, #tpu.memory_space<hbm>>
      tpu.enqueue_dma source(%arg11 : memref<128x128xf32, #tpu.memory_space<vmem>>) target(%dma_start3A_1724 : memref<128x128xf32, #tpu.memory_space<hbm>>) target_semaphore(%dma_start3A_1721 : memref<!tpu.dma_semaphore, #tpu.memory_space<semaphore_mem>>)
      %gt3A_1725 = arith.constant 0 : i32
      %gt3A_1726 = arith.cmpi sgt, %scan3A_1165, %gt3A_1725 : i32
      %convert_element_type3A_1727 = arith.extui %gt3A_1726 : i1 to i32
      %cond3A_1728 = arith.constant 0 : i32
      %cond3A_1729 = arith.cmpi ne, %convert_element_type3A_1727, %cond3A_1728 : i32
      scf.if %cond3A_1729 {
        %dma_wait3A_4626 = arith.constant 3 : i32
        %dma_wait3A_4627 = arith.constant 0 : i32
        %dma_wait3A_4628 = arith.constant 0 : i32
        %dma_wait3A_4629 = tpu.memref_slice %arg2[%dma_wait3A_4627, %dma_wait3A_4628] : memref<65536x128xf32, #tpu.memory_space<hbm>> -> memref<128x128xf32, #tpu.memory_space<hbm>>
        %dma_wait3A_4630 = tpu.memref_slice %arg16[%dma_wait3A_4626] : memref<4x!tpu.dma_semaphore, #tpu.memory_space<semaphore_mem>> -> memref<1x!tpu.dma_semaphore, #tpu.memory_space<semaphore_mem>>
        %dma_wait3A_4631 = tpu.memref_squeeze %dma_wait3A_4630 : memref<1x!tpu.dma_semaphore, #tpu.memory_space<semaphore_mem>> -> memref<!tpu.dma_semaphore, #tpu.memory_space<semaphore_mem>>
        %dma_wait3A_4632 = arith.constant 0 : i32
        %dma_wait3A_4633 = arith.constant 0 : i32
        %dma_wait3A_4634 = tpu.memref_slice %arg2[%dma_wait3A_4632, %dma_wait3A_4633] : memref<65536x128xf32, #tpu.memory_space<hbm>> -> memref<128x128xf32, #tpu.memory_space<hbm>>
        tpu.wait_dma2 semaphore(%dma_wait3A_4631 : memref<!tpu.dma_semaphore, #tpu.memory_space<semaphore_mem>>) src(%dma_wait3A_4634 : memref<128x128xf32, #tpu.memory_space<hbm>>) dst(%arg14 : memref<128x128xf32, #tpu.memory_space<vmem>>)
      } else {
      }
      %jit3A_1730 = arith.constant 8 : i32
      %div3A_1731 = vector.broadcast %jit3A_1730 : i32 to vector<16xi32>
      %div3A_1732 = arith.divsi %iota3A, %div3A_1731 : vector<16xi32>
      %sign3A_1733 = arith.constant 0 : i32
      %sign3A_1734 = vector.broadcast %sign3A_1733 : i32 to vector<16xi32>
      %sign3A_1735 = arith.cmpi sgt, %iota3A, %sign3A_1734 : vector<16xi32>
      %sign3A_1736 = arith.extui %sign3A_1735 : vector<16xi1> to vector<16xi32>
      %sign3A_1737 = arith.constant 0 : i32
      %sign3A_1738 = vector.broadcast %sign3A_1737 : i32 to vector<16xi32>
      %sign3A_1739 = arith.cmpi slt, %iota3A, %sign3A_1738 : vector<16xi32>
      %sign3A_1740 = arith.extui %sign3A_1739 : vector<16xi1> to vector<16xi32>
      %sign3A_1741 = arith.subi %sign3A_1736, %sign3A_1740 : vector<16xi32>
      %sign3A_1742 = arith.constant 0 : i32
      %sign3A_1743 = arith.cmpi sgt, %jit3A_1730, %sign3A_1742 : i32
      %sign3A_1744 = arith.extui %sign3A_1743 : i1 to i32
      %sign3A_1745 = arith.constant 0 : i32
      %sign3A_1746 = arith.cmpi slt, %jit3A_1730, %sign3A_1745 : i32
      %sign3A_1747 = arith.extui %sign3A_1746 : i1 to i32
      %sign3A_1748 = arith.subi %sign3A_1744, %sign3A_1747 : i32
      %ne3A_1749 = vector.broadcast %sign3A_1748 : i32 to vector<16xi32>
      %ne3A_1750 = arith.cmpi ne, %sign3A_1741, %ne3A_1749 : vector<16xi32>
      %rem3A_1751 = vector.broadcast %jit3A_1730 : i32 to vector<16xi32>
      %rem3A_1752 = arith.remsi %iota3A, %rem3A_1751 : vector<16xi32>
      %ne3A_1753 = arith.constant 0 : i32
      %ne3A_1754 = vector.broadcast %ne3A_1753 : i32 to vector<16xi32>
      %ne3A_1755 = arith.cmpi ne, %rem3A_1752, %ne3A_1754 : vector<16xi32>
      %and3A_1756 = arith.andi %ne3A_1750, %ne3A_1755 : vector<16xi1>
      %sub3A_1757 = arith.constant 1 : i32
      %sub3A_1758 = vector.broadcast %sub3A_1757 : i32 to vector<16xi32>
      %sub3A_1759 = arith.subi %div3A_1732, %sub3A_1758 : vector<16xi32>
      %select_n3A_1760 = arith.select %and3A_1756, %sub3A_1759, %div3A_1732 : vector<16xi1>, vector<16xi32>
      %add3A_1761 = arith.constant 0 : i32
      %add3A_1762 = vector.broadcast %add3A_1761 : i32 to vector<16xi32>
      %add3A_1763 = arith.addi %add3A_1762, %select_n3A_1760 : vector<16xi32>
      %jit3A_1764 = arith.constant 8 : i32
      %eq3A_1765 = arith.constant 0 : i32
      %eq3A_1766 = arith.cmpi eq, %jit3A_1764, %eq3A_1765 : i32
      %jit3A_1767 = arith.constant 1 : i32
      %select_n3A_1768 = arith.select %eq3A_1766, %jit3A_1767, %jit3A_1764 : i32
      %rem3A_1769 = vector.broadcast %select_n3A_1768 : i32 to vector<16xi32>
      %rem3A_1770 = arith.remsi %iota3A, %rem3A_1769 : vector<16xi32>
      %ne3A_1771 = arith.constant 0 : i32
      %ne3A_1772 = vector.broadcast %ne3A_1771 : i32 to vector<16xi32>
      %ne3A_1773 = arith.cmpi ne, %rem3A_1770, %ne3A_1772 : vector<16xi32>
      %lt3A_1774 = arith.constant 0 : i32
      %lt3A_1775 = vector.broadcast %lt3A_1774 : i32 to vector<16xi32>
      %lt3A_1776 = arith.cmpi slt, %rem3A_1770, %lt3A_1775 : vector<16xi32>
      %lt3A_1777 = arith.constant 0 : i32
      %lt3A_1778 = arith.cmpi slt, %select_n3A_1768, %lt3A_1777 : i32
      %ne3A_1779 = vector.broadcast %lt3A_1778 : i1 to vector<16xi1>
      %ne3A_1780 = vector.broadcast %ne3A_1779 : vector<16xi1> to vector<16xi1>
      %ne3A_1781 = arith.xori %lt3A_1776, %ne3A_1780 : vector<16xi1>
      %and3A_1782 = arith.andi %ne3A_1781, %ne3A_1773 : vector<16xi1>
      %add3A_1783 = vector.broadcast %select_n3A_1768 : i32 to vector<16xi32>
      %add3A_1784 = arith.addi %rem3A_1770, %add3A_1783 : vector<16xi32>
      %select_n3A_1785 = arith.select %and3A_1782, %add3A_1784, %rem3A_1770 : vector<16xi1>, vector<16xi32>
      %add3A_1786 = arith.constant 48 : i32
      %add3A_1787 = vector.broadcast %add3A_1786 : i32 to vector<16xi32>
      %add3A_1788 = arith.addi %add3A_1787, %select_n3A_1785 : vector<16xi32>
      %gather3A_1789 = tpu.vector_load_idx %arg5[%add3A_1788, %add3A_1763] : memref<64x8xi32, #tpu.memory_space<vmem>>[vector<16xi32>, vector<16xi32>], vector<16xi32>,
      %mul3A_1790 = arith.constant 8192 : i32
      %mul3A_1791 = vector.broadcast %mul3A_1790 : i32 to vector<16xi32>
      %mul3A_1792 = arith.muli %add3A_1763, %mul3A_1791 : vector<16xi32>
      %add3A_1793 = arith.addi %gather3A_1789, %mul3A_1792 : vector<16xi32>
      %swap3A_1794 = arith.constant 0 : index
      %swap3A_1795 = tpu.vector_load %arg10[%swap3A_1794] {strides = array<i32>} : memref<128xi32, #tpu.memory_space<vmem>>, vector<16xi32>,
      tpu.vector_store %arg10[%swap3A_1794], %add3A_1793 {strides = array<i32>} : memref<128xi32, #tpu.memory_space<vmem>>, vector<16xi32>,
      %jit3A_1796 = arith.constant 8 : i32
      %div3A_1797 = vector.broadcast %jit3A_1796 : i32 to vector<16xi32>
      %div3A_1798 = arith.divsi %iota3A, %div3A_1797 : vector<16xi32>
      %sign3A_1799 = arith.constant 0 : i32
      %sign3A_1800 = vector.broadcast %sign3A_1799 : i32 to vector<16xi32>
      %sign3A_1801 = arith.cmpi sgt, %iota3A, %sign3A_1800 : vector<16xi32>
      %sign3A_1802 = arith.extui %sign3A_1801 : vector<16xi1> to vector<16xi32>
      %sign3A_1803 = arith.constant 0 : i32
      %sign3A_1804 = vector.broadcast %sign3A_1803 : i32 to vector<16xi32>
      %sign3A_1805 = arith.cmpi slt, %iota3A, %sign3A_1804 : vector<16xi32>
      %sign3A_1806 = arith.extui %sign3A_1805 : vector<16xi1> to vector<16xi32>
      %sign3A_1807 = arith.subi %sign3A_1802, %sign3A_1806 : vector<16xi32>
      %sign3A_1808 = arith.constant 0 : i32
      %sign3A_1809 = arith.cmpi sgt, %jit3A_1796, %sign3A_1808 : i32
      %sign3A_1810 = arith.extui %sign3A_1809 : i1 to i32
      %sign3A_1811 = arith.constant 0 : i32
      %sign3A_1812 = arith.cmpi slt, %jit3A_1796, %sign3A_1811 : i32
      %sign3A_1813 = arith.extui %sign3A_1812 : i1 to i32
      %sign3A_1814 = arith.subi %sign3A_1810, %sign3A_1813 : i32
      %ne3A_1815 = vector.broadcast %sign3A_1814 : i32 to vector<16xi32>
      %ne3A_1816 = arith.cmpi ne, %sign3A_1807, %ne3A_1815 : vector<16xi32>
      %rem3A_1817 = vector.broadcast %jit3A_1796 : i32 to vector<16xi32>
      %rem3A_1818 = arith.remsi %iota3A, %rem3A_1817 : vector<16xi32>
      %ne3A_1819 = arith.constant 0 : i32
      %ne3A_1820 = vector.broadcast %ne3A_1819 : i32 to vector<16xi32>
      %ne3A_1821 = arith.cmpi ne, %rem3A_1818, %ne3A_1820 : vector<16xi32>
      %and3A_1822 = arith.andi %ne3A_1816, %ne3A_1821 : vector<16xi1>
      %sub3A_1823 = arith.constant 1 : i32
      %sub3A_1824 = vector.broadcast %sub3A_1823 : i32 to vector<16xi32>
      %sub3A_1825 = arith.subi %div3A_1798, %sub3A_1824 : vector<16xi32>
      %select_n3A_1826 = arith.select %and3A_1822, %sub3A_1825, %div3A_1798 : vector<16xi1>, vector<16xi32>
      %add3A_1827 = arith.constant 2 : i32
      %add3A_1828 = vector.broadcast %add3A_1827 : i32 to vector<16xi32>
      %add3A_1829 = arith.addi %add3A_1828, %select_n3A_1826 : vector<16xi32>
      %jit3A_1830 = arith.constant 8 : i32
      %eq3A_1831 = arith.constant 0 : i32
      %eq3A_1832 = arith.cmpi eq, %jit3A_1830, %eq3A_1831 : i32
      %jit3A_1833 = arith.constant 1 : i32
      %select_n3A_1834 = arith.select %eq3A_1832, %jit3A_1833, %jit3A_1830 : i32
      %rem3A_1835 = vector.broadcast %select_n3A_1834 : i32 to vector<16xi32>
      %rem3A_1836 = arith.remsi %iota3A, %rem3A_1835 : vector<16xi32>
      %ne3A_1837 = arith.constant 0 : i32
      %ne3A_1838 = vector.broadcast %ne3A_1837 : i32 to vector<16xi32>
      %ne3A_1839 = arith.cmpi ne, %rem3A_1836, %ne3A_1838 : vector<16xi32>
      %lt3A_1840 = arith.constant 0 : i32
      %lt3A_1841 = vector.broadcast %lt3A_1840 : i32 to vector<16xi32>
      %lt3A_1842 = arith.cmpi slt, %rem3A_1836, %lt3A_1841 : vector<16xi32>
      %lt3A_1843 = arith.constant 0 : i32
      %lt3A_1844 = arith.cmpi slt, %select_n3A_1834, %lt3A_1843 : i32
      %ne3A_1845 = vector.broadcast %lt3A_1844 : i1 to vector<16xi1>
      %ne3A_1846 = vector.broadcast %ne3A_1845 : vector<16xi1> to vector<16xi1>
      %ne3A_1847 = arith.xori %lt3A_1842, %ne3A_1846 : vector<16xi1>
      %and3A_1848 = arith.andi %ne3A_1847, %ne3A_1839 : vector<16xi1>
      %add3A_1849 = vector.broadcast %select_n3A_1834 : i32 to vector<16xi32>
      %add3A_1850 = arith.addi %rem3A_1836, %add3A_1849 : vector<16xi32>
      %select_n3A_1851 = arith.select %and3A_1848, %add3A_1850, %rem3A_1836 : vector<16xi1>, vector<16xi32>
      %add3A_1852 = arith.constant 48 : i32
      %add3A_1853 = vector.broadcast %add3A_1852 : i32 to vector<16xi32>
      %add3A_1854 = arith.addi %add3A_1853, %select_n3A_1851 : vector<16xi32>
      %gather3A_1855 = tpu.vector_load_idx %arg5[%add3A_1854, %add3A_1829] : memref<64x8xi32, #tpu.memory_space<vmem>>[vector<16xi32>, vector<16xi32>], vector<16xi32>,
      %mul3A_1856 = arith.constant 8192 : i32
      %mul3A_1857 = vector.broadcast %mul3A_1856 : i32 to vector<16xi32>
      %mul3A_1858 = arith.muli %add3A_1829, %mul3A_1857 : vector<16xi32>
      %add3A_1859 = arith.addi %gather3A_1855, %mul3A_1858 : vector<16xi32>
      %swap3A_1860 = arith.constant 16 : index
      %swap3A_1861 = tpu.vector_load %arg10[%swap3A_1860] {strides = array<i32>} : memref<128xi32, #tpu.memory_space<vmem>>, vector<16xi32>,
      tpu.vector_store %arg10[%swap3A_1860], %add3A_1859 {strides = array<i32>} : memref<128xi32, #tpu.memory_space<vmem>>, vector<16xi32>,
      %jit3A_1862 = arith.constant 8 : i32
      %div3A_1863 = vector.broadcast %jit3A_1862 : i32 to vector<16xi32>
      %div3A_1864 = arith.divsi %iota3A, %div3A_1863 : vector<16xi32>
      %sign3A_1865 = arith.constant 0 : i32
      %sign3A_1866 = vector.broadcast %sign3A_1865 : i32 to vector<16xi32>
      %sign3A_1867 = arith.cmpi sgt, %iota3A, %sign3A_1866 : vector<16xi32>
      %sign3A_1868 = arith.extui %sign3A_1867 : vector<16xi1> to vector<16xi32>
      %sign3A_1869 = arith.constant 0 : i32
      %sign3A_1870 = vector.broadcast %sign3A_1869 : i32 to vector<16xi32>
      %sign3A_1871 = arith.cmpi slt, %iota3A, %sign3A_1870 : vector<16xi32>
      %sign3A_1872 = arith.extui %sign3A_1871 : vector<16xi1> to vector<16xi32>
      %sign3A_1873 = arith.subi %sign3A_1868, %sign3A_1872 : vector<16xi32>
      %sign3A_1874 = arith.constant 0 : i32
      %sign3A_1875 = arith.cmpi sgt, %jit3A_1862, %sign3A_1874 : i32
      %sign3A_1876 = arith.extui %sign3A_1875 : i1 to i32
      %sign3A_1877 = arith.constant 0 : i32
      %sign3A_1878 = arith.cmpi slt, %jit3A_1862, %sign3A_1877 : i32
      %sign3A_1879 = arith.extui %sign3A_1878 : i1 to i32
      %sign3A_1880 = arith.subi %sign3A_1876, %sign3A_1879 : i32
      %ne3A_1881 = vector.broadcast %sign3A_1880 : i32 to vector<16xi32>
      %ne3A_1882 = arith.cmpi ne, %sign3A_1873, %ne3A_1881 : vector<16xi32>
      %rem3A_1883 = vector.broadcast %jit3A_1862 : i32 to vector<16xi32>
      %rem3A_1884 = arith.remsi %iota3A, %rem3A_1883 : vector<16xi32>
      %ne3A_1885 = arith.constant 0 : i32
      %ne3A_1886 = vector.broadcast %ne3A_1885 : i32 to vector<16xi32>
      %ne3A_1887 = arith.cmpi ne, %rem3A_1884, %ne3A_1886 : vector<16xi32>
      %and3A_1888 = arith.andi %ne3A_1882, %ne3A_1887 : vector<16xi1>
      %sub3A_1889 = arith.constant 1 : i32
      %sub3A_1890 = vector.broadcast %sub3A_1889 : i32 to vector<16xi32>
      %sub3A_1891 = arith.subi %div3A_1864, %sub3A_1890 : vector<16xi32>
      %select_n3A_1892 = arith.select %and3A_1888, %sub3A_1891, %div3A_1864 : vector<16xi1>, vector<16xi32>
      %add3A_1893 = arith.constant 4 : i32
      %add3A_1894 = vector.broadcast %add3A_1893 : i32 to vector<16xi32>
      %add3A_1895 = arith.addi %add3A_1894, %select_n3A_1892 : vector<16xi32>
      %jit3A_1896 = arith.constant 8 : i32
      %eq3A_1897 = arith.constant 0 : i32
      %eq3A_1898 = arith.cmpi eq, %jit3A_1896, %eq3A_1897 : i32
      %jit3A_1899 = arith.constant 1 : i32
      %select_n3A_1900 = arith.select %eq3A_1898, %jit3A_1899, %jit3A_1896 : i32
      %rem3A_1901 = vector.broadcast %select_n3A_1900 : i32 to vector<16xi32>
      %rem3A_1902 = arith.remsi %iota3A, %rem3A_1901 : vector<16xi32>
      %ne3A_1903 = arith.constant 0 : i32
      %ne3A_1904 = vector.broadcast %ne3A_1903 : i32 to vector<16xi32>
      %ne3A_1905 = arith.cmpi ne, %rem3A_1902, %ne3A_1904 : vector<16xi32>
      %lt3A_1906 = arith.constant 0 : i32
      %lt3A_1907 = vector.broadcast %lt3A_1906 : i32 to vector<16xi32>
      %lt3A_1908 = arith.cmpi slt, %rem3A_1902, %lt3A_1907 : vector<16xi32>
      %lt3A_1909 = arith.constant 0 : i32
      %lt3A_1910 = arith.cmpi slt, %select_n3A_1900, %lt3A_1909 : i32
      %ne3A_1911 = vector.broadcast %lt3A_1910 : i1 to vector<16xi1>
      %ne3A_1912 = vector.broadcast %ne3A_1911 : vector<16xi1> to vector<16xi1>
      %ne3A_1913 = arith.xori %lt3A_1908, %ne3A_1912 : vector<16xi1>
      %and3A_1914 = arith.andi %ne3A_1913, %ne3A_1905 : vector<16xi1>
      %add3A_1915 = vector.broadcast %select_n3A_1900 : i32 to vector<16xi32>
      %add3A_1916 = arith.addi %rem3A_1902, %add3A_1915 : vector<16xi32>
      %select_n3A_1917 = arith.select %and3A_1914, %add3A_1916, %rem3A_1902 : vector<16xi1>, vector<16xi32>
      %add3A_1918 = arith.constant 48 : i32
      %add3A_1919 = vector.broadcast %add3A_1918 : i32 to vector<16xi32>
      %add3A_1920 = arith.addi %add3A_1919, %select_n3A_1917 : vector<16xi32>
      %gather3A_1921 = tpu.vector_load_idx %arg5[%add3A_1920, %add3A_1895] : memref<64x8xi32, #tpu.memory_space<vmem>>[vector<16xi32>, vector<16xi32>], vector<16xi32>,
      %mul3A_1922 = arith.constant 8192 : i32
      %mul3A_1923 = vector.broadcast %mul3A_1922 : i32 to vector<16xi32>
      %mul3A_1924 = arith.muli %add3A_1895, %mul3A_1923 : vector<16xi32>
      %add3A_1925 = arith.addi %gather3A_1921, %mul3A_1924 : vector<16xi32>
      %swap3A_1926 = arith.constant 32 : index
      %swap3A_1927 = tpu.vector_load %arg10[%swap3A_1926] {strides = array<i32>} : memref<128xi32, #tpu.memory_space<vmem>>, vector<16xi32>,
      tpu.vector_store %arg10[%swap3A_1926], %add3A_1925 {strides = array<i32>} : memref<128xi32, #tpu.memory_space<vmem>>, vector<16xi32>,
      %jit3A_1928 = arith.constant 8 : i32
      %div3A_1929 = vector.broadcast %jit3A_1928 : i32 to vector<16xi32>
      %div3A_1930 = arith.divsi %iota3A, %div3A_1929 : vector<16xi32>
      %sign3A_1931 = arith.constant 0 : i32
      %sign3A_1932 = vector.broadcast %sign3A_1931 : i32 to vector<16xi32>
      %sign3A_1933 = arith.cmpi sgt, %iota3A, %sign3A_1932 : vector<16xi32>
      %sign3A_1934 = arith.extui %sign3A_1933 : vector<16xi1> to vector<16xi32>
      %sign3A_1935 = arith.constant 0 : i32
      %sign3A_1936 = vector.broadcast %sign3A_1935 : i32 to vector<16xi32>
      %sign3A_1937 = arith.cmpi slt, %iota3A, %sign3A_1936 : vector<16xi32>
      %sign3A_1938 = arith.extui %sign3A_1937 : vector<16xi1> to vector<16xi32>
      %sign3A_1939 = arith.subi %sign3A_1934, %sign3A_1938 : vector<16xi32>
      %sign3A_1940 = arith.constant 0 : i32
      %sign3A_1941 = arith.cmpi sgt, %jit3A_1928, %sign3A_1940 : i32
      %sign3A_1942 = arith.extui %sign3A_1941 : i1 to i32
      %sign3A_1943 = arith.constant 0 : i32
      %sign3A_1944 = arith.cmpi slt, %jit3A_1928, %sign3A_1943 : i32
      %sign3A_1945 = arith.extui %sign3A_1944 : i1 to i32
      %sign3A_1946 = arith.subi %sign3A_1942, %sign3A_1945 : i32
      %ne3A_1947 = vector.broadcast %sign3A_1946 : i32 to vector<16xi32>
      %ne3A_1948 = arith.cmpi ne, %sign3A_1939, %ne3A_1947 : vector<16xi32>
      %rem3A_1949 = vector.broadcast %jit3A_1928 : i32 to vector<16xi32>
      %rem3A_1950 = arith.remsi %iota3A, %rem3A_1949 : vector<16xi32>
      %ne3A_1951 = arith.constant 0 : i32
      %ne3A_1952 = vector.broadcast %ne3A_1951 : i32 to vector<16xi32>
      %ne3A_1953 = arith.cmpi ne, %rem3A_1950, %ne3A_1952 : vector<16xi32>
      %and3A_1954 = arith.andi %ne3A_1948, %ne3A_1953 : vector<16xi1>
      %sub3A_1955 = arith.constant 1 : i32
      %sub3A_1956 = vector.broadcast %sub3A_1955 : i32 to vector<16xi32>
      %sub3A_1957 = arith.subi %div3A_1930, %sub3A_1956 : vector<16xi32>
      %select_n3A_1958 = arith.select %and3A_1954, %sub3A_1957, %div3A_1930 : vector<16xi1>, vector<16xi32>
      %add3A_1959 = arith.constant 6 : i32
      %add3A_1960 = vector.broadcast %add3A_1959 : i32 to vector<16xi32>
      %add3A_1961 = arith.addi %add3A_1960, %select_n3A_1958 : vector<16xi32>
      %jit3A_1962 = arith.constant 8 : i32
      %eq3A_1963 = arith.constant 0 : i32
      %eq3A_1964 = arith.cmpi eq, %jit3A_1962, %eq3A_1963 : i32
      %jit3A_1965 = arith.constant 1 : i32
      %select_n3A_1966 = arith.select %eq3A_1964, %jit3A_1965, %jit3A_1962 : i32
      %rem3A_1967 = vector.broadcast %select_n3A_1966 : i32 to vector<16xi32>
      %rem3A_1968 = arith.remsi %iota3A, %rem3A_1967 : vector<16xi32>
      %ne3A_1969 = arith.constant 0 : i32
      %ne3A_1970 = vector.broadcast %ne3A_1969 : i32 to vector<16xi32>
      %ne3A_1971 = arith.cmpi ne, %rem3A_1968, %ne3A_1970 : vector<16xi32>
      %lt3A_1972 = arith.constant 0 : i32
      %lt3A_1973 = vector.broadcast %lt3A_1972 : i32 to vector<16xi32>
      %lt3A_1974 = arith.cmpi slt, %rem3A_1968, %lt3A_1973 : vector<16xi32>
      %lt3A_1975 = arith.constant 0 : i32
      %lt3A_1976 = arith.cmpi slt, %select_n3A_1966, %lt3A_1975 : i32
      %ne3A_1977 = vector.broadcast %lt3A_1976 : i1 to vector<16xi1>
      %ne3A_1978 = vector.broadcast %ne3A_1977 : vector<16xi1> to vector<16xi1>
      %ne3A_1979 = arith.xori %lt3A_1974, %ne3A_1978 : vector<16xi1>
      %and3A_1980 = arith.andi %ne3A_1979, %ne3A_1971 : vector<16xi1>
      %add3A_1981 = vector.broadcast %select_n3A_1966 : i32 to vector<16xi32>
      %add3A_1982 = arith.addi %rem3A_1968, %add3A_1981 : vector<16xi32>
      %select_n3A_1983 = arith.select %and3A_1980, %add3A_1982, %rem3A_1968 : vector<16xi1>, vector<16xi32>
      %add3A_1984 = arith.constant 48 : i32
      %add3A_1985 = vector.broadcast %add3A_1984 : i32 to vector<16xi32>
      %add3A_1986 = arith.addi %add3A_1985, %select_n3A_1983 : vector<16xi32>
      %gather3A_1987 = tpu.vector_load_idx %arg5[%add3A_1986, %add3A_1961] : memref<64x8xi32, #tpu.memory_space<vmem>>[vector<16xi32>, vector<16xi32>], vector<16xi32>,
      %mul3A_1988 = arith.constant 8192 : i32
      %mul3A_1989 = vector.broadcast %mul3A_1988 : i32 to vector<16xi32>
      %mul3A_1990 = arith.muli %add3A_1961, %mul3A_1989 : vector<16xi32>
      %add3A_1991 = arith.addi %gather3A_1987, %mul3A_1990 : vector<16xi32>
      %swap3A_1992 = arith.constant 48 : index
      %swap3A_1993 = tpu.vector_load %arg10[%swap3A_1992] {strides = array<i32>} : memref<128xi32, #tpu.memory_space<vmem>>, vector<16xi32>,
      tpu.vector_store %arg10[%swap3A_1992], %add3A_1991 {strides = array<i32>} : memref<128xi32, #tpu.memory_space<vmem>>, vector<16xi32>,
      %jit3A_1994 = arith.constant 8 : i32
      %div3A_1995 = vector.broadcast %jit3A_1994 : i32 to vector<16xi32>
      %div3A_1996 = arith.divsi %iota3A, %div3A_1995 : vector<16xi32>
      %sign3A_1997 = arith.constant 0 : i32
      %sign3A_1998 = vector.broadcast %sign3A_1997 : i32 to vector<16xi32>
      %sign3A_1999 = arith.cmpi sgt, %iota3A, %sign3A_1998 : vector<16xi32>
      %sign3A_2000 = arith.extui %sign3A_1999 : vector<16xi1> to vector<16xi32>
      %sign3A_2001 = arith.constant 0 : i32
      %sign3A_2002 = vector.broadcast %sign3A_2001 : i32 to vector<16xi32>
      %sign3A_2003 = arith.cmpi slt, %iota3A, %sign3A_2002 : vector<16xi32>
      %sign3A_2004 = arith.extui %sign3A_2003 : vector<16xi1> to vector<16xi32>
      %sign3A_2005 = arith.subi %sign3A_2000, %sign3A_2004 : vector<16xi32>
      %sign3A_2006 = arith.constant 0 : i32
      %sign3A_2007 = arith.cmpi sgt, %jit3A_1994, %sign3A_2006 : i32
      %sign3A_2008 = arith.extui %sign3A_2007 : i1 to i32
      %sign3A_2009 = arith.constant 0 : i32
      %sign3A_2010 = arith.cmpi slt, %jit3A_1994, %sign3A_2009 : i32
      %sign3A_2011 = arith.extui %sign3A_2010 : i1 to i32
      %sign3A_2012 = arith.subi %sign3A_2008, %sign3A_2011 : i32
      %ne3A_2013 = vector.broadcast %sign3A_2012 : i32 to vector<16xi32>
      %ne3A_2014 = arith.cmpi ne, %sign3A_2005, %ne3A_2013 : vector<16xi32>
      %rem3A_2015 = vector.broadcast %jit3A_1994 : i32 to vector<16xi32>
      %rem3A_2016 = arith.remsi %iota3A, %rem3A_2015 : vector<16xi32>
      %ne3A_2017 = arith.constant 0 : i32
      %ne3A_2018 = vector.broadcast %ne3A_2017 : i32 to vector<16xi32>
      %ne3A_2019 = arith.cmpi ne, %rem3A_2016, %ne3A_2018 : vector<16xi32>
      %and3A_2020 = arith.andi %ne3A_2014, %ne3A_2019 : vector<16xi1>
      %sub3A_2021 = arith.constant 1 : i32
      %sub3A_2022 = vector.broadcast %sub3A_2021 : i32 to vector<16xi32>
      %sub3A_2023 = arith.subi %div3A_1996, %sub3A_2022 : vector<16xi32>
      %select_n3A_2024 = arith.select %and3A_2020, %sub3A_2023, %div3A_1996 : vector<16xi1>, vector<16xi32>
      %add3A_2025 = arith.constant 0 : i32
      %add3A_2026 = vector.broadcast %add3A_2025 : i32 to vector<16xi32>
      %add3A_2027 = arith.addi %add3A_2026, %select_n3A_2024 : vector<16xi32>
      %jit3A_2028 = arith.constant 8 : i32
      %eq3A_2029 = arith.constant 0 : i32
      %eq3A_2030 = arith.cmpi eq, %jit3A_2028, %eq3A_2029 : i32
      %jit3A_2031 = arith.constant 1 : i32
      %select_n3A_2032 = arith.select %eq3A_2030, %jit3A_2031, %jit3A_2028 : i32
      %rem3A_2033 = vector.broadcast %select_n3A_2032 : i32 to vector<16xi32>
      %rem3A_2034 = arith.remsi %iota3A, %rem3A_2033 : vector<16xi32>
      %ne3A_2035 = arith.constant 0 : i32
      %ne3A_2036 = vector.broadcast %ne3A_2035 : i32 to vector<16xi32>
      %ne3A_2037 = arith.cmpi ne, %rem3A_2034, %ne3A_2036 : vector<16xi32>
      %lt3A_2038 = arith.constant 0 : i32
      %lt3A_2039 = vector.broadcast %lt3A_2038 : i32 to vector<16xi32>
      %lt3A_2040 = arith.cmpi slt, %rem3A_2034, %lt3A_2039 : vector<16xi32>
      %lt3A_2041 = arith.constant 0 : i32
      %lt3A_2042 = arith.cmpi slt, %select_n3A_2032, %lt3A_2041 : i32
      %ne3A_2043 = vector.broadcast %lt3A_2042 : i1 to vector<16xi1>
      %ne3A_2044 = vector.broadcast %ne3A_2043 : vector<16xi1> to vector<16xi1>
      %ne3A_2045 = arith.xori %lt3A_2040, %ne3A_2044 : vector<16xi1>
      %and3A_2046 = arith.andi %ne3A_2045, %ne3A_2037 : vector<16xi1>
      %add3A_2047 = vector.broadcast %select_n3A_2032 : i32 to vector<16xi32>
      %add3A_2048 = arith.addi %rem3A_2034, %add3A_2047 : vector<16xi32>
      %select_n3A_2049 = arith.select %and3A_2046, %add3A_2048, %rem3A_2034 : vector<16xi1>, vector<16xi32>
      %add3A_2050 = arith.constant 56 : i32
      %add3A_2051 = vector.broadcast %add3A_2050 : i32 to vector<16xi32>
      %add3A_2052 = arith.addi %add3A_2051, %select_n3A_2049 : vector<16xi32>
      %gather3A_2053 = tpu.vector_load_idx %arg5[%add3A_2052, %add3A_2027] : memref<64x8xi32, #tpu.memory_space<vmem>>[vector<16xi32>, vector<16xi32>], vector<16xi32>,
      %mul3A_2054 = arith.constant 8192 : i32
      %mul3A_2055 = vector.broadcast %mul3A_2054 : i32 to vector<16xi32>
      %mul3A_2056 = arith.muli %add3A_2027, %mul3A_2055 : vector<16xi32>
      %add3A_2057 = arith.addi %gather3A_2053, %mul3A_2056 : vector<16xi32>
      %swap3A_2058 = arith.constant 64 : index
      %swap3A_2059 = tpu.vector_load %arg10[%swap3A_2058] {strides = array<i32>} : memref<128xi32, #tpu.memory_space<vmem>>, vector<16xi32>,
      tpu.vector_store %arg10[%swap3A_2058], %add3A_2057 {strides = array<i32>} : memref<128xi32, #tpu.memory_space<vmem>>, vector<16xi32>,
      %jit3A_2060 = arith.constant 8 : i32
      %div3A_2061 = vector.broadcast %jit3A_2060 : i32 to vector<16xi32>
      %div3A_2062 = arith.divsi %iota3A, %div3A_2061 : vector<16xi32>
      %sign3A_2063 = arith.constant 0 : i32
      %sign3A_2064 = vector.broadcast %sign3A_2063 : i32 to vector<16xi32>
      %sign3A_2065 = arith.cmpi sgt, %iota3A, %sign3A_2064 : vector<16xi32>
      %sign3A_2066 = arith.extui %sign3A_2065 : vector<16xi1> to vector<16xi32>
      %sign3A_2067 = arith.constant 0 : i32
      %sign3A_2068 = vector.broadcast %sign3A_2067 : i32 to vector<16xi32>
      %sign3A_2069 = arith.cmpi slt, %iota3A, %sign3A_2068 : vector<16xi32>
      %sign3A_2070 = arith.extui %sign3A_2069 : vector<16xi1> to vector<16xi32>
      %sign3A_2071 = arith.subi %sign3A_2066, %sign3A_2070 : vector<16xi32>
      %sign3A_2072 = arith.constant 0 : i32
      %sign3A_2073 = arith.cmpi sgt, %jit3A_2060, %sign3A_2072 : i32
      %sign3A_2074 = arith.extui %sign3A_2073 : i1 to i32
      %sign3A_2075 = arith.constant 0 : i32
      %sign3A_2076 = arith.cmpi slt, %jit3A_2060, %sign3A_2075 : i32
      %sign3A_2077 = arith.extui %sign3A_2076 : i1 to i32
      %sign3A_2078 = arith.subi %sign3A_2074, %sign3A_2077 : i32
      %ne3A_2079 = vector.broadcast %sign3A_2078 : i32 to vector<16xi32>
      %ne3A_2080 = arith.cmpi ne, %sign3A_2071, %ne3A_2079 : vector<16xi32>
      %rem3A_2081 = vector.broadcast %jit3A_2060 : i32 to vector<16xi32>
      %rem3A_2082 = arith.remsi %iota3A, %rem3A_2081 : vector<16xi32>
      %ne3A_2083 = arith.constant 0 : i32
      %ne3A_2084 = vector.broadcast %ne3A_2083 : i32 to vector<16xi32>
      %ne3A_2085 = arith.cmpi ne, %rem3A_2082, %ne3A_2084 : vector<16xi32>
      %and3A_2086 = arith.andi %ne3A_2080, %ne3A_2085 : vector<16xi1>
      %sub3A_2087 = arith.constant 1 : i32
      %sub3A_2088 = vector.broadcast %sub3A_2087 : i32 to vector<16xi32>
      %sub3A_2089 = arith.subi %div3A_2062, %sub3A_2088 : vector<16xi32>
      %select_n3A_2090 = arith.select %and3A_2086, %sub3A_2089, %div3A_2062 : vector<16xi1>, vector<16xi32>
      %add3A_2091 = arith.constant 2 : i32
      %add3A_2092 = vector.broadcast %add3A_2091 : i32 to vector<16xi32>
      %add3A_2093 = arith.addi %add3A_2092, %select_n3A_2090 : vector<16xi32>
      %jit3A_2094 = arith.constant 8 : i32
      %eq3A_2095 = arith.constant 0 : i32
      %eq3A_2096 = arith.cmpi eq, %jit3A_2094, %eq3A_2095 : i32
      %jit3A_2097 = arith.constant 1 : i32
      %select_n3A_2098 = arith.select %eq3A_2096, %jit3A_2097, %jit3A_2094 : i32
      %rem3A_2099 = vector.broadcast %select_n3A_2098 : i32 to vector<16xi32>
      %rem3A_2100 = arith.remsi %iota3A, %rem3A_2099 : vector<16xi32>
      %ne3A_2101 = arith.constant 0 : i32
      %ne3A_2102 = vector.broadcast %ne3A_2101 : i32 to vector<16xi32>
      %ne3A_2103 = arith.cmpi ne, %rem3A_2100, %ne3A_2102 : vector<16xi32>
      %lt3A_2104 = arith.constant 0 : i32
      %lt3A_2105 = vector.broadcast %lt3A_2104 : i32 to vector<16xi32>
      %lt3A_2106 = arith.cmpi slt, %rem3A_2100, %lt3A_2105 : vector<16xi32>
      %lt3A_2107 = arith.constant 0 : i32
      %lt3A_2108 = arith.cmpi slt, %select_n3A_2098, %lt3A_2107 : i32
      %ne3A_2109 = vector.broadcast %lt3A_2108 : i1 to vector<16xi1>
      %ne3A_2110 = vector.broadcast %ne3A_2109 : vector<16xi1> to vector<16xi1>
      %ne3A_2111 = arith.xori %lt3A_2106, %ne3A_2110 : vector<16xi1>
      %and3A_2112 = arith.andi %ne3A_2111, %ne3A_2103 : vector<16xi1>
      %add3A_2113 = vector.broadcast %select_n3A_2098 : i32 to vector<16xi32>
      %add3A_2114 = arith.addi %rem3A_2100, %add3A_2113 : vector<16xi32>
      %select_n3A_2115 = arith.select %and3A_2112, %add3A_2114, %rem3A_2100 : vector<16xi1>, vector<16xi32>
      %add3A_2116 = arith.constant 56 : i32
      %add3A_2117 = vector.broadcast %add3A_2116 : i32 to vector<16xi32>
      %add3A_2118 = arith.addi %add3A_2117, %select_n3A_2115 : vector<16xi32>
      %gather3A_2119 = tpu.vector_load_idx %arg5[%add3A_2118, %add3A_2093] : memref<64x8xi32, #tpu.memory_space<vmem>>[vector<16xi32>, vector<16xi32>], vector<16xi32>,
      %mul3A_2120 = arith.constant 8192 : i32
      %mul3A_2121 = vector.broadcast %mul3A_2120 : i32 to vector<16xi32>
      %mul3A_2122 = arith.muli %add3A_2093, %mul3A_2121 : vector<16xi32>
      %add3A_2123 = arith.addi %gather3A_2119, %mul3A_2122 : vector<16xi32>
      %swap3A_2124 = arith.constant 80 : index
      %swap3A_2125 = tpu.vector_load %arg10[%swap3A_2124] {strides = array<i32>} : memref<128xi32, #tpu.memory_space<vmem>>, vector<16xi32>,
      tpu.vector_store %arg10[%swap3A_2124], %add3A_2123 {strides = array<i32>} : memref<128xi32, #tpu.memory_space<vmem>>, vector<16xi32>,
      %jit3A_2126 = arith.constant 8 : i32
      %div3A_2127 = vector.broadcast %jit3A_2126 : i32 to vector<16xi32>
      %div3A_2128 = arith.divsi %iota3A, %div3A_2127 : vector<16xi32>
      %sign3A_2129 = arith.constant 0 : i32
      %sign3A_2130 = vector.broadcast %sign3A_2129 : i32 to vector<16xi32>
      %sign3A_2131 = arith.cmpi sgt, %iota3A, %sign3A_2130 : vector<16xi32>
      %sign3A_2132 = arith.extui %sign3A_2131 : vector<16xi1> to vector<16xi32>
      %sign3A_2133 = arith.constant 0 : i32
      %sign3A_2134 = vector.broadcast %sign3A_2133 : i32 to vector<16xi32>
      %sign3A_2135 = arith.cmpi slt, %iota3A, %sign3A_2134 : vector<16xi32>
      %sign3A_2136 = arith.extui %sign3A_2135 : vector<16xi1> to vector<16xi32>
      %sign3A_2137 = arith.subi %sign3A_2132, %sign3A_2136 : vector<16xi32>
      %sign3A_2138 = arith.constant 0 : i32
      %sign3A_2139 = arith.cmpi sgt, %jit3A_2126, %sign3A_2138 : i32
      %sign3A_2140 = arith.extui %sign3A_2139 : i1 to i32
      %sign3A_2141 = arith.constant 0 : i32
      %sign3A_2142 = arith.cmpi slt, %jit3A_2126, %sign3A_2141 : i32
      %sign3A_2143 = arith.extui %sign3A_2142 : i1 to i32
      %sign3A_2144 = arith.subi %sign3A_2140, %sign3A_2143 : i32
      %ne3A_2145 = vector.broadcast %sign3A_2144 : i32 to vector<16xi32>
      %ne3A_2146 = arith.cmpi ne, %sign3A_2137, %ne3A_2145 : vector<16xi32>
      %rem3A_2147 = vector.broadcast %jit3A_2126 : i32 to vector<16xi32>
      %rem3A_2148 = arith.remsi %iota3A, %rem3A_2147 : vector<16xi32>
      %ne3A_2149 = arith.constant 0 : i32
      %ne3A_2150 = vector.broadcast %ne3A_2149 : i32 to vector<16xi32>
      %ne3A_2151 = arith.cmpi ne, %rem3A_2148, %ne3A_2150 : vector<16xi32>
      %and3A_2152 = arith.andi %ne3A_2146, %ne3A_2151 : vector<16xi1>
      %sub3A_2153 = arith.constant 1 : i32
      %sub3A_2154 = vector.broadcast %sub3A_2153 : i32 to vector<16xi32>
      %sub3A_2155 = arith.subi %div3A_2128, %sub3A_2154 : vector<16xi32>
      %select_n3A_2156 = arith.select %and3A_2152, %sub3A_2155, %div3A_2128 : vector<16xi1>, vector<16xi32>
      %add3A_2157 = arith.constant 4 : i32
      %add3A_2158 = vector.broadcast %add3A_2157 : i32 to vector<16xi32>
      %add3A_2159 = arith.addi %add3A_2158, %select_n3A_2156 : vector<16xi32>
      %jit3A_2160 = arith.constant 8 : i32
      %eq3A_2161 = arith.constant 0 : i32
      %eq3A_2162 = arith.cmpi eq, %jit3A_2160, %eq3A_2161 : i32
      %jit3A_2163 = arith.constant 1 : i32
      %select_n3A_2164 = arith.select %eq3A_2162, %jit3A_2163, %jit3A_2160 : i32
      %rem3A_2165 = vector.broadcast %select_n3A_2164 : i32 to vector<16xi32>
      %rem3A_2166 = arith.remsi %iota3A, %rem3A_2165 : vector<16xi32>
      %ne3A_2167 = arith.constant 0 : i32
      %ne3A_2168 = vector.broadcast %ne3A_2167 : i32 to vector<16xi32>
      %ne3A_2169 = arith.cmpi ne, %rem3A_2166, %ne3A_2168 : vector<16xi32>
      %lt3A_2170 = arith.constant 0 : i32
      %lt3A_2171 = vector.broadcast %lt3A_2170 : i32 to vector<16xi32>
      %lt3A_2172 = arith.cmpi slt, %rem3A_2166, %lt3A_2171 : vector<16xi32>
      %lt3A_2173 = arith.constant 0 : i32
      %lt3A_2174 = arith.cmpi slt, %select_n3A_2164, %lt3A_2173 : i32
      %ne3A_2175 = vector.broadcast %lt3A_2174 : i1 to vector<16xi1>
      %ne3A_2176 = vector.broadcast %ne3A_2175 : vector<16xi1> to vector<16xi1>
      %ne3A_2177 = arith.xori %lt3A_2172, %ne3A_2176 : vector<16xi1>
      %and3A_2178 = arith.andi %ne3A_2177, %ne3A_2169 : vector<16xi1>
      %add3A_2179 = vector.broadcast %select_n3A_2164 : i32 to vector<16xi32>
      %add3A_2180 = arith.addi %rem3A_2166, %add3A_2179 : vector<16xi32>
      %select_n3A_2181 = arith.select %and3A_2178, %add3A_2180, %rem3A_2166 : vector<16xi1>, vector<16xi32>
      %add3A_2182 = arith.constant 56 : i32
      %add3A_2183 = vector.broadcast %add3A_2182 : i32 to vector<16xi32>
      %add3A_2184 = arith.addi %add3A_2183, %select_n3A_2181 : vector<16xi32>
      %gather3A_2185 = tpu.vector_load_idx %arg5[%add3A_2184, %add3A_2159] : memref<64x8xi32, #tpu.memory_space<vmem>>[vector<16xi32>, vector<16xi32>], vector<16xi32>,
      %mul3A_2186 = arith.constant 8192 : i32
      %mul3A_2187 = vector.broadcast %mul3A_2186 : i32 to vector<16xi32>
      %mul3A_2188 = arith.muli %add3A_2159, %mul3A_2187 : vector<16xi32>
      %add3A_2189 = arith.addi %gather3A_2185, %mul3A_2188 : vector<16xi32>
      %swap3A_2190 = arith.constant 96 : index
      %swap3A_2191 = tpu.vector_load %arg10[%swap3A_2190] {strides = array<i32>} : memref<128xi32, #tpu.memory_space<vmem>>, vector<16xi32>,
      tpu.vector_store %arg10[%swap3A_2190], %add3A_2189 {strides = array<i32>} : memref<128xi32, #tpu.memory_space<vmem>>, vector<16xi32>,
      %jit3A_2192 = arith.constant 8 : i32
      %div3A_2193 = vector.broadcast %jit3A_2192 : i32 to vector<16xi32>
      %div3A_2194 = arith.divsi %iota3A, %div3A_2193 : vector<16xi32>
      %sign3A_2195 = arith.constant 0 : i32
      %sign3A_2196 = vector.broadcast %sign3A_2195 : i32 to vector<16xi32>
      %sign3A_2197 = arith.cmpi sgt, %iota3A, %sign3A_2196 : vector<16xi32>
      %sign3A_2198 = arith.extui %sign3A_2197 : vector<16xi1> to vector<16xi32>
      %sign3A_2199 = arith.constant 0 : i32
      %sign3A_2200 = vector.broadcast %sign3A_2199 : i32 to vector<16xi32>
      %sign3A_2201 = arith.cmpi slt, %iota3A, %sign3A_2200 : vector<16xi32>
      %sign3A_2202 = arith.extui %sign3A_2201 : vector<16xi1> to vector<16xi32>
      %sign3A_2203 = arith.subi %sign3A_2198, %sign3A_2202 : vector<16xi32>
      %sign3A_2204 = arith.constant 0 : i32
      %sign3A_2205 = arith.cmpi sgt, %jit3A_2192, %sign3A_2204 : i32
      %sign3A_2206 = arith.extui %sign3A_2205 : i1 to i32
      %sign3A_2207 = arith.constant 0 : i32
      %sign3A_2208 = arith.cmpi slt, %jit3A_2192, %sign3A_2207 : i32
      %sign3A_2209 = arith.extui %sign3A_2208 : i1 to i32
      %sign3A_2210 = arith.subi %sign3A_2206, %sign3A_2209 : i32
      %ne3A_2211 = vector.broadcast %sign3A_2210 : i32 to vector<16xi32>
      %ne3A_2212 = arith.cmpi ne, %sign3A_2203, %ne3A_2211 : vector<16xi32>
      %rem3A_2213 = vector.broadcast %jit3A_2192 : i32 to vector<16xi32>
      %rem3A_2214 = arith.remsi %iota3A, %rem3A_2213 : vector<16xi32>
      %ne3A_2215 = arith.constant 0 : i32
      %ne3A_2216 = vector.broadcast %ne3A_2215 : i32 to vector<16xi32>
      %ne3A_2217 = arith.cmpi ne, %rem3A_2214, %ne3A_2216 : vector<16xi32>
      %and3A_2218 = arith.andi %ne3A_2212, %ne3A_2217 : vector<16xi1>
      %sub3A_2219 = arith.constant 1 : i32
      %sub3A_2220 = vector.broadcast %sub3A_2219 : i32 to vector<16xi32>
      %sub3A_2221 = arith.subi %div3A_2194, %sub3A_2220 : vector<16xi32>
      %select_n3A_2222 = arith.select %and3A_2218, %sub3A_2221, %div3A_2194 : vector<16xi1>, vector<16xi32>
      %add3A_2223 = arith.constant 6 : i32
      %add3A_2224 = vector.broadcast %add3A_2223 : i32 to vector<16xi32>
      %add3A_2225 = arith.addi %add3A_2224, %select_n3A_2222 : vector<16xi32>
      %jit3A_2226 = arith.constant 8 : i32
      %eq3A_2227 = arith.constant 0 : i32
      %eq3A_2228 = arith.cmpi eq, %jit3A_2226, %eq3A_2227 : i32
      %jit3A_2229 = arith.constant 1 : i32
      %select_n3A_2230 = arith.select %eq3A_2228, %jit3A_2229, %jit3A_2226 : i32
      %rem3A_2231 = vector.broadcast %select_n3A_2230 : i32 to vector<16xi32>
      %rem3A_2232 = arith.remsi %iota3A, %rem3A_2231 : vector<16xi32>
      %ne3A_2233 = arith.constant 0 : i32
      %ne3A_2234 = vector.broadcast %ne3A_2233 : i32 to vector<16xi32>
      %ne3A_2235 = arith.cmpi ne, %rem3A_2232, %ne3A_2234 : vector<16xi32>
      %lt3A_2236 = arith.constant 0 : i32
      %lt3A_2237 = vector.broadcast %lt3A_2236 : i32 to vector<16xi32>
      %lt3A_2238 = arith.cmpi slt, %rem3A_2232, %lt3A_2237 : vector<16xi32>
      %lt3A_2239 = arith.constant 0 : i32
      %lt3A_2240 = arith.cmpi slt, %select_n3A_2230, %lt3A_2239 : i32
      %ne3A_2241 = vector.broadcast %lt3A_2240 : i1 to vector<16xi1>
      %ne3A_2242 = vector.broadcast %ne3A_2241 : vector<16xi1> to vector<16xi1>
      %ne3A_2243 = arith.xori %lt3A_2238, %ne3A_2242 : vector<16xi1>
      %and3A_2244 = arith.andi %ne3A_2243, %ne3A_2235 : vector<16xi1>
      %add3A_2245 = vector.broadcast %select_n3A_2230 : i32 to vector<16xi32>
      %add3A_2246 = arith.addi %rem3A_2232, %add3A_2245 : vector<16xi32>
      %select_n3A_2247 = arith.select %and3A_2244, %add3A_2246, %rem3A_2232 : vector<16xi1>, vector<16xi32>
      %add3A_2248 = arith.constant 56 : i32
      %add3A_2249 = vector.broadcast %add3A_2248 : i32 to vector<16xi32>
      %add3A_2250 = arith.addi %add3A_2249, %select_n3A_2247 : vector<16xi32>
      %gather3A_2251 = tpu.vector_load_idx %arg5[%add3A_2250, %add3A_2225] : memref<64x8xi32, #tpu.memory_space<vmem>>[vector<16xi32>, vector<16xi32>], vector<16xi32>,
      %mul3A_2252 = arith.constant 8192 : i32
      %mul3A_2253 = vector.broadcast %mul3A_2252 : i32 to vector<16xi32>
      %mul3A_2254 = arith.muli %add3A_2225, %mul3A_2253 : vector<16xi32>
      %add3A_2255 = arith.addi %gather3A_2251, %mul3A_2254 : vector<16xi32>
      %swap3A_2256 = arith.constant 112 : index
      %swap3A_2257 = tpu.vector_load %arg10[%swap3A_2256] {strides = array<i32>} : memref<128xi32, #tpu.memory_space<vmem>>, vector<16xi32>,
      tpu.vector_store %arg10[%swap3A_2256], %add3A_2255 {strides = array<i32>} : memref<128xi32, #tpu.memory_space<vmem>>, vector<16xi32>,
      %dma_start3A_2258 = arith.constant 3 : i32
      %dma_start3A_2259 = arith.constant 0 : i32
      %dma_start3A_2260 = arith.constant 0 : i32
      %dma_start3A_2261 = tpu.memref_slice %arg2[%dma_start3A_2259, %dma_start3A_2260] : memref<65536x128xf32, #tpu.memory_space<hbm>> -> memref<65536x128xf32, #tpu.memory_space<hbm>>
      %dma_start3A_2262 = tpu.memref_slice %arg15[%dma_start3A_2258] : memref<4x!tpu.dma_semaphore, #tpu.memory_space<semaphore_mem>> -> memref<1x!tpu.dma_semaphore, #tpu.memory_space<semaphore_mem>>
      %dma_start3A_2263 = tpu.memref_squeeze %dma_start3A_2262 : memref<1x!tpu.dma_semaphore, #tpu.memory_space<semaphore_mem>> -> memref<!tpu.dma_semaphore, #tpu.memory_space<semaphore_mem>>
      tpu.enqueue_indirect_dma source(%dma_start3A_2261 : memref<65536x128xf32, #tpu.memory_space<hbm>>) target(%arg14 : memref<128x128xf32, #tpu.memory_space<vmem>>) offsets(%arg10 : memref<128xi32, #tpu.memory_space<vmem>>) semaphore(%dma_start3A_2263 : memref<!tpu.dma_semaphore, #tpu.memory_space<semaphore_mem>>)
      %lt3A_2264 = arith.constant 15 : i32
      %lt3A_2265 = arith.cmpi slt, %scan3A_1165, %lt3A_2264 : i32
      %convert_element_type3A_2266 = arith.extui %lt3A_2265 : i1 to i32
      %cond3A_2267 = arith.constant 0 : i32
      %cond3A_2268 = arith.cmpi ne, %convert_element_type3A_2266, %cond3A_2267 : i32
      scf.if %cond3A_2268 {
        %mul3A_4626 = arith.constant 2 : i32
        %mul3A_4627 = arith.muli %mul3A_4626, %scan3A_1165 : i32
        %add3A_4628 = arith.constant 2 : i32
        %add3A_4629 = arith.addi %mul3A_4627, %add3A_4628 : i32
        %mul3A_4630 = arith.constant 64 : i32
        %mul3A_4631 = arith.muli %add3A_4629, %mul3A_4630 : i32
        %add3A_4632 = arith.addi %mul3A_32, %mul3A_4631 : i32
        %dma_start3A_4633 = arith.constant 0 : i32
        %dma_start3A_4634 = tpu.memref_slice %arg3[%select_n3A, %add3A_4632, %dma_start3A_4633] : memref<16x4096x8xi32, #tpu.memory_space<hbm>> -> memref<1x64x8xi32, #tpu.memory_space<hbm>>
        %dma_start3A_4635 = tpu.memref_squeeze %dma_start3A_4634 : memref<1x64x8xi32, #tpu.memory_space<hbm>> -> memref<64x8xi32, #tpu.memory_space<hbm>>
        %dma_start3A_4636 = arith.constant 0 : i32
        %dma_start3A_4637 = tpu.memref_slice %arg3[%select_n3A, %add3A_4632, %dma_start3A_4636] : memref<16x4096x8xi32, #tpu.memory_space<hbm>> -> memref<1x64x8xi32, #tpu.memory_space<hbm>>
        %dma_start3A_4638 = tpu.memref_squeeze %dma_start3A_4637 : memref<1x64x8xi32, #tpu.memory_space<hbm>> -> memref<64x8xi32, #tpu.memory_space<hbm>>
        tpu.enqueue_dma source(%dma_start3A_4638 : memref<64x8xi32, #tpu.memory_space<hbm>>) target(%arg5 : memref<64x8xi32, #tpu.memory_space<vmem>>) target_semaphore(%arg17 : memref<!tpu.dma_semaphore, #tpu.memory_space<semaphore_mem>>)
      } else {
      }
      %dma_wait3A_2269 = arith.constant 1 : i32
      %dma_wait3A_2270 = arith.constant 0 : i32
      %dma_wait3A_2271 = arith.constant 0 : i32
      %dma_wait3A_2272 = tpu.memref_slice %arg2[%dma_wait3A_2270, %dma_wait3A_2271] : memref<65536x128xf32, #tpu.memory_space<hbm>> -> memref<128x128xf32, #tpu.memory_space<hbm>>
      %dma_wait3A_2273 = tpu.memref_slice %arg15[%dma_wait3A_2269] : memref<4x!tpu.dma_semaphore, #tpu.memory_space<semaphore_mem>> -> memref<1x!tpu.dma_semaphore, #tpu.memory_space<semaphore_mem>>
      %dma_wait3A_2274 = tpu.memref_squeeze %dma_wait3A_2273 : memref<1x!tpu.dma_semaphore, #tpu.memory_space<semaphore_mem>> -> memref<!tpu.dma_semaphore, #tpu.memory_space<semaphore_mem>>
      %dma_wait3A_2275 = arith.constant 0 : i32
      %dma_wait3A_2276 = arith.constant 0 : i32
      %dma_wait3A_2277 = tpu.memref_slice %arg2[%dma_wait3A_2275, %dma_wait3A_2276] : memref<65536x128xf32, #tpu.memory_space<hbm>> -> memref<128x128xf32, #tpu.memory_space<hbm>>
      tpu.wait_dma2 semaphore(%dma_wait3A_2274 : memref<!tpu.dma_semaphore, #tpu.memory_space<semaphore_mem>>) src(%dma_wait3A_2277 : memref<128x128xf32, #tpu.memory_space<hbm>>) dst(%arg12 : memref<128x128xf32, #tpu.memory_space<vmem>>)
      %add3A_2278 = arith.constant 1 : i32
      %add3A_2279 = arith.addi %mul3A_1167, %add3A_2278 : i32
      %mul3A_2280 = arith.constant 128 : i32
      %mul3A_2281 = arith.muli %add3A_2279, %mul3A_2280 : i32
      %add3A_2282 = arith.addi %mul3A_34, %mul3A_2281 : i32
      %dma_start3A_2283 = arith.constant 1 : i32
      %dma_start3A_2284 = arith.constant 0 : i32
      %dma_start3A_2285 = tpu.memref_slice %arg4[%select_n3A, %add3A_2282, %dma_start3A_2284] : memref<16x32768x128xf32, #tpu.memory_space<hbm>> -> memref<1x128x128xf32, #tpu.memory_space<hbm>>
      %dma_start3A_2286 = tpu.memref_squeeze %dma_start3A_2285 : memref<1x128x128xf32, #tpu.memory_space<hbm>> -> memref<128x128xf32, #tpu.memory_space<hbm>>
      %dma_start3A_2287 = tpu.memref_slice %arg16[%dma_start3A_2283] : memref<4x!tpu.dma_semaphore, #tpu.memory_space<semaphore_mem>> -> memref<1x!tpu.dma_semaphore, #tpu.memory_space<semaphore_mem>>
      %dma_start3A_2288 = tpu.memref_squeeze %dma_start3A_2287 : memref<1x!tpu.dma_semaphore, #tpu.memory_space<semaphore_mem>> -> memref<!tpu.dma_semaphore, #tpu.memory_space<semaphore_mem>>
      %dma_start3A_2289 = arith.constant 0 : i32
      %dma_start3A_2290 = tpu.memref_slice %arg4[%select_n3A, %add3A_2282, %dma_start3A_2289] : memref<16x32768x128xf32, #tpu.memory_space<hbm>> -> memref<1x128x128xf32, #tpu.memory_space<hbm>>
      %dma_start3A_2291 = tpu.memref_squeeze %dma_start3A_2290 : memref<1x128x128xf32, #tpu.memory_space<hbm>> -> memref<128x128xf32, #tpu.memory_space<hbm>>
      tpu.enqueue_dma source(%arg12 : memref<128x128xf32, #tpu.memory_space<vmem>>) target(%dma_start3A_2291 : memref<128x128xf32, #tpu.memory_space<hbm>>) target_semaphore(%dma_start3A_2288 : memref<!tpu.dma_semaphore, #tpu.memory_space<semaphore_mem>>)
      %dma_wait3A_2292 = arith.constant 0 : i32
      %dma_wait3A_2293 = arith.constant 0 : i32
      %dma_wait3A_2294 = arith.constant 0 : i32
      %dma_wait3A_2295 = tpu.memref_slice %arg3[%dma_wait3A_2292, %dma_wait3A_2293, %dma_wait3A_2294] : memref<16x4096x8xi32, #tpu.memory_space<hbm>> -> memref<1x64x8xi32, #tpu.memory_space<hbm>>
      %dma_wait3A_2296 = tpu.memref_squeeze %dma_wait3A_2295 : memref<1x64x8xi32, #tpu.memory_space<hbm>> -> memref<64x8xi32, #tpu.memory_space<hbm>>
      %dma_wait3A_2297 = arith.constant 0 : i32
      %dma_wait3A_2298 = arith.constant 0 : i32
      %dma_wait3A_2299 = tpu.memref_slice %arg3[%dma_wait3A_2292, %dma_wait3A_2297, %dma_wait3A_2298] : memref<16x4096x8xi32, #tpu.memory_space<hbm>> -> memref<1x64x8xi32, #tpu.memory_space<hbm>>
      %dma_wait3A_2300 = tpu.memref_squeeze %dma_wait3A_2299 : memref<1x64x8xi32, #tpu.memory_space<hbm>> -> memref<64x8xi32, #tpu.memory_space<hbm>>
      tpu.wait_dma2 semaphore(%arg18 : memref<!tpu.dma_semaphore, #tpu.memory_space<semaphore_mem>>) src(%dma_wait3A_2300 : memref<64x8xi32, #tpu.memory_space<hbm>>) dst(%arg6 : memref<64x8xi32, #tpu.memory_space<vmem>>)
      %dma_wait3A_2301 = arith.constant 0 : i32
      %dma_wait3A_2302 = arith.constant 0 : i32
      %dma_wait3A_2303 = arith.constant 0 : i32
      %dma_wait3A_2304 = tpu.memref_slice %arg2[%dma_wait3A_2302, %dma_wait3A_2303] : memref<65536x128xf32, #tpu.memory_space<hbm>> -> memref<128x128xf32, #tpu.memory_space<hbm>>
      %dma_wait3A_2305 = tpu.memref_slice %arg16[%dma_wait3A_2301] : memref<4x!tpu.dma_semaphore, #tpu.memory_space<semaphore_mem>> -> memref<1x!tpu.dma_semaphore, #tpu.memory_space<semaphore_mem>>
      %dma_wait3A_2306 = tpu.memref_squeeze %dma_wait3A_2305 : memref<1x!tpu.dma_semaphore, #tpu.memory_space<semaphore_mem>> -> memref<!tpu.dma_semaphore, #tpu.memory_space<semaphore_mem>>
      %dma_wait3A_2307 = arith.constant 0 : i32
      %dma_wait3A_2308 = arith.constant 0 : i32
      %dma_wait3A_2309 = tpu.memref_slice %arg2[%dma_wait3A_2307, %dma_wait3A_2308] : memref<65536x128xf32, #tpu.memory_space<hbm>> -> memref<128x128xf32, #tpu.memory_space<hbm>>
      tpu.wait_dma2 semaphore(%dma_wait3A_2306 : memref<!tpu.dma_semaphore, #tpu.memory_space<semaphore_mem>>) src(%dma_wait3A_2309 : memref<128x128xf32, #tpu.memory_space<hbm>>) dst(%arg11 : memref<128x128xf32, #tpu.memory_space<vmem>>)
      %jit3A_2310 = arith.constant 8 : i32
      %div3A_2311 = vector.broadcast %jit3A_2310 : i32 to vector<16xi32>
      %div3A_2312 = arith.divsi %iota3A, %div3A_2311 : vector<16xi32>
      %sign3A_2313 = arith.constant 0 : i32
      %sign3A_2314 = vector.broadcast %sign3A_2313 : i32 to vector<16xi32>
      %sign3A_2315 = arith.cmpi sgt, %iota3A, %sign3A_2314 : vector<16xi32>
      %sign3A_2316 = arith.extui %sign3A_2315 : vector<16xi1> to vector<16xi32>
      %sign3A_2317 = arith.constant 0 : i32
      %sign3A_2318 = vector.broadcast %sign3A_2317 : i32 to vector<16xi32>
      %sign3A_2319 = arith.cmpi slt, %iota3A, %sign3A_2318 : vector<16xi32>
      %sign3A_2320 = arith.extui %sign3A_2319 : vector<16xi1> to vector<16xi32>
      %sign3A_2321 = arith.subi %sign3A_2316, %sign3A_2320 : vector<16xi32>
      %sign3A_2322 = arith.constant 0 : i32
      %sign3A_2323 = arith.cmpi sgt, %jit3A_2310, %sign3A_2322 : i32
      %sign3A_2324 = arith.extui %sign3A_2323 : i1 to i32
      %sign3A_2325 = arith.constant 0 : i32
      %sign3A_2326 = arith.cmpi slt, %jit3A_2310, %sign3A_2325 : i32
      %sign3A_2327 = arith.extui %sign3A_2326 : i1 to i32
      %sign3A_2328 = arith.subi %sign3A_2324, %sign3A_2327 : i32
      %ne3A_2329 = vector.broadcast %sign3A_2328 : i32 to vector<16xi32>
      %ne3A_2330 = arith.cmpi ne, %sign3A_2321, %ne3A_2329 : vector<16xi32>
      %rem3A_2331 = vector.broadcast %jit3A_2310 : i32 to vector<16xi32>
      %rem3A_2332 = arith.remsi %iota3A, %rem3A_2331 : vector<16xi32>
      %ne3A_2333 = arith.constant 0 : i32
      %ne3A_2334 = vector.broadcast %ne3A_2333 : i32 to vector<16xi32>
      %ne3A_2335 = arith.cmpi ne, %rem3A_2332, %ne3A_2334 : vector<16xi32>
      %and3A_2336 = arith.andi %ne3A_2330, %ne3A_2335 : vector<16xi1>
      %sub3A_2337 = arith.constant 1 : i32
      %sub3A_2338 = vector.broadcast %sub3A_2337 : i32 to vector<16xi32>
      %sub3A_2339 = arith.subi %div3A_2312, %sub3A_2338 : vector<16xi32>
      %select_n3A_2340 = arith.select %and3A_2336, %sub3A_2339, %div3A_2312 : vector<16xi1>, vector<16xi32>
      %add3A_2341 = arith.constant 0 : i32
      %add3A_2342 = vector.broadcast %add3A_2341 : i32 to vector<16xi32>
      %add3A_2343 = arith.addi %add3A_2342, %select_n3A_2340 : vector<16xi32>
      %jit3A_2344 = arith.constant 8 : i32
      %eq3A_2345 = arith.constant 0 : i32
      %eq3A_2346 = arith.cmpi eq, %jit3A_2344, %eq3A_2345 : i32
      %jit3A_2347 = arith.constant 1 : i32
      %select_n3A_2348 = arith.select %eq3A_2346, %jit3A_2347, %jit3A_2344 : i32
      %rem3A_2349 = vector.broadcast %select_n3A_2348 : i32 to vector<16xi32>
      %rem3A_2350 = arith.remsi %iota3A, %rem3A_2349 : vector<16xi32>
      %ne3A_2351 = arith.constant 0 : i32
      %ne3A_2352 = vector.broadcast %ne3A_2351 : i32 to vector<16xi32>
      %ne3A_2353 = arith.cmpi ne, %rem3A_2350, %ne3A_2352 : vector<16xi32>
      %lt3A_2354 = arith.constant 0 : i32
      %lt3A_2355 = vector.broadcast %lt3A_2354 : i32 to vector<16xi32>
      %lt3A_2356 = arith.cmpi slt, %rem3A_2350, %lt3A_2355 : vector<16xi32>
      %lt3A_2357 = arith.constant 0 : i32
      %lt3A_2358 = arith.cmpi slt, %select_n3A_2348, %lt3A_2357 : i32
      %ne3A_2359 = vector.broadcast %lt3A_2358 : i1 to vector<16xi1>
      %ne3A_2360 = vector.broadcast %ne3A_2359 : vector<16xi1> to vector<16xi1>
      %ne3A_2361 = arith.xori %lt3A_2356, %ne3A_2360 : vector<16xi1>
      %and3A_2362 = arith.andi %ne3A_2361, %ne3A_2353 : vector<16xi1>
      %add3A_2363 = vector.broadcast %select_n3A_2348 : i32 to vector<16xi32>
      %add3A_2364 = arith.addi %rem3A_2350, %add3A_2363 : vector<16xi32>
      %select_n3A_2365 = arith.select %and3A_2362, %add3A_2364, %rem3A_2350 : vector<16xi1>, vector<16xi32>
      %add3A_2366 = arith.constant 0 : i32
      %add3A_2367 = vector.broadcast %add3A_2366 : i32 to vector<16xi32>
      %add3A_2368 = arith.addi %add3A_2367, %select_n3A_2365 : vector<16xi32>
      %gather3A_2369 = tpu.vector_load_idx %arg6[%add3A_2368, %add3A_2343] : memref<64x8xi32, #tpu.memory_space<vmem>>[vector<16xi32>, vector<16xi32>], vector<16xi32>,
      %mul3A_2370 = arith.constant 8192 : i32
      %mul3A_2371 = vector.broadcast %mul3A_2370 : i32 to vector<16xi32>
      %mul3A_2372 = arith.muli %add3A_2343, %mul3A_2371 : vector<16xi32>
      %add3A_2373 = arith.addi %gather3A_2369, %mul3A_2372 : vector<16xi32>
      %swap3A_2374 = arith.constant 0 : index
      %swap3A_2375 = tpu.vector_load %arg7[%swap3A_2374] {strides = array<i32>} : memref<128xi32, #tpu.memory_space<vmem>>, vector<16xi32>,
      tpu.vector_store %arg7[%swap3A_2374], %add3A_2373 {strides = array<i32>} : memref<128xi32, #tpu.memory_space<vmem>>, vector<16xi32>,
      %jit3A_2376 = arith.constant 8 : i32
      %div3A_2377 = vector.broadcast %jit3A_2376 : i32 to vector<16xi32>
      %div3A_2378 = arith.divsi %iota3A, %div3A_2377 : vector<16xi32>
      %sign3A_2379 = arith.constant 0 : i32
      %sign3A_2380 = vector.broadcast %sign3A_2379 : i32 to vector<16xi32>
      %sign3A_2381 = arith.cmpi sgt, %iota3A, %sign3A_2380 : vector<16xi32>
      %sign3A_2382 = arith.extui %sign3A_2381 : vector<16xi1> to vector<16xi32>
      %sign3A_2383 = arith.constant 0 : i32
      %sign3A_2384 = vector.broadcast %sign3A_2383 : i32 to vector<16xi32>
      %sign3A_2385 = arith.cmpi slt, %iota3A, %sign3A_2384 : vector<16xi32>
      %sign3A_2386 = arith.extui %sign3A_2385 : vector<16xi1> to vector<16xi32>
      %sign3A_2387 = arith.subi %sign3A_2382, %sign3A_2386 : vector<16xi32>
      %sign3A_2388 = arith.constant 0 : i32
      %sign3A_2389 = arith.cmpi sgt, %jit3A_2376, %sign3A_2388 : i32
      %sign3A_2390 = arith.extui %sign3A_2389 : i1 to i32
      %sign3A_2391 = arith.constant 0 : i32
      %sign3A_2392 = arith.cmpi slt, %jit3A_2376, %sign3A_2391 : i32
      %sign3A_2393 = arith.extui %sign3A_2392 : i1 to i32
      %sign3A_2394 = arith.subi %sign3A_2390, %sign3A_2393 : i32
      %ne3A_2395 = vector.broadcast %sign3A_2394 : i32 to vector<16xi32>
      %ne3A_2396 = arith.cmpi ne, %sign3A_2387, %ne3A_2395 : vector<16xi32>
      %rem3A_2397 = vector.broadcast %jit3A_2376 : i32 to vector<16xi32>
      %rem3A_2398 = arith.remsi %iota3A, %rem3A_2397 : vector<16xi32>
      %ne3A_2399 = arith.constant 0 : i32
      %ne3A_2400 = vector.broadcast %ne3A_2399 : i32 to vector<16xi32>
      %ne3A_2401 = arith.cmpi ne, %rem3A_2398, %ne3A_2400 : vector<16xi32>
      %and3A_2402 = arith.andi %ne3A_2396, %ne3A_2401 : vector<16xi1>
      %sub3A_2403 = arith.constant 1 : i32
      %sub3A_2404 = vector.broadcast %sub3A_2403 : i32 to vector<16xi32>
      %sub3A_2405 = arith.subi %div3A_2378, %sub3A_2404 : vector<16xi32>
      %select_n3A_2406 = arith.select %and3A_2402, %sub3A_2405, %div3A_2378 : vector<16xi1>, vector<16xi32>
      %add3A_2407 = arith.constant 2 : i32
      %add3A_2408 = vector.broadcast %add3A_2407 : i32 to vector<16xi32>
      %add3A_2409 = arith.addi %add3A_2408, %select_n3A_2406 : vector<16xi32>
      %jit3A_2410 = arith.constant 8 : i32
      %eq3A_2411 = arith.constant 0 : i32
      %eq3A_2412 = arith.cmpi eq, %jit3A_2410, %eq3A_2411 : i32
      %jit3A_2413 = arith.constant 1 : i32
      %select_n3A_2414 = arith.select %eq3A_2412, %jit3A_2413, %jit3A_2410 : i32
      %rem3A_2415 = vector.broadcast %select_n3A_2414 : i32 to vector<16xi32>
      %rem3A_2416 = arith.remsi %iota3A, %rem3A_2415 : vector<16xi32>
      %ne3A_2417 = arith.constant 0 : i32
      %ne3A_2418 = vector.broadcast %ne3A_2417 : i32 to vector<16xi32>
      %ne3A_2419 = arith.cmpi ne, %rem3A_2416, %ne3A_2418 : vector<16xi32>
      %lt3A_2420 = arith.constant 0 : i32
      %lt3A_2421 = vector.broadcast %lt3A_2420 : i32 to vector<16xi32>
      %lt3A_2422 = arith.cmpi slt, %rem3A_2416, %lt3A_2421 : vector<16xi32>
      %lt3A_2423 = arith.constant 0 : i32
      %lt3A_2424 = arith.cmpi slt, %select_n3A_2414, %lt3A_2423 : i32
      %ne3A_2425 = vector.broadcast %lt3A_2424 : i1 to vector<16xi1>
      %ne3A_2426 = vector.broadcast %ne3A_2425 : vector<16xi1> to vector<16xi1>
      %ne3A_2427 = arith.xori %lt3A_2422, %ne3A_2426 : vector<16xi1>
      %and3A_2428 = arith.andi %ne3A_2427, %ne3A_2419 : vector<16xi1>
      %add3A_2429 = vector.broadcast %select_n3A_2414 : i32 to vector<16xi32>
      %add3A_2430 = arith.addi %rem3A_2416, %add3A_2429 : vector<16xi32>
      %select_n3A_2431 = arith.select %and3A_2428, %add3A_2430, %rem3A_2416 : vector<16xi1>, vector<16xi32>
      %add3A_2432 = arith.constant 0 : i32
      %add3A_2433 = vector.broadcast %add3A_2432 : i32 to vector<16xi32>
      %add3A_2434 = arith.addi %add3A_2433, %select_n3A_2431 : vector<16xi32>
      %gather3A_2435 = tpu.vector_load_idx %arg6[%add3A_2434, %add3A_2409] : memref<64x8xi32, #tpu.memory_space<vmem>>[vector<16xi32>, vector<16xi32>], vector<16xi32>,
      %mul3A_2436 = arith.constant 8192 : i32
      %mul3A_2437 = vector.broadcast %mul3A_2436 : i32 to vector<16xi32>
      %mul3A_2438 = arith.muli %add3A_2409, %mul3A_2437 : vector<16xi32>
      %add3A_2439 = arith.addi %gather3A_2435, %mul3A_2438 : vector<16xi32>
      %swap3A_2440 = arith.constant 16 : index
      %swap3A_2441 = tpu.vector_load %arg7[%swap3A_2440] {strides = array<i32>} : memref<128xi32, #tpu.memory_space<vmem>>, vector<16xi32>,
      tpu.vector_store %arg7[%swap3A_2440], %add3A_2439 {strides = array<i32>} : memref<128xi32, #tpu.memory_space<vmem>>, vector<16xi32>,
      %jit3A_2442 = arith.constant 8 : i32
      %div3A_2443 = vector.broadcast %jit3A_2442 : i32 to vector<16xi32>
      %div3A_2444 = arith.divsi %iota3A, %div3A_2443 : vector<16xi32>
      %sign3A_2445 = arith.constant 0 : i32
      %sign3A_2446 = vector.broadcast %sign3A_2445 : i32 to vector<16xi32>
      %sign3A_2447 = arith.cmpi sgt, %iota3A, %sign3A_2446 : vector<16xi32>
      %sign3A_2448 = arith.extui %sign3A_2447 : vector<16xi1> to vector<16xi32>
      %sign3A_2449 = arith.constant 0 : i32
      %sign3A_2450 = vector.broadcast %sign3A_2449 : i32 to vector<16xi32>
      %sign3A_2451 = arith.cmpi slt, %iota3A, %sign3A_2450 : vector<16xi32>
      %sign3A_2452 = arith.extui %sign3A_2451 : vector<16xi1> to vector<16xi32>
      %sign3A_2453 = arith.subi %sign3A_2448, %sign3A_2452 : vector<16xi32>
      %sign3A_2454 = arith.constant 0 : i32
      %sign3A_2455 = arith.cmpi sgt, %jit3A_2442, %sign3A_2454 : i32
      %sign3A_2456 = arith.extui %sign3A_2455 : i1 to i32
      %sign3A_2457 = arith.constant 0 : i32
      %sign3A_2458 = arith.cmpi slt, %jit3A_2442, %sign3A_2457 : i32
      %sign3A_2459 = arith.extui %sign3A_2458 : i1 to i32
      %sign3A_2460 = arith.subi %sign3A_2456, %sign3A_2459 : i32
      %ne3A_2461 = vector.broadcast %sign3A_2460 : i32 to vector<16xi32>
      %ne3A_2462 = arith.cmpi ne, %sign3A_2453, %ne3A_2461 : vector<16xi32>
      %rem3A_2463 = vector.broadcast %jit3A_2442 : i32 to vector<16xi32>
      %rem3A_2464 = arith.remsi %iota3A, %rem3A_2463 : vector<16xi32>
      %ne3A_2465 = arith.constant 0 : i32
      %ne3A_2466 = vector.broadcast %ne3A_2465 : i32 to vector<16xi32>
      %ne3A_2467 = arith.cmpi ne, %rem3A_2464, %ne3A_2466 : vector<16xi32>
      %and3A_2468 = arith.andi %ne3A_2462, %ne3A_2467 : vector<16xi1>
      %sub3A_2469 = arith.constant 1 : i32
      %sub3A_2470 = vector.broadcast %sub3A_2469 : i32 to vector<16xi32>
      %sub3A_2471 = arith.subi %div3A_2444, %sub3A_2470 : vector<16xi32>
      %select_n3A_2472 = arith.select %and3A_2468, %sub3A_2471, %div3A_2444 : vector<16xi1>, vector<16xi32>
      %add3A_2473 = arith.constant 4 : i32
      %add3A_2474 = vector.broadcast %add3A_2473 : i32 to vector<16xi32>
      %add3A_2475 = arith.addi %add3A_2474, %select_n3A_2472 : vector<16xi32>
      %jit3A_2476 = arith.constant 8 : i32
      %eq3A_2477 = arith.constant 0 : i32
      %eq3A_2478 = arith.cmpi eq, %jit3A_2476, %eq3A_2477 : i32
      %jit3A_2479 = arith.constant 1 : i32
      %select_n3A_2480 = arith.select %eq3A_2478, %jit3A_2479, %jit3A_2476 : i32
      %rem3A_2481 = vector.broadcast %select_n3A_2480 : i32 to vector<16xi32>
      %rem3A_2482 = arith.remsi %iota3A, %rem3A_2481 : vector<16xi32>
      %ne3A_2483 = arith.constant 0 : i32
      %ne3A_2484 = vector.broadcast %ne3A_2483 : i32 to vector<16xi32>
      %ne3A_2485 = arith.cmpi ne, %rem3A_2482, %ne3A_2484 : vector<16xi32>
      %lt3A_2486 = arith.constant 0 : i32
      %lt3A_2487 = vector.broadcast %lt3A_2486 : i32 to vector<16xi32>
      %lt3A_2488 = arith.cmpi slt, %rem3A_2482, %lt3A_2487 : vector<16xi32>
      %lt3A_2489 = arith.constant 0 : i32
      %lt3A_2490 = arith.cmpi slt, %select_n3A_2480, %lt3A_2489 : i32
      %ne3A_2491 = vector.broadcast %lt3A_2490 : i1 to vector<16xi1>
      %ne3A_2492 = vector.broadcast %ne3A_2491 : vector<16xi1> to vector<16xi1>
      %ne3A_2493 = arith.xori %lt3A_2488, %ne3A_2492 : vector<16xi1>
      %and3A_2494 = arith.andi %ne3A_2493, %ne3A_2485 : vector<16xi1>
      %add3A_2495 = vector.broadcast %select_n3A_2480 : i32 to vector<16xi32>
      %add3A_2496 = arith.addi %rem3A_2482, %add3A_2495 : vector<16xi32>
      %select_n3A_2497 = arith.select %and3A_2494, %add3A_2496, %rem3A_2482 : vector<16xi1>, vector<16xi32>
      %add3A_2498 = arith.constant 0 : i32
      %add3A_2499 = vector.broadcast %add3A_2498 : i32 to vector<16xi32>
      %add3A_2500 = arith.addi %add3A_2499, %select_n3A_2497 : vector<16xi32>
      %gather3A_2501 = tpu.vector_load_idx %arg6[%add3A_2500, %add3A_2475] : memref<64x8xi32, #tpu.memory_space<vmem>>[vector<16xi32>, vector<16xi32>], vector<16xi32>,
      %mul3A_2502 = arith.constant 8192 : i32
      %mul3A_2503 = vector.broadcast %mul3A_2502 : i32 to vector<16xi32>
      %mul3A_2504 = arith.muli %add3A_2475, %mul3A_2503 : vector<16xi32>
      %add3A_2505 = arith.addi %gather3A_2501, %mul3A_2504 : vector<16xi32>
      %swap3A_2506 = arith.constant 32 : index
      %swap3A_2507 = tpu.vector_load %arg7[%swap3A_2506] {strides = array<i32>} : memref<128xi32, #tpu.memory_space<vmem>>, vector<16xi32>,
      tpu.vector_store %arg7[%swap3A_2506], %add3A_2505 {strides = array<i32>} : memref<128xi32, #tpu.memory_space<vmem>>, vector<16xi32>,
      %jit3A_2508 = arith.constant 8 : i32
      %div3A_2509 = vector.broadcast %jit3A_2508 : i32 to vector<16xi32>
      %div3A_2510 = arith.divsi %iota3A, %div3A_2509 : vector<16xi32>
      %sign3A_2511 = arith.constant 0 : i32
      %sign3A_2512 = vector.broadcast %sign3A_2511 : i32 to vector<16xi32>
      %sign3A_2513 = arith.cmpi sgt, %iota3A, %sign3A_2512 : vector<16xi32>
      %sign3A_2514 = arith.extui %sign3A_2513 : vector<16xi1> to vector<16xi32>
      %sign3A_2515 = arith.constant 0 : i32
      %sign3A_2516 = vector.broadcast %sign3A_2515 : i32 to vector<16xi32>
      %sign3A_2517 = arith.cmpi slt, %iota3A, %sign3A_2516 : vector<16xi32>
      %sign3A_2518 = arith.extui %sign3A_2517 : vector<16xi1> to vector<16xi32>
      %sign3A_2519 = arith.subi %sign3A_2514, %sign3A_2518 : vector<16xi32>
      %sign3A_2520 = arith.constant 0 : i32
      %sign3A_2521 = arith.cmpi sgt, %jit3A_2508, %sign3A_2520 : i32
      %sign3A_2522 = arith.extui %sign3A_2521 : i1 to i32
      %sign3A_2523 = arith.constant 0 : i32
      %sign3A_2524 = arith.cmpi slt, %jit3A_2508, %sign3A_2523 : i32
      %sign3A_2525 = arith.extui %sign3A_2524 : i1 to i32
      %sign3A_2526 = arith.subi %sign3A_2522, %sign3A_2525 : i32
      %ne3A_2527 = vector.broadcast %sign3A_2526 : i32 to vector<16xi32>
      %ne3A_2528 = arith.cmpi ne, %sign3A_2519, %ne3A_2527 : vector<16xi32>
      %rem3A_2529 = vector.broadcast %jit3A_2508 : i32 to vector<16xi32>
      %rem3A_2530 = arith.remsi %iota3A, %rem3A_2529 : vector<16xi32>
      %ne3A_2531 = arith.constant 0 : i32
      %ne3A_2532 = vector.broadcast %ne3A_2531 : i32 to vector<16xi32>
      %ne3A_2533 = arith.cmpi ne, %rem3A_2530, %ne3A_2532 : vector<16xi32>
      %and3A_2534 = arith.andi %ne3A_2528, %ne3A_2533 : vector<16xi1>
      %sub3A_2535 = arith.constant 1 : i32
      %sub3A_2536 = vector.broadcast %sub3A_2535 : i32 to vector<16xi32>
      %sub3A_2537 = arith.subi %div3A_2510, %sub3A_2536 : vector<16xi32>
      %select_n3A_2538 = arith.select %and3A_2534, %sub3A_2537, %div3A_2510 : vector<16xi1>, vector<16xi32>
      %add3A_2539 = arith.constant 6 : i32
      %add3A_2540 = vector.broadcast %add3A_2539 : i32 to vector<16xi32>
      %add3A_2541 = arith.addi %add3A_2540, %select_n3A_2538 : vector<16xi32>
      %jit3A_2542 = arith.constant 8 : i32
      %eq3A_2543 = arith.constant 0 : i32
      %eq3A_2544 = arith.cmpi eq, %jit3A_2542, %eq3A_2543 : i32
      %jit3A_2545 = arith.constant 1 : i32
      %select_n3A_2546 = arith.select %eq3A_2544, %jit3A_2545, %jit3A_2542 : i32
      %rem3A_2547 = vector.broadcast %select_n3A_2546 : i32 to vector<16xi32>
      %rem3A_2548 = arith.remsi %iota3A, %rem3A_2547 : vector<16xi32>
      %ne3A_2549 = arith.constant 0 : i32
      %ne3A_2550 = vector.broadcast %ne3A_2549 : i32 to vector<16xi32>
      %ne3A_2551 = arith.cmpi ne, %rem3A_2548, %ne3A_2550 : vector<16xi32>
      %lt3A_2552 = arith.constant 0 : i32
      %lt3A_2553 = vector.broadcast %lt3A_2552 : i32 to vector<16xi32>
      %lt3A_2554 = arith.cmpi slt, %rem3A_2548, %lt3A_2553 : vector<16xi32>
      %lt3A_2555 = arith.constant 0 : i32
      %lt3A_2556 = arith.cmpi slt, %select_n3A_2546, %lt3A_2555 : i32
      %ne3A_2557 = vector.broadcast %lt3A_2556 : i1 to vector<16xi1>
      %ne3A_2558 = vector.broadcast %ne3A_2557 : vector<16xi1> to vector<16xi1>
      %ne3A_2559 = arith.xori %lt3A_2554, %ne3A_2558 : vector<16xi1>
      %and3A_2560 = arith.andi %ne3A_2559, %ne3A_2551 : vector<16xi1>
      %add3A_2561 = vector.broadcast %select_n3A_2546 : i32 to vector<16xi32>
      %add3A_2562 = arith.addi %rem3A_2548, %add3A_2561 : vector<16xi32>
      %select_n3A_2563 = arith.select %and3A_2560, %add3A_2562, %rem3A_2548 : vector<16xi1>, vector<16xi32>
      %add3A_2564 = arith.constant 0 : i32
      %add3A_2565 = vector.broadcast %add3A_2564 : i32 to vector<16xi32>
      %add3A_2566 = arith.addi %add3A_2565, %select_n3A_2563 : vector<16xi32>
      %gather3A_2567 = tpu.vector_load_idx %arg6[%add3A_2566, %add3A_2541] : memref<64x8xi32, #tpu.memory_space<vmem>>[vector<16xi32>, vector<16xi32>], vector<16xi32>,
      %mul3A_2568 = arith.constant 8192 : i32
      %mul3A_2569 = vector.broadcast %mul3A_2568 : i32 to vector<16xi32>
      %mul3A_2570 = arith.muli %add3A_2541, %mul3A_2569 : vector<16xi32>
      %add3A_2571 = arith.addi %gather3A_2567, %mul3A_2570 : vector<16xi32>
      %swap3A_2572 = arith.constant 48 : index
      %swap3A_2573 = tpu.vector_load %arg7[%swap3A_2572] {strides = array<i32>} : memref<128xi32, #tpu.memory_space<vmem>>, vector<16xi32>,
      tpu.vector_store %arg7[%swap3A_2572], %add3A_2571 {strides = array<i32>} : memref<128xi32, #tpu.memory_space<vmem>>, vector<16xi32>,
      %jit3A_2574 = arith.constant 8 : i32
      %div3A_2575 = vector.broadcast %jit3A_2574 : i32 to vector<16xi32>
      %div3A_2576 = arith.divsi %iota3A, %div3A_2575 : vector<16xi32>
      %sign3A_2577 = arith.constant 0 : i32
      %sign3A_2578 = vector.broadcast %sign3A_2577 : i32 to vector<16xi32>
      %sign3A_2579 = arith.cmpi sgt, %iota3A, %sign3A_2578 : vector<16xi32>
      %sign3A_2580 = arith.extui %sign3A_2579 : vector<16xi1> to vector<16xi32>
      %sign3A_2581 = arith.constant 0 : i32
      %sign3A_2582 = vector.broadcast %sign3A_2581 : i32 to vector<16xi32>
      %sign3A_2583 = arith.cmpi slt, %iota3A, %sign3A_2582 : vector<16xi32>
      %sign3A_2584 = arith.extui %sign3A_2583 : vector<16xi1> to vector<16xi32>
      %sign3A_2585 = arith.subi %sign3A_2580, %sign3A_2584 : vector<16xi32>
      %sign3A_2586 = arith.constant 0 : i32
      %sign3A_2587 = arith.cmpi sgt, %jit3A_2574, %sign3A_2586 : i32
      %sign3A_2588 = arith.extui %sign3A_2587 : i1 to i32
      %sign3A_2589 = arith.constant 0 : i32
      %sign3A_2590 = arith.cmpi slt, %jit3A_2574, %sign3A_2589 : i32
      %sign3A_2591 = arith.extui %sign3A_2590 : i1 to i32
      %sign3A_2592 = arith.subi %sign3A_2588, %sign3A_2591 : i32
      %ne3A_2593 = vector.broadcast %sign3A_2592 : i32 to vector<16xi32>
      %ne3A_2594 = arith.cmpi ne, %sign3A_2585, %ne3A_2593 : vector<16xi32>
      %rem3A_2595 = vector.broadcast %jit3A_2574 : i32 to vector<16xi32>
      %rem3A_2596 = arith.remsi %iota3A, %rem3A_2595 : vector<16xi32>
      %ne3A_2597 = arith.constant 0 : i32
      %ne3A_2598 = vector.broadcast %ne3A_2597 : i32 to vector<16xi32>
      %ne3A_2599 = arith.cmpi ne, %rem3A_2596, %ne3A_2598 : vector<16xi32>
      %and3A_2600 = arith.andi %ne3A_2594, %ne3A_2599 : vector<16xi1>
      %sub3A_2601 = arith.constant 1 : i32
      %sub3A_2602 = vector.broadcast %sub3A_2601 : i32 to vector<16xi32>
      %sub3A_2603 = arith.subi %div3A_2576, %sub3A_2602 : vector<16xi32>
      %select_n3A_2604 = arith.select %and3A_2600, %sub3A_2603, %div3A_2576 : vector<16xi1>, vector<16xi32>
      %add3A_2605 = arith.constant 0 : i32
      %add3A_2606 = vector.broadcast %add3A_2605 : i32 to vector<16xi32>
      %add3A_2607 = arith.addi %add3A_2606, %select_n3A_2604 : vector<16xi32>
      %jit3A_2608 = arith.constant 8 : i32
      %eq3A_2609 = arith.constant 0 : i32
      %eq3A_2610 = arith.cmpi eq, %jit3A_2608, %eq3A_2609 : i32
      %jit3A_2611 = arith.constant 1 : i32
      %select_n3A_2612 = arith.select %eq3A_2610, %jit3A_2611, %jit3A_2608 : i32
      %rem3A_2613 = vector.broadcast %select_n3A_2612 : i32 to vector<16xi32>
      %rem3A_2614 = arith.remsi %iota3A, %rem3A_2613 : vector<16xi32>
      %ne3A_2615 = arith.constant 0 : i32
      %ne3A_2616 = vector.broadcast %ne3A_2615 : i32 to vector<16xi32>
      %ne3A_2617 = arith.cmpi ne, %rem3A_2614, %ne3A_2616 : vector<16xi32>
      %lt3A_2618 = arith.constant 0 : i32
      %lt3A_2619 = vector.broadcast %lt3A_2618 : i32 to vector<16xi32>
      %lt3A_2620 = arith.cmpi slt, %rem3A_2614, %lt3A_2619 : vector<16xi32>
      %lt3A_2621 = arith.constant 0 : i32
      %lt3A_2622 = arith.cmpi slt, %select_n3A_2612, %lt3A_2621 : i32
      %ne3A_2623 = vector.broadcast %lt3A_2622 : i1 to vector<16xi1>
      %ne3A_2624 = vector.broadcast %ne3A_2623 : vector<16xi1> to vector<16xi1>
      %ne3A_2625 = arith.xori %lt3A_2620, %ne3A_2624 : vector<16xi1>
      %and3A_2626 = arith.andi %ne3A_2625, %ne3A_2617 : vector<16xi1>
      %add3A_2627 = vector.broadcast %select_n3A_2612 : i32 to vector<16xi32>
      %add3A_2628 = arith.addi %rem3A_2614, %add3A_2627 : vector<16xi32>
      %select_n3A_2629 = arith.select %and3A_2626, %add3A_2628, %rem3A_2614 : vector<16xi1>, vector<16xi32>
      %add3A_2630 = arith.constant 8 : i32
      %add3A_2631 = vector.broadcast %add3A_2630 : i32 to vector<16xi32>
      %add3A_2632 = arith.addi %add3A_2631, %select_n3A_2629 : vector<16xi32>
      %gather3A_2633 = tpu.vector_load_idx %arg6[%add3A_2632, %add3A_2607] : memref<64x8xi32, #tpu.memory_space<vmem>>[vector<16xi32>, vector<16xi32>], vector<16xi32>,
      %mul3A_2634 = arith.constant 8192 : i32
      %mul3A_2635 = vector.broadcast %mul3A_2634 : i32 to vector<16xi32>
      %mul3A_2636 = arith.muli %add3A_2607, %mul3A_2635 : vector<16xi32>
      %add3A_2637 = arith.addi %gather3A_2633, %mul3A_2636 : vector<16xi32>
      %swap3A_2638 = arith.constant 64 : index
      %swap3A_2639 = tpu.vector_load %arg7[%swap3A_2638] {strides = array<i32>} : memref<128xi32, #tpu.memory_space<vmem>>, vector<16xi32>,
      tpu.vector_store %arg7[%swap3A_2638], %add3A_2637 {strides = array<i32>} : memref<128xi32, #tpu.memory_space<vmem>>, vector<16xi32>,
      %jit3A_2640 = arith.constant 8 : i32
      %div3A_2641 = vector.broadcast %jit3A_2640 : i32 to vector<16xi32>
      %div3A_2642 = arith.divsi %iota3A, %div3A_2641 : vector<16xi32>
      %sign3A_2643 = arith.constant 0 : i32
      %sign3A_2644 = vector.broadcast %sign3A_2643 : i32 to vector<16xi32>
      %sign3A_2645 = arith.cmpi sgt, %iota3A, %sign3A_2644 : vector<16xi32>
      %sign3A_2646 = arith.extui %sign3A_2645 : vector<16xi1> to vector<16xi32>
      %sign3A_2647 = arith.constant 0 : i32
      %sign3A_2648 = vector.broadcast %sign3A_2647 : i32 to vector<16xi32>
      %sign3A_2649 = arith.cmpi slt, %iota3A, %sign3A_2648 : vector<16xi32>
      %sign3A_2650 = arith.extui %sign3A_2649 : vector<16xi1> to vector<16xi32>
      %sign3A_2651 = arith.subi %sign3A_2646, %sign3A_2650 : vector<16xi32>
      %sign3A_2652 = arith.constant 0 : i32
      %sign3A_2653 = arith.cmpi sgt, %jit3A_2640, %sign3A_2652 : i32
      %sign3A_2654 = arith.extui %sign3A_2653 : i1 to i32
      %sign3A_2655 = arith.constant 0 : i32
      %sign3A_2656 = arith.cmpi slt, %jit3A_2640, %sign3A_2655 : i32
      %sign3A_2657 = arith.extui %sign3A_2656 : i1 to i32
      %sign3A_2658 = arith.subi %sign3A_2654, %sign3A_2657 : i32
      %ne3A_2659 = vector.broadcast %sign3A_2658 : i32 to vector<16xi32>
      %ne3A_2660 = arith.cmpi ne, %sign3A_2651, %ne3A_2659 : vector<16xi32>
      %rem3A_2661 = vector.broadcast %jit3A_2640 : i32 to vector<16xi32>
      %rem3A_2662 = arith.remsi %iota3A, %rem3A_2661 : vector<16xi32>
      %ne3A_2663 = arith.constant 0 : i32
      %ne3A_2664 = vector.broadcast %ne3A_2663 : i32 to vector<16xi32>
      %ne3A_2665 = arith.cmpi ne, %rem3A_2662, %ne3A_2664 : vector<16xi32>
      %and3A_2666 = arith.andi %ne3A_2660, %ne3A_2665 : vector<16xi1>
      %sub3A_2667 = arith.constant 1 : i32
      %sub3A_2668 = vector.broadcast %sub3A_2667 : i32 to vector<16xi32>
      %sub3A_2669 = arith.subi %div3A_2642, %sub3A_2668 : vector<16xi32>
      %select_n3A_2670 = arith.select %and3A_2666, %sub3A_2669, %div3A_2642 : vector<16xi1>, vector<16xi32>
      %add3A_2671 = arith.constant 2 : i32
      %add3A_2672 = vector.broadcast %add3A_2671 : i32 to vector<16xi32>
      %add3A_2673 = arith.addi %add3A_2672, %select_n3A_2670 : vector<16xi32>
      %jit3A_2674 = arith.constant 8 : i32
      %eq3A_2675 = arith.constant 0 : i32
      %eq3A_2676 = arith.cmpi eq, %jit3A_2674, %eq3A_2675 : i32
      %jit3A_2677 = arith.constant 1 : i32
      %select_n3A_2678 = arith.select %eq3A_2676, %jit3A_2677, %jit3A_2674 : i32
      %rem3A_2679 = vector.broadcast %select_n3A_2678 : i32 to vector<16xi32>
      %rem3A_2680 = arith.remsi %iota3A, %rem3A_2679 : vector<16xi32>
      %ne3A_2681 = arith.constant 0 : i32
      %ne3A_2682 = vector.broadcast %ne3A_2681 : i32 to vector<16xi32>
      %ne3A_2683 = arith.cmpi ne, %rem3A_2680, %ne3A_2682 : vector<16xi32>
      %lt3A_2684 = arith.constant 0 : i32
      %lt3A_2685 = vector.broadcast %lt3A_2684 : i32 to vector<16xi32>
      %lt3A_2686 = arith.cmpi slt, %rem3A_2680, %lt3A_2685 : vector<16xi32>
      %lt3A_2687 = arith.constant 0 : i32
      %lt3A_2688 = arith.cmpi slt, %select_n3A_2678, %lt3A_2687 : i32
      %ne3A_2689 = vector.broadcast %lt3A_2688 : i1 to vector<16xi1>
      %ne3A_2690 = vector.broadcast %ne3A_2689 : vector<16xi1> to vector<16xi1>
      %ne3A_2691 = arith.xori %lt3A_2686, %ne3A_2690 : vector<16xi1>
      %and3A_2692 = arith.andi %ne3A_2691, %ne3A_2683 : vector<16xi1>
      %add3A_2693 = vector.broadcast %select_n3A_2678 : i32 to vector<16xi32>
      %add3A_2694 = arith.addi %rem3A_2680, %add3A_2693 : vector<16xi32>
      %select_n3A_2695 = arith.select %and3A_2692, %add3A_2694, %rem3A_2680 : vector<16xi1>, vector<16xi32>
      %add3A_2696 = arith.constant 8 : i32
      %add3A_2697 = vector.broadcast %add3A_2696 : i32 to vector<16xi32>
      %add3A_2698 = arith.addi %add3A_2697, %select_n3A_2695 : vector<16xi32>
      %gather3A_2699 = tpu.vector_load_idx %arg6[%add3A_2698, %add3A_2673] : memref<64x8xi32, #tpu.memory_space<vmem>>[vector<16xi32>, vector<16xi32>], vector<16xi32>,
      %mul3A_2700 = arith.constant 8192 : i32
      %mul3A_2701 = vector.broadcast %mul3A_2700 : i32 to vector<16xi32>
      %mul3A_2702 = arith.muli %add3A_2673, %mul3A_2701 : vector<16xi32>
      %add3A_2703 = arith.addi %gather3A_2699, %mul3A_2702 : vector<16xi32>
      %swap3A_2704 = arith.constant 80 : index
      %swap3A_2705 = tpu.vector_load %arg7[%swap3A_2704] {strides = array<i32>} : memref<128xi32, #tpu.memory_space<vmem>>, vector<16xi32>,
      tpu.vector_store %arg7[%swap3A_2704], %add3A_2703 {strides = array<i32>} : memref<128xi32, #tpu.memory_space<vmem>>, vector<16xi32>,
      %jit3A_2706 = arith.constant 8 : i32
      %div3A_2707 = vector.broadcast %jit3A_2706 : i32 to vector<16xi32>
      %div3A_2708 = arith.divsi %iota3A, %div3A_2707 : vector<16xi32>
      %sign3A_2709 = arith.constant 0 : i32
      %sign3A_2710 = vector.broadcast %sign3A_2709 : i32 to vector<16xi32>
      %sign3A_2711 = arith.cmpi sgt, %iota3A, %sign3A_2710 : vector<16xi32>
      %sign3A_2712 = arith.extui %sign3A_2711 : vector<16xi1> to vector<16xi32>
      %sign3A_2713 = arith.constant 0 : i32
      %sign3A_2714 = vector.broadcast %sign3A_2713 : i32 to vector<16xi32>
      %sign3A_2715 = arith.cmpi slt, %iota3A, %sign3A_2714 : vector<16xi32>
      %sign3A_2716 = arith.extui %sign3A_2715 : vector<16xi1> to vector<16xi32>
      %sign3A_2717 = arith.subi %sign3A_2712, %sign3A_2716 : vector<16xi32>
      %sign3A_2718 = arith.constant 0 : i32
      %sign3A_2719 = arith.cmpi sgt, %jit3A_2706, %sign3A_2718 : i32
      %sign3A_2720 = arith.extui %sign3A_2719 : i1 to i32
      %sign3A_2721 = arith.constant 0 : i32
      %sign3A_2722 = arith.cmpi slt, %jit3A_2706, %sign3A_2721 : i32
      %sign3A_2723 = arith.extui %sign3A_2722 : i1 to i32
      %sign3A_2724 = arith.subi %sign3A_2720, %sign3A_2723 : i32
      %ne3A_2725 = vector.broadcast %sign3A_2724 : i32 to vector<16xi32>
      %ne3A_2726 = arith.cmpi ne, %sign3A_2717, %ne3A_2725 : vector<16xi32>
      %rem3A_2727 = vector.broadcast %jit3A_2706 : i32 to vector<16xi32>
      %rem3A_2728 = arith.remsi %iota3A, %rem3A_2727 : vector<16xi32>
      %ne3A_2729 = arith.constant 0 : i32
      %ne3A_2730 = vector.broadcast %ne3A_2729 : i32 to vector<16xi32>
      %ne3A_2731 = arith.cmpi ne, %rem3A_2728, %ne3A_2730 : vector<16xi32>
      %and3A_2732 = arith.andi %ne3A_2726, %ne3A_2731 : vector<16xi1>
      %sub3A_2733 = arith.constant 1 : i32
      %sub3A_2734 = vector.broadcast %sub3A_2733 : i32 to vector<16xi32>
      %sub3A_2735 = arith.subi %div3A_2708, %sub3A_2734 : vector<16xi32>
      %select_n3A_2736 = arith.select %and3A_2732, %sub3A_2735, %div3A_2708 : vector<16xi1>, vector<16xi32>
      %add3A_2737 = arith.constant 4 : i32
      %add3A_2738 = vector.broadcast %add3A_2737 : i32 to vector<16xi32>
      %add3A_2739 = arith.addi %add3A_2738, %select_n3A_2736 : vector<16xi32>
      %jit3A_2740 = arith.constant 8 : i32
      %eq3A_2741 = arith.constant 0 : i32
      %eq3A_2742 = arith.cmpi eq, %jit3A_2740, %eq3A_2741 : i32
      %jit3A_2743 = arith.constant 1 : i32
      %select_n3A_2744 = arith.select %eq3A_2742, %jit3A_2743, %jit3A_2740 : i32
      %rem3A_2745 = vector.broadcast %select_n3A_2744 : i32 to vector<16xi32>
      %rem3A_2746 = arith.remsi %iota3A, %rem3A_2745 : vector<16xi32>
      %ne3A_2747 = arith.constant 0 : i32
      %ne3A_2748 = vector.broadcast %ne3A_2747 : i32 to vector<16xi32>
      %ne3A_2749 = arith.cmpi ne, %rem3A_2746, %ne3A_2748 : vector<16xi32>
      %lt3A_2750 = arith.constant 0 : i32
      %lt3A_2751 = vector.broadcast %lt3A_2750 : i32 to vector<16xi32>
      %lt3A_2752 = arith.cmpi slt, %rem3A_2746, %lt3A_2751 : vector<16xi32>
      %lt3A_2753 = arith.constant 0 : i32
      %lt3A_2754 = arith.cmpi slt, %select_n3A_2744, %lt3A_2753 : i32
      %ne3A_2755 = vector.broadcast %lt3A_2754 : i1 to vector<16xi1>
      %ne3A_2756 = vector.broadcast %ne3A_2755 : vector<16xi1> to vector<16xi1>
      %ne3A_2757 = arith.xori %lt3A_2752, %ne3A_2756 : vector<16xi1>
      %and3A_2758 = arith.andi %ne3A_2757, %ne3A_2749 : vector<16xi1>
      %add3A_2759 = vector.broadcast %select_n3A_2744 : i32 to vector<16xi32>
      %add3A_2760 = arith.addi %rem3A_2746, %add3A_2759 : vector<16xi32>
      %select_n3A_2761 = arith.select %and3A_2758, %add3A_2760, %rem3A_2746 : vector<16xi1>, vector<16xi32>
      %add3A_2762 = arith.constant 8 : i32
      %add3A_2763 = vector.broadcast %add3A_2762 : i32 to vector<16xi32>
      %add3A_2764 = arith.addi %add3A_2763, %select_n3A_2761 : vector<16xi32>
      %gather3A_2765 = tpu.vector_load_idx %arg6[%add3A_2764, %add3A_2739] : memref<64x8xi32, #tpu.memory_space<vmem>>[vector<16xi32>, vector<16xi32>], vector<16xi32>,
      %mul3A_2766 = arith.constant 8192 : i32
      %mul3A_2767 = vector.broadcast %mul3A_2766 : i32 to vector<16xi32>
      %mul3A_2768 = arith.muli %add3A_2739, %mul3A_2767 : vector<16xi32>
      %add3A_2769 = arith.addi %gather3A_2765, %mul3A_2768 : vector<16xi32>
      %swap3A_2770 = arith.constant 96 : index
      %swap3A_2771 = tpu.vector_load %arg7[%swap3A_2770] {strides = array<i32>} : memref<128xi32, #tpu.memory_space<vmem>>, vector<16xi32>,
      tpu.vector_store %arg7[%swap3A_2770], %add3A_2769 {strides = array<i32>} : memref<128xi32, #tpu.memory_space<vmem>>, vector<16xi32>,
      %jit3A_2772 = arith.constant 8 : i32
      %div3A_2773 = vector.broadcast %jit3A_2772 : i32 to vector<16xi32>
      %div3A_2774 = arith.divsi %iota3A, %div3A_2773 : vector<16xi32>
      %sign3A_2775 = arith.constant 0 : i32
      %sign3A_2776 = vector.broadcast %sign3A_2775 : i32 to vector<16xi32>
      %sign3A_2777 = arith.cmpi sgt, %iota3A, %sign3A_2776 : vector<16xi32>
      %sign3A_2778 = arith.extui %sign3A_2777 : vector<16xi1> to vector<16xi32>
      %sign3A_2779 = arith.constant 0 : i32
      %sign3A_2780 = vector.broadcast %sign3A_2779 : i32 to vector<16xi32>
      %sign3A_2781 = arith.cmpi slt, %iota3A, %sign3A_2780 : vector<16xi32>
      %sign3A_2782 = arith.extui %sign3A_2781 : vector<16xi1> to vector<16xi32>
      %sign3A_2783 = arith.subi %sign3A_2778, %sign3A_2782 : vector<16xi32>
      %sign3A_2784 = arith.constant 0 : i32
      %sign3A_2785 = arith.cmpi sgt, %jit3A_2772, %sign3A_2784 : i32
      %sign3A_2786 = arith.extui %sign3A_2785 : i1 to i32
      %sign3A_2787 = arith.constant 0 : i32
      %sign3A_2788 = arith.cmpi slt, %jit3A_2772, %sign3A_2787 : i32
      %sign3A_2789 = arith.extui %sign3A_2788 : i1 to i32
      %sign3A_2790 = arith.subi %sign3A_2786, %sign3A_2789 : i32
      %ne3A_2791 = vector.broadcast %sign3A_2790 : i32 to vector<16xi32>
      %ne3A_2792 = arith.cmpi ne, %sign3A_2783, %ne3A_2791 : vector<16xi32>
      %rem3A_2793 = vector.broadcast %jit3A_2772 : i32 to vector<16xi32>
      %rem3A_2794 = arith.remsi %iota3A, %rem3A_2793 : vector<16xi32>
      %ne3A_2795 = arith.constant 0 : i32
      %ne3A_2796 = vector.broadcast %ne3A_2795 : i32 to vector<16xi32>
      %ne3A_2797 = arith.cmpi ne, %rem3A_2794, %ne3A_2796 : vector<16xi32>
      %and3A_2798 = arith.andi %ne3A_2792, %ne3A_2797 : vector<16xi1>
      %sub3A_2799 = arith.constant 1 : i32
      %sub3A_2800 = vector.broadcast %sub3A_2799 : i32 to vector<16xi32>
      %sub3A_2801 = arith.subi %div3A_2774, %sub3A_2800 : vector<16xi32>
      %select_n3A_2802 = arith.select %and3A_2798, %sub3A_2801, %div3A_2774 : vector<16xi1>, vector<16xi32>
      %add3A_2803 = arith.constant 6 : i32
      %add3A_2804 = vector.broadcast %add3A_2803 : i32 to vector<16xi32>
      %add3A_2805 = arith.addi %add3A_2804, %select_n3A_2802 : vector<16xi32>
      %jit3A_2806 = arith.constant 8 : i32
      %eq3A_2807 = arith.constant 0 : i32
      %eq3A_2808 = arith.cmpi eq, %jit3A_2806, %eq3A_2807 : i32
      %jit3A_2809 = arith.constant 1 : i32
      %select_n3A_2810 = arith.select %eq3A_2808, %jit3A_2809, %jit3A_2806 : i32
      %rem3A_2811 = vector.broadcast %select_n3A_2810 : i32 to vector<16xi32>
      %rem3A_2812 = arith.remsi %iota3A, %rem3A_2811 : vector<16xi32>
      %ne3A_2813 = arith.constant 0 : i32
      %ne3A_2814 = vector.broadcast %ne3A_2813 : i32 to vector<16xi32>
      %ne3A_2815 = arith.cmpi ne, %rem3A_2812, %ne3A_2814 : vector<16xi32>
      %lt3A_2816 = arith.constant 0 : i32
      %lt3A_2817 = vector.broadcast %lt3A_2816 : i32 to vector<16xi32>
      %lt3A_2818 = arith.cmpi slt, %rem3A_2812, %lt3A_2817 : vector<16xi32>
      %lt3A_2819 = arith.constant 0 : i32
      %lt3A_2820 = arith.cmpi slt, %select_n3A_2810, %lt3A_2819 : i32
      %ne3A_2821 = vector.broadcast %lt3A_2820 : i1 to vector<16xi1>
      %ne3A_2822 = vector.broadcast %ne3A_2821 : vector<16xi1> to vector<16xi1>
      %ne3A_2823 = arith.xori %lt3A_2818, %ne3A_2822 : vector<16xi1>
      %and3A_2824 = arith.andi %ne3A_2823, %ne3A_2815 : vector<16xi1>
      %add3A_2825 = vector.broadcast %select_n3A_2810 : i32 to vector<16xi32>
      %add3A_2826 = arith.addi %rem3A_2812, %add3A_2825 : vector<16xi32>
      %select_n3A_2827 = arith.select %and3A_2824, %add3A_2826, %rem3A_2812 : vector<16xi1>, vector<16xi32>
      %add3A_2828 = arith.constant 8 : i32
      %add3A_2829 = vector.broadcast %add3A_2828 : i32 to vector<16xi32>
      %add3A_2830 = arith.addi %add3A_2829, %select_n3A_2827 : vector<16xi32>
      %gather3A_2831 = tpu.vector_load_idx %arg6[%add3A_2830, %add3A_2805] : memref<64x8xi32, #tpu.memory_space<vmem>>[vector<16xi32>, vector<16xi32>], vector<16xi32>,
      %mul3A_2832 = arith.constant 8192 : i32
      %mul3A_2833 = vector.broadcast %mul3A_2832 : i32 to vector<16xi32>
      %mul3A_2834 = arith.muli %add3A_2805, %mul3A_2833 : vector<16xi32>
      %add3A_2835 = arith.addi %gather3A_2831, %mul3A_2834 : vector<16xi32>
      %swap3A_2836 = arith.constant 112 : index
      %swap3A_2837 = tpu.vector_load %arg7[%swap3A_2836] {strides = array<i32>} : memref<128xi32, #tpu.memory_space<vmem>>, vector<16xi32>,
      tpu.vector_store %arg7[%swap3A_2836], %add3A_2835 {strides = array<i32>} : memref<128xi32, #tpu.memory_space<vmem>>, vector<16xi32>,
      %dma_start3A_2838 = arith.constant 0 : i32
      %dma_start3A_2839 = arith.constant 0 : i32
      %dma_start3A_2840 = arith.constant 0 : i32
      %dma_start3A_2841 = tpu.memref_slice %arg2[%dma_start3A_2839, %dma_start3A_2840] : memref<65536x128xf32, #tpu.memory_space<hbm>> -> memref<65536x128xf32, #tpu.memory_space<hbm>>
      %dma_start3A_2842 = tpu.memref_slice %arg15[%dma_start3A_2838] : memref<4x!tpu.dma_semaphore, #tpu.memory_space<semaphore_mem>> -> memref<1x!tpu.dma_semaphore, #tpu.memory_space<semaphore_mem>>
      %dma_start3A_2843 = tpu.memref_squeeze %dma_start3A_2842 : memref<1x!tpu.dma_semaphore, #tpu.memory_space<semaphore_mem>> -> memref<!tpu.dma_semaphore, #tpu.memory_space<semaphore_mem>>
      tpu.enqueue_indirect_dma source(%dma_start3A_2841 : memref<65536x128xf32, #tpu.memory_space<hbm>>) target(%arg11 : memref<128x128xf32, #tpu.memory_space<vmem>>) offsets(%arg7 : memref<128xi32, #tpu.memory_space<vmem>>) semaphore(%dma_start3A_2843 : memref<!tpu.dma_semaphore, #tpu.memory_space<semaphore_mem>>)
      %dma_wait3A_2844 = arith.constant 2 : i32
      %dma_wait3A_2845 = arith.constant 0 : i32
      %dma_wait3A_2846 = arith.constant 0 : i32
      %dma_wait3A_2847 = tpu.memref_slice %arg2[%dma_wait3A_2845, %dma_wait3A_2846] : memref<65536x128xf32, #tpu.memory_space<hbm>> -> memref<128x128xf32, #tpu.memory_space<hbm>>
      %dma_wait3A_2848 = tpu.memref_slice %arg15[%dma_wait3A_2844] : memref<4x!tpu.dma_semaphore, #tpu.memory_space<semaphore_mem>> -> memref<1x!tpu.dma_semaphore, #tpu.memory_space<semaphore_mem>>
      %dma_wait3A_2849 = tpu.memref_squeeze %dma_wait3A_2848 : memref<1x!tpu.dma_semaphore, #tpu.memory_space<semaphore_mem>> -> memref<!tpu.dma_semaphore, #tpu.memory_space<semaphore_mem>>
      %dma_wait3A_2850 = arith.constant 0 : i32
      %dma_wait3A_2851 = arith.constant 0 : i32
      %dma_wait3A_2852 = tpu.memref_slice %arg2[%dma_wait3A_2850, %dma_wait3A_2851] : memref<65536x128xf32, #tpu.memory_space<hbm>> -> memref<128x128xf32, #tpu.memory_space<hbm>>
      tpu.wait_dma2 semaphore(%dma_wait3A_2849 : memref<!tpu.dma_semaphore, #tpu.memory_space<semaphore_mem>>) src(%dma_wait3A_2852 : memref<128x128xf32, #tpu.memory_space<hbm>>) dst(%arg13 : memref<128x128xf32, #tpu.memory_space<vmem>>)
      %add3A_2853 = arith.constant 2 : i32
      %add3A_2854 = arith.addi %mul3A_1167, %add3A_2853 : i32
      %mul3A_2855 = arith.constant 128 : i32
      %mul3A_2856 = arith.muli %add3A_2854, %mul3A_2855 : i32
      %add3A_2857 = arith.addi %mul3A_34, %mul3A_2856 : i32
      %dma_start3A_2858 = arith.constant 2 : i32
      %dma_start3A_2859 = arith.constant 0 : i32
      %dma_start3A_2860 = tpu.memref_slice %arg4[%select_n3A, %add3A_2857, %dma_start3A_2859] : memref<16x32768x128xf32, #tpu.memory_space<hbm>> -> memref<1x128x128xf32, #tpu.memory_space<hbm>>
      %dma_start3A_2861 = tpu.memref_squeeze %dma_start3A_2860 : memref<1x128x128xf32, #tpu.memory_space<hbm>> -> memref<128x128xf32, #tpu.memory_space<hbm>>
      %dma_start3A_2862 = tpu.memref_slice %arg16[%dma_start3A_2858] : memref<4x!tpu.dma_semaphore, #tpu.memory_space<semaphore_mem>> -> memref<1x!tpu.dma_semaphore, #tpu.memory_space<semaphore_mem>>
      %dma_start3A_2863 = tpu.memref_squeeze %dma_start3A_2862 : memref<1x!tpu.dma_semaphore, #tpu.memory_space<semaphore_mem>> -> memref<!tpu.dma_semaphore, #tpu.memory_space<semaphore_mem>>
      %dma_start3A_2864 = arith.constant 0 : i32
      %dma_start3A_2865 = tpu.memref_slice %arg4[%select_n3A, %add3A_2857, %dma_start3A_2864] : memref<16x32768x128xf32, #tpu.memory_space<hbm>> -> memref<1x128x128xf32, #tpu.memory_space<hbm>>
      %dma_start3A_2866 = tpu.memref_squeeze %dma_start3A_2865 : memref<1x128x128xf32, #tpu.memory_space<hbm>> -> memref<128x128xf32, #tpu.memory_space<hbm>>
      tpu.enqueue_dma source(%arg13 : memref<128x128xf32, #tpu.memory_space<vmem>>) target(%dma_start3A_2866 : memref<128x128xf32, #tpu.memory_space<hbm>>) target_semaphore(%dma_start3A_2863 : memref<!tpu.dma_semaphore, #tpu.memory_space<semaphore_mem>>)
      %dma_wait3A_2867 = arith.constant 1 : i32
      %dma_wait3A_2868 = arith.constant 0 : i32
      %dma_wait3A_2869 = arith.constant 0 : i32
      %dma_wait3A_2870 = tpu.memref_slice %arg2[%dma_wait3A_2868, %dma_wait3A_2869] : memref<65536x128xf32, #tpu.memory_space<hbm>> -> memref<128x128xf32, #tpu.memory_space<hbm>>
      %dma_wait3A_2871 = tpu.memref_slice %arg16[%dma_wait3A_2867] : memref<4x!tpu.dma_semaphore, #tpu.memory_space<semaphore_mem>> -> memref<1x!tpu.dma_semaphore, #tpu.memory_space<semaphore_mem>>
      %dma_wait3A_2872 = tpu.memref_squeeze %dma_wait3A_2871 : memref<1x!tpu.dma_semaphore, #tpu.memory_space<semaphore_mem>> -> memref<!tpu.dma_semaphore, #tpu.memory_space<semaphore_mem>>
      %dma_wait3A_2873 = arith.constant 0 : i32
      %dma_wait3A_2874 = arith.constant 0 : i32
      %dma_wait3A_2875 = tpu.memref_slice %arg2[%dma_wait3A_2873, %dma_wait3A_2874] : memref<65536x128xf32, #tpu.memory_space<hbm>> -> memref<128x128xf32, #tpu.memory_space<hbm>>
      tpu.wait_dma2 semaphore(%dma_wait3A_2872 : memref<!tpu.dma_semaphore, #tpu.memory_space<semaphore_mem>>) src(%dma_wait3A_2875 : memref<128x128xf32, #tpu.memory_space<hbm>>) dst(%arg12 : memref<128x128xf32, #tpu.memory_space<vmem>>)
      %jit3A_2876 = arith.constant 8 : i32
      %div3A_2877 = vector.broadcast %jit3A_2876 : i32 to vector<16xi32>
      %div3A_2878 = arith.divsi %iota3A, %div3A_2877 : vector<16xi32>
      %sign3A_2879 = arith.constant 0 : i32
      %sign3A_2880 = vector.broadcast %sign3A_2879 : i32 to vector<16xi32>
      %sign3A_2881 = arith.cmpi sgt, %iota3A, %sign3A_2880 : vector<16xi32>
      %sign3A_2882 = arith.extui %sign3A_2881 : vector<16xi1> to vector<16xi32>
      %sign3A_2883 = arith.constant 0 : i32
      %sign3A_2884 = vector.broadcast %sign3A_2883 : i32 to vector<16xi32>
      %sign3A_2885 = arith.cmpi slt, %iota3A, %sign3A_2884 : vector<16xi32>
      %sign3A_2886 = arith.extui %sign3A_2885 : vector<16xi1> to vector<16xi32>
      %sign3A_2887 = arith.subi %sign3A_2882, %sign3A_2886 : vector<16xi32>
      %sign3A_2888 = arith.constant 0 : i32
      %sign3A_2889 = arith.cmpi sgt, %jit3A_2876, %sign3A_2888 : i32
      %sign3A_2890 = arith.extui %sign3A_2889 : i1 to i32
      %sign3A_2891 = arith.constant 0 : i32
      %sign3A_2892 = arith.cmpi slt, %jit3A_2876, %sign3A_2891 : i32
      %sign3A_2893 = arith.extui %sign3A_2892 : i1 to i32
      %sign3A_2894 = arith.subi %sign3A_2890, %sign3A_2893 : i32
      %ne3A_2895 = vector.broadcast %sign3A_2894 : i32 to vector<16xi32>
      %ne3A_2896 = arith.cmpi ne, %sign3A_2887, %ne3A_2895 : vector<16xi32>
      %rem3A_2897 = vector.broadcast %jit3A_2876 : i32 to vector<16xi32>
      %rem3A_2898 = arith.remsi %iota3A, %rem3A_2897 : vector<16xi32>
      %ne3A_2899 = arith.constant 0 : i32
      %ne3A_2900 = vector.broadcast %ne3A_2899 : i32 to vector<16xi32>
      %ne3A_2901 = arith.cmpi ne, %rem3A_2898, %ne3A_2900 : vector<16xi32>
      %and3A_2902 = arith.andi %ne3A_2896, %ne3A_2901 : vector<16xi1>
      %sub3A_2903 = arith.constant 1 : i32
      %sub3A_2904 = vector.broadcast %sub3A_2903 : i32 to vector<16xi32>
      %sub3A_2905 = arith.subi %div3A_2878, %sub3A_2904 : vector<16xi32>
      %select_n3A_2906 = arith.select %and3A_2902, %sub3A_2905, %div3A_2878 : vector<16xi1>, vector<16xi32>
      %add3A_2907 = arith.constant 0 : i32
      %add3A_2908 = vector.broadcast %add3A_2907 : i32 to vector<16xi32>
      %add3A_2909 = arith.addi %add3A_2908, %select_n3A_2906 : vector<16xi32>
      %jit3A_2910 = arith.constant 8 : i32
      %eq3A_2911 = arith.constant 0 : i32
      %eq3A_2912 = arith.cmpi eq, %jit3A_2910, %eq3A_2911 : i32
      %jit3A_2913 = arith.constant 1 : i32
      %select_n3A_2914 = arith.select %eq3A_2912, %jit3A_2913, %jit3A_2910 : i32
      %rem3A_2915 = vector.broadcast %select_n3A_2914 : i32 to vector<16xi32>
      %rem3A_2916 = arith.remsi %iota3A, %rem3A_2915 : vector<16xi32>
      %ne3A_2917 = arith.constant 0 : i32
      %ne3A_2918 = vector.broadcast %ne3A_2917 : i32 to vector<16xi32>
      %ne3A_2919 = arith.cmpi ne, %rem3A_2916, %ne3A_2918 : vector<16xi32>
      %lt3A_2920 = arith.constant 0 : i32
      %lt3A_2921 = vector.broadcast %lt3A_2920 : i32 to vector<16xi32>
      %lt3A_2922 = arith.cmpi slt, %rem3A_2916, %lt3A_2921 : vector<16xi32>
      %lt3A_2923 = arith.constant 0 : i32
      %lt3A_2924 = arith.cmpi slt, %select_n3A_2914, %lt3A_2923 : i32
      %ne3A_2925 = vector.broadcast %lt3A_2924 : i1 to vector<16xi1>
      %ne3A_2926 = vector.broadcast %ne3A_2925 : vector<16xi1> to vector<16xi1>
      %ne3A_2927 = arith.xori %lt3A_2922, %ne3A_2926 : vector<16xi1>
      %and3A_2928 = arith.andi %ne3A_2927, %ne3A_2919 : vector<16xi1>
      %add3A_2929 = vector.broadcast %select_n3A_2914 : i32 to vector<16xi32>
      %add3A_2930 = arith.addi %rem3A_2916, %add3A_2929 : vector<16xi32>
      %select_n3A_2931 = arith.select %and3A_2928, %add3A_2930, %rem3A_2916 : vector<16xi1>, vector<16xi32>
      %add3A_2932 = arith.constant 16 : i32
      %add3A_2933 = vector.broadcast %add3A_2932 : i32 to vector<16xi32>
      %add3A_2934 = arith.addi %add3A_2933, %select_n3A_2931 : vector<16xi32>
      %gather3A_2935 = tpu.vector_load_idx %arg6[%add3A_2934, %add3A_2909] : memref<64x8xi32, #tpu.memory_space<vmem>>[vector<16xi32>, vector<16xi32>], vector<16xi32>,
      %mul3A_2936 = arith.constant 8192 : i32
      %mul3A_2937 = vector.broadcast %mul3A_2936 : i32 to vector<16xi32>
      %mul3A_2938 = arith.muli %add3A_2909, %mul3A_2937 : vector<16xi32>
      %add3A_2939 = arith.addi %gather3A_2935, %mul3A_2938 : vector<16xi32>
      %swap3A_2940 = arith.constant 0 : index
      %swap3A_2941 = tpu.vector_load %arg8[%swap3A_2940] {strides = array<i32>} : memref<128xi32, #tpu.memory_space<vmem>>, vector<16xi32>,
      tpu.vector_store %arg8[%swap3A_2940], %add3A_2939 {strides = array<i32>} : memref<128xi32, #tpu.memory_space<vmem>>, vector<16xi32>,
      %jit3A_2942 = arith.constant 8 : i32
      %div3A_2943 = vector.broadcast %jit3A_2942 : i32 to vector<16xi32>
      %div3A_2944 = arith.divsi %iota3A, %div3A_2943 : vector<16xi32>
      %sign3A_2945 = arith.constant 0 : i32
      %sign3A_2946 = vector.broadcast %sign3A_2945 : i32 to vector<16xi32>
      %sign3A_2947 = arith.cmpi sgt, %iota3A, %sign3A_2946 : vector<16xi32>
      %sign3A_2948 = arith.extui %sign3A_2947 : vector<16xi1> to vector<16xi32>
      %sign3A_2949 = arith.constant 0 : i32
      %sign3A_2950 = vector.broadcast %sign3A_2949 : i32 to vector<16xi32>
      %sign3A_2951 = arith.cmpi slt, %iota3A, %sign3A_2950 : vector<16xi32>
      %sign3A_2952 = arith.extui %sign3A_2951 : vector<16xi1> to vector<16xi32>
      %sign3A_2953 = arith.subi %sign3A_2948, %sign3A_2952 : vector<16xi32>
      %sign3A_2954 = arith.constant 0 : i32
      %sign3A_2955 = arith.cmpi sgt, %jit3A_2942, %sign3A_2954 : i32
      %sign3A_2956 = arith.extui %sign3A_2955 : i1 to i32
      %sign3A_2957 = arith.constant 0 : i32
      %sign3A_2958 = arith.cmpi slt, %jit3A_2942, %sign3A_2957 : i32
      %sign3A_2959 = arith.extui %sign3A_2958 : i1 to i32
      %sign3A_2960 = arith.subi %sign3A_2956, %sign3A_2959 : i32
      %ne3A_2961 = vector.broadcast %sign3A_2960 : i32 to vector<16xi32>
      %ne3A_2962 = arith.cmpi ne, %sign3A_2953, %ne3A_2961 : vector<16xi32>
      %rem3A_2963 = vector.broadcast %jit3A_2942 : i32 to vector<16xi32>
      %rem3A_2964 = arith.remsi %iota3A, %rem3A_2963 : vector<16xi32>
      %ne3A_2965 = arith.constant 0 : i32
      %ne3A_2966 = vector.broadcast %ne3A_2965 : i32 to vector<16xi32>
      %ne3A_2967 = arith.cmpi ne, %rem3A_2964, %ne3A_2966 : vector<16xi32>
      %and3A_2968 = arith.andi %ne3A_2962, %ne3A_2967 : vector<16xi1>
      %sub3A_2969 = arith.constant 1 : i32
      %sub3A_2970 = vector.broadcast %sub3A_2969 : i32 to vector<16xi32>
      %sub3A_2971 = arith.subi %div3A_2944, %sub3A_2970 : vector<16xi32>
      %select_n3A_2972 = arith.select %and3A_2968, %sub3A_2971, %div3A_2944 : vector<16xi1>, vector<16xi32>
      %add3A_2973 = arith.constant 2 : i32
      %add3A_2974 = vector.broadcast %add3A_2973 : i32 to vector<16xi32>
      %add3A_2975 = arith.addi %add3A_2974, %select_n3A_2972 : vector<16xi32>
      %jit3A_2976 = arith.constant 8 : i32
      %eq3A_2977 = arith.constant 0 : i32
      %eq3A_2978 = arith.cmpi eq, %jit3A_2976, %eq3A_2977 : i32
      %jit3A_2979 = arith.constant 1 : i32
      %select_n3A_2980 = arith.select %eq3A_2978, %jit3A_2979, %jit3A_2976 : i32
      %rem3A_2981 = vector.broadcast %select_n3A_2980 : i32 to vector<16xi32>
      %rem3A_2982 = arith.remsi %iota3A, %rem3A_2981 : vector<16xi32>
      %ne3A_2983 = arith.constant 0 : i32
      %ne3A_2984 = vector.broadcast %ne3A_2983 : i32 to vector<16xi32>
      %ne3A_2985 = arith.cmpi ne, %rem3A_2982, %ne3A_2984 : vector<16xi32>
      %lt3A_2986 = arith.constant 0 : i32
      %lt3A_2987 = vector.broadcast %lt3A_2986 : i32 to vector<16xi32>
      %lt3A_2988 = arith.cmpi slt, %rem3A_2982, %lt3A_2987 : vector<16xi32>
      %lt3A_2989 = arith.constant 0 : i32
      %lt3A_2990 = arith.cmpi slt, %select_n3A_2980, %lt3A_2989 : i32
      %ne3A_2991 = vector.broadcast %lt3A_2990 : i1 to vector<16xi1>
      %ne3A_2992 = vector.broadcast %ne3A_2991 : vector<16xi1> to vector<16xi1>
      %ne3A_2993 = arith.xori %lt3A_2988, %ne3A_2992 : vector<16xi1>
      %and3A_2994 = arith.andi %ne3A_2993, %ne3A_2985 : vector<16xi1>
      %add3A_2995 = vector.broadcast %select_n3A_2980 : i32 to vector<16xi32>
      %add3A_2996 = arith.addi %rem3A_2982, %add3A_2995 : vector<16xi32>
      %select_n3A_2997 = arith.select %and3A_2994, %add3A_2996, %rem3A_2982 : vector<16xi1>, vector<16xi32>
      %add3A_2998 = arith.constant 16 : i32
      %add3A_2999 = vector.broadcast %add3A_2998 : i32 to vector<16xi32>
      %add3A_3000 = arith.addi %add3A_2999, %select_n3A_2997 : vector<16xi32>
      %gather3A_3001 = tpu.vector_load_idx %arg6[%add3A_3000, %add3A_2975] : memref<64x8xi32, #tpu.memory_space<vmem>>[vector<16xi32>, vector<16xi32>], vector<16xi32>,
      %mul3A_3002 = arith.constant 8192 : i32
      %mul3A_3003 = vector.broadcast %mul3A_3002 : i32 to vector<16xi32>
      %mul3A_3004 = arith.muli %add3A_2975, %mul3A_3003 : vector<16xi32>
      %add3A_3005 = arith.addi %gather3A_3001, %mul3A_3004 : vector<16xi32>
      %swap3A_3006 = arith.constant 16 : index
      %swap3A_3007 = tpu.vector_load %arg8[%swap3A_3006] {strides = array<i32>} : memref<128xi32, #tpu.memory_space<vmem>>, vector<16xi32>,
      tpu.vector_store %arg8[%swap3A_3006], %add3A_3005 {strides = array<i32>} : memref<128xi32, #tpu.memory_space<vmem>>, vector<16xi32>,
      %jit3A_3008 = arith.constant 8 : i32
      %div3A_3009 = vector.broadcast %jit3A_3008 : i32 to vector<16xi32>
      %div3A_3010 = arith.divsi %iota3A, %div3A_3009 : vector<16xi32>
      %sign3A_3011 = arith.constant 0 : i32
      %sign3A_3012 = vector.broadcast %sign3A_3011 : i32 to vector<16xi32>
      %sign3A_3013 = arith.cmpi sgt, %iota3A, %sign3A_3012 : vector<16xi32>
      %sign3A_3014 = arith.extui %sign3A_3013 : vector<16xi1> to vector<16xi32>
      %sign3A_3015 = arith.constant 0 : i32
      %sign3A_3016 = vector.broadcast %sign3A_3015 : i32 to vector<16xi32>
      %sign3A_3017 = arith.cmpi slt, %iota3A, %sign3A_3016 : vector<16xi32>
      %sign3A_3018 = arith.extui %sign3A_3017 : vector<16xi1> to vector<16xi32>
      %sign3A_3019 = arith.subi %sign3A_3014, %sign3A_3018 : vector<16xi32>
      %sign3A_3020 = arith.constant 0 : i32
      %sign3A_3021 = arith.cmpi sgt, %jit3A_3008, %sign3A_3020 : i32
      %sign3A_3022 = arith.extui %sign3A_3021 : i1 to i32
      %sign3A_3023 = arith.constant 0 : i32
      %sign3A_3024 = arith.cmpi slt, %jit3A_3008, %sign3A_3023 : i32
      %sign3A_3025 = arith.extui %sign3A_3024 : i1 to i32
      %sign3A_3026 = arith.subi %sign3A_3022, %sign3A_3025 : i32
      %ne3A_3027 = vector.broadcast %sign3A_3026 : i32 to vector<16xi32>
      %ne3A_3028 = arith.cmpi ne, %sign3A_3019, %ne3A_3027 : vector<16xi32>
      %rem3A_3029 = vector.broadcast %jit3A_3008 : i32 to vector<16xi32>
      %rem3A_3030 = arith.remsi %iota3A, %rem3A_3029 : vector<16xi32>
      %ne3A_3031 = arith.constant 0 : i32
      %ne3A_3032 = vector.broadcast %ne3A_3031 : i32 to vector<16xi32>
      %ne3A_3033 = arith.cmpi ne, %rem3A_3030, %ne3A_3032 : vector<16xi32>
      %and3A_3034 = arith.andi %ne3A_3028, %ne3A_3033 : vector<16xi1>
      %sub3A_3035 = arith.constant 1 : i32
      %sub3A_3036 = vector.broadcast %sub3A_3035 : i32 to vector<16xi32>
      %sub3A_3037 = arith.subi %div3A_3010, %sub3A_3036 : vector<16xi32>
      %select_n3A_3038 = arith.select %and3A_3034, %sub3A_3037, %div3A_3010 : vector<16xi1>, vector<16xi32>
      %add3A_3039 = arith.constant 4 : i32
      %add3A_3040 = vector.broadcast %add3A_3039 : i32 to vector<16xi32>
      %add3A_3041 = arith.addi %add3A_3040, %select_n3A_3038 : vector<16xi32>
      %jit3A_3042 = arith.constant 8 : i32
      %eq3A_3043 = arith.constant 0 : i32
      %eq3A_3044 = arith.cmpi eq, %jit3A_3042, %eq3A_3043 : i32
      %jit3A_3045 = arith.constant 1 : i32
      %select_n3A_3046 = arith.select %eq3A_3044, %jit3A_3045, %jit3A_3042 : i32
      %rem3A_3047 = vector.broadcast %select_n3A_3046 : i32 to vector<16xi32>
      %rem3A_3048 = arith.remsi %iota3A, %rem3A_3047 : vector<16xi32>
      %ne3A_3049 = arith.constant 0 : i32
      %ne3A_3050 = vector.broadcast %ne3A_3049 : i32 to vector<16xi32>
      %ne3A_3051 = arith.cmpi ne, %rem3A_3048, %ne3A_3050 : vector<16xi32>
      %lt3A_3052 = arith.constant 0 : i32
      %lt3A_3053 = vector.broadcast %lt3A_3052 : i32 to vector<16xi32>
      %lt3A_3054 = arith.cmpi slt, %rem3A_3048, %lt3A_3053 : vector<16xi32>
      %lt3A_3055 = arith.constant 0 : i32
      %lt3A_3056 = arith.cmpi slt, %select_n3A_3046, %lt3A_3055 : i32
      %ne3A_3057 = vector.broadcast %lt3A_3056 : i1 to vector<16xi1>
      %ne3A_3058 = vector.broadcast %ne3A_3057 : vector<16xi1> to vector<16xi1>
      %ne3A_3059 = arith.xori %lt3A_3054, %ne3A_3058 : vector<16xi1>
      %and3A_3060 = arith.andi %ne3A_3059, %ne3A_3051 : vector<16xi1>
      %add3A_3061 = vector.broadcast %select_n3A_3046 : i32 to vector<16xi32>
      %add3A_3062 = arith.addi %rem3A_3048, %add3A_3061 : vector<16xi32>
      %select_n3A_3063 = arith.select %and3A_3060, %add3A_3062, %rem3A_3048 : vector<16xi1>, vector<16xi32>
      %add3A_3064 = arith.constant 16 : i32
      %add3A_3065 = vector.broadcast %add3A_3064 : i32 to vector<16xi32>
      %add3A_3066 = arith.addi %add3A_3065, %select_n3A_3063 : vector<16xi32>
      %gather3A_3067 = tpu.vector_load_idx %arg6[%add3A_3066, %add3A_3041] : memref<64x8xi32, #tpu.memory_space<vmem>>[vector<16xi32>, vector<16xi32>], vector<16xi32>,
      %mul3A_3068 = arith.constant 8192 : i32
      %mul3A_3069 = vector.broadcast %mul3A_3068 : i32 to vector<16xi32>
      %mul3A_3070 = arith.muli %add3A_3041, %mul3A_3069 : vector<16xi32>
      %add3A_3071 = arith.addi %gather3A_3067, %mul3A_3070 : vector<16xi32>
      %swap3A_3072 = arith.constant 32 : index
      %swap3A_3073 = tpu.vector_load %arg8[%swap3A_3072] {strides = array<i32>} : memref<128xi32, #tpu.memory_space<vmem>>, vector<16xi32>,
      tpu.vector_store %arg8[%swap3A_3072], %add3A_3071 {strides = array<i32>} : memref<128xi32, #tpu.memory_space<vmem>>, vector<16xi32>,
      %jit3A_3074 = arith.constant 8 : i32
      %div3A_3075 = vector.broadcast %jit3A_3074 : i32 to vector<16xi32>
      %div3A_3076 = arith.divsi %iota3A, %div3A_3075 : vector<16xi32>
      %sign3A_3077 = arith.constant 0 : i32
      %sign3A_3078 = vector.broadcast %sign3A_3077 : i32 to vector<16xi32>
      %sign3A_3079 = arith.cmpi sgt, %iota3A, %sign3A_3078 : vector<16xi32>
      %sign3A_3080 = arith.extui %sign3A_3079 : vector<16xi1> to vector<16xi32>
      %sign3A_3081 = arith.constant 0 : i32
      %sign3A_3082 = vector.broadcast %sign3A_3081 : i32 to vector<16xi32>
      %sign3A_3083 = arith.cmpi slt, %iota3A, %sign3A_3082 : vector<16xi32>
      %sign3A_3084 = arith.extui %sign3A_3083 : vector<16xi1> to vector<16xi32>
      %sign3A_3085 = arith.subi %sign3A_3080, %sign3A_3084 : vector<16xi32>
      %sign3A_3086 = arith.constant 0 : i32
      %sign3A_3087 = arith.cmpi sgt, %jit3A_3074, %sign3A_3086 : i32
      %sign3A_3088 = arith.extui %sign3A_3087 : i1 to i32
      %sign3A_3089 = arith.constant 0 : i32
      %sign3A_3090 = arith.cmpi slt, %jit3A_3074, %sign3A_3089 : i32
      %sign3A_3091 = arith.extui %sign3A_3090 : i1 to i32
      %sign3A_3092 = arith.subi %sign3A_3088, %sign3A_3091 : i32
      %ne3A_3093 = vector.broadcast %sign3A_3092 : i32 to vector<16xi32>
      %ne3A_3094 = arith.cmpi ne, %sign3A_3085, %ne3A_3093 : vector<16xi32>
      %rem3A_3095 = vector.broadcast %jit3A_3074 : i32 to vector<16xi32>
      %rem3A_3096 = arith.remsi %iota3A, %rem3A_3095 : vector<16xi32>
      %ne3A_3097 = arith.constant 0 : i32
      %ne3A_3098 = vector.broadcast %ne3A_3097 : i32 to vector<16xi32>
      %ne3A_3099 = arith.cmpi ne, %rem3A_3096, %ne3A_3098 : vector<16xi32>
      %and3A_3100 = arith.andi %ne3A_3094, %ne3A_3099 : vector<16xi1>
      %sub3A_3101 = arith.constant 1 : i32
      %sub3A_3102 = vector.broadcast %sub3A_3101 : i32 to vector<16xi32>
      %sub3A_3103 = arith.subi %div3A_3076, %sub3A_3102 : vector<16xi32>
      %select_n3A_3104 = arith.select %and3A_3100, %sub3A_3103, %div3A_3076 : vector<16xi1>, vector<16xi32>
      %add3A_3105 = arith.constant 6 : i32
      %add3A_3106 = vector.broadcast %add3A_3105 : i32 to vector<16xi32>
      %add3A_3107 = arith.addi %add3A_3106, %select_n3A_3104 : vector<16xi32>
      %jit3A_3108 = arith.constant 8 : i32
      %eq3A_3109 = arith.constant 0 : i32
      %eq3A_3110 = arith.cmpi eq, %jit3A_3108, %eq3A_3109 : i32
      %jit3A_3111 = arith.constant 1 : i32
      %select_n3A_3112 = arith.select %eq3A_3110, %jit3A_3111, %jit3A_3108 : i32
      %rem3A_3113 = vector.broadcast %select_n3A_3112 : i32 to vector<16xi32>
      %rem3A_3114 = arith.remsi %iota3A, %rem3A_3113 : vector<16xi32>
      %ne3A_3115 = arith.constant 0 : i32
      %ne3A_3116 = vector.broadcast %ne3A_3115 : i32 to vector<16xi32>
      %ne3A_3117 = arith.cmpi ne, %rem3A_3114, %ne3A_3116 : vector<16xi32>
      %lt3A_3118 = arith.constant 0 : i32
      %lt3A_3119 = vector.broadcast %lt3A_3118 : i32 to vector<16xi32>
      %lt3A_3120 = arith.cmpi slt, %rem3A_3114, %lt3A_3119 : vector<16xi32>
      %lt3A_3121 = arith.constant 0 : i32
      %lt3A_3122 = arith.cmpi slt, %select_n3A_3112, %lt3A_3121 : i32
      %ne3A_3123 = vector.broadcast %lt3A_3122 : i1 to vector<16xi1>
      %ne3A_3124 = vector.broadcast %ne3A_3123 : vector<16xi1> to vector<16xi1>
      %ne3A_3125 = arith.xori %lt3A_3120, %ne3A_3124 : vector<16xi1>
      %and3A_3126 = arith.andi %ne3A_3125, %ne3A_3117 : vector<16xi1>
      %add3A_3127 = vector.broadcast %select_n3A_3112 : i32 to vector<16xi32>
      %add3A_3128 = arith.addi %rem3A_3114, %add3A_3127 : vector<16xi32>
      %select_n3A_3129 = arith.select %and3A_3126, %add3A_3128, %rem3A_3114 : vector<16xi1>, vector<16xi32>
      %add3A_3130 = arith.constant 16 : i32
      %add3A_3131 = vector.broadcast %add3A_3130 : i32 to vector<16xi32>
      %add3A_3132 = arith.addi %add3A_3131, %select_n3A_3129 : vector<16xi32>
      %gather3A_3133 = tpu.vector_load_idx %arg6[%add3A_3132, %add3A_3107] : memref<64x8xi32, #tpu.memory_space<vmem>>[vector<16xi32>, vector<16xi32>], vector<16xi32>,
      %mul3A_3134 = arith.constant 8192 : i32
      %mul3A_3135 = vector.broadcast %mul3A_3134 : i32 to vector<16xi32>
      %mul3A_3136 = arith.muli %add3A_3107, %mul3A_3135 : vector<16xi32>
      %add3A_3137 = arith.addi %gather3A_3133, %mul3A_3136 : vector<16xi32>
      %swap3A_3138 = arith.constant 48 : index
      %swap3A_3139 = tpu.vector_load %arg8[%swap3A_3138] {strides = array<i32>} : memref<128xi32, #tpu.memory_space<vmem>>, vector<16xi32>,
      tpu.vector_store %arg8[%swap3A_3138], %add3A_3137 {strides = array<i32>} : memref<128xi32, #tpu.memory_space<vmem>>, vector<16xi32>,
      %jit3A_3140 = arith.constant 8 : i32
      %div3A_3141 = vector.broadcast %jit3A_3140 : i32 to vector<16xi32>
      %div3A_3142 = arith.divsi %iota3A, %div3A_3141 : vector<16xi32>
      %sign3A_3143 = arith.constant 0 : i32
      %sign3A_3144 = vector.broadcast %sign3A_3143 : i32 to vector<16xi32>
      %sign3A_3145 = arith.cmpi sgt, %iota3A, %sign3A_3144 : vector<16xi32>
      %sign3A_3146 = arith.extui %sign3A_3145 : vector<16xi1> to vector<16xi32>
      %sign3A_3147 = arith.constant 0 : i32
      %sign3A_3148 = vector.broadcast %sign3A_3147 : i32 to vector<16xi32>
      %sign3A_3149 = arith.cmpi slt, %iota3A, %sign3A_3148 : vector<16xi32>
      %sign3A_3150 = arith.extui %sign3A_3149 : vector<16xi1> to vector<16xi32>
      %sign3A_3151 = arith.subi %sign3A_3146, %sign3A_3150 : vector<16xi32>
      %sign3A_3152 = arith.constant 0 : i32
      %sign3A_3153 = arith.cmpi sgt, %jit3A_3140, %sign3A_3152 : i32
      %sign3A_3154 = arith.extui %sign3A_3153 : i1 to i32
      %sign3A_3155 = arith.constant 0 : i32
      %sign3A_3156 = arith.cmpi slt, %jit3A_3140, %sign3A_3155 : i32
      %sign3A_3157 = arith.extui %sign3A_3156 : i1 to i32
      %sign3A_3158 = arith.subi %sign3A_3154, %sign3A_3157 : i32
      %ne3A_3159 = vector.broadcast %sign3A_3158 : i32 to vector<16xi32>
      %ne3A_3160 = arith.cmpi ne, %sign3A_3151, %ne3A_3159 : vector<16xi32>
      %rem3A_3161 = vector.broadcast %jit3A_3140 : i32 to vector<16xi32>
      %rem3A_3162 = arith.remsi %iota3A, %rem3A_3161 : vector<16xi32>
      %ne3A_3163 = arith.constant 0 : i32
      %ne3A_3164 = vector.broadcast %ne3A_3163 : i32 to vector<16xi32>
      %ne3A_3165 = arith.cmpi ne, %rem3A_3162, %ne3A_3164 : vector<16xi32>
      %and3A_3166 = arith.andi %ne3A_3160, %ne3A_3165 : vector<16xi1>
      %sub3A_3167 = arith.constant 1 : i32
      %sub3A_3168 = vector.broadcast %sub3A_3167 : i32 to vector<16xi32>
      %sub3A_3169 = arith.subi %div3A_3142, %sub3A_3168 : vector<16xi32>
      %select_n3A_3170 = arith.select %and3A_3166, %sub3A_3169, %div3A_3142 : vector<16xi1>, vector<16xi32>
      %add3A_3171 = arith.constant 0 : i32
      %add3A_3172 = vector.broadcast %add3A_3171 : i32 to vector<16xi32>
      %add3A_3173 = arith.addi %add3A_3172, %select_n3A_3170 : vector<16xi32>
      %jit3A_3174 = arith.constant 8 : i32
      %eq3A_3175 = arith.constant 0 : i32
      %eq3A_3176 = arith.cmpi eq, %jit3A_3174, %eq3A_3175 : i32
      %jit3A_3177 = arith.constant 1 : i32
      %select_n3A_3178 = arith.select %eq3A_3176, %jit3A_3177, %jit3A_3174 : i32
      %rem3A_3179 = vector.broadcast %select_n3A_3178 : i32 to vector<16xi32>
      %rem3A_3180 = arith.remsi %iota3A, %rem3A_3179 : vector<16xi32>
      %ne3A_3181 = arith.constant 0 : i32
      %ne3A_3182 = vector.broadcast %ne3A_3181 : i32 to vector<16xi32>
      %ne3A_3183 = arith.cmpi ne, %rem3A_3180, %ne3A_3182 : vector<16xi32>
      %lt3A_3184 = arith.constant 0 : i32
      %lt3A_3185 = vector.broadcast %lt3A_3184 : i32 to vector<16xi32>
      %lt3A_3186 = arith.cmpi slt, %rem3A_3180, %lt3A_3185 : vector<16xi32>
      %lt3A_3187 = arith.constant 0 : i32
      %lt3A_3188 = arith.cmpi slt, %select_n3A_3178, %lt3A_3187 : i32
      %ne3A_3189 = vector.broadcast %lt3A_3188 : i1 to vector<16xi1>
      %ne3A_3190 = vector.broadcast %ne3A_3189 : vector<16xi1> to vector<16xi1>
      %ne3A_3191 = arith.xori %lt3A_3186, %ne3A_3190 : vector<16xi1>
      %and3A_3192 = arith.andi %ne3A_3191, %ne3A_3183 : vector<16xi1>
      %add3A_3193 = vector.broadcast %select_n3A_3178 : i32 to vector<16xi32>
      %add3A_3194 = arith.addi %rem3A_3180, %add3A_3193 : vector<16xi32>
      %select_n3A_3195 = arith.select %and3A_3192, %add3A_3194, %rem3A_3180 : vector<16xi1>, vector<16xi32>
      %add3A_3196 = arith.constant 24 : i32
      %add3A_3197 = vector.broadcast %add3A_3196 : i32 to vector<16xi32>
      %add3A_3198 = arith.addi %add3A_3197, %select_n3A_3195 : vector<16xi32>
      %gather3A_3199 = tpu.vector_load_idx %arg6[%add3A_3198, %add3A_3173] : memref<64x8xi32, #tpu.memory_space<vmem>>[vector<16xi32>, vector<16xi32>], vector<16xi32>,
      %mul3A_3200 = arith.constant 8192 : i32
      %mul3A_3201 = vector.broadcast %mul3A_3200 : i32 to vector<16xi32>
      %mul3A_3202 = arith.muli %add3A_3173, %mul3A_3201 : vector<16xi32>
      %add3A_3203 = arith.addi %gather3A_3199, %mul3A_3202 : vector<16xi32>
      %swap3A_3204 = arith.constant 64 : index
      %swap3A_3205 = tpu.vector_load %arg8[%swap3A_3204] {strides = array<i32>} : memref<128xi32, #tpu.memory_space<vmem>>, vector<16xi32>,
      tpu.vector_store %arg8[%swap3A_3204], %add3A_3203 {strides = array<i32>} : memref<128xi32, #tpu.memory_space<vmem>>, vector<16xi32>,
      %jit3A_3206 = arith.constant 8 : i32
      %div3A_3207 = vector.broadcast %jit3A_3206 : i32 to vector<16xi32>
      %div3A_3208 = arith.divsi %iota3A, %div3A_3207 : vector<16xi32>
      %sign3A_3209 = arith.constant 0 : i32
      %sign3A_3210 = vector.broadcast %sign3A_3209 : i32 to vector<16xi32>
      %sign3A_3211 = arith.cmpi sgt, %iota3A, %sign3A_3210 : vector<16xi32>
      %sign3A_3212 = arith.extui %sign3A_3211 : vector<16xi1> to vector<16xi32>
      %sign3A_3213 = arith.constant 0 : i32
      %sign3A_3214 = vector.broadcast %sign3A_3213 : i32 to vector<16xi32>
      %sign3A_3215 = arith.cmpi slt, %iota3A, %sign3A_3214 : vector<16xi32>
      %sign3A_3216 = arith.extui %sign3A_3215 : vector<16xi1> to vector<16xi32>
      %sign3A_3217 = arith.subi %sign3A_3212, %sign3A_3216 : vector<16xi32>
      %sign3A_3218 = arith.constant 0 : i32
      %sign3A_3219 = arith.cmpi sgt, %jit3A_3206, %sign3A_3218 : i32
      %sign3A_3220 = arith.extui %sign3A_3219 : i1 to i32
      %sign3A_3221 = arith.constant 0 : i32
      %sign3A_3222 = arith.cmpi slt, %jit3A_3206, %sign3A_3221 : i32
      %sign3A_3223 = arith.extui %sign3A_3222 : i1 to i32
      %sign3A_3224 = arith.subi %sign3A_3220, %sign3A_3223 : i32
      %ne3A_3225 = vector.broadcast %sign3A_3224 : i32 to vector<16xi32>
      %ne3A_3226 = arith.cmpi ne, %sign3A_3217, %ne3A_3225 : vector<16xi32>
      %rem3A_3227 = vector.broadcast %jit3A_3206 : i32 to vector<16xi32>
      %rem3A_3228 = arith.remsi %iota3A, %rem3A_3227 : vector<16xi32>
      %ne3A_3229 = arith.constant 0 : i32
      %ne3A_3230 = vector.broadcast %ne3A_3229 : i32 to vector<16xi32>
      %ne3A_3231 = arith.cmpi ne, %rem3A_3228, %ne3A_3230 : vector<16xi32>
      %and3A_3232 = arith.andi %ne3A_3226, %ne3A_3231 : vector<16xi1>
      %sub3A_3233 = arith.constant 1 : i32
      %sub3A_3234 = vector.broadcast %sub3A_3233 : i32 to vector<16xi32>
      %sub3A_3235 = arith.subi %div3A_3208, %sub3A_3234 : vector<16xi32>
      %select_n3A_3236 = arith.select %and3A_3232, %sub3A_3235, %div3A_3208 : vector<16xi1>, vector<16xi32>
      %add3A_3237 = arith.constant 2 : i32
      %add3A_3238 = vector.broadcast %add3A_3237 : i32 to vector<16xi32>
      %add3A_3239 = arith.addi %add3A_3238, %select_n3A_3236 : vector<16xi32>
      %jit3A_3240 = arith.constant 8 : i32
      %eq3A_3241 = arith.constant 0 : i32
      %eq3A_3242 = arith.cmpi eq, %jit3A_3240, %eq3A_3241 : i32
      %jit3A_3243 = arith.constant 1 : i32
      %select_n3A_3244 = arith.select %eq3A_3242, %jit3A_3243, %jit3A_3240 : i32
      %rem3A_3245 = vector.broadcast %select_n3A_3244 : i32 to vector<16xi32>
      %rem3A_3246 = arith.remsi %iota3A, %rem3A_3245 : vector<16xi32>
      %ne3A_3247 = arith.constant 0 : i32
      %ne3A_3248 = vector.broadcast %ne3A_3247 : i32 to vector<16xi32>
      %ne3A_3249 = arith.cmpi ne, %rem3A_3246, %ne3A_3248 : vector<16xi32>
      %lt3A_3250 = arith.constant 0 : i32
      %lt3A_3251 = vector.broadcast %lt3A_3250 : i32 to vector<16xi32>
      %lt3A_3252 = arith.cmpi slt, %rem3A_3246, %lt3A_3251 : vector<16xi32>
      %lt3A_3253 = arith.constant 0 : i32
      %lt3A_3254 = arith.cmpi slt, %select_n3A_3244, %lt3A_3253 : i32
      %ne3A_3255 = vector.broadcast %lt3A_3254 : i1 to vector<16xi1>
      %ne3A_3256 = vector.broadcast %ne3A_3255 : vector<16xi1> to vector<16xi1>
      %ne3A_3257 = arith.xori %lt3A_3252, %ne3A_3256 : vector<16xi1>
      %and3A_3258 = arith.andi %ne3A_3257, %ne3A_3249 : vector<16xi1>
      %add3A_3259 = vector.broadcast %select_n3A_3244 : i32 to vector<16xi32>
      %add3A_3260 = arith.addi %rem3A_3246, %add3A_3259 : vector<16xi32>
      %select_n3A_3261 = arith.select %and3A_3258, %add3A_3260, %rem3A_3246 : vector<16xi1>, vector<16xi32>
      %add3A_3262 = arith.constant 24 : i32
      %add3A_3263 = vector.broadcast %add3A_3262 : i32 to vector<16xi32>
      %add3A_3264 = arith.addi %add3A_3263, %select_n3A_3261 : vector<16xi32>
      %gather3A_3265 = tpu.vector_load_idx %arg6[%add3A_3264, %add3A_3239] : memref<64x8xi32, #tpu.memory_space<vmem>>[vector<16xi32>, vector<16xi32>], vector<16xi32>,
      %mul3A_3266 = arith.constant 8192 : i32
      %mul3A_3267 = vector.broadcast %mul3A_3266 : i32 to vector<16xi32>
      %mul3A_3268 = arith.muli %add3A_3239, %mul3A_3267 : vector<16xi32>
      %add3A_3269 = arith.addi %gather3A_3265, %mul3A_3268 : vector<16xi32>
      %swap3A_3270 = arith.constant 80 : index
      %swap3A_3271 = tpu.vector_load %arg8[%swap3A_3270] {strides = array<i32>} : memref<128xi32, #tpu.memory_space<vmem>>, vector<16xi32>,
      tpu.vector_store %arg8[%swap3A_3270], %add3A_3269 {strides = array<i32>} : memref<128xi32, #tpu.memory_space<vmem>>, vector<16xi32>,
      %jit3A_3272 = arith.constant 8 : i32
      %div3A_3273 = vector.broadcast %jit3A_3272 : i32 to vector<16xi32>
      %div3A_3274 = arith.divsi %iota3A, %div3A_3273 : vector<16xi32>
      %sign3A_3275 = arith.constant 0 : i32
      %sign3A_3276 = vector.broadcast %sign3A_3275 : i32 to vector<16xi32>
      %sign3A_3277 = arith.cmpi sgt, %iota3A, %sign3A_3276 : vector<16xi32>
      %sign3A_3278 = arith.extui %sign3A_3277 : vector<16xi1> to vector<16xi32>
      %sign3A_3279 = arith.constant 0 : i32
      %sign3A_3280 = vector.broadcast %sign3A_3279 : i32 to vector<16xi32>
      %sign3A_3281 = arith.cmpi slt, %iota3A, %sign3A_3280 : vector<16xi32>
      %sign3A_3282 = arith.extui %sign3A_3281 : vector<16xi1> to vector<16xi32>
      %sign3A_3283 = arith.subi %sign3A_3278, %sign3A_3282 : vector<16xi32>
      %sign3A_3284 = arith.constant 0 : i32
      %sign3A_3285 = arith.cmpi sgt, %jit3A_3272, %sign3A_3284 : i32
      %sign3A_3286 = arith.extui %sign3A_3285 : i1 to i32
      %sign3A_3287 = arith.constant 0 : i32
      %sign3A_3288 = arith.cmpi slt, %jit3A_3272, %sign3A_3287 : i32
      %sign3A_3289 = arith.extui %sign3A_3288 : i1 to i32
      %sign3A_3290 = arith.subi %sign3A_3286, %sign3A_3289 : i32
      %ne3A_3291 = vector.broadcast %sign3A_3290 : i32 to vector<16xi32>
      %ne3A_3292 = arith.cmpi ne, %sign3A_3283, %ne3A_3291 : vector<16xi32>
      %rem3A_3293 = vector.broadcast %jit3A_3272 : i32 to vector<16xi32>
      %rem3A_3294 = arith.remsi %iota3A, %rem3A_3293 : vector<16xi32>
      %ne3A_3295 = arith.constant 0 : i32
      %ne3A_3296 = vector.broadcast %ne3A_3295 : i32 to vector<16xi32>
      %ne3A_3297 = arith.cmpi ne, %rem3A_3294, %ne3A_3296 : vector<16xi32>
      %and3A_3298 = arith.andi %ne3A_3292, %ne3A_3297 : vector<16xi1>
      %sub3A_3299 = arith.constant 1 : i32
      %sub3A_3300 = vector.broadcast %sub3A_3299 : i32 to vector<16xi32>
      %sub3A_3301 = arith.subi %div3A_3274, %sub3A_3300 : vector<16xi32>
      %select_n3A_3302 = arith.select %and3A_3298, %sub3A_3301, %div3A_3274 : vector<16xi1>, vector<16xi32>
      %add3A_3303 = arith.constant 4 : i32
      %add3A_3304 = vector.broadcast %add3A_3303 : i32 to vector<16xi32>
      %add3A_3305 = arith.addi %add3A_3304, %select_n3A_3302 : vector<16xi32>
      %jit3A_3306 = arith.constant 8 : i32
      %eq3A_3307 = arith.constant 0 : i32
      %eq3A_3308 = arith.cmpi eq, %jit3A_3306, %eq3A_3307 : i32
      %jit3A_3309 = arith.constant 1 : i32
      %select_n3A_3310 = arith.select %eq3A_3308, %jit3A_3309, %jit3A_3306 : i32
      %rem3A_3311 = vector.broadcast %select_n3A_3310 : i32 to vector<16xi32>
      %rem3A_3312 = arith.remsi %iota3A, %rem3A_3311 : vector<16xi32>
      %ne3A_3313 = arith.constant 0 : i32
      %ne3A_3314 = vector.broadcast %ne3A_3313 : i32 to vector<16xi32>
      %ne3A_3315 = arith.cmpi ne, %rem3A_3312, %ne3A_3314 : vector<16xi32>
      %lt3A_3316 = arith.constant 0 : i32
      %lt3A_3317 = vector.broadcast %lt3A_3316 : i32 to vector<16xi32>
      %lt3A_3318 = arith.cmpi slt, %rem3A_3312, %lt3A_3317 : vector<16xi32>
      %lt3A_3319 = arith.constant 0 : i32
      %lt3A_3320 = arith.cmpi slt, %select_n3A_3310, %lt3A_3319 : i32
      %ne3A_3321 = vector.broadcast %lt3A_3320 : i1 to vector<16xi1>
      %ne3A_3322 = vector.broadcast %ne3A_3321 : vector<16xi1> to vector<16xi1>
      %ne3A_3323 = arith.xori %lt3A_3318, %ne3A_3322 : vector<16xi1>
      %and3A_3324 = arith.andi %ne3A_3323, %ne3A_3315 : vector<16xi1>
      %add3A_3325 = vector.broadcast %select_n3A_3310 : i32 to vector<16xi32>
      %add3A_3326 = arith.addi %rem3A_3312, %add3A_3325 : vector<16xi32>
      %select_n3A_3327 = arith.select %and3A_3324, %add3A_3326, %rem3A_3312 : vector<16xi1>, vector<16xi32>
      %add3A_3328 = arith.constant 24 : i32
      %add3A_3329 = vector.broadcast %add3A_3328 : i32 to vector<16xi32>
      %add3A_3330 = arith.addi %add3A_3329, %select_n3A_3327 : vector<16xi32>
      %gather3A_3331 = tpu.vector_load_idx %arg6[%add3A_3330, %add3A_3305] : memref<64x8xi32, #tpu.memory_space<vmem>>[vector<16xi32>, vector<16xi32>], vector<16xi32>,
      %mul3A_3332 = arith.constant 8192 : i32
      %mul3A_3333 = vector.broadcast %mul3A_3332 : i32 to vector<16xi32>
      %mul3A_3334 = arith.muli %add3A_3305, %mul3A_3333 : vector<16xi32>
      %add3A_3335 = arith.addi %gather3A_3331, %mul3A_3334 : vector<16xi32>
      %swap3A_3336 = arith.constant 96 : index
      %swap3A_3337 = tpu.vector_load %arg8[%swap3A_3336] {strides = array<i32>} : memref<128xi32, #tpu.memory_space<vmem>>, vector<16xi32>,
      tpu.vector_store %arg8[%swap3A_3336], %add3A_3335 {strides = array<i32>} : memref<128xi32, #tpu.memory_space<vmem>>, vector<16xi32>,
      %jit3A_3338 = arith.constant 8 : i32
      %div3A_3339 = vector.broadcast %jit3A_3338 : i32 to vector<16xi32>
      %div3A_3340 = arith.divsi %iota3A, %div3A_3339 : vector<16xi32>
      %sign3A_3341 = arith.constant 0 : i32
      %sign3A_3342 = vector.broadcast %sign3A_3341 : i32 to vector<16xi32>
      %sign3A_3343 = arith.cmpi sgt, %iota3A, %sign3A_3342 : vector<16xi32>
      %sign3A_3344 = arith.extui %sign3A_3343 : vector<16xi1> to vector<16xi32>
      %sign3A_3345 = arith.constant 0 : i32
      %sign3A_3346 = vector.broadcast %sign3A_3345 : i32 to vector<16xi32>
      %sign3A_3347 = arith.cmpi slt, %iota3A, %sign3A_3346 : vector<16xi32>
      %sign3A_3348 = arith.extui %sign3A_3347 : vector<16xi1> to vector<16xi32>
      %sign3A_3349 = arith.subi %sign3A_3344, %sign3A_3348 : vector<16xi32>
      %sign3A_3350 = arith.constant 0 : i32
      %sign3A_3351 = arith.cmpi sgt, %jit3A_3338, %sign3A_3350 : i32
      %sign3A_3352 = arith.extui %sign3A_3351 : i1 to i32
      %sign3A_3353 = arith.constant 0 : i32
      %sign3A_3354 = arith.cmpi slt, %jit3A_3338, %sign3A_3353 : i32
      %sign3A_3355 = arith.extui %sign3A_3354 : i1 to i32
      %sign3A_3356 = arith.subi %sign3A_3352, %sign3A_3355 : i32
      %ne3A_3357 = vector.broadcast %sign3A_3356 : i32 to vector<16xi32>
      %ne3A_3358 = arith.cmpi ne, %sign3A_3349, %ne3A_3357 : vector<16xi32>
      %rem3A_3359 = vector.broadcast %jit3A_3338 : i32 to vector<16xi32>
      %rem3A_3360 = arith.remsi %iota3A, %rem3A_3359 : vector<16xi32>
      %ne3A_3361 = arith.constant 0 : i32
      %ne3A_3362 = vector.broadcast %ne3A_3361 : i32 to vector<16xi32>
      %ne3A_3363 = arith.cmpi ne, %rem3A_3360, %ne3A_3362 : vector<16xi32>
      %and3A_3364 = arith.andi %ne3A_3358, %ne3A_3363 : vector<16xi1>
      %sub3A_3365 = arith.constant 1 : i32
      %sub3A_3366 = vector.broadcast %sub3A_3365 : i32 to vector<16xi32>
      %sub3A_3367 = arith.subi %div3A_3340, %sub3A_3366 : vector<16xi32>
      %select_n3A_3368 = arith.select %and3A_3364, %sub3A_3367, %div3A_3340 : vector<16xi1>, vector<16xi32>
      %add3A_3369 = arith.constant 6 : i32
      %add3A_3370 = vector.broadcast %add3A_3369 : i32 to vector<16xi32>
      %add3A_3371 = arith.addi %add3A_3370, %select_n3A_3368 : vector<16xi32>
      %jit3A_3372 = arith.constant 8 : i32
      %eq3A_3373 = arith.constant 0 : i32
      %eq3A_3374 = arith.cmpi eq, %jit3A_3372, %eq3A_3373 : i32
      %jit3A_3375 = arith.constant 1 : i32
      %select_n3A_3376 = arith.select %eq3A_3374, %jit3A_3375, %jit3A_3372 : i32
      %rem3A_3377 = vector.broadcast %select_n3A_3376 : i32 to vector<16xi32>
      %rem3A_3378 = arith.remsi %iota3A, %rem3A_3377 : vector<16xi32>
      %ne3A_3379 = arith.constant 0 : i32
      %ne3A_3380 = vector.broadcast %ne3A_3379 : i32 to vector<16xi32>
      %ne3A_3381 = arith.cmpi ne, %rem3A_3378, %ne3A_3380 : vector<16xi32>
      %lt3A_3382 = arith.constant 0 : i32
      %lt3A_3383 = vector.broadcast %lt3A_3382 : i32 to vector<16xi32>
      %lt3A_3384 = arith.cmpi slt, %rem3A_3378, %lt3A_3383 : vector<16xi32>
      %lt3A_3385 = arith.constant 0 : i32
      %lt3A_3386 = arith.cmpi slt, %select_n3A_3376, %lt3A_3385 : i32
      %ne3A_3387 = vector.broadcast %lt3A_3386 : i1 to vector<16xi1>
      %ne3A_3388 = vector.broadcast %ne3A_3387 : vector<16xi1> to vector<16xi1>
      %ne3A_3389 = arith.xori %lt3A_3384, %ne3A_3388 : vector<16xi1>
      %and3A_3390 = arith.andi %ne3A_3389, %ne3A_3381 : vector<16xi1>
      %add3A_3391 = vector.broadcast %select_n3A_3376 : i32 to vector<16xi32>
      %add3A_3392 = arith.addi %rem3A_3378, %add3A_3391 : vector<16xi32>
      %select_n3A_3393 = arith.select %and3A_3390, %add3A_3392, %rem3A_3378 : vector<16xi1>, vector<16xi32>
      %add3A_3394 = arith.constant 24 : i32
      %add3A_3395 = vector.broadcast %add3A_3394 : i32 to vector<16xi32>
      %add3A_3396 = arith.addi %add3A_3395, %select_n3A_3393 : vector<16xi32>
      %gather3A_3397 = tpu.vector_load_idx %arg6[%add3A_3396, %add3A_3371] : memref<64x8xi32, #tpu.memory_space<vmem>>[vector<16xi32>, vector<16xi32>], vector<16xi32>,
      %mul3A_3398 = arith.constant 8192 : i32
      %mul3A_3399 = vector.broadcast %mul3A_3398 : i32 to vector<16xi32>
      %mul3A_3400 = arith.muli %add3A_3371, %mul3A_3399 : vector<16xi32>
      %add3A_3401 = arith.addi %gather3A_3397, %mul3A_3400 : vector<16xi32>
      %swap3A_3402 = arith.constant 112 : index
      %swap3A_3403 = tpu.vector_load %arg8[%swap3A_3402] {strides = array<i32>} : memref<128xi32, #tpu.memory_space<vmem>>, vector<16xi32>,
      tpu.vector_store %arg8[%swap3A_3402], %add3A_3401 {strides = array<i32>} : memref<128xi32, #tpu.memory_space<vmem>>, vector<16xi32>,
      %dma_start3A_3404 = arith.constant 1 : i32
      %dma_start3A_3405 = arith.constant 0 : i32
      %dma_start3A_3406 = arith.constant 0 : i32
      %dma_start3A_3407 = tpu.memref_slice %arg2[%dma_start3A_3405, %dma_start3A_3406] : memref<65536x128xf32, #tpu.memory_space<hbm>> -> memref<65536x128xf32, #tpu.memory_space<hbm>>
      %dma_start3A_3408 = tpu.memref_slice %arg15[%dma_start3A_3404] : memref<4x!tpu.dma_semaphore, #tpu.memory_space<semaphore_mem>> -> memref<1x!tpu.dma_semaphore, #tpu.memory_space<semaphore_mem>>
      %dma_start3A_3409 = tpu.memref_squeeze %dma_start3A_3408 : memref<1x!tpu.dma_semaphore, #tpu.memory_space<semaphore_mem>> -> memref<!tpu.dma_semaphore, #tpu.memory_space<semaphore_mem>>
      tpu.enqueue_indirect_dma source(%dma_start3A_3407 : memref<65536x128xf32, #tpu.memory_space<hbm>>) target(%arg12 : memref<128x128xf32, #tpu.memory_space<vmem>>) offsets(%arg8 : memref<128xi32, #tpu.memory_space<vmem>>) semaphore(%dma_start3A_3409 : memref<!tpu.dma_semaphore, #tpu.memory_space<semaphore_mem>>)
      %dma_wait3A_3410 = arith.constant 3 : i32
      %dma_wait3A_3411 = arith.constant 0 : i32
      %dma_wait3A_3412 = arith.constant 0 : i32
      %dma_wait3A_3413 = tpu.memref_slice %arg2[%dma_wait3A_3411, %dma_wait3A_3412] : memref<65536x128xf32, #tpu.memory_space<hbm>> -> memref<128x128xf32, #tpu.memory_space<hbm>>
      %dma_wait3A_3414 = tpu.memref_slice %arg15[%dma_wait3A_3410] : memref<4x!tpu.dma_semaphore, #tpu.memory_space<semaphore_mem>> -> memref<1x!tpu.dma_semaphore, #tpu.memory_space<semaphore_mem>>
      %dma_wait3A_3415 = tpu.memref_squeeze %dma_wait3A_3414 : memref<1x!tpu.dma_semaphore, #tpu.memory_space<semaphore_mem>> -> memref<!tpu.dma_semaphore, #tpu.memory_space<semaphore_mem>>
      %dma_wait3A_3416 = arith.constant 0 : i32
      %dma_wait3A_3417 = arith.constant 0 : i32
      %dma_wait3A_3418 = tpu.memref_slice %arg2[%dma_wait3A_3416, %dma_wait3A_3417] : memref<65536x128xf32, #tpu.memory_space<hbm>> -> memref<128x128xf32, #tpu.memory_space<hbm>>
      tpu.wait_dma2 semaphore(%dma_wait3A_3415 : memref<!tpu.dma_semaphore, #tpu.memory_space<semaphore_mem>>) src(%dma_wait3A_3418 : memref<128x128xf32, #tpu.memory_space<hbm>>) dst(%arg14 : memref<128x128xf32, #tpu.memory_space<vmem>>)
      %add3A_3419 = arith.constant 3 : i32
      %add3A_3420 = arith.addi %mul3A_1167, %add3A_3419 : i32
      %mul3A_3421 = arith.constant 128 : i32
      %mul3A_3422 = arith.muli %add3A_3420, %mul3A_3421 : i32
      %add3A_3423 = arith.addi %mul3A_34, %mul3A_3422 : i32
      %dma_start3A_3424 = arith.constant 3 : i32
      %dma_start3A_3425 = arith.constant 0 : i32
      %dma_start3A_3426 = tpu.memref_slice %arg4[%select_n3A, %add3A_3423, %dma_start3A_3425] : memref<16x32768x128xf32, #tpu.memory_space<hbm>> -> memref<1x128x128xf32, #tpu.memory_space<hbm>>
      %dma_start3A_3427 = tpu.memref_squeeze %dma_start3A_3426 : memref<1x128x128xf32, #tpu.memory_space<hbm>> -> memref<128x128xf32, #tpu.memory_space<hbm>>
      %dma_start3A_3428 = tpu.memref_slice %arg16[%dma_start3A_3424] : memref<4x!tpu.dma_semaphore, #tpu.memory_space<semaphore_mem>> -> memref<1x!tpu.dma_semaphore, #tpu.memory_space<semaphore_mem>>
      %dma_start3A_3429 = tpu.memref_squeeze %dma_start3A_3428 : memref<1x!tpu.dma_semaphore, #tpu.memory_space<semaphore_mem>> -> memref<!tpu.dma_semaphore, #tpu.memory_space<semaphore_mem>>
      %dma_start3A_3430 = arith.constant 0 : i32
      %dma_start3A_3431 = tpu.memref_slice %arg4[%select_n3A, %add3A_3423, %dma_start3A_3430] : memref<16x32768x128xf32, #tpu.memory_space<hbm>> -> memref<1x128x128xf32, #tpu.memory_space<hbm>>
      %dma_start3A_3432 = tpu.memref_squeeze %dma_start3A_3431 : memref<1x128x128xf32, #tpu.memory_space<hbm>> -> memref<128x128xf32, #tpu.memory_space<hbm>>
      tpu.enqueue_dma source(%arg14 : memref<128x128xf32, #tpu.memory_space<vmem>>) target(%dma_start3A_3432 : memref<128x128xf32, #tpu.memory_space<hbm>>) target_semaphore(%dma_start3A_3429 : memref<!tpu.dma_semaphore, #tpu.memory_space<semaphore_mem>>)
      %dma_wait3A_3433 = arith.constant 2 : i32
      %dma_wait3A_3434 = arith.constant 0 : i32
      %dma_wait3A_3435 = arith.constant 0 : i32
      %dma_wait3A_3436 = tpu.memref_slice %arg2[%dma_wait3A_3434, %dma_wait3A_3435] : memref<65536x128xf32, #tpu.memory_space<hbm>> -> memref<128x128xf32, #tpu.memory_space<hbm>>
      %dma_wait3A_3437 = tpu.memref_slice %arg16[%dma_wait3A_3433] : memref<4x!tpu.dma_semaphore, #tpu.memory_space<semaphore_mem>> -> memref<1x!tpu.dma_semaphore, #tpu.memory_space<semaphore_mem>>
      %dma_wait3A_3438 = tpu.memref_squeeze %dma_wait3A_3437 : memref<1x!tpu.dma_semaphore, #tpu.memory_space<semaphore_mem>> -> memref<!tpu.dma_semaphore, #tpu.memory_space<semaphore_mem>>
      %dma_wait3A_3439 = arith.constant 0 : i32
      %dma_wait3A_3440 = arith.constant 0 : i32
      %dma_wait3A_3441 = tpu.memref_slice %arg2[%dma_wait3A_3439, %dma_wait3A_3440] : memref<65536x128xf32, #tpu.memory_space<hbm>> -> memref<128x128xf32, #tpu.memory_space<hbm>>
      tpu.wait_dma2 semaphore(%dma_wait3A_3438 : memref<!tpu.dma_semaphore, #tpu.memory_space<semaphore_mem>>) src(%dma_wait3A_3441 : memref<128x128xf32, #tpu.memory_space<hbm>>) dst(%arg13 : memref<128x128xf32, #tpu.memory_space<vmem>>)
      %jit3A_3442 = arith.constant 8 : i32
      %div3A_3443 = vector.broadcast %jit3A_3442 : i32 to vector<16xi32>
      %div3A_3444 = arith.divsi %iota3A, %div3A_3443 : vector<16xi32>
      %sign3A_3445 = arith.constant 0 : i32
      %sign3A_3446 = vector.broadcast %sign3A_3445 : i32 to vector<16xi32>
      %sign3A_3447 = arith.cmpi sgt, %iota3A, %sign3A_3446 : vector<16xi32>
      %sign3A_3448 = arith.extui %sign3A_3447 : vector<16xi1> to vector<16xi32>
      %sign3A_3449 = arith.constant 0 : i32
      %sign3A_3450 = vector.broadcast %sign3A_3449 : i32 to vector<16xi32>
      %sign3A_3451 = arith.cmpi slt, %iota3A, %sign3A_3450 : vector<16xi32>
      %sign3A_3452 = arith.extui %sign3A_3451 : vector<16xi1> to vector<16xi32>
      %sign3A_3453 = arith.subi %sign3A_3448, %sign3A_3452 : vector<16xi32>
      %sign3A_3454 = arith.constant 0 : i32
      %sign3A_3455 = arith.cmpi sgt, %jit3A_3442, %sign3A_3454 : i32
      %sign3A_3456 = arith.extui %sign3A_3455 : i1 to i32
      %sign3A_3457 = arith.constant 0 : i32
      %sign3A_3458 = arith.cmpi slt, %jit3A_3442, %sign3A_3457 : i32
      %sign3A_3459 = arith.extui %sign3A_3458 : i1 to i32
      %sign3A_3460 = arith.subi %sign3A_3456, %sign3A_3459 : i32
      %ne3A_3461 = vector.broadcast %sign3A_3460 : i32 to vector<16xi32>
      %ne3A_3462 = arith.cmpi ne, %sign3A_3453, %ne3A_3461 : vector<16xi32>
      %rem3A_3463 = vector.broadcast %jit3A_3442 : i32 to vector<16xi32>
      %rem3A_3464 = arith.remsi %iota3A, %rem3A_3463 : vector<16xi32>
      %ne3A_3465 = arith.constant 0 : i32
      %ne3A_3466 = vector.broadcast %ne3A_3465 : i32 to vector<16xi32>
      %ne3A_3467 = arith.cmpi ne, %rem3A_3464, %ne3A_3466 : vector<16xi32>
      %and3A_3468 = arith.andi %ne3A_3462, %ne3A_3467 : vector<16xi1>
      %sub3A_3469 = arith.constant 1 : i32
      %sub3A_3470 = vector.broadcast %sub3A_3469 : i32 to vector<16xi32>
      %sub3A_3471 = arith.subi %div3A_3444, %sub3A_3470 : vector<16xi32>
      %select_n3A_3472 = arith.select %and3A_3468, %sub3A_3471, %div3A_3444 : vector<16xi1>, vector<16xi32>
      %add3A_3473 = arith.constant 0 : i32
      %add3A_3474 = vector.broadcast %add3A_3473 : i32 to vector<16xi32>
      %add3A_3475 = arith.addi %add3A_3474, %select_n3A_3472 : vector<16xi32>
      %jit3A_3476 = arith.constant 8 : i32
      %eq3A_3477 = arith.constant 0 : i32
      %eq3A_3478 = arith.cmpi eq, %jit3A_3476, %eq3A_3477 : i32
      %jit3A_3479 = arith.constant 1 : i32
      %select_n3A_3480 = arith.select %eq3A_3478, %jit3A_3479, %jit3A_3476 : i32
      %rem3A_3481 = vector.broadcast %select_n3A_3480 : i32 to vector<16xi32>
      %rem3A_3482 = arith.remsi %iota3A, %rem3A_3481 : vector<16xi32>
      %ne3A_3483 = arith.constant 0 : i32
      %ne3A_3484 = vector.broadcast %ne3A_3483 : i32 to vector<16xi32>
      %ne3A_3485 = arith.cmpi ne, %rem3A_3482, %ne3A_3484 : vector<16xi32>
      %lt3A_3486 = arith.constant 0 : i32
      %lt3A_3487 = vector.broadcast %lt3A_3486 : i32 to vector<16xi32>
      %lt3A_3488 = arith.cmpi slt, %rem3A_3482, %lt3A_3487 : vector<16xi32>
      %lt3A_3489 = arith.constant 0 : i32
      %lt3A_3490 = arith.cmpi slt, %select_n3A_3480, %lt3A_3489 : i32
      %ne3A_3491 = vector.broadcast %lt3A_3490 : i1 to vector<16xi1>
      %ne3A_3492 = vector.broadcast %ne3A_3491 : vector<16xi1> to vector<16xi1>
      %ne3A_3493 = arith.xori %lt3A_3488, %ne3A_3492 : vector<16xi1>
      %and3A_3494 = arith.andi %ne3A_3493, %ne3A_3485 : vector<16xi1>
      %add3A_3495 = vector.broadcast %select_n3A_3480 : i32 to vector<16xi32>
      %add3A_3496 = arith.addi %rem3A_3482, %add3A_3495 : vector<16xi32>
      %select_n3A_3497 = arith.select %and3A_3494, %add3A_3496, %rem3A_3482 : vector<16xi1>, vector<16xi32>
      %add3A_3498 = arith.constant 32 : i32
      %add3A_3499 = vector.broadcast %add3A_3498 : i32 to vector<16xi32>
      %add3A_3500 = arith.addi %add3A_3499, %select_n3A_3497 : vector<16xi32>
      %gather3A_3501 = tpu.vector_load_idx %arg6[%add3A_3500, %add3A_3475] : memref<64x8xi32, #tpu.memory_space<vmem>>[vector<16xi32>, vector<16xi32>], vector<16xi32>,
      %mul3A_3502 = arith.constant 8192 : i32
      %mul3A_3503 = vector.broadcast %mul3A_3502 : i32 to vector<16xi32>
      %mul3A_3504 = arith.muli %add3A_3475, %mul3A_3503 : vector<16xi32>
      %add3A_3505 = arith.addi %gather3A_3501, %mul3A_3504 : vector<16xi32>
      %swap3A_3506 = arith.constant 0 : index
      %swap3A_3507 = tpu.vector_load %arg9[%swap3A_3506] {strides = array<i32>} : memref<128xi32, #tpu.memory_space<vmem>>, vector<16xi32>,
      tpu.vector_store %arg9[%swap3A_3506], %add3A_3505 {strides = array<i32>} : memref<128xi32, #tpu.memory_space<vmem>>, vector<16xi32>,
      %jit3A_3508 = arith.constant 8 : i32
      %div3A_3509 = vector.broadcast %jit3A_3508 : i32 to vector<16xi32>
      %div3A_3510 = arith.divsi %iota3A, %div3A_3509 : vector<16xi32>
      %sign3A_3511 = arith.constant 0 : i32
      %sign3A_3512 = vector.broadcast %sign3A_3511 : i32 to vector<16xi32>
      %sign3A_3513 = arith.cmpi sgt, %iota3A, %sign3A_3512 : vector<16xi32>
      %sign3A_3514 = arith.extui %sign3A_3513 : vector<16xi1> to vector<16xi32>
      %sign3A_3515 = arith.constant 0 : i32
      %sign3A_3516 = vector.broadcast %sign3A_3515 : i32 to vector<16xi32>
      %sign3A_3517 = arith.cmpi slt, %iota3A, %sign3A_3516 : vector<16xi32>
      %sign3A_3518 = arith.extui %sign3A_3517 : vector<16xi1> to vector<16xi32>
      %sign3A_3519 = arith.subi %sign3A_3514, %sign3A_3518 : vector<16xi32>
      %sign3A_3520 = arith.constant 0 : i32
      %sign3A_3521 = arith.cmpi sgt, %jit3A_3508, %sign3A_3520 : i32
      %sign3A_3522 = arith.extui %sign3A_3521 : i1 to i32
      %sign3A_3523 = arith.constant 0 : i32
      %sign3A_3524 = arith.cmpi slt, %jit3A_3508, %sign3A_3523 : i32
      %sign3A_3525 = arith.extui %sign3A_3524 : i1 to i32
      %sign3A_3526 = arith.subi %sign3A_3522, %sign3A_3525 : i32
      %ne3A_3527 = vector.broadcast %sign3A_3526 : i32 to vector<16xi32>
      %ne3A_3528 = arith.cmpi ne, %sign3A_3519, %ne3A_3527 : vector<16xi32>
      %rem3A_3529 = vector.broadcast %jit3A_3508 : i32 to vector<16xi32>
      %rem3A_3530 = arith.remsi %iota3A, %rem3A_3529 : vector<16xi32>
      %ne3A_3531 = arith.constant 0 : i32
      %ne3A_3532 = vector.broadcast %ne3A_3531 : i32 to vector<16xi32>
      %ne3A_3533 = arith.cmpi ne, %rem3A_3530, %ne3A_3532 : vector<16xi32>
      %and3A_3534 = arith.andi %ne3A_3528, %ne3A_3533 : vector<16xi1>
      %sub3A_3535 = arith.constant 1 : i32
      %sub3A_3536 = vector.broadcast %sub3A_3535 : i32 to vector<16xi32>
      %sub3A_3537 = arith.subi %div3A_3510, %sub3A_3536 : vector<16xi32>
      %select_n3A_3538 = arith.select %and3A_3534, %sub3A_3537, %div3A_3510 : vector<16xi1>, vector<16xi32>
      %add3A_3539 = arith.constant 2 : i32
      %add3A_3540 = vector.broadcast %add3A_3539 : i32 to vector<16xi32>
      %add3A_3541 = arith.addi %add3A_3540, %select_n3A_3538 : vector<16xi32>
      %jit3A_3542 = arith.constant 8 : i32
      %eq3A_3543 = arith.constant 0 : i32
      %eq3A_3544 = arith.cmpi eq, %jit3A_3542, %eq3A_3543 : i32
      %jit3A_3545 = arith.constant 1 : i32
      %select_n3A_3546 = arith.select %eq3A_3544, %jit3A_3545, %jit3A_3542 : i32
      %rem3A_3547 = vector.broadcast %select_n3A_3546 : i32 to vector<16xi32>
      %rem3A_3548 = arith.remsi %iota3A, %rem3A_3547 : vector<16xi32>
      %ne3A_3549 = arith.constant 0 : i32
      %ne3A_3550 = vector.broadcast %ne3A_3549 : i32 to vector<16xi32>
      %ne3A_3551 = arith.cmpi ne, %rem3A_3548, %ne3A_3550 : vector<16xi32>
      %lt3A_3552 = arith.constant 0 : i32
      %lt3A_3553 = vector.broadcast %lt3A_3552 : i32 to vector<16xi32>
      %lt3A_3554 = arith.cmpi slt, %rem3A_3548, %lt3A_3553 : vector<16xi32>
      %lt3A_3555 = arith.constant 0 : i32
      %lt3A_3556 = arith.cmpi slt, %select_n3A_3546, %lt3A_3555 : i32
      %ne3A_3557 = vector.broadcast %lt3A_3556 : i1 to vector<16xi1>
      %ne3A_3558 = vector.broadcast %ne3A_3557 : vector<16xi1> to vector<16xi1>
      %ne3A_3559 = arith.xori %lt3A_3554, %ne3A_3558 : vector<16xi1>
      %and3A_3560 = arith.andi %ne3A_3559, %ne3A_3551 : vector<16xi1>
      %add3A_3561 = vector.broadcast %select_n3A_3546 : i32 to vector<16xi32>
      %add3A_3562 = arith.addi %rem3A_3548, %add3A_3561 : vector<16xi32>
      %select_n3A_3563 = arith.select %and3A_3560, %add3A_3562, %rem3A_3548 : vector<16xi1>, vector<16xi32>
      %add3A_3564 = arith.constant 32 : i32
      %add3A_3565 = vector.broadcast %add3A_3564 : i32 to vector<16xi32>
      %add3A_3566 = arith.addi %add3A_3565, %select_n3A_3563 : vector<16xi32>
      %gather3A_3567 = tpu.vector_load_idx %arg6[%add3A_3566, %add3A_3541] : memref<64x8xi32, #tpu.memory_space<vmem>>[vector<16xi32>, vector<16xi32>], vector<16xi32>,
      %mul3A_3568 = arith.constant 8192 : i32
      %mul3A_3569 = vector.broadcast %mul3A_3568 : i32 to vector<16xi32>
      %mul3A_3570 = arith.muli %add3A_3541, %mul3A_3569 : vector<16xi32>
      %add3A_3571 = arith.addi %gather3A_3567, %mul3A_3570 : vector<16xi32>
      %swap3A_3572 = arith.constant 16 : index
      %swap3A_3573 = tpu.vector_load %arg9[%swap3A_3572] {strides = array<i32>} : memref<128xi32, #tpu.memory_space<vmem>>, vector<16xi32>,
      tpu.vector_store %arg9[%swap3A_3572], %add3A_3571 {strides = array<i32>} : memref<128xi32, #tpu.memory_space<vmem>>, vector<16xi32>,
      %jit3A_3574 = arith.constant 8 : i32
      %div3A_3575 = vector.broadcast %jit3A_3574 : i32 to vector<16xi32>
      %div3A_3576 = arith.divsi %iota3A, %div3A_3575 : vector<16xi32>
      %sign3A_3577 = arith.constant 0 : i32
      %sign3A_3578 = vector.broadcast %sign3A_3577 : i32 to vector<16xi32>
      %sign3A_3579 = arith.cmpi sgt, %iota3A, %sign3A_3578 : vector<16xi32>
      %sign3A_3580 = arith.extui %sign3A_3579 : vector<16xi1> to vector<16xi32>
      %sign3A_3581 = arith.constant 0 : i32
      %sign3A_3582 = vector.broadcast %sign3A_3581 : i32 to vector<16xi32>
      %sign3A_3583 = arith.cmpi slt, %iota3A, %sign3A_3582 : vector<16xi32>
      %sign3A_3584 = arith.extui %sign3A_3583 : vector<16xi1> to vector<16xi32>
      %sign3A_3585 = arith.subi %sign3A_3580, %sign3A_3584 : vector<16xi32>
      %sign3A_3586 = arith.constant 0 : i32
      %sign3A_3587 = arith.cmpi sgt, %jit3A_3574, %sign3A_3586 : i32
      %sign3A_3588 = arith.extui %sign3A_3587 : i1 to i32
      %sign3A_3589 = arith.constant 0 : i32
      %sign3A_3590 = arith.cmpi slt, %jit3A_3574, %sign3A_3589 : i32
      %sign3A_3591 = arith.extui %sign3A_3590 : i1 to i32
      %sign3A_3592 = arith.subi %sign3A_3588, %sign3A_3591 : i32
      %ne3A_3593 = vector.broadcast %sign3A_3592 : i32 to vector<16xi32>
      %ne3A_3594 = arith.cmpi ne, %sign3A_3585, %ne3A_3593 : vector<16xi32>
      %rem3A_3595 = vector.broadcast %jit3A_3574 : i32 to vector<16xi32>
      %rem3A_3596 = arith.remsi %iota3A, %rem3A_3595 : vector<16xi32>
      %ne3A_3597 = arith.constant 0 : i32
      %ne3A_3598 = vector.broadcast %ne3A_3597 : i32 to vector<16xi32>
      %ne3A_3599 = arith.cmpi ne, %rem3A_3596, %ne3A_3598 : vector<16xi32>
      %and3A_3600 = arith.andi %ne3A_3594, %ne3A_3599 : vector<16xi1>
      %sub3A_3601 = arith.constant 1 : i32
      %sub3A_3602 = vector.broadcast %sub3A_3601 : i32 to vector<16xi32>
      %sub3A_3603 = arith.subi %div3A_3576, %sub3A_3602 : vector<16xi32>
      %select_n3A_3604 = arith.select %and3A_3600, %sub3A_3603, %div3A_3576 : vector<16xi1>, vector<16xi32>
      %add3A_3605 = arith.constant 4 : i32
      %add3A_3606 = vector.broadcast %add3A_3605 : i32 to vector<16xi32>
      %add3A_3607 = arith.addi %add3A_3606, %select_n3A_3604 : vector<16xi32>
      %jit3A_3608 = arith.constant 8 : i32
      %eq3A_3609 = arith.constant 0 : i32
      %eq3A_3610 = arith.cmpi eq, %jit3A_3608, %eq3A_3609 : i32
      %jit3A_3611 = arith.constant 1 : i32
      %select_n3A_3612 = arith.select %eq3A_3610, %jit3A_3611, %jit3A_3608 : i32
      %rem3A_3613 = vector.broadcast %select_n3A_3612 : i32 to vector<16xi32>
      %rem3A_3614 = arith.remsi %iota3A, %rem3A_3613 : vector<16xi32>
      %ne3A_3615 = arith.constant 0 : i32
      %ne3A_3616 = vector.broadcast %ne3A_3615 : i32 to vector<16xi32>
      %ne3A_3617 = arith.cmpi ne, %rem3A_3614, %ne3A_3616 : vector<16xi32>
      %lt3A_3618 = arith.constant 0 : i32
      %lt3A_3619 = vector.broadcast %lt3A_3618 : i32 to vector<16xi32>
      %lt3A_3620 = arith.cmpi slt, %rem3A_3614, %lt3A_3619 : vector<16xi32>
      %lt3A_3621 = arith.constant 0 : i32
      %lt3A_3622 = arith.cmpi slt, %select_n3A_3612, %lt3A_3621 : i32
      %ne3A_3623 = vector.broadcast %lt3A_3622 : i1 to vector<16xi1>
      %ne3A_3624 = vector.broadcast %ne3A_3623 : vector<16xi1> to vector<16xi1>
      %ne3A_3625 = arith.xori %lt3A_3620, %ne3A_3624 : vector<16xi1>
      %and3A_3626 = arith.andi %ne3A_3625, %ne3A_3617 : vector<16xi1>
      %add3A_3627 = vector.broadcast %select_n3A_3612 : i32 to vector<16xi32>
      %add3A_3628 = arith.addi %rem3A_3614, %add3A_3627 : vector<16xi32>
      %select_n3A_3629 = arith.select %and3A_3626, %add3A_3628, %rem3A_3614 : vector<16xi1>, vector<16xi32>
      %add3A_3630 = arith.constant 32 : i32
      %add3A_3631 = vector.broadcast %add3A_3630 : i32 to vector<16xi32>
      %add3A_3632 = arith.addi %add3A_3631, %select_n3A_3629 : vector<16xi32>
      %gather3A_3633 = tpu.vector_load_idx %arg6[%add3A_3632, %add3A_3607] : memref<64x8xi32, #tpu.memory_space<vmem>>[vector<16xi32>, vector<16xi32>], vector<16xi32>,
      %mul3A_3634 = arith.constant 8192 : i32
      %mul3A_3635 = vector.broadcast %mul3A_3634 : i32 to vector<16xi32>
      %mul3A_3636 = arith.muli %add3A_3607, %mul3A_3635 : vector<16xi32>
      %add3A_3637 = arith.addi %gather3A_3633, %mul3A_3636 : vector<16xi32>
      %swap3A_3638 = arith.constant 32 : index
      %swap3A_3639 = tpu.vector_load %arg9[%swap3A_3638] {strides = array<i32>} : memref<128xi32, #tpu.memory_space<vmem>>, vector<16xi32>,
      tpu.vector_store %arg9[%swap3A_3638], %add3A_3637 {strides = array<i32>} : memref<128xi32, #tpu.memory_space<vmem>>, vector<16xi32>,
      %jit3A_3640 = arith.constant 8 : i32
      %div3A_3641 = vector.broadcast %jit3A_3640 : i32 to vector<16xi32>
      %div3A_3642 = arith.divsi %iota3A, %div3A_3641 : vector<16xi32>
      %sign3A_3643 = arith.constant 0 : i32
      %sign3A_3644 = vector.broadcast %sign3A_3643 : i32 to vector<16xi32>
      %sign3A_3645 = arith.cmpi sgt, %iota3A, %sign3A_3644 : vector<16xi32>
      %sign3A_3646 = arith.extui %sign3A_3645 : vector<16xi1> to vector<16xi32>
      %sign3A_3647 = arith.constant 0 : i32
      %sign3A_3648 = vector.broadcast %sign3A_3647 : i32 to vector<16xi32>
      %sign3A_3649 = arith.cmpi slt, %iota3A, %sign3A_3648 : vector<16xi32>
      %sign3A_3650 = arith.extui %sign3A_3649 : vector<16xi1> to vector<16xi32>
      %sign3A_3651 = arith.subi %sign3A_3646, %sign3A_3650 : vector<16xi32>
      %sign3A_3652 = arith.constant 0 : i32
      %sign3A_3653 = arith.cmpi sgt, %jit3A_3640, %sign3A_3652 : i32
      %sign3A_3654 = arith.extui %sign3A_3653 : i1 to i32
      %sign3A_3655 = arith.constant 0 : i32
      %sign3A_3656 = arith.cmpi slt, %jit3A_3640, %sign3A_3655 : i32
      %sign3A_3657 = arith.extui %sign3A_3656 : i1 to i32
      %sign3A_3658 = arith.subi %sign3A_3654, %sign3A_3657 : i32
      %ne3A_3659 = vector.broadcast %sign3A_3658 : i32 to vector<16xi32>
      %ne3A_3660 = arith.cmpi ne, %sign3A_3651, %ne3A_3659 : vector<16xi32>
      %rem3A_3661 = vector.broadcast %jit3A_3640 : i32 to vector<16xi32>
      %rem3A_3662 = arith.remsi %iota3A, %rem3A_3661 : vector<16xi32>
      %ne3A_3663 = arith.constant 0 : i32
      %ne3A_3664 = vector.broadcast %ne3A_3663 : i32 to vector<16xi32>
      %ne3A_3665 = arith.cmpi ne, %rem3A_3662, %ne3A_3664 : vector<16xi32>
      %and3A_3666 = arith.andi %ne3A_3660, %ne3A_3665 : vector<16xi1>
      %sub3A_3667 = arith.constant 1 : i32
      %sub3A_3668 = vector.broadcast %sub3A_3667 : i32 to vector<16xi32>
      %sub3A_3669 = arith.subi %div3A_3642, %sub3A_3668 : vector<16xi32>
      %select_n3A_3670 = arith.select %and3A_3666, %sub3A_3669, %div3A_3642 : vector<16xi1>, vector<16xi32>
      %add3A_3671 = arith.constant 6 : i32
      %add3A_3672 = vector.broadcast %add3A_3671 : i32 to vector<16xi32>
      %add3A_3673 = arith.addi %add3A_3672, %select_n3A_3670 : vector<16xi32>
      %jit3A_3674 = arith.constant 8 : i32
      %eq3A_3675 = arith.constant 0 : i32
      %eq3A_3676 = arith.cmpi eq, %jit3A_3674, %eq3A_3675 : i32
      %jit3A_3677 = arith.constant 1 : i32
      %select_n3A_3678 = arith.select %eq3A_3676, %jit3A_3677, %jit3A_3674 : i32
      %rem3A_3679 = vector.broadcast %select_n3A_3678 : i32 to vector<16xi32>
      %rem3A_3680 = arith.remsi %iota3A, %rem3A_3679 : vector<16xi32>
      %ne3A_3681 = arith.constant 0 : i32
      %ne3A_3682 = vector.broadcast %ne3A_3681 : i32 to vector<16xi32>
      %ne3A_3683 = arith.cmpi ne, %rem3A_3680, %ne3A_3682 : vector<16xi32>
      %lt3A_3684 = arith.constant 0 : i32
      %lt3A_3685 = vector.broadcast %lt3A_3684 : i32 to vector<16xi32>
      %lt3A_3686 = arith.cmpi slt, %rem3A_3680, %lt3A_3685 : vector<16xi32>
      %lt3A_3687 = arith.constant 0 : i32
      %lt3A_3688 = arith.cmpi slt, %select_n3A_3678, %lt3A_3687 : i32
      %ne3A_3689 = vector.broadcast %lt3A_3688 : i1 to vector<16xi1>
      %ne3A_3690 = vector.broadcast %ne3A_3689 : vector<16xi1> to vector<16xi1>
      %ne3A_3691 = arith.xori %lt3A_3686, %ne3A_3690 : vector<16xi1>
      %and3A_3692 = arith.andi %ne3A_3691, %ne3A_3683 : vector<16xi1>
      %add3A_3693 = vector.broadcast %select_n3A_3678 : i32 to vector<16xi32>
      %add3A_3694 = arith.addi %rem3A_3680, %add3A_3693 : vector<16xi32>
      %select_n3A_3695 = arith.select %and3A_3692, %add3A_3694, %rem3A_3680 : vector<16xi1>, vector<16xi32>
      %add3A_3696 = arith.constant 32 : i32
      %add3A_3697 = vector.broadcast %add3A_3696 : i32 to vector<16xi32>
      %add3A_3698 = arith.addi %add3A_3697, %select_n3A_3695 : vector<16xi32>
      %gather3A_3699 = tpu.vector_load_idx %arg6[%add3A_3698, %add3A_3673] : memref<64x8xi32, #tpu.memory_space<vmem>>[vector<16xi32>, vector<16xi32>], vector<16xi32>,
      %mul3A_3700 = arith.constant 8192 : i32
      %mul3A_3701 = vector.broadcast %mul3A_3700 : i32 to vector<16xi32>
      %mul3A_3702 = arith.muli %add3A_3673, %mul3A_3701 : vector<16xi32>
      %add3A_3703 = arith.addi %gather3A_3699, %mul3A_3702 : vector<16xi32>
      %swap3A_3704 = arith.constant 48 : index
      %swap3A_3705 = tpu.vector_load %arg9[%swap3A_3704] {strides = array<i32>} : memref<128xi32, #tpu.memory_space<vmem>>, vector<16xi32>,
      tpu.vector_store %arg9[%swap3A_3704], %add3A_3703 {strides = array<i32>} : memref<128xi32, #tpu.memory_space<vmem>>, vector<16xi32>,
      %jit3A_3706 = arith.constant 8 : i32
      %div3A_3707 = vector.broadcast %jit3A_3706 : i32 to vector<16xi32>
      %div3A_3708 = arith.divsi %iota3A, %div3A_3707 : vector<16xi32>
      %sign3A_3709 = arith.constant 0 : i32
      %sign3A_3710 = vector.broadcast %sign3A_3709 : i32 to vector<16xi32>
      %sign3A_3711 = arith.cmpi sgt, %iota3A, %sign3A_3710 : vector<16xi32>
      %sign3A_3712 = arith.extui %sign3A_3711 : vector<16xi1> to vector<16xi32>
      %sign3A_3713 = arith.constant 0 : i32
      %sign3A_3714 = vector.broadcast %sign3A_3713 : i32 to vector<16xi32>
      %sign3A_3715 = arith.cmpi slt, %iota3A, %sign3A_3714 : vector<16xi32>
      %sign3A_3716 = arith.extui %sign3A_3715 : vector<16xi1> to vector<16xi32>
      %sign3A_3717 = arith.subi %sign3A_3712, %sign3A_3716 : vector<16xi32>
      %sign3A_3718 = arith.constant 0 : i32
      %sign3A_3719 = arith.cmpi sgt, %jit3A_3706, %sign3A_3718 : i32
      %sign3A_3720 = arith.extui %sign3A_3719 : i1 to i32
      %sign3A_3721 = arith.constant 0 : i32
      %sign3A_3722 = arith.cmpi slt, %jit3A_3706, %sign3A_3721 : i32
      %sign3A_3723 = arith.extui %sign3A_3722 : i1 to i32
      %sign3A_3724 = arith.subi %sign3A_3720, %sign3A_3723 : i32
      %ne3A_3725 = vector.broadcast %sign3A_3724 : i32 to vector<16xi32>
      %ne3A_3726 = arith.cmpi ne, %sign3A_3717, %ne3A_3725 : vector<16xi32>
      %rem3A_3727 = vector.broadcast %jit3A_3706 : i32 to vector<16xi32>
      %rem3A_3728 = arith.remsi %iota3A, %rem3A_3727 : vector<16xi32>
      %ne3A_3729 = arith.constant 0 : i32
      %ne3A_3730 = vector.broadcast %ne3A_3729 : i32 to vector<16xi32>
      %ne3A_3731 = arith.cmpi ne, %rem3A_3728, %ne3A_3730 : vector<16xi32>
      %and3A_3732 = arith.andi %ne3A_3726, %ne3A_3731 : vector<16xi1>
      %sub3A_3733 = arith.constant 1 : i32
      %sub3A_3734 = vector.broadcast %sub3A_3733 : i32 to vector<16xi32>
      %sub3A_3735 = arith.subi %div3A_3708, %sub3A_3734 : vector<16xi32>
      %select_n3A_3736 = arith.select %and3A_3732, %sub3A_3735, %div3A_3708 : vector<16xi1>, vector<16xi32>
      %add3A_3737 = arith.constant 0 : i32
      %add3A_3738 = vector.broadcast %add3A_3737 : i32 to vector<16xi32>
      %add3A_3739 = arith.addi %add3A_3738, %select_n3A_3736 : vector<16xi32>
      %jit3A_3740 = arith.constant 8 : i32
      %eq3A_3741 = arith.constant 0 : i32
      %eq3A_3742 = arith.cmpi eq, %jit3A_3740, %eq3A_3741 : i32
      %jit3A_3743 = arith.constant 1 : i32
      %select_n3A_3744 = arith.select %eq3A_3742, %jit3A_3743, %jit3A_3740 : i32
      %rem3A_3745 = vector.broadcast %select_n3A_3744 : i32 to vector<16xi32>
      %rem3A_3746 = arith.remsi %iota3A, %rem3A_3745 : vector<16xi32>
      %ne3A_3747 = arith.constant 0 : i32
      %ne3A_3748 = vector.broadcast %ne3A_3747 : i32 to vector<16xi32>
      %ne3A_3749 = arith.cmpi ne, %rem3A_3746, %ne3A_3748 : vector<16xi32>
      %lt3A_3750 = arith.constant 0 : i32
      %lt3A_3751 = vector.broadcast %lt3A_3750 : i32 to vector<16xi32>
      %lt3A_3752 = arith.cmpi slt, %rem3A_3746, %lt3A_3751 : vector<16xi32>
      %lt3A_3753 = arith.constant 0 : i32
      %lt3A_3754 = arith.cmpi slt, %select_n3A_3744, %lt3A_3753 : i32
      %ne3A_3755 = vector.broadcast %lt3A_3754 : i1 to vector<16xi1>
      %ne3A_3756 = vector.broadcast %ne3A_3755 : vector<16xi1> to vector<16xi1>
      %ne3A_3757 = arith.xori %lt3A_3752, %ne3A_3756 : vector<16xi1>
      %and3A_3758 = arith.andi %ne3A_3757, %ne3A_3749 : vector<16xi1>
      %add3A_3759 = vector.broadcast %select_n3A_3744 : i32 to vector<16xi32>
      %add3A_3760 = arith.addi %rem3A_3746, %add3A_3759 : vector<16xi32>
      %select_n3A_3761 = arith.select %and3A_3758, %add3A_3760, %rem3A_3746 : vector<16xi1>, vector<16xi32>
      %add3A_3762 = arith.constant 40 : i32
      %add3A_3763 = vector.broadcast %add3A_3762 : i32 to vector<16xi32>
      %add3A_3764 = arith.addi %add3A_3763, %select_n3A_3761 : vector<16xi32>
      %gather3A_3765 = tpu.vector_load_idx %arg6[%add3A_3764, %add3A_3739] : memref<64x8xi32, #tpu.memory_space<vmem>>[vector<16xi32>, vector<16xi32>], vector<16xi32>,
      %mul3A_3766 = arith.constant 8192 : i32
      %mul3A_3767 = vector.broadcast %mul3A_3766 : i32 to vector<16xi32>
      %mul3A_3768 = arith.muli %add3A_3739, %mul3A_3767 : vector<16xi32>
      %add3A_3769 = arith.addi %gather3A_3765, %mul3A_3768 : vector<16xi32>
      %swap3A_3770 = arith.constant 64 : index
      %swap3A_3771 = tpu.vector_load %arg9[%swap3A_3770] {strides = array<i32>} : memref<128xi32, #tpu.memory_space<vmem>>, vector<16xi32>,
      tpu.vector_store %arg9[%swap3A_3770], %add3A_3769 {strides = array<i32>} : memref<128xi32, #tpu.memory_space<vmem>>, vector<16xi32>,
      %jit3A_3772 = arith.constant 8 : i32
      %div3A_3773 = vector.broadcast %jit3A_3772 : i32 to vector<16xi32>
      %div3A_3774 = arith.divsi %iota3A, %div3A_3773 : vector<16xi32>
      %sign3A_3775 = arith.constant 0 : i32
      %sign3A_3776 = vector.broadcast %sign3A_3775 : i32 to vector<16xi32>
      %sign3A_3777 = arith.cmpi sgt, %iota3A, %sign3A_3776 : vector<16xi32>
      %sign3A_3778 = arith.extui %sign3A_3777 : vector<16xi1> to vector<16xi32>
      %sign3A_3779 = arith.constant 0 : i32
      %sign3A_3780 = vector.broadcast %sign3A_3779 : i32 to vector<16xi32>
      %sign3A_3781 = arith.cmpi slt, %iota3A, %sign3A_3780 : vector<16xi32>
      %sign3A_3782 = arith.extui %sign3A_3781 : vector<16xi1> to vector<16xi32>
      %sign3A_3783 = arith.subi %sign3A_3778, %sign3A_3782 : vector<16xi32>
      %sign3A_3784 = arith.constant 0 : i32
      %sign3A_3785 = arith.cmpi sgt, %jit3A_3772, %sign3A_3784 : i32
      %sign3A_3786 = arith.extui %sign3A_3785 : i1 to i32
      %sign3A_3787 = arith.constant 0 : i32
      %sign3A_3788 = arith.cmpi slt, %jit3A_3772, %sign3A_3787 : i32
      %sign3A_3789 = arith.extui %sign3A_3788 : i1 to i32
      %sign3A_3790 = arith.subi %sign3A_3786, %sign3A_3789 : i32
      %ne3A_3791 = vector.broadcast %sign3A_3790 : i32 to vector<16xi32>
      %ne3A_3792 = arith.cmpi ne, %sign3A_3783, %ne3A_3791 : vector<16xi32>
      %rem3A_3793 = vector.broadcast %jit3A_3772 : i32 to vector<16xi32>
      %rem3A_3794 = arith.remsi %iota3A, %rem3A_3793 : vector<16xi32>
      %ne3A_3795 = arith.constant 0 : i32
      %ne3A_3796 = vector.broadcast %ne3A_3795 : i32 to vector<16xi32>
      %ne3A_3797 = arith.cmpi ne, %rem3A_3794, %ne3A_3796 : vector<16xi32>
      %and3A_3798 = arith.andi %ne3A_3792, %ne3A_3797 : vector<16xi1>
      %sub3A_3799 = arith.constant 1 : i32
      %sub3A_3800 = vector.broadcast %sub3A_3799 : i32 to vector<16xi32>
      %sub3A_3801 = arith.subi %div3A_3774, %sub3A_3800 : vector<16xi32>
      %select_n3A_3802 = arith.select %and3A_3798, %sub3A_3801, %div3A_3774 : vector<16xi1>, vector<16xi32>
      %add3A_3803 = arith.constant 2 : i32
      %add3A_3804 = vector.broadcast %add3A_3803 : i32 to vector<16xi32>
      %add3A_3805 = arith.addi %add3A_3804, %select_n3A_3802 : vector<16xi32>
      %jit3A_3806 = arith.constant 8 : i32
      %eq3A_3807 = arith.constant 0 : i32
      %eq3A_3808 = arith.cmpi eq, %jit3A_3806, %eq3A_3807 : i32
      %jit3A_3809 = arith.constant 1 : i32
      %select_n3A_3810 = arith.select %eq3A_3808, %jit3A_3809, %jit3A_3806 : i32
      %rem3A_3811 = vector.broadcast %select_n3A_3810 : i32 to vector<16xi32>
      %rem3A_3812 = arith.remsi %iota3A, %rem3A_3811 : vector<16xi32>
      %ne3A_3813 = arith.constant 0 : i32
      %ne3A_3814 = vector.broadcast %ne3A_3813 : i32 to vector<16xi32>
      %ne3A_3815 = arith.cmpi ne, %rem3A_3812, %ne3A_3814 : vector<16xi32>
      %lt3A_3816 = arith.constant 0 : i32
      %lt3A_3817 = vector.broadcast %lt3A_3816 : i32 to vector<16xi32>
      %lt3A_3818 = arith.cmpi slt, %rem3A_3812, %lt3A_3817 : vector<16xi32>
      %lt3A_3819 = arith.constant 0 : i32
      %lt3A_3820 = arith.cmpi slt, %select_n3A_3810, %lt3A_3819 : i32
      %ne3A_3821 = vector.broadcast %lt3A_3820 : i1 to vector<16xi1>
      %ne3A_3822 = vector.broadcast %ne3A_3821 : vector<16xi1> to vector<16xi1>
      %ne3A_3823 = arith.xori %lt3A_3818, %ne3A_3822 : vector<16xi1>
      %and3A_3824 = arith.andi %ne3A_3823, %ne3A_3815 : vector<16xi1>
      %add3A_3825 = vector.broadcast %select_n3A_3810 : i32 to vector<16xi32>
      %add3A_3826 = arith.addi %rem3A_3812, %add3A_3825 : vector<16xi32>
      %select_n3A_3827 = arith.select %and3A_3824, %add3A_3826, %rem3A_3812 : vector<16xi1>, vector<16xi32>
      %add3A_3828 = arith.constant 40 : i32
      %add3A_3829 = vector.broadcast %add3A_3828 : i32 to vector<16xi32>
      %add3A_3830 = arith.addi %add3A_3829, %select_n3A_3827 : vector<16xi32>
      %gather3A_3831 = tpu.vector_load_idx %arg6[%add3A_3830, %add3A_3805] : memref<64x8xi32, #tpu.memory_space<vmem>>[vector<16xi32>, vector<16xi32>], vector<16xi32>,
      %mul3A_3832 = arith.constant 8192 : i32
      %mul3A_3833 = vector.broadcast %mul3A_3832 : i32 to vector<16xi32>
      %mul3A_3834 = arith.muli %add3A_3805, %mul3A_3833 : vector<16xi32>
      %add3A_3835 = arith.addi %gather3A_3831, %mul3A_3834 : vector<16xi32>
      %swap3A_3836 = arith.constant 80 : index
      %swap3A_3837 = tpu.vector_load %arg9[%swap3A_3836] {strides = array<i32>} : memref<128xi32, #tpu.memory_space<vmem>>, vector<16xi32>,
      tpu.vector_store %arg9[%swap3A_3836], %add3A_3835 {strides = array<i32>} : memref<128xi32, #tpu.memory_space<vmem>>, vector<16xi32>,
      %jit3A_3838 = arith.constant 8 : i32
      %div3A_3839 = vector.broadcast %jit3A_3838 : i32 to vector<16xi32>
      %div3A_3840 = arith.divsi %iota3A, %div3A_3839 : vector<16xi32>
      %sign3A_3841 = arith.constant 0 : i32
      %sign3A_3842 = vector.broadcast %sign3A_3841 : i32 to vector<16xi32>
      %sign3A_3843 = arith.cmpi sgt, %iota3A, %sign3A_3842 : vector<16xi32>
      %sign3A_3844 = arith.extui %sign3A_3843 : vector<16xi1> to vector<16xi32>
      %sign3A_3845 = arith.constant 0 : i32
      %sign3A_3846 = vector.broadcast %sign3A_3845 : i32 to vector<16xi32>
      %sign3A_3847 = arith.cmpi slt, %iota3A, %sign3A_3846 : vector<16xi32>
      %sign3A_3848 = arith.extui %sign3A_3847 : vector<16xi1> to vector<16xi32>
      %sign3A_3849 = arith.subi %sign3A_3844, %sign3A_3848 : vector<16xi32>
      %sign3A_3850 = arith.constant 0 : i32
      %sign3A_3851 = arith.cmpi sgt, %jit3A_3838, %sign3A_3850 : i32
      %sign3A_3852 = arith.extui %sign3A_3851 : i1 to i32
      %sign3A_3853 = arith.constant 0 : i32
      %sign3A_3854 = arith.cmpi slt, %jit3A_3838, %sign3A_3853 : i32
      %sign3A_3855 = arith.extui %sign3A_3854 : i1 to i32
      %sign3A_3856 = arith.subi %sign3A_3852, %sign3A_3855 : i32
      %ne3A_3857 = vector.broadcast %sign3A_3856 : i32 to vector<16xi32>
      %ne3A_3858 = arith.cmpi ne, %sign3A_3849, %ne3A_3857 : vector<16xi32>
      %rem3A_3859 = vector.broadcast %jit3A_3838 : i32 to vector<16xi32>
      %rem3A_3860 = arith.remsi %iota3A, %rem3A_3859 : vector<16xi32>
      %ne3A_3861 = arith.constant 0 : i32
      %ne3A_3862 = vector.broadcast %ne3A_3861 : i32 to vector<16xi32>
      %ne3A_3863 = arith.cmpi ne, %rem3A_3860, %ne3A_3862 : vector<16xi32>
      %and3A_3864 = arith.andi %ne3A_3858, %ne3A_3863 : vector<16xi1>
      %sub3A_3865 = arith.constant 1 : i32
      %sub3A_3866 = vector.broadcast %sub3A_3865 : i32 to vector<16xi32>
      %sub3A_3867 = arith.subi %div3A_3840, %sub3A_3866 : vector<16xi32>
      %select_n3A_3868 = arith.select %and3A_3864, %sub3A_3867, %div3A_3840 : vector<16xi1>, vector<16xi32>
      %add3A_3869 = arith.constant 4 : i32
      %add3A_3870 = vector.broadcast %add3A_3869 : i32 to vector<16xi32>
      %add3A_3871 = arith.addi %add3A_3870, %select_n3A_3868 : vector<16xi32>
      %jit3A_3872 = arith.constant 8 : i32
      %eq3A_3873 = arith.constant 0 : i32
      %eq3A_3874 = arith.cmpi eq, %jit3A_3872, %eq3A_3873 : i32
      %jit3A_3875 = arith.constant 1 : i32
      %select_n3A_3876 = arith.select %eq3A_3874, %jit3A_3875, %jit3A_3872 : i32
      %rem3A_3877 = vector.broadcast %select_n3A_3876 : i32 to vector<16xi32>
      %rem3A_3878 = arith.remsi %iota3A, %rem3A_3877 : vector<16xi32>
      %ne3A_3879 = arith.constant 0 : i32
      %ne3A_3880 = vector.broadcast %ne3A_3879 : i32 to vector<16xi32>
      %ne3A_3881 = arith.cmpi ne, %rem3A_3878, %ne3A_3880 : vector<16xi32>
      %lt3A_3882 = arith.constant 0 : i32
      %lt3A_3883 = vector.broadcast %lt3A_3882 : i32 to vector<16xi32>
      %lt3A_3884 = arith.cmpi slt, %rem3A_3878, %lt3A_3883 : vector<16xi32>
      %lt3A_3885 = arith.constant 0 : i32
      %lt3A_3886 = arith.cmpi slt, %select_n3A_3876, %lt3A_3885 : i32
      %ne3A_3887 = vector.broadcast %lt3A_3886 : i1 to vector<16xi1>
      %ne3A_3888 = vector.broadcast %ne3A_3887 : vector<16xi1> to vector<16xi1>
      %ne3A_3889 = arith.xori %lt3A_3884, %ne3A_3888 : vector<16xi1>
      %and3A_3890 = arith.andi %ne3A_3889, %ne3A_3881 : vector<16xi1>
      %add3A_3891 = vector.broadcast %select_n3A_3876 : i32 to vector<16xi32>
      %add3A_3892 = arith.addi %rem3A_3878, %add3A_3891 : vector<16xi32>
      %select_n3A_3893 = arith.select %and3A_3890, %add3A_3892, %rem3A_3878 : vector<16xi1>, vector<16xi32>
      %add3A_3894 = arith.constant 40 : i32
      %add3A_3895 = vector.broadcast %add3A_3894 : i32 to vector<16xi32>
      %add3A_3896 = arith.addi %add3A_3895, %select_n3A_3893 : vector<16xi32>
      %gather3A_3897 = tpu.vector_load_idx %arg6[%add3A_3896, %add3A_3871] : memref<64x8xi32, #tpu.memory_space<vmem>>[vector<16xi32>, vector<16xi32>], vector<16xi32>,
      %mul3A_3898 = arith.constant 8192 : i32
      %mul3A_3899 = vector.broadcast %mul3A_3898 : i32 to vector<16xi32>
      %mul3A_3900 = arith.muli %add3A_3871, %mul3A_3899 : vector<16xi32>
      %add3A_3901 = arith.addi %gather3A_3897, %mul3A_3900 : vector<16xi32>
      %swap3A_3902 = arith.constant 96 : index
      %swap3A_3903 = tpu.vector_load %arg9[%swap3A_3902] {strides = array<i32>} : memref<128xi32, #tpu.memory_space<vmem>>, vector<16xi32>,
      tpu.vector_store %arg9[%swap3A_3902], %add3A_3901 {strides = array<i32>} : memref<128xi32, #tpu.memory_space<vmem>>, vector<16xi32>,
      %jit3A_3904 = arith.constant 8 : i32
      %div3A_3905 = vector.broadcast %jit3A_3904 : i32 to vector<16xi32>
      %div3A_3906 = arith.divsi %iota3A, %div3A_3905 : vector<16xi32>
      %sign3A_3907 = arith.constant 0 : i32
      %sign3A_3908 = vector.broadcast %sign3A_3907 : i32 to vector<16xi32>
      %sign3A_3909 = arith.cmpi sgt, %iota3A, %sign3A_3908 : vector<16xi32>
      %sign3A_3910 = arith.extui %sign3A_3909 : vector<16xi1> to vector<16xi32>
      %sign3A_3911 = arith.constant 0 : i32
      %sign3A_3912 = vector.broadcast %sign3A_3911 : i32 to vector<16xi32>
      %sign3A_3913 = arith.cmpi slt, %iota3A, %sign3A_3912 : vector<16xi32>
      %sign3A_3914 = arith.extui %sign3A_3913 : vector<16xi1> to vector<16xi32>
      %sign3A_3915 = arith.subi %sign3A_3910, %sign3A_3914 : vector<16xi32>
      %sign3A_3916 = arith.constant 0 : i32
      %sign3A_3917 = arith.cmpi sgt, %jit3A_3904, %sign3A_3916 : i32
      %sign3A_3918 = arith.extui %sign3A_3917 : i1 to i32
      %sign3A_3919 = arith.constant 0 : i32
      %sign3A_3920 = arith.cmpi slt, %jit3A_3904, %sign3A_3919 : i32
      %sign3A_3921 = arith.extui %sign3A_3920 : i1 to i32
      %sign3A_3922 = arith.subi %sign3A_3918, %sign3A_3921 : i32
      %ne3A_3923 = vector.broadcast %sign3A_3922 : i32 to vector<16xi32>
      %ne3A_3924 = arith.cmpi ne, %sign3A_3915, %ne3A_3923 : vector<16xi32>
      %rem3A_3925 = vector.broadcast %jit3A_3904 : i32 to vector<16xi32>
      %rem3A_3926 = arith.remsi %iota3A, %rem3A_3925 : vector<16xi32>
      %ne3A_3927 = arith.constant 0 : i32
      %ne3A_3928 = vector.broadcast %ne3A_3927 : i32 to vector<16xi32>
      %ne3A_3929 = arith.cmpi ne, %rem3A_3926, %ne3A_3928 : vector<16xi32>
      %and3A_3930 = arith.andi %ne3A_3924, %ne3A_3929 : vector<16xi1>
      %sub3A_3931 = arith.constant 1 : i32
      %sub3A_3932 = vector.broadcast %sub3A_3931 : i32 to vector<16xi32>
      %sub3A_3933 = arith.subi %div3A_3906, %sub3A_3932 : vector<16xi32>
      %select_n3A_3934 = arith.select %and3A_3930, %sub3A_3933, %div3A_3906 : vector<16xi1>, vector<16xi32>
      %add3A_3935 = arith.constant 6 : i32
      %add3A_3936 = vector.broadcast %add3A_3935 : i32 to vector<16xi32>
      %add3A_3937 = arith.addi %add3A_3936, %select_n3A_3934 : vector<16xi32>
      %jit3A_3938 = arith.constant 8 : i32
      %eq3A_3939 = arith.constant 0 : i32
      %eq3A_3940 = arith.cmpi eq, %jit3A_3938, %eq3A_3939 : i32
      %jit3A_3941 = arith.constant 1 : i32
      %select_n3A_3942 = arith.select %eq3A_3940, %jit3A_3941, %jit3A_3938 : i32
      %rem3A_3943 = vector.broadcast %select_n3A_3942 : i32 to vector<16xi32>
      %rem3A_3944 = arith.remsi %iota3A, %rem3A_3943 : vector<16xi32>
      %ne3A_3945 = arith.constant 0 : i32
      %ne3A_3946 = vector.broadcast %ne3A_3945 : i32 to vector<16xi32>
      %ne3A_3947 = arith.cmpi ne, %rem3A_3944, %ne3A_3946 : vector<16xi32>
      %lt3A_3948 = arith.constant 0 : i32
      %lt3A_3949 = vector.broadcast %lt3A_3948 : i32 to vector<16xi32>
      %lt3A_3950 = arith.cmpi slt, %rem3A_3944, %lt3A_3949 : vector<16xi32>
      %lt3A_3951 = arith.constant 0 : i32
      %lt3A_3952 = arith.cmpi slt, %select_n3A_3942, %lt3A_3951 : i32
      %ne3A_3953 = vector.broadcast %lt3A_3952 : i1 to vector<16xi1>
      %ne3A_3954 = vector.broadcast %ne3A_3953 : vector<16xi1> to vector<16xi1>
      %ne3A_3955 = arith.xori %lt3A_3950, %ne3A_3954 : vector<16xi1>
      %and3A_3956 = arith.andi %ne3A_3955, %ne3A_3947 : vector<16xi1>
      %add3A_3957 = vector.broadcast %select_n3A_3942 : i32 to vector<16xi32>
      %add3A_3958 = arith.addi %rem3A_3944, %add3A_3957 : vector<16xi32>
      %select_n3A_3959 = arith.select %and3A_3956, %add3A_3958, %rem3A_3944 : vector<16xi1>, vector<16xi32>
      %add3A_3960 = arith.constant 40 : i32
      %add3A_3961 = vector.broadcast %add3A_3960 : i32 to vector<16xi32>
      %add3A_3962 = arith.addi %add3A_3961, %select_n3A_3959 : vector<16xi32>
      %gather3A_3963 = tpu.vector_load_idx %arg6[%add3A_3962, %add3A_3937] : memref<64x8xi32, #tpu.memory_space<vmem>>[vector<16xi32>, vector<16xi32>], vector<16xi32>,
      %mul3A_3964 = arith.constant 8192 : i32
      %mul3A_3965 = vector.broadcast %mul3A_3964 : i32 to vector<16xi32>
      %mul3A_3966 = arith.muli %add3A_3937, %mul3A_3965 : vector<16xi32>
      %add3A_3967 = arith.addi %gather3A_3963, %mul3A_3966 : vector<16xi32>
      %swap3A_3968 = arith.constant 112 : index
      %swap3A_3969 = tpu.vector_load %arg9[%swap3A_3968] {strides = array<i32>} : memref<128xi32, #tpu.memory_space<vmem>>, vector<16xi32>,
      tpu.vector_store %arg9[%swap3A_3968], %add3A_3967 {strides = array<i32>} : memref<128xi32, #tpu.memory_space<vmem>>, vector<16xi32>,
      %dma_start3A_3970 = arith.constant 2 : i32
      %dma_start3A_3971 = arith.constant 0 : i32
      %dma_start3A_3972 = arith.constant 0 : i32
      %dma_start3A_3973 = tpu.memref_slice %arg2[%dma_start3A_3971, %dma_start3A_3972] : memref<65536x128xf32, #tpu.memory_space<hbm>> -> memref<65536x128xf32, #tpu.memory_space<hbm>>
      %dma_start3A_3974 = tpu.memref_slice %arg15[%dma_start3A_3970] : memref<4x!tpu.dma_semaphore, #tpu.memory_space<semaphore_mem>> -> memref<1x!tpu.dma_semaphore, #tpu.memory_space<semaphore_mem>>
      %dma_start3A_3975 = tpu.memref_squeeze %dma_start3A_3974 : memref<1x!tpu.dma_semaphore, #tpu.memory_space<semaphore_mem>> -> memref<!tpu.dma_semaphore, #tpu.memory_space<semaphore_mem>>
      tpu.enqueue_indirect_dma source(%dma_start3A_3973 : memref<65536x128xf32, #tpu.memory_space<hbm>>) target(%arg13 : memref<128x128xf32, #tpu.memory_space<vmem>>) offsets(%arg9 : memref<128xi32, #tpu.memory_space<vmem>>) semaphore(%dma_start3A_3975 : memref<!tpu.dma_semaphore, #tpu.memory_space<semaphore_mem>>)
      %dma_wait3A_3976 = arith.constant 0 : i32
      %dma_wait3A_3977 = arith.constant 0 : i32
      %dma_wait3A_3978 = arith.constant 0 : i32
      %dma_wait3A_3979 = tpu.memref_slice %arg2[%dma_wait3A_3977, %dma_wait3A_3978] : memref<65536x128xf32, #tpu.memory_space<hbm>> -> memref<128x128xf32, #tpu.memory_space<hbm>>
      %dma_wait3A_3980 = tpu.memref_slice %arg15[%dma_wait3A_3976] : memref<4x!tpu.dma_semaphore, #tpu.memory_space<semaphore_mem>> -> memref<1x!tpu.dma_semaphore, #tpu.memory_space<semaphore_mem>>
      %dma_wait3A_3981 = tpu.memref_squeeze %dma_wait3A_3980 : memref<1x!tpu.dma_semaphore, #tpu.memory_space<semaphore_mem>> -> memref<!tpu.dma_semaphore, #tpu.memory_space<semaphore_mem>>
      %dma_wait3A_3982 = arith.constant 0 : i32
      %dma_wait3A_3983 = arith.constant 0 : i32
      %dma_wait3A_3984 = tpu.memref_slice %arg2[%dma_wait3A_3982, %dma_wait3A_3983] : memref<65536x128xf32, #tpu.memory_space<hbm>> -> memref<128x128xf32, #tpu.memory_space<hbm>>
      tpu.wait_dma2 semaphore(%dma_wait3A_3981 : memref<!tpu.dma_semaphore, #tpu.memory_space<semaphore_mem>>) src(%dma_wait3A_3984 : memref<128x128xf32, #tpu.memory_space<hbm>>) dst(%arg11 : memref<128x128xf32, #tpu.memory_space<vmem>>)
      %add3A_3985 = arith.constant 4 : i32
      %add3A_3986 = arith.addi %mul3A_1167, %add3A_3985 : i32
      %mul3A_3987 = arith.constant 128 : i32
      %mul3A_3988 = arith.muli %add3A_3986, %mul3A_3987 : i32
      %add3A_3989 = arith.addi %mul3A_34, %mul3A_3988 : i32
      %dma_start3A_3990 = arith.constant 0 : i32
      %dma_start3A_3991 = arith.constant 0 : i32
      %dma_start3A_3992 = tpu.memref_slice %arg4[%select_n3A, %add3A_3989, %dma_start3A_3991] : memref<16x32768x128xf32, #tpu.memory_space<hbm>> -> memref<1x128x128xf32, #tpu.memory_space<hbm>>
      %dma_start3A_3993 = tpu.memref_squeeze %dma_start3A_3992 : memref<1x128x128xf32, #tpu.memory_space<hbm>> -> memref<128x128xf32, #tpu.memory_space<hbm>>
      %dma_start3A_3994 = tpu.memref_slice %arg16[%dma_start3A_3990] : memref<4x!tpu.dma_semaphore, #tpu.memory_space<semaphore_mem>> -> memref<1x!tpu.dma_semaphore, #tpu.memory_space<semaphore_mem>>
      %dma_start3A_3995 = tpu.memref_squeeze %dma_start3A_3994 : memref<1x!tpu.dma_semaphore, #tpu.memory_space<semaphore_mem>> -> memref<!tpu.dma_semaphore, #tpu.memory_space<semaphore_mem>>
      %dma_start3A_3996 = arith.constant 0 : i32
      %dma_start3A_3997 = tpu.memref_slice %arg4[%select_n3A, %add3A_3989, %dma_start3A_3996] : memref<16x32768x128xf32, #tpu.memory_space<hbm>> -> memref<1x128x128xf32, #tpu.memory_space<hbm>>
      %dma_start3A_3998 = tpu.memref_squeeze %dma_start3A_3997 : memref<1x128x128xf32, #tpu.memory_space<hbm>> -> memref<128x128xf32, #tpu.memory_space<hbm>>
      tpu.enqueue_dma source(%arg11 : memref<128x128xf32, #tpu.memory_space<vmem>>) target(%dma_start3A_3998 : memref<128x128xf32, #tpu.memory_space<hbm>>) target_semaphore(%dma_start3A_3995 : memref<!tpu.dma_semaphore, #tpu.memory_space<semaphore_mem>>)
      %dma_wait3A_3999 = arith.constant 3 : i32
      %dma_wait3A_4000 = arith.constant 0 : i32
      %dma_wait3A_4001 = arith.constant 0 : i32
      %dma_wait3A_4002 = tpu.memref_slice %arg2[%dma_wait3A_4000, %dma_wait3A_4001] : memref<65536x128xf32, #tpu.memory_space<hbm>> -> memref<128x128xf32, #tpu.memory_space<hbm>>
      %dma_wait3A_4003 = tpu.memref_slice %arg16[%dma_wait3A_3999] : memref<4x!tpu.dma_semaphore, #tpu.memory_space<semaphore_mem>> -> memref<1x!tpu.dma_semaphore, #tpu.memory_space<semaphore_mem>>
      %dma_wait3A_4004 = tpu.memref_squeeze %dma_wait3A_4003 : memref<1x!tpu.dma_semaphore, #tpu.memory_space<semaphore_mem>> -> memref<!tpu.dma_semaphore, #tpu.memory_space<semaphore_mem>>
      %dma_wait3A_4005 = arith.constant 0 : i32
      %dma_wait3A_4006 = arith.constant 0 : i32
      %dma_wait3A_4007 = tpu.memref_slice %arg2[%dma_wait3A_4005, %dma_wait3A_4006] : memref<65536x128xf32, #tpu.memory_space<hbm>> -> memref<128x128xf32, #tpu.memory_space<hbm>>
      tpu.wait_dma2 semaphore(%dma_wait3A_4004 : memref<!tpu.dma_semaphore, #tpu.memory_space<semaphore_mem>>) src(%dma_wait3A_4007 : memref<128x128xf32, #tpu.memory_space<hbm>>) dst(%arg14 : memref<128x128xf32, #tpu.memory_space<vmem>>)
      %jit3A_4008 = arith.constant 8 : i32
      %div3A_4009 = vector.broadcast %jit3A_4008 : i32 to vector<16xi32>
      %div3A_4010 = arith.divsi %iota3A, %div3A_4009 : vector<16xi32>
      %sign3A_4011 = arith.constant 0 : i32
      %sign3A_4012 = vector.broadcast %sign3A_4011 : i32 to vector<16xi32>
      %sign3A_4013 = arith.cmpi sgt, %iota3A, %sign3A_4012 : vector<16xi32>
      %sign3A_4014 = arith.extui %sign3A_4013 : vector<16xi1> to vector<16xi32>
      %sign3A_4015 = arith.constant 0 : i32
      %sign3A_4016 = vector.broadcast %sign3A_4015 : i32 to vector<16xi32>
      %sign3A_4017 = arith.cmpi slt, %iota3A, %sign3A_4016 : vector<16xi32>
      %sign3A_4018 = arith.extui %sign3A_4017 : vector<16xi1> to vector<16xi32>
      %sign3A_4019 = arith.subi %sign3A_4014, %sign3A_4018 : vector<16xi32>
      %sign3A_4020 = arith.constant 0 : i32
      %sign3A_4021 = arith.cmpi sgt, %jit3A_4008, %sign3A_4020 : i32
      %sign3A_4022 = arith.extui %sign3A_4021 : i1 to i32
      %sign3A_4023 = arith.constant 0 : i32
      %sign3A_4024 = arith.cmpi slt, %jit3A_4008, %sign3A_4023 : i32
      %sign3A_4025 = arith.extui %sign3A_4024 : i1 to i32
      %sign3A_4026 = arith.subi %sign3A_4022, %sign3A_4025 : i32
      %ne3A_4027 = vector.broadcast %sign3A_4026 : i32 to vector<16xi32>
      %ne3A_4028 = arith.cmpi ne, %sign3A_4019, %ne3A_4027 : vector<16xi32>
      %rem3A_4029 = vector.broadcast %jit3A_4008 : i32 to vector<16xi32>
      %rem3A_4030 = arith.remsi %iota3A, %rem3A_4029 : vector<16xi32>
      %ne3A_4031 = arith.constant 0 : i32
      %ne3A_4032 = vector.broadcast %ne3A_4031 : i32 to vector<16xi32>
      %ne3A_4033 = arith.cmpi ne, %rem3A_4030, %ne3A_4032 : vector<16xi32>
      %and3A_4034 = arith.andi %ne3A_4028, %ne3A_4033 : vector<16xi1>
      %sub3A_4035 = arith.constant 1 : i32
      %sub3A_4036 = vector.broadcast %sub3A_4035 : i32 to vector<16xi32>
      %sub3A_4037 = arith.subi %div3A_4010, %sub3A_4036 : vector<16xi32>
      %select_n3A_4038 = arith.select %and3A_4034, %sub3A_4037, %div3A_4010 : vector<16xi1>, vector<16xi32>
      %add3A_4039 = arith.constant 0 : i32
      %add3A_4040 = vector.broadcast %add3A_4039 : i32 to vector<16xi32>
      %add3A_4041 = arith.addi %add3A_4040, %select_n3A_4038 : vector<16xi32>
      %jit3A_4042 = arith.constant 8 : i32
      %eq3A_4043 = arith.constant 0 : i32
      %eq3A_4044 = arith.cmpi eq, %jit3A_4042, %eq3A_4043 : i32
      %jit3A_4045 = arith.constant 1 : i32
      %select_n3A_4046 = arith.select %eq3A_4044, %jit3A_4045, %jit3A_4042 : i32
      %rem3A_4047 = vector.broadcast %select_n3A_4046 : i32 to vector<16xi32>
      %rem3A_4048 = arith.remsi %iota3A, %rem3A_4047 : vector<16xi32>
      %ne3A_4049 = arith.constant 0 : i32
      %ne3A_4050 = vector.broadcast %ne3A_4049 : i32 to vector<16xi32>
      %ne3A_4051 = arith.cmpi ne, %rem3A_4048, %ne3A_4050 : vector<16xi32>
      %lt3A_4052 = arith.constant 0 : i32
      %lt3A_4053 = vector.broadcast %lt3A_4052 : i32 to vector<16xi32>
      %lt3A_4054 = arith.cmpi slt, %rem3A_4048, %lt3A_4053 : vector<16xi32>
      %lt3A_4055 = arith.constant 0 : i32
      %lt3A_4056 = arith.cmpi slt, %select_n3A_4046, %lt3A_4055 : i32
      %ne3A_4057 = vector.broadcast %lt3A_4056 : i1 to vector<16xi1>
      %ne3A_4058 = vector.broadcast %ne3A_4057 : vector<16xi1> to vector<16xi1>
      %ne3A_4059 = arith.xori %lt3A_4054, %ne3A_4058 : vector<16xi1>
      %and3A_4060 = arith.andi %ne3A_4059, %ne3A_4051 : vector<16xi1>
      %add3A_4061 = vector.broadcast %select_n3A_4046 : i32 to vector<16xi32>
      %add3A_4062 = arith.addi %rem3A_4048, %add3A_4061 : vector<16xi32>
      %select_n3A_4063 = arith.select %and3A_4060, %add3A_4062, %rem3A_4048 : vector<16xi1>, vector<16xi32>
      %add3A_4064 = arith.constant 48 : i32
      %add3A_4065 = vector.broadcast %add3A_4064 : i32 to vector<16xi32>
      %add3A_4066 = arith.addi %add3A_4065, %select_n3A_4063 : vector<16xi32>
      %gather3A_4067 = tpu.vector_load_idx %arg6[%add3A_4066, %add3A_4041] : memref<64x8xi32, #tpu.memory_space<vmem>>[vector<16xi32>, vector<16xi32>], vector<16xi32>,
      %mul3A_4068 = arith.constant 8192 : i32
      %mul3A_4069 = vector.broadcast %mul3A_4068 : i32 to vector<16xi32>
      %mul3A_4070 = arith.muli %add3A_4041, %mul3A_4069 : vector<16xi32>
      %add3A_4071 = arith.addi %gather3A_4067, %mul3A_4070 : vector<16xi32>
      %swap3A_4072 = arith.constant 0 : index
      %swap3A_4073 = tpu.vector_load %arg10[%swap3A_4072] {strides = array<i32>} : memref<128xi32, #tpu.memory_space<vmem>>, vector<16xi32>,
      tpu.vector_store %arg10[%swap3A_4072], %add3A_4071 {strides = array<i32>} : memref<128xi32, #tpu.memory_space<vmem>>, vector<16xi32>,
      %jit3A_4074 = arith.constant 8 : i32
      %div3A_4075 = vector.broadcast %jit3A_4074 : i32 to vector<16xi32>
      %div3A_4076 = arith.divsi %iota3A, %div3A_4075 : vector<16xi32>
      %sign3A_4077 = arith.constant 0 : i32
      %sign3A_4078 = vector.broadcast %sign3A_4077 : i32 to vector<16xi32>
      %sign3A_4079 = arith.cmpi sgt, %iota3A, %sign3A_4078 : vector<16xi32>
      %sign3A_4080 = arith.extui %sign3A_4079 : vector<16xi1> to vector<16xi32>
      %sign3A_4081 = arith.constant 0 : i32
      %sign3A_4082 = vector.broadcast %sign3A_4081 : i32 to vector<16xi32>
      %sign3A_4083 = arith.cmpi slt, %iota3A, %sign3A_4082 : vector<16xi32>
      %sign3A_4084 = arith.extui %sign3A_4083 : vector<16xi1> to vector<16xi32>
      %sign3A_4085 = arith.subi %sign3A_4080, %sign3A_4084 : vector<16xi32>
      %sign3A_4086 = arith.constant 0 : i32
      %sign3A_4087 = arith.cmpi sgt, %jit3A_4074, %sign3A_4086 : i32
      %sign3A_4088 = arith.extui %sign3A_4087 : i1 to i32
      %sign3A_4089 = arith.constant 0 : i32
      %sign3A_4090 = arith.cmpi slt, %jit3A_4074, %sign3A_4089 : i32
      %sign3A_4091 = arith.extui %sign3A_4090 : i1 to i32
      %sign3A_4092 = arith.subi %sign3A_4088, %sign3A_4091 : i32
      %ne3A_4093 = vector.broadcast %sign3A_4092 : i32 to vector<16xi32>
      %ne3A_4094 = arith.cmpi ne, %sign3A_4085, %ne3A_4093 : vector<16xi32>
      %rem3A_4095 = vector.broadcast %jit3A_4074 : i32 to vector<16xi32>
      %rem3A_4096 = arith.remsi %iota3A, %rem3A_4095 : vector<16xi32>
      %ne3A_4097 = arith.constant 0 : i32
      %ne3A_4098 = vector.broadcast %ne3A_4097 : i32 to vector<16xi32>
      %ne3A_4099 = arith.cmpi ne, %rem3A_4096, %ne3A_4098 : vector<16xi32>
      %and3A_4100 = arith.andi %ne3A_4094, %ne3A_4099 : vector<16xi1>
      %sub3A_4101 = arith.constant 1 : i32
      %sub3A_4102 = vector.broadcast %sub3A_4101 : i32 to vector<16xi32>
      %sub3A_4103 = arith.subi %div3A_4076, %sub3A_4102 : vector<16xi32>
      %select_n3A_4104 = arith.select %and3A_4100, %sub3A_4103, %div3A_4076 : vector<16xi1>, vector<16xi32>
      %add3A_4105 = arith.constant 2 : i32
      %add3A_4106 = vector.broadcast %add3A_4105 : i32 to vector<16xi32>
      %add3A_4107 = arith.addi %add3A_4106, %select_n3A_4104 : vector<16xi32>
      %jit3A_4108 = arith.constant 8 : i32
      %eq3A_4109 = arith.constant 0 : i32
      %eq3A_4110 = arith.cmpi eq, %jit3A_4108, %eq3A_4109 : i32
      %jit3A_4111 = arith.constant 1 : i32
      %select_n3A_4112 = arith.select %eq3A_4110, %jit3A_4111, %jit3A_4108 : i32
      %rem3A_4113 = vector.broadcast %select_n3A_4112 : i32 to vector<16xi32>
      %rem3A_4114 = arith.remsi %iota3A, %rem3A_4113 : vector<16xi32>
      %ne3A_4115 = arith.constant 0 : i32
      %ne3A_4116 = vector.broadcast %ne3A_4115 : i32 to vector<16xi32>
      %ne3A_4117 = arith.cmpi ne, %rem3A_4114, %ne3A_4116 : vector<16xi32>
      %lt3A_4118 = arith.constant 0 : i32
      %lt3A_4119 = vector.broadcast %lt3A_4118 : i32 to vector<16xi32>
      %lt3A_4120 = arith.cmpi slt, %rem3A_4114, %lt3A_4119 : vector<16xi32>
      %lt3A_4121 = arith.constant 0 : i32
      %lt3A_4122 = arith.cmpi slt, %select_n3A_4112, %lt3A_4121 : i32
      %ne3A_4123 = vector.broadcast %lt3A_4122 : i1 to vector<16xi1>
      %ne3A_4124 = vector.broadcast %ne3A_4123 : vector<16xi1> to vector<16xi1>
      %ne3A_4125 = arith.xori %lt3A_4120, %ne3A_4124 : vector<16xi1>
      %and3A_4126 = arith.andi %ne3A_4125, %ne3A_4117 : vector<16xi1>
      %add3A_4127 = vector.broadcast %select_n3A_4112 : i32 to vector<16xi32>
      %add3A_4128 = arith.addi %rem3A_4114, %add3A_4127 : vector<16xi32>
      %select_n3A_4129 = arith.select %and3A_4126, %add3A_4128, %rem3A_4114 : vector<16xi1>, vector<16xi32>
      %add3A_4130 = arith.constant 48 : i32
      %add3A_4131 = vector.broadcast %add3A_4130 : i32 to vector<16xi32>
      %add3A_4132 = arith.addi %add3A_4131, %select_n3A_4129 : vector<16xi32>
      %gather3A_4133 = tpu.vector_load_idx %arg6[%add3A_4132, %add3A_4107] : memref<64x8xi32, #tpu.memory_space<vmem>>[vector<16xi32>, vector<16xi32>], vector<16xi32>,
      %mul3A_4134 = arith.constant 8192 : i32
      %mul3A_4135 = vector.broadcast %mul3A_4134 : i32 to vector<16xi32>
      %mul3A_4136 = arith.muli %add3A_4107, %mul3A_4135 : vector<16xi32>
      %add3A_4137 = arith.addi %gather3A_4133, %mul3A_4136 : vector<16xi32>
      %swap3A_4138 = arith.constant 16 : index
      %swap3A_4139 = tpu.vector_load %arg10[%swap3A_4138] {strides = array<i32>} : memref<128xi32, #tpu.memory_space<vmem>>, vector<16xi32>,
      tpu.vector_store %arg10[%swap3A_4138], %add3A_4137 {strides = array<i32>} : memref<128xi32, #tpu.memory_space<vmem>>, vector<16xi32>,
      %jit3A_4140 = arith.constant 8 : i32
      %div3A_4141 = vector.broadcast %jit3A_4140 : i32 to vector<16xi32>
      %div3A_4142 = arith.divsi %iota3A, %div3A_4141 : vector<16xi32>
      %sign3A_4143 = arith.constant 0 : i32
      %sign3A_4144 = vector.broadcast %sign3A_4143 : i32 to vector<16xi32>
      %sign3A_4145 = arith.cmpi sgt, %iota3A, %sign3A_4144 : vector<16xi32>
      %sign3A_4146 = arith.extui %sign3A_4145 : vector<16xi1> to vector<16xi32>
      %sign3A_4147 = arith.constant 0 : i32
      %sign3A_4148 = vector.broadcast %sign3A_4147 : i32 to vector<16xi32>
      %sign3A_4149 = arith.cmpi slt, %iota3A, %sign3A_4148 : vector<16xi32>
      %sign3A_4150 = arith.extui %sign3A_4149 : vector<16xi1> to vector<16xi32>
      %sign3A_4151 = arith.subi %sign3A_4146, %sign3A_4150 : vector<16xi32>
      %sign3A_4152 = arith.constant 0 : i32
      %sign3A_4153 = arith.cmpi sgt, %jit3A_4140, %sign3A_4152 : i32
      %sign3A_4154 = arith.extui %sign3A_4153 : i1 to i32
      %sign3A_4155 = arith.constant 0 : i32
      %sign3A_4156 = arith.cmpi slt, %jit3A_4140, %sign3A_4155 : i32
      %sign3A_4157 = arith.extui %sign3A_4156 : i1 to i32
      %sign3A_4158 = arith.subi %sign3A_4154, %sign3A_4157 : i32
      %ne3A_4159 = vector.broadcast %sign3A_4158 : i32 to vector<16xi32>
      %ne3A_4160 = arith.cmpi ne, %sign3A_4151, %ne3A_4159 : vector<16xi32>
      %rem3A_4161 = vector.broadcast %jit3A_4140 : i32 to vector<16xi32>
      %rem3A_4162 = arith.remsi %iota3A, %rem3A_4161 : vector<16xi32>
      %ne3A_4163 = arith.constant 0 : i32
      %ne3A_4164 = vector.broadcast %ne3A_4163 : i32 to vector<16xi32>
      %ne3A_4165 = arith.cmpi ne, %rem3A_4162, %ne3A_4164 : vector<16xi32>
      %and3A_4166 = arith.andi %ne3A_4160, %ne3A_4165 : vector<16xi1>
      %sub3A_4167 = arith.constant 1 : i32
      %sub3A_4168 = vector.broadcast %sub3A_4167 : i32 to vector<16xi32>
      %sub3A_4169 = arith.subi %div3A_4142, %sub3A_4168 : vector<16xi32>
      %select_n3A_4170 = arith.select %and3A_4166, %sub3A_4169, %div3A_4142 : vector<16xi1>, vector<16xi32>
      %add3A_4171 = arith.constant 4 : i32
      %add3A_4172 = vector.broadcast %add3A_4171 : i32 to vector<16xi32>
      %add3A_4173 = arith.addi %add3A_4172, %select_n3A_4170 : vector<16xi32>
      %jit3A_4174 = arith.constant 8 : i32
      %eq3A_4175 = arith.constant 0 : i32
      %eq3A_4176 = arith.cmpi eq, %jit3A_4174, %eq3A_4175 : i32
      %jit3A_4177 = arith.constant 1 : i32
      %select_n3A_4178 = arith.select %eq3A_4176, %jit3A_4177, %jit3A_4174 : i32
      %rem3A_4179 = vector.broadcast %select_n3A_4178 : i32 to vector<16xi32>
      %rem3A_4180 = arith.remsi %iota3A, %rem3A_4179 : vector<16xi32>
      %ne3A_4181 = arith.constant 0 : i32
      %ne3A_4182 = vector.broadcast %ne3A_4181 : i32 to vector<16xi32>
      %ne3A_4183 = arith.cmpi ne, %rem3A_4180, %ne3A_4182 : vector<16xi32>
      %lt3A_4184 = arith.constant 0 : i32
      %lt3A_4185 = vector.broadcast %lt3A_4184 : i32 to vector<16xi32>
      %lt3A_4186 = arith.cmpi slt, %rem3A_4180, %lt3A_4185 : vector<16xi32>
      %lt3A_4187 = arith.constant 0 : i32
      %lt3A_4188 = arith.cmpi slt, %select_n3A_4178, %lt3A_4187 : i32
      %ne3A_4189 = vector.broadcast %lt3A_4188 : i1 to vector<16xi1>
      %ne3A_4190 = vector.broadcast %ne3A_4189 : vector<16xi1> to vector<16xi1>
      %ne3A_4191 = arith.xori %lt3A_4186, %ne3A_4190 : vector<16xi1>
      %and3A_4192 = arith.andi %ne3A_4191, %ne3A_4183 : vector<16xi1>
      %add3A_4193 = vector.broadcast %select_n3A_4178 : i32 to vector<16xi32>
      %add3A_4194 = arith.addi %rem3A_4180, %add3A_4193 : vector<16xi32>
      %select_n3A_4195 = arith.select %and3A_4192, %add3A_4194, %rem3A_4180 : vector<16xi1>, vector<16xi32>
      %add3A_4196 = arith.constant 48 : i32
      %add3A_4197 = vector.broadcast %add3A_4196 : i32 to vector<16xi32>
      %add3A_4198 = arith.addi %add3A_4197, %select_n3A_4195 : vector<16xi32>
      %gather3A_4199 = tpu.vector_load_idx %arg6[%add3A_4198, %add3A_4173] : memref<64x8xi32, #tpu.memory_space<vmem>>[vector<16xi32>, vector<16xi32>], vector<16xi32>,
      %mul3A_4200 = arith.constant 8192 : i32
      %mul3A_4201 = vector.broadcast %mul3A_4200 : i32 to vector<16xi32>
      %mul3A_4202 = arith.muli %add3A_4173, %mul3A_4201 : vector<16xi32>
      %add3A_4203 = arith.addi %gather3A_4199, %mul3A_4202 : vector<16xi32>
      %swap3A_4204 = arith.constant 32 : index
      %swap3A_4205 = tpu.vector_load %arg10[%swap3A_4204] {strides = array<i32>} : memref<128xi32, #tpu.memory_space<vmem>>, vector<16xi32>,
      tpu.vector_store %arg10[%swap3A_4204], %add3A_4203 {strides = array<i32>} : memref<128xi32, #tpu.memory_space<vmem>>, vector<16xi32>,
      %jit3A_4206 = arith.constant 8 : i32
      %div3A_4207 = vector.broadcast %jit3A_4206 : i32 to vector<16xi32>
      %div3A_4208 = arith.divsi %iota3A, %div3A_4207 : vector<16xi32>
      %sign3A_4209 = arith.constant 0 : i32
      %sign3A_4210 = vector.broadcast %sign3A_4209 : i32 to vector<16xi32>
      %sign3A_4211 = arith.cmpi sgt, %iota3A, %sign3A_4210 : vector<16xi32>
      %sign3A_4212 = arith.extui %sign3A_4211 : vector<16xi1> to vector<16xi32>
      %sign3A_4213 = arith.constant 0 : i32
      %sign3A_4214 = vector.broadcast %sign3A_4213 : i32 to vector<16xi32>
      %sign3A_4215 = arith.cmpi slt, %iota3A, %sign3A_4214 : vector<16xi32>
      %sign3A_4216 = arith.extui %sign3A_4215 : vector<16xi1> to vector<16xi32>
      %sign3A_4217 = arith.subi %sign3A_4212, %sign3A_4216 : vector<16xi32>
      %sign3A_4218 = arith.constant 0 : i32
      %sign3A_4219 = arith.cmpi sgt, %jit3A_4206, %sign3A_4218 : i32
      %sign3A_4220 = arith.extui %sign3A_4219 : i1 to i32
      %sign3A_4221 = arith.constant 0 : i32
      %sign3A_4222 = arith.cmpi slt, %jit3A_4206, %sign3A_4221 : i32
      %sign3A_4223 = arith.extui %sign3A_4222 : i1 to i32
      %sign3A_4224 = arith.subi %sign3A_4220, %sign3A_4223 : i32
      %ne3A_4225 = vector.broadcast %sign3A_4224 : i32 to vector<16xi32>
      %ne3A_4226 = arith.cmpi ne, %sign3A_4217, %ne3A_4225 : vector<16xi32>
      %rem3A_4227 = vector.broadcast %jit3A_4206 : i32 to vector<16xi32>
      %rem3A_4228 = arith.remsi %iota3A, %rem3A_4227 : vector<16xi32>
      %ne3A_4229 = arith.constant 0 : i32
      %ne3A_4230 = vector.broadcast %ne3A_4229 : i32 to vector<16xi32>
      %ne3A_4231 = arith.cmpi ne, %rem3A_4228, %ne3A_4230 : vector<16xi32>
      %and3A_4232 = arith.andi %ne3A_4226, %ne3A_4231 : vector<16xi1>
      %sub3A_4233 = arith.constant 1 : i32
      %sub3A_4234 = vector.broadcast %sub3A_4233 : i32 to vector<16xi32>
      %sub3A_4235 = arith.subi %div3A_4208, %sub3A_4234 : vector<16xi32>
      %select_n3A_4236 = arith.select %and3A_4232, %sub3A_4235, %div3A_4208 : vector<16xi1>, vector<16xi32>
      %add3A_4237 = arith.constant 6 : i32
      %add3A_4238 = vector.broadcast %add3A_4237 : i32 to vector<16xi32>
      %add3A_4239 = arith.addi %add3A_4238, %select_n3A_4236 : vector<16xi32>
      %jit3A_4240 = arith.constant 8 : i32
      %eq3A_4241 = arith.constant 0 : i32
      %eq3A_4242 = arith.cmpi eq, %jit3A_4240, %eq3A_4241 : i32
      %jit3A_4243 = arith.constant 1 : i32
      %select_n3A_4244 = arith.select %eq3A_4242, %jit3A_4243, %jit3A_4240 : i32
      %rem3A_4245 = vector.broadcast %select_n3A_4244 : i32 to vector<16xi32>
      %rem3A_4246 = arith.remsi %iota3A, %rem3A_4245 : vector<16xi32>
      %ne3A_4247 = arith.constant 0 : i32
      %ne3A_4248 = vector.broadcast %ne3A_4247 : i32 to vector<16xi32>
      %ne3A_4249 = arith.cmpi ne, %rem3A_4246, %ne3A_4248 : vector<16xi32>
      %lt3A_4250 = arith.constant 0 : i32
      %lt3A_4251 = vector.broadcast %lt3A_4250 : i32 to vector<16xi32>
      %lt3A_4252 = arith.cmpi slt, %rem3A_4246, %lt3A_4251 : vector<16xi32>
      %lt3A_4253 = arith.constant 0 : i32
      %lt3A_4254 = arith.cmpi slt, %select_n3A_4244, %lt3A_4253 : i32
      %ne3A_4255 = vector.broadcast %lt3A_4254 : i1 to vector<16xi1>
      %ne3A_4256 = vector.broadcast %ne3A_4255 : vector<16xi1> to vector<16xi1>
      %ne3A_4257 = arith.xori %lt3A_4252, %ne3A_4256 : vector<16xi1>
      %and3A_4258 = arith.andi %ne3A_4257, %ne3A_4249 : vector<16xi1>
      %add3A_4259 = vector.broadcast %select_n3A_4244 : i32 to vector<16xi32>
      %add3A_4260 = arith.addi %rem3A_4246, %add3A_4259 : vector<16xi32>
      %select_n3A_4261 = arith.select %and3A_4258, %add3A_4260, %rem3A_4246 : vector<16xi1>, vector<16xi32>
      %add3A_4262 = arith.constant 48 : i32
      %add3A_4263 = vector.broadcast %add3A_4262 : i32 to vector<16xi32>
      %add3A_4264 = arith.addi %add3A_4263, %select_n3A_4261 : vector<16xi32>
      %gather3A_4265 = tpu.vector_load_idx %arg6[%add3A_4264, %add3A_4239] : memref<64x8xi32, #tpu.memory_space<vmem>>[vector<16xi32>, vector<16xi32>], vector<16xi32>,
      %mul3A_4266 = arith.constant 8192 : i32
      %mul3A_4267 = vector.broadcast %mul3A_4266 : i32 to vector<16xi32>
      %mul3A_4268 = arith.muli %add3A_4239, %mul3A_4267 : vector<16xi32>
      %add3A_4269 = arith.addi %gather3A_4265, %mul3A_4268 : vector<16xi32>
      %swap3A_4270 = arith.constant 48 : index
      %swap3A_4271 = tpu.vector_load %arg10[%swap3A_4270] {strides = array<i32>} : memref<128xi32, #tpu.memory_space<vmem>>, vector<16xi32>,
      tpu.vector_store %arg10[%swap3A_4270], %add3A_4269 {strides = array<i32>} : memref<128xi32, #tpu.memory_space<vmem>>, vector<16xi32>,
      %jit3A_4272 = arith.constant 8 : i32
      %div3A_4273 = vector.broadcast %jit3A_4272 : i32 to vector<16xi32>
      %div3A_4274 = arith.divsi %iota3A, %div3A_4273 : vector<16xi32>
      %sign3A_4275 = arith.constant 0 : i32
      %sign3A_4276 = vector.broadcast %sign3A_4275 : i32 to vector<16xi32>
      %sign3A_4277 = arith.cmpi sgt, %iota3A, %sign3A_4276 : vector<16xi32>
      %sign3A_4278 = arith.extui %sign3A_4277 : vector<16xi1> to vector<16xi32>
      %sign3A_4279 = arith.constant 0 : i32
      %sign3A_4280 = vector.broadcast %sign3A_4279 : i32 to vector<16xi32>
      %sign3A_4281 = arith.cmpi slt, %iota3A, %sign3A_4280 : vector<16xi32>
      %sign3A_4282 = arith.extui %sign3A_4281 : vector<16xi1> to vector<16xi32>
      %sign3A_4283 = arith.subi %sign3A_4278, %sign3A_4282 : vector<16xi32>
      %sign3A_4284 = arith.constant 0 : i32
      %sign3A_4285 = arith.cmpi sgt, %jit3A_4272, %sign3A_4284 : i32
      %sign3A_4286 = arith.extui %sign3A_4285 : i1 to i32
      %sign3A_4287 = arith.constant 0 : i32
      %sign3A_4288 = arith.cmpi slt, %jit3A_4272, %sign3A_4287 : i32
      %sign3A_4289 = arith.extui %sign3A_4288 : i1 to i32
      %sign3A_4290 = arith.subi %sign3A_4286, %sign3A_4289 : i32
      %ne3A_4291 = vector.broadcast %sign3A_4290 : i32 to vector<16xi32>
      %ne3A_4292 = arith.cmpi ne, %sign3A_4283, %ne3A_4291 : vector<16xi32>
      %rem3A_4293 = vector.broadcast %jit3A_4272 : i32 to vector<16xi32>
      %rem3A_4294 = arith.remsi %iota3A, %rem3A_4293 : vector<16xi32>
      %ne3A_4295 = arith.constant 0 : i32
      %ne3A_4296 = vector.broadcast %ne3A_4295 : i32 to vector<16xi32>
      %ne3A_4297 = arith.cmpi ne, %rem3A_4294, %ne3A_4296 : vector<16xi32>
      %and3A_4298 = arith.andi %ne3A_4292, %ne3A_4297 : vector<16xi1>
      %sub3A_4299 = arith.constant 1 : i32
      %sub3A_4300 = vector.broadcast %sub3A_4299 : i32 to vector<16xi32>
      %sub3A_4301 = arith.subi %div3A_4274, %sub3A_4300 : vector<16xi32>
      %select_n3A_4302 = arith.select %and3A_4298, %sub3A_4301, %div3A_4274 : vector<16xi1>, vector<16xi32>
      %add3A_4303 = arith.constant 0 : i32
      %add3A_4304 = vector.broadcast %add3A_4303 : i32 to vector<16xi32>
      %add3A_4305 = arith.addi %add3A_4304, %select_n3A_4302 : vector<16xi32>
      %jit3A_4306 = arith.constant 8 : i32
      %eq3A_4307 = arith.constant 0 : i32
      %eq3A_4308 = arith.cmpi eq, %jit3A_4306, %eq3A_4307 : i32
      %jit3A_4309 = arith.constant 1 : i32
      %select_n3A_4310 = arith.select %eq3A_4308, %jit3A_4309, %jit3A_4306 : i32
      %rem3A_4311 = vector.broadcast %select_n3A_4310 : i32 to vector<16xi32>
      %rem3A_4312 = arith.remsi %iota3A, %rem3A_4311 : vector<16xi32>
      %ne3A_4313 = arith.constant 0 : i32
      %ne3A_4314 = vector.broadcast %ne3A_4313 : i32 to vector<16xi32>
      %ne3A_4315 = arith.cmpi ne, %rem3A_4312, %ne3A_4314 : vector<16xi32>
      %lt3A_4316 = arith.constant 0 : i32
      %lt3A_4317 = vector.broadcast %lt3A_4316 : i32 to vector<16xi32>
      %lt3A_4318 = arith.cmpi slt, %rem3A_4312, %lt3A_4317 : vector<16xi32>
      %lt3A_4319 = arith.constant 0 : i32
      %lt3A_4320 = arith.cmpi slt, %select_n3A_4310, %lt3A_4319 : i32
      %ne3A_4321 = vector.broadcast %lt3A_4320 : i1 to vector<16xi1>
      %ne3A_4322 = vector.broadcast %ne3A_4321 : vector<16xi1> to vector<16xi1>
      %ne3A_4323 = arith.xori %lt3A_4318, %ne3A_4322 : vector<16xi1>
      %and3A_4324 = arith.andi %ne3A_4323, %ne3A_4315 : vector<16xi1>
      %add3A_4325 = vector.broadcast %select_n3A_4310 : i32 to vector<16xi32>
      %add3A_4326 = arith.addi %rem3A_4312, %add3A_4325 : vector<16xi32>
      %select_n3A_4327 = arith.select %and3A_4324, %add3A_4326, %rem3A_4312 : vector<16xi1>, vector<16xi32>
      %add3A_4328 = arith.constant 56 : i32
      %add3A_4329 = vector.broadcast %add3A_4328 : i32 to vector<16xi32>
      %add3A_4330 = arith.addi %add3A_4329, %select_n3A_4327 : vector<16xi32>
      %gather3A_4331 = tpu.vector_load_idx %arg6[%add3A_4330, %add3A_4305] : memref<64x8xi32, #tpu.memory_space<vmem>>[vector<16xi32>, vector<16xi32>], vector<16xi32>,
      %mul3A_4332 = arith.constant 8192 : i32
      %mul3A_4333 = vector.broadcast %mul3A_4332 : i32 to vector<16xi32>
      %mul3A_4334 = arith.muli %add3A_4305, %mul3A_4333 : vector<16xi32>
      %add3A_4335 = arith.addi %gather3A_4331, %mul3A_4334 : vector<16xi32>
      %swap3A_4336 = arith.constant 64 : index
      %swap3A_4337 = tpu.vector_load %arg10[%swap3A_4336] {strides = array<i32>} : memref<128xi32, #tpu.memory_space<vmem>>, vector<16xi32>,
      tpu.vector_store %arg10[%swap3A_4336], %add3A_4335 {strides = array<i32>} : memref<128xi32, #tpu.memory_space<vmem>>, vector<16xi32>,
      %jit3A_4338 = arith.constant 8 : i32
      %div3A_4339 = vector.broadcast %jit3A_4338 : i32 to vector<16xi32>
      %div3A_4340 = arith.divsi %iota3A, %div3A_4339 : vector<16xi32>
      %sign3A_4341 = arith.constant 0 : i32
      %sign3A_4342 = vector.broadcast %sign3A_4341 : i32 to vector<16xi32>
      %sign3A_4343 = arith.cmpi sgt, %iota3A, %sign3A_4342 : vector<16xi32>
      %sign3A_4344 = arith.extui %sign3A_4343 : vector<16xi1> to vector<16xi32>
      %sign3A_4345 = arith.constant 0 : i32
      %sign3A_4346 = vector.broadcast %sign3A_4345 : i32 to vector<16xi32>
      %sign3A_4347 = arith.cmpi slt, %iota3A, %sign3A_4346 : vector<16xi32>
      %sign3A_4348 = arith.extui %sign3A_4347 : vector<16xi1> to vector<16xi32>
      %sign3A_4349 = arith.subi %sign3A_4344, %sign3A_4348 : vector<16xi32>
      %sign3A_4350 = arith.constant 0 : i32
      %sign3A_4351 = arith.cmpi sgt, %jit3A_4338, %sign3A_4350 : i32
      %sign3A_4352 = arith.extui %sign3A_4351 : i1 to i32
      %sign3A_4353 = arith.constant 0 : i32
      %sign3A_4354 = arith.cmpi slt, %jit3A_4338, %sign3A_4353 : i32
      %sign3A_4355 = arith.extui %sign3A_4354 : i1 to i32
      %sign3A_4356 = arith.subi %sign3A_4352, %sign3A_4355 : i32
      %ne3A_4357 = vector.broadcast %sign3A_4356 : i32 to vector<16xi32>
      %ne3A_4358 = arith.cmpi ne, %sign3A_4349, %ne3A_4357 : vector<16xi32>
      %rem3A_4359 = vector.broadcast %jit3A_4338 : i32 to vector<16xi32>
      %rem3A_4360 = arith.remsi %iota3A, %rem3A_4359 : vector<16xi32>
      %ne3A_4361 = arith.constant 0 : i32
      %ne3A_4362 = vector.broadcast %ne3A_4361 : i32 to vector<16xi32>
      %ne3A_4363 = arith.cmpi ne, %rem3A_4360, %ne3A_4362 : vector<16xi32>
      %and3A_4364 = arith.andi %ne3A_4358, %ne3A_4363 : vector<16xi1>
      %sub3A_4365 = arith.constant 1 : i32
      %sub3A_4366 = vector.broadcast %sub3A_4365 : i32 to vector<16xi32>
      %sub3A_4367 = arith.subi %div3A_4340, %sub3A_4366 : vector<16xi32>
      %select_n3A_4368 = arith.select %and3A_4364, %sub3A_4367, %div3A_4340 : vector<16xi1>, vector<16xi32>
      %add3A_4369 = arith.constant 2 : i32
      %add3A_4370 = vector.broadcast %add3A_4369 : i32 to vector<16xi32>
      %add3A_4371 = arith.addi %add3A_4370, %select_n3A_4368 : vector<16xi32>
      %jit3A_4372 = arith.constant 8 : i32
      %eq3A_4373 = arith.constant 0 : i32
      %eq3A_4374 = arith.cmpi eq, %jit3A_4372, %eq3A_4373 : i32
      %jit3A_4375 = arith.constant 1 : i32
      %select_n3A_4376 = arith.select %eq3A_4374, %jit3A_4375, %jit3A_4372 : i32
      %rem3A_4377 = vector.broadcast %select_n3A_4376 : i32 to vector<16xi32>
      %rem3A_4378 = arith.remsi %iota3A, %rem3A_4377 : vector<16xi32>
      %ne3A_4379 = arith.constant 0 : i32
      %ne3A_4380 = vector.broadcast %ne3A_4379 : i32 to vector<16xi32>
      %ne3A_4381 = arith.cmpi ne, %rem3A_4378, %ne3A_4380 : vector<16xi32>
      %lt3A_4382 = arith.constant 0 : i32
      %lt3A_4383 = vector.broadcast %lt3A_4382 : i32 to vector<16xi32>
      %lt3A_4384 = arith.cmpi slt, %rem3A_4378, %lt3A_4383 : vector<16xi32>
      %lt3A_4385 = arith.constant 0 : i32
      %lt3A_4386 = arith.cmpi slt, %select_n3A_4376, %lt3A_4385 : i32
      %ne3A_4387 = vector.broadcast %lt3A_4386 : i1 to vector<16xi1>
      %ne3A_4388 = vector.broadcast %ne3A_4387 : vector<16xi1> to vector<16xi1>
      %ne3A_4389 = arith.xori %lt3A_4384, %ne3A_4388 : vector<16xi1>
      %and3A_4390 = arith.andi %ne3A_4389, %ne3A_4381 : vector<16xi1>
      %add3A_4391 = vector.broadcast %select_n3A_4376 : i32 to vector<16xi32>
      %add3A_4392 = arith.addi %rem3A_4378, %add3A_4391 : vector<16xi32>
      %select_n3A_4393 = arith.select %and3A_4390, %add3A_4392, %rem3A_4378 : vector<16xi1>, vector<16xi32>
      %add3A_4394 = arith.constant 56 : i32
      %add3A_4395 = vector.broadcast %add3A_4394 : i32 to vector<16xi32>
      %add3A_4396 = arith.addi %add3A_4395, %select_n3A_4393 : vector<16xi32>
      %gather3A_4397 = tpu.vector_load_idx %arg6[%add3A_4396, %add3A_4371] : memref<64x8xi32, #tpu.memory_space<vmem>>[vector<16xi32>, vector<16xi32>], vector<16xi32>,
      %mul3A_4398 = arith.constant 8192 : i32
      %mul3A_4399 = vector.broadcast %mul3A_4398 : i32 to vector<16xi32>
      %mul3A_4400 = arith.muli %add3A_4371, %mul3A_4399 : vector<16xi32>
      %add3A_4401 = arith.addi %gather3A_4397, %mul3A_4400 : vector<16xi32>
      %swap3A_4402 = arith.constant 80 : index
      %swap3A_4403 = tpu.vector_load %arg10[%swap3A_4402] {strides = array<i32>} : memref<128xi32, #tpu.memory_space<vmem>>, vector<16xi32>,
      tpu.vector_store %arg10[%swap3A_4402], %add3A_4401 {strides = array<i32>} : memref<128xi32, #tpu.memory_space<vmem>>, vector<16xi32>,
      %jit3A_4404 = arith.constant 8 : i32
      %div3A_4405 = vector.broadcast %jit3A_4404 : i32 to vector<16xi32>
      %div3A_4406 = arith.divsi %iota3A, %div3A_4405 : vector<16xi32>
      %sign3A_4407 = arith.constant 0 : i32
      %sign3A_4408 = vector.broadcast %sign3A_4407 : i32 to vector<16xi32>
      %sign3A_4409 = arith.cmpi sgt, %iota3A, %sign3A_4408 : vector<16xi32>
      %sign3A_4410 = arith.extui %sign3A_4409 : vector<16xi1> to vector<16xi32>
      %sign3A_4411 = arith.constant 0 : i32
      %sign3A_4412 = vector.broadcast %sign3A_4411 : i32 to vector<16xi32>
      %sign3A_4413 = arith.cmpi slt, %iota3A, %sign3A_4412 : vector<16xi32>
      %sign3A_4414 = arith.extui %sign3A_4413 : vector<16xi1> to vector<16xi32>
      %sign3A_4415 = arith.subi %sign3A_4410, %sign3A_4414 : vector<16xi32>
      %sign3A_4416 = arith.constant 0 : i32
      %sign3A_4417 = arith.cmpi sgt, %jit3A_4404, %sign3A_4416 : i32
      %sign3A_4418 = arith.extui %sign3A_4417 : i1 to i32
      %sign3A_4419 = arith.constant 0 : i32
      %sign3A_4420 = arith.cmpi slt, %jit3A_4404, %sign3A_4419 : i32
      %sign3A_4421 = arith.extui %sign3A_4420 : i1 to i32
      %sign3A_4422 = arith.subi %sign3A_4418, %sign3A_4421 : i32
      %ne3A_4423 = vector.broadcast %sign3A_4422 : i32 to vector<16xi32>
      %ne3A_4424 = arith.cmpi ne, %sign3A_4415, %ne3A_4423 : vector<16xi32>
      %rem3A_4425 = vector.broadcast %jit3A_4404 : i32 to vector<16xi32>
      %rem3A_4426 = arith.remsi %iota3A, %rem3A_4425 : vector<16xi32>
      %ne3A_4427 = arith.constant 0 : i32
      %ne3A_4428 = vector.broadcast %ne3A_4427 : i32 to vector<16xi32>
      %ne3A_4429 = arith.cmpi ne, %rem3A_4426, %ne3A_4428 : vector<16xi32>
      %and3A_4430 = arith.andi %ne3A_4424, %ne3A_4429 : vector<16xi1>
      %sub3A_4431 = arith.constant 1 : i32
      %sub3A_4432 = vector.broadcast %sub3A_4431 : i32 to vector<16xi32>
      %sub3A_4433 = arith.subi %div3A_4406, %sub3A_4432 : vector<16xi32>
      %select_n3A_4434 = arith.select %and3A_4430, %sub3A_4433, %div3A_4406 : vector<16xi1>, vector<16xi32>
      %add3A_4435 = arith.constant 4 : i32
      %add3A_4436 = vector.broadcast %add3A_4435 : i32 to vector<16xi32>
      %add3A_4437 = arith.addi %add3A_4436, %select_n3A_4434 : vector<16xi32>
      %jit3A_4438 = arith.constant 8 : i32
      %eq3A_4439 = arith.constant 0 : i32
      %eq3A_4440 = arith.cmpi eq, %jit3A_4438, %eq3A_4439 : i32
      %jit3A_4441 = arith.constant 1 : i32
      %select_n3A_4442 = arith.select %eq3A_4440, %jit3A_4441, %jit3A_4438 : i32
      %rem3A_4443 = vector.broadcast %select_n3A_4442 : i32 to vector<16xi32>
      %rem3A_4444 = arith.remsi %iota3A, %rem3A_4443 : vector<16xi32>
      %ne3A_4445 = arith.constant 0 : i32
      %ne3A_4446 = vector.broadcast %ne3A_4445 : i32 to vector<16xi32>
      %ne3A_4447 = arith.cmpi ne, %rem3A_4444, %ne3A_4446 : vector<16xi32>
      %lt3A_4448 = arith.constant 0 : i32
      %lt3A_4449 = vector.broadcast %lt3A_4448 : i32 to vector<16xi32>
      %lt3A_4450 = arith.cmpi slt, %rem3A_4444, %lt3A_4449 : vector<16xi32>
      %lt3A_4451 = arith.constant 0 : i32
      %lt3A_4452 = arith.cmpi slt, %select_n3A_4442, %lt3A_4451 : i32
      %ne3A_4453 = vector.broadcast %lt3A_4452 : i1 to vector<16xi1>
      %ne3A_4454 = vector.broadcast %ne3A_4453 : vector<16xi1> to vector<16xi1>
      %ne3A_4455 = arith.xori %lt3A_4450, %ne3A_4454 : vector<16xi1>
      %and3A_4456 = arith.andi %ne3A_4455, %ne3A_4447 : vector<16xi1>
      %add3A_4457 = vector.broadcast %select_n3A_4442 : i32 to vector<16xi32>
      %add3A_4458 = arith.addi %rem3A_4444, %add3A_4457 : vector<16xi32>
      %select_n3A_4459 = arith.select %and3A_4456, %add3A_4458, %rem3A_4444 : vector<16xi1>, vector<16xi32>
      %add3A_4460 = arith.constant 56 : i32
      %add3A_4461 = vector.broadcast %add3A_4460 : i32 to vector<16xi32>
      %add3A_4462 = arith.addi %add3A_4461, %select_n3A_4459 : vector<16xi32>
      %gather3A_4463 = tpu.vector_load_idx %arg6[%add3A_4462, %add3A_4437] : memref<64x8xi32, #tpu.memory_space<vmem>>[vector<16xi32>, vector<16xi32>], vector<16xi32>,
      %mul3A_4464 = arith.constant 8192 : i32
      %mul3A_4465 = vector.broadcast %mul3A_4464 : i32 to vector<16xi32>
      %mul3A_4466 = arith.muli %add3A_4437, %mul3A_4465 : vector<16xi32>
      %add3A_4467 = arith.addi %gather3A_4463, %mul3A_4466 : vector<16xi32>
      %swap3A_4468 = arith.constant 96 : index
      %swap3A_4469 = tpu.vector_load %arg10[%swap3A_4468] {strides = array<i32>} : memref<128xi32, #tpu.memory_space<vmem>>, vector<16xi32>,
      tpu.vector_store %arg10[%swap3A_4468], %add3A_4467 {strides = array<i32>} : memref<128xi32, #tpu.memory_space<vmem>>, vector<16xi32>,
      %jit3A_4470 = arith.constant 8 : i32
      %div3A_4471 = vector.broadcast %jit3A_4470 : i32 to vector<16xi32>
      %div3A_4472 = arith.divsi %iota3A, %div3A_4471 : vector<16xi32>
      %sign3A_4473 = arith.constant 0 : i32
      %sign3A_4474 = vector.broadcast %sign3A_4473 : i32 to vector<16xi32>
      %sign3A_4475 = arith.cmpi sgt, %iota3A, %sign3A_4474 : vector<16xi32>
      %sign3A_4476 = arith.extui %sign3A_4475 : vector<16xi1> to vector<16xi32>
      %sign3A_4477 = arith.constant 0 : i32
      %sign3A_4478 = vector.broadcast %sign3A_4477 : i32 to vector<16xi32>
      %sign3A_4479 = arith.cmpi slt, %iota3A, %sign3A_4478 : vector<16xi32>
      %sign3A_4480 = arith.extui %sign3A_4479 : vector<16xi1> to vector<16xi32>
      %sign3A_4481 = arith.subi %sign3A_4476, %sign3A_4480 : vector<16xi32>
      %sign3A_4482 = arith.constant 0 : i32
      %sign3A_4483 = arith.cmpi sgt, %jit3A_4470, %sign3A_4482 : i32
      %sign3A_4484 = arith.extui %sign3A_4483 : i1 to i32
      %sign3A_4485 = arith.constant 0 : i32
      %sign3A_4486 = arith.cmpi slt, %jit3A_4470, %sign3A_4485 : i32
      %sign3A_4487 = arith.extui %sign3A_4486 : i1 to i32
      %sign3A_4488 = arith.subi %sign3A_4484, %sign3A_4487 : i32
      %ne3A_4489 = vector.broadcast %sign3A_4488 : i32 to vector<16xi32>
      %ne3A_4490 = arith.cmpi ne, %sign3A_4481, %ne3A_4489 : vector<16xi32>
      %rem3A_4491 = vector.broadcast %jit3A_4470 : i32 to vector<16xi32>
      %rem3A_4492 = arith.remsi %iota3A, %rem3A_4491 : vector<16xi32>
      %ne3A_4493 = arith.constant 0 : i32
      %ne3A_4494 = vector.broadcast %ne3A_4493 : i32 to vector<16xi32>
      %ne3A_4495 = arith.cmpi ne, %rem3A_4492, %ne3A_4494 : vector<16xi32>
      %and3A_4496 = arith.andi %ne3A_4490, %ne3A_4495 : vector<16xi1>
      %sub3A_4497 = arith.constant 1 : i32
      %sub3A_4498 = vector.broadcast %sub3A_4497 : i32 to vector<16xi32>
      %sub3A_4499 = arith.subi %div3A_4472, %sub3A_4498 : vector<16xi32>
      %select_n3A_4500 = arith.select %and3A_4496, %sub3A_4499, %div3A_4472 : vector<16xi1>, vector<16xi32>
      %add3A_4501 = arith.constant 6 : i32
      %add3A_4502 = vector.broadcast %add3A_4501 : i32 to vector<16xi32>
      %add3A_4503 = arith.addi %add3A_4502, %select_n3A_4500 : vector<16xi32>
      %jit3A_4504 = arith.constant 8 : i32
      %eq3A_4505 = arith.constant 0 : i32
      %eq3A_4506 = arith.cmpi eq, %jit3A_4504, %eq3A_4505 : i32
      %jit3A_4507 = arith.constant 1 : i32
      %select_n3A_4508 = arith.select %eq3A_4506, %jit3A_4507, %jit3A_4504 : i32
      %rem3A_4509 = vector.broadcast %select_n3A_4508 : i32 to vector<16xi32>
      %rem3A_4510 = arith.remsi %iota3A, %rem3A_4509 : vector<16xi32>
      %ne3A_4511 = arith.constant 0 : i32
      %ne3A_4512 = vector.broadcast %ne3A_4511 : i32 to vector<16xi32>
      %ne3A_4513 = arith.cmpi ne, %rem3A_4510, %ne3A_4512 : vector<16xi32>
      %lt3A_4514 = arith.constant 0 : i32
      %lt3A_4515 = vector.broadcast %lt3A_4514 : i32 to vector<16xi32>
      %lt3A_4516 = arith.cmpi slt, %rem3A_4510, %lt3A_4515 : vector<16xi32>
      %lt3A_4517 = arith.constant 0 : i32
      %lt3A_4518 = arith.cmpi slt, %select_n3A_4508, %lt3A_4517 : i32
      %ne3A_4519 = vector.broadcast %lt3A_4518 : i1 to vector<16xi1>
      %ne3A_4520 = vector.broadcast %ne3A_4519 : vector<16xi1> to vector<16xi1>
      %ne3A_4521 = arith.xori %lt3A_4516, %ne3A_4520 : vector<16xi1>
      %and3A_4522 = arith.andi %ne3A_4521, %ne3A_4513 : vector<16xi1>
      %add3A_4523 = vector.broadcast %select_n3A_4508 : i32 to vector<16xi32>
      %add3A_4524 = arith.addi %rem3A_4510, %add3A_4523 : vector<16xi32>
      %select_n3A_4525 = arith.select %and3A_4522, %add3A_4524, %rem3A_4510 : vector<16xi1>, vector<16xi32>
      %add3A_4526 = arith.constant 56 : i32
      %add3A_4527 = vector.broadcast %add3A_4526 : i32 to vector<16xi32>
      %add3A_4528 = arith.addi %add3A_4527, %select_n3A_4525 : vector<16xi32>
      %gather3A_4529 = tpu.vector_load_idx %arg6[%add3A_4528, %add3A_4503] : memref<64x8xi32, #tpu.memory_space<vmem>>[vector<16xi32>, vector<16xi32>], vector<16xi32>,
      %mul3A_4530 = arith.constant 8192 : i32
      %mul3A_4531 = vector.broadcast %mul3A_4530 : i32 to vector<16xi32>
      %mul3A_4532 = arith.muli %add3A_4503, %mul3A_4531 : vector<16xi32>
      %add3A_4533 = arith.addi %gather3A_4529, %mul3A_4532 : vector<16xi32>
      %swap3A_4534 = arith.constant 112 : index
      %swap3A_4535 = tpu.vector_load %arg10[%swap3A_4534] {strides = array<i32>} : memref<128xi32, #tpu.memory_space<vmem>>, vector<16xi32>,
      tpu.vector_store %arg10[%swap3A_4534], %add3A_4533 {strides = array<i32>} : memref<128xi32, #tpu.memory_space<vmem>>, vector<16xi32>,
      %dma_start3A_4536 = arith.constant 3 : i32
      %dma_start3A_4537 = arith.constant 0 : i32
      %dma_start3A_4538 = arith.constant 0 : i32
      %dma_start3A_4539 = tpu.memref_slice %arg2[%dma_start3A_4537, %dma_start3A_4538] : memref<65536x128xf32, #tpu.memory_space<hbm>> -> memref<65536x128xf32, #tpu.memory_space<hbm>>
      %dma_start3A_4540 = tpu.memref_slice %arg15[%dma_start3A_4536] : memref<4x!tpu.dma_semaphore, #tpu.memory_space<semaphore_mem>> -> memref<1x!tpu.dma_semaphore, #tpu.memory_space<semaphore_mem>>
      %dma_start3A_4541 = tpu.memref_squeeze %dma_start3A_4540 : memref<1x!tpu.dma_semaphore, #tpu.memory_space<semaphore_mem>> -> memref<!tpu.dma_semaphore, #tpu.memory_space<semaphore_mem>>
      tpu.enqueue_indirect_dma source(%dma_start3A_4539 : memref<65536x128xf32, #tpu.memory_space<hbm>>) target(%arg14 : memref<128x128xf32, #tpu.memory_space<vmem>>) offsets(%arg10 : memref<128xi32, #tpu.memory_space<vmem>>) semaphore(%dma_start3A_4541 : memref<!tpu.dma_semaphore, #tpu.memory_space<semaphore_mem>>)
      %lt3A_4542 = arith.constant 15 : i32
      %lt3A_4543 = arith.cmpi slt, %scan3A_1165, %lt3A_4542 : i32
      %convert_element_type3A_4544 = arith.extui %lt3A_4543 : i1 to i32
      %cond3A_4545 = arith.constant 0 : i32
      %cond3A_4546 = arith.cmpi ne, %convert_element_type3A_4544, %cond3A_4545 : i32
      scf.if %cond3A_4546 {
        %mul3A_4626 = arith.constant 2 : i32
        %mul3A_4627 = arith.muli %mul3A_4626, %scan3A_1165 : i32
        %add3A_4628 = arith.constant 3 : i32
        %add3A_4629 = arith.addi %mul3A_4627, %add3A_4628 : i32
        %mul3A_4630 = arith.constant 64 : i32
        %mul3A_4631 = arith.muli %add3A_4629, %mul3A_4630 : i32
        %add3A_4632 = arith.addi %mul3A_32, %mul3A_4631 : i32
        %dma_start3A_4633 = arith.constant 0 : i32
        %dma_start3A_4634 = tpu.memref_slice %arg3[%select_n3A, %add3A_4632, %dma_start3A_4633] : memref<16x4096x8xi32, #tpu.memory_space<hbm>> -> memref<1x64x8xi32, #tpu.memory_space<hbm>>
        %dma_start3A_4635 = tpu.memref_squeeze %dma_start3A_4634 : memref<1x64x8xi32, #tpu.memory_space<hbm>> -> memref<64x8xi32, #tpu.memory_space<hbm>>
        %dma_start3A_4636 = arith.constant 0 : i32
        %dma_start3A_4637 = tpu.memref_slice %arg3[%select_n3A, %add3A_4632, %dma_start3A_4636] : memref<16x4096x8xi32, #tpu.memory_space<hbm>> -> memref<1x64x8xi32, #tpu.memory_space<hbm>>
        %dma_start3A_4638 = tpu.memref_squeeze %dma_start3A_4637 : memref<1x64x8xi32, #tpu.memory_space<hbm>> -> memref<64x8xi32, #tpu.memory_space<hbm>>
        tpu.enqueue_dma source(%dma_start3A_4638 : memref<64x8xi32, #tpu.memory_space<hbm>>) target(%arg6 : memref<64x8xi32, #tpu.memory_space<vmem>>) target_semaphore(%arg18 : memref<!tpu.dma_semaphore, #tpu.memory_space<semaphore_mem>>)
      } else {
      }
      %dma_wait3A_4547 = arith.constant 1 : i32
      %dma_wait3A_4548 = arith.constant 0 : i32
      %dma_wait3A_4549 = arith.constant 0 : i32
      %dma_wait3A_4550 = tpu.memref_slice %arg2[%dma_wait3A_4548, %dma_wait3A_4549] : memref<65536x128xf32, #tpu.memory_space<hbm>> -> memref<128x128xf32, #tpu.memory_space<hbm>>
      %dma_wait3A_4551 = tpu.memref_slice %arg15[%dma_wait3A_4547] : memref<4x!tpu.dma_semaphore, #tpu.memory_space<semaphore_mem>> -> memref<1x!tpu.dma_semaphore, #tpu.memory_space<semaphore_mem>>
      %dma_wait3A_4552 = tpu.memref_squeeze %dma_wait3A_4551 : memref<1x!tpu.dma_semaphore, #tpu.memory_space<semaphore_mem>> -> memref<!tpu.dma_semaphore, #tpu.memory_space<semaphore_mem>>
      %dma_wait3A_4553 = arith.constant 0 : i32
      %dma_wait3A_4554 = arith.constant 0 : i32
      %dma_wait3A_4555 = tpu.memref_slice %arg2[%dma_wait3A_4553, %dma_wait3A_4554] : memref<65536x128xf32, #tpu.memory_space<hbm>> -> memref<128x128xf32, #tpu.memory_space<hbm>>
      tpu.wait_dma2 semaphore(%dma_wait3A_4552 : memref<!tpu.dma_semaphore, #tpu.memory_space<semaphore_mem>>) src(%dma_wait3A_4555 : memref<128x128xf32, #tpu.memory_space<hbm>>) dst(%arg12 : memref<128x128xf32, #tpu.memory_space<vmem>>)
      %add3A_4556 = arith.constant 5 : i32
      %add3A_4557 = arith.addi %mul3A_1167, %add3A_4556 : i32
      %mul3A_4558 = arith.constant 128 : i32
      %mul3A_4559 = arith.muli %add3A_4557, %mul3A_4558 : i32
      %add3A_4560 = arith.addi %mul3A_34, %mul3A_4559 : i32
      %dma_start3A_4561 = arith.constant 1 : i32
      %dma_start3A_4562 = arith.constant 0 : i32
      %dma_start3A_4563 = tpu.memref_slice %arg4[%select_n3A, %add3A_4560, %dma_start3A_4562] : memref<16x32768x128xf32, #tpu.memory_space<hbm>> -> memref<1x128x128xf32, #tpu.memory_space<hbm>>
      %dma_start3A_4564 = tpu.memref_squeeze %dma_start3A_4563 : memref<1x128x128xf32, #tpu.memory_space<hbm>> -> memref<128x128xf32, #tpu.memory_space<hbm>>
      %dma_start3A_4565 = tpu.memref_slice %arg16[%dma_start3A_4561] : memref<4x!tpu.dma_semaphore, #tpu.memory_space<semaphore_mem>> -> memref<1x!tpu.dma_semaphore, #tpu.memory_space<semaphore_mem>>
      %dma_start3A_4566 = tpu.memref_squeeze %dma_start3A_4565 : memref<1x!tpu.dma_semaphore, #tpu.memory_space<semaphore_mem>> -> memref<!tpu.dma_semaphore, #tpu.memory_space<semaphore_mem>>
      %dma_start3A_4567 = arith.constant 0 : i32
      %dma_start3A_4568 = tpu.memref_slice %arg4[%select_n3A, %add3A_4560, %dma_start3A_4567] : memref<16x32768x128xf32, #tpu.memory_space<hbm>> -> memref<1x128x128xf32, #tpu.memory_space<hbm>>
      %dma_start3A_4569 = tpu.memref_squeeze %dma_start3A_4568 : memref<1x128x128xf32, #tpu.memory_space<hbm>> -> memref<128x128xf32, #tpu.memory_space<hbm>>
      tpu.enqueue_dma source(%arg12 : memref<128x128xf32, #tpu.memory_space<vmem>>) target(%dma_start3A_4569 : memref<128x128xf32, #tpu.memory_space<hbm>>) target_semaphore(%dma_start3A_4566 : memref<!tpu.dma_semaphore, #tpu.memory_space<semaphore_mem>>)
      %lt3A_4570 = arith.constant 15 : i32
      %lt3A_4571 = arith.cmpi slt, %scan3A_1165, %lt3A_4570 : i32
      %convert_element_type3A_4572 = arith.extui %lt3A_4571 : i1 to i32
      %cond3A_4573 = arith.constant 0 : i32
      %cond3A_4574 = arith.cmpi ne, %convert_element_type3A_4572, %cond3A_4573 : i32
      scf.if %cond3A_4574 {
        %dma_wait3A_4626 = arith.constant 0 : i32
        %dma_wait3A_4627 = arith.constant 0 : i32
        %dma_wait3A_4628 = arith.constant 0 : i32
        %dma_wait3A_4629 = tpu.memref_slice %arg3[%dma_wait3A_4626, %dma_wait3A_4627, %dma_wait3A_4628] : memref<16x4096x8xi32, #tpu.memory_space<hbm>> -> memref<1x64x8xi32, #tpu.memory_space<hbm>>
        %dma_wait3A_4630 = tpu.memref_squeeze %dma_wait3A_4629 : memref<1x64x8xi32, #tpu.memory_space<hbm>> -> memref<64x8xi32, #tpu.memory_space<hbm>>
        %dma_wait3A_4631 = arith.constant 0 : i32
        %dma_wait3A_4632 = arith.constant 0 : i32
        %dma_wait3A_4633 = tpu.memref_slice %arg3[%dma_wait3A_4626, %dma_wait3A_4631, %dma_wait3A_4632] : memref<16x4096x8xi32, #tpu.memory_space<hbm>> -> memref<1x64x8xi32, #tpu.memory_space<hbm>>
        %dma_wait3A_4634 = tpu.memref_squeeze %dma_wait3A_4633 : memref<1x64x8xi32, #tpu.memory_space<hbm>> -> memref<64x8xi32, #tpu.memory_space<hbm>>
        tpu.wait_dma2 semaphore(%arg17 : memref<!tpu.dma_semaphore, #tpu.memory_space<semaphore_mem>>) src(%dma_wait3A_4634 : memref<64x8xi32, #tpu.memory_space<hbm>>) dst(%arg5 : memref<64x8xi32, #tpu.memory_space<vmem>>)
        %dma_wait3A_4635 = arith.constant 0 : i32
        %dma_wait3A_4636 = arith.constant 0 : i32
        %dma_wait3A_4637 = arith.constant 0 : i32
        %dma_wait3A_4638 = tpu.memref_slice %arg2[%dma_wait3A_4636, %dma_wait3A_4637] : memref<65536x128xf32, #tpu.memory_space<hbm>> -> memref<128x128xf32, #tpu.memory_space<hbm>>
        %dma_wait3A_4639 = tpu.memref_slice %arg16[%dma_wait3A_4635] : memref<4x!tpu.dma_semaphore, #tpu.memory_space<semaphore_mem>> -> memref<1x!tpu.dma_semaphore, #tpu.memory_space<semaphore_mem>>
        %dma_wait3A_4640 = tpu.memref_squeeze %dma_wait3A_4639 : memref<1x!tpu.dma_semaphore, #tpu.memory_space<semaphore_mem>> -> memref<!tpu.dma_semaphore, #tpu.memory_space<semaphore_mem>>
        %dma_wait3A_4641 = arith.constant 0 : i32
        %dma_wait3A_4642 = arith.constant 0 : i32
        %dma_wait3A_4643 = tpu.memref_slice %arg2[%dma_wait3A_4641, %dma_wait3A_4642] : memref<65536x128xf32, #tpu.memory_space<hbm>> -> memref<128x128xf32, #tpu.memory_space<hbm>>
        tpu.wait_dma2 semaphore(%dma_wait3A_4640 : memref<!tpu.dma_semaphore, #tpu.memory_space<semaphore_mem>>) src(%dma_wait3A_4643 : memref<128x128xf32, #tpu.memory_space<hbm>>) dst(%arg11 : memref<128x128xf32, #tpu.memory_space<vmem>>)
        %jit3A_4644 = arith.constant 8 : i32
        %div3A_4645 = vector.broadcast %jit3A_4644 : i32 to vector<16xi32>
        %div3A_4646 = arith.divsi %iota3A, %div3A_4645 : vector<16xi32>
        %sign3A_4647 = arith.constant 0 : i32
        %sign3A_4648 = vector.broadcast %sign3A_4647 : i32 to vector<16xi32>
        %sign3A_4649 = arith.cmpi sgt, %iota3A, %sign3A_4648 : vector<16xi32>
        %sign3A_4650 = arith.extui %sign3A_4649 : vector<16xi1> to vector<16xi32>
        %sign3A_4651 = arith.constant 0 : i32
        %sign3A_4652 = vector.broadcast %sign3A_4651 : i32 to vector<16xi32>
        %sign3A_4653 = arith.cmpi slt, %iota3A, %sign3A_4652 : vector<16xi32>
        %sign3A_4654 = arith.extui %sign3A_4653 : vector<16xi1> to vector<16xi32>
        %sign3A_4655 = arith.subi %sign3A_4650, %sign3A_4654 : vector<16xi32>
        %sign3A_4656 = arith.constant 0 : i32
        %sign3A_4657 = arith.cmpi sgt, %jit3A_4644, %sign3A_4656 : i32
        %sign3A_4658 = arith.extui %sign3A_4657 : i1 to i32
        %sign3A_4659 = arith.constant 0 : i32
        %sign3A_4660 = arith.cmpi slt, %jit3A_4644, %sign3A_4659 : i32
        %sign3A_4661 = arith.extui %sign3A_4660 : i1 to i32
        %sign3A_4662 = arith.subi %sign3A_4658, %sign3A_4661 : i32
        %ne3A_4663 = vector.broadcast %sign3A_4662 : i32 to vector<16xi32>
        %ne3A_4664 = arith.cmpi ne, %sign3A_4655, %ne3A_4663 : vector<16xi32>
        %rem3A_4665 = vector.broadcast %jit3A_4644 : i32 to vector<16xi32>
        %rem3A_4666 = arith.remsi %iota3A, %rem3A_4665 : vector<16xi32>
        %ne3A_4667 = arith.constant 0 : i32
        %ne3A_4668 = vector.broadcast %ne3A_4667 : i32 to vector<16xi32>
        %ne3A_4669 = arith.cmpi ne, %rem3A_4666, %ne3A_4668 : vector<16xi32>
        %and3A_4670 = arith.andi %ne3A_4664, %ne3A_4669 : vector<16xi1>
        %sub3A_4671 = arith.constant 1 : i32
        %sub3A_4672 = vector.broadcast %sub3A_4671 : i32 to vector<16xi32>
        %sub3A_4673 = arith.subi %div3A_4646, %sub3A_4672 : vector<16xi32>
        %select_n3A_4674 = arith.select %and3A_4670, %sub3A_4673, %div3A_4646 : vector<16xi1>, vector<16xi32>
        %add3A_4675 = arith.constant 0 : i32
        %add3A_4676 = vector.broadcast %add3A_4675 : i32 to vector<16xi32>
        %add3A_4677 = arith.addi %add3A_4676, %select_n3A_4674 : vector<16xi32>
        %jit3A_4678 = arith.constant 8 : i32
        %eq3A_4679 = arith.constant 0 : i32
        %eq3A_4680 = arith.cmpi eq, %jit3A_4678, %eq3A_4679 : i32
        %jit3A_4681 = arith.constant 1 : i32
        %select_n3A_4682 = arith.select %eq3A_4680, %jit3A_4681, %jit3A_4678 : i32
        %rem3A_4683 = vector.broadcast %select_n3A_4682 : i32 to vector<16xi32>
        %rem3A_4684 = arith.remsi %iota3A, %rem3A_4683 : vector<16xi32>
        %ne3A_4685 = arith.constant 0 : i32
        %ne3A_4686 = vector.broadcast %ne3A_4685 : i32 to vector<16xi32>
        %ne3A_4687 = arith.cmpi ne, %rem3A_4684, %ne3A_4686 : vector<16xi32>
        %lt3A_4688 = arith.constant 0 : i32
        %lt3A_4689 = vector.broadcast %lt3A_4688 : i32 to vector<16xi32>
        %lt3A_4690 = arith.cmpi slt, %rem3A_4684, %lt3A_4689 : vector<16xi32>
        %lt3A_4691 = arith.constant 0 : i32
        %lt3A_4692 = arith.cmpi slt, %select_n3A_4682, %lt3A_4691 : i32
        %ne3A_4693 = vector.broadcast %lt3A_4692 : i1 to vector<16xi1>
        %ne3A_4694 = vector.broadcast %ne3A_4693 : vector<16xi1> to vector<16xi1>
        %ne3A_4695 = arith.xori %lt3A_4690, %ne3A_4694 : vector<16xi1>
        %and3A_4696 = arith.andi %ne3A_4695, %ne3A_4687 : vector<16xi1>
        %add3A_4697 = vector.broadcast %select_n3A_4682 : i32 to vector<16xi32>
        %add3A_4698 = arith.addi %rem3A_4684, %add3A_4697 : vector<16xi32>
        %select_n3A_4699 = arith.select %and3A_4696, %add3A_4698, %rem3A_4684 : vector<16xi1>, vector<16xi32>
        %add3A_4700 = arith.constant 0 : i32
        %add3A_4701 = vector.broadcast %add3A_4700 : i32 to vector<16xi32>
        %add3A_4702 = arith.addi %add3A_4701, %select_n3A_4699 : vector<16xi32>
        %gather3A_4703 = tpu.vector_load_idx %arg5[%add3A_4702, %add3A_4677] : memref<64x8xi32, #tpu.memory_space<vmem>>[vector<16xi32>, vector<16xi32>], vector<16xi32>,
        %mul3A_4704 = arith.constant 8192 : i32
        %mul3A_4705 = vector.broadcast %mul3A_4704 : i32 to vector<16xi32>
        %mul3A_4706 = arith.muli %add3A_4677, %mul3A_4705 : vector<16xi32>
        %add3A_4707 = arith.addi %gather3A_4703, %mul3A_4706 : vector<16xi32>
        %swap3A_4708 = arith.constant 0 : index
        %swap3A_4709 = tpu.vector_load %arg7[%swap3A_4708] {strides = array<i32>} : memref<128xi32, #tpu.memory_space<vmem>>, vector<16xi32>,
        tpu.vector_store %arg7[%swap3A_4708], %add3A_4707 {strides = array<i32>} : memref<128xi32, #tpu.memory_space<vmem>>, vector<16xi32>,
        %jit3A_4710 = arith.constant 8 : i32
        %div3A_4711 = vector.broadcast %jit3A_4710 : i32 to vector<16xi32>
        %div3A_4712 = arith.divsi %iota3A, %div3A_4711 : vector<16xi32>
        %sign3A_4713 = arith.constant 0 : i32
        %sign3A_4714 = vector.broadcast %sign3A_4713 : i32 to vector<16xi32>
        %sign3A_4715 = arith.cmpi sgt, %iota3A, %sign3A_4714 : vector<16xi32>
        %sign3A_4716 = arith.extui %sign3A_4715 : vector<16xi1> to vector<16xi32>
        %sign3A_4717 = arith.constant 0 : i32
        %sign3A_4718 = vector.broadcast %sign3A_4717 : i32 to vector<16xi32>
        %sign3A_4719 = arith.cmpi slt, %iota3A, %sign3A_4718 : vector<16xi32>
        %sign3A_4720 = arith.extui %sign3A_4719 : vector<16xi1> to vector<16xi32>
        %sign3A_4721 = arith.subi %sign3A_4716, %sign3A_4720 : vector<16xi32>
        %sign3A_4722 = arith.constant 0 : i32
        %sign3A_4723 = arith.cmpi sgt, %jit3A_4710, %sign3A_4722 : i32
        %sign3A_4724 = arith.extui %sign3A_4723 : i1 to i32
        %sign3A_4725 = arith.constant 0 : i32
        %sign3A_4726 = arith.cmpi slt, %jit3A_4710, %sign3A_4725 : i32
        %sign3A_4727 = arith.extui %sign3A_4726 : i1 to i32
        %sign3A_4728 = arith.subi %sign3A_4724, %sign3A_4727 : i32
        %ne3A_4729 = vector.broadcast %sign3A_4728 : i32 to vector<16xi32>
        %ne3A_4730 = arith.cmpi ne, %sign3A_4721, %ne3A_4729 : vector<16xi32>
        %rem3A_4731 = vector.broadcast %jit3A_4710 : i32 to vector<16xi32>
        %rem3A_4732 = arith.remsi %iota3A, %rem3A_4731 : vector<16xi32>
        %ne3A_4733 = arith.constant 0 : i32
        %ne3A_4734 = vector.broadcast %ne3A_4733 : i32 to vector<16xi32>
        %ne3A_4735 = arith.cmpi ne, %rem3A_4732, %ne3A_4734 : vector<16xi32>
        %and3A_4736 = arith.andi %ne3A_4730, %ne3A_4735 : vector<16xi1>
        %sub3A_4737 = arith.constant 1 : i32
        %sub3A_4738 = vector.broadcast %sub3A_4737 : i32 to vector<16xi32>
        %sub3A_4739 = arith.subi %div3A_4712, %sub3A_4738 : vector<16xi32>
        %select_n3A_4740 = arith.select %and3A_4736, %sub3A_4739, %div3A_4712 : vector<16xi1>, vector<16xi32>
        %add3A_4741 = arith.constant 2 : i32
        %add3A_4742 = vector.broadcast %add3A_4741 : i32 to vector<16xi32>
        %add3A_4743 = arith.addi %add3A_4742, %select_n3A_4740 : vector<16xi32>
        %jit3A_4744 = arith.constant 8 : i32
        %eq3A_4745 = arith.constant 0 : i32
        %eq3A_4746 = arith.cmpi eq, %jit3A_4744, %eq3A_4745 : i32
        %jit3A_4747 = arith.constant 1 : i32
        %select_n3A_4748 = arith.select %eq3A_4746, %jit3A_4747, %jit3A_4744 : i32
        %rem3A_4749 = vector.broadcast %select_n3A_4748 : i32 to vector<16xi32>
        %rem3A_4750 = arith.remsi %iota3A, %rem3A_4749 : vector<16xi32>
        %ne3A_4751 = arith.constant 0 : i32
        %ne3A_4752 = vector.broadcast %ne3A_4751 : i32 to vector<16xi32>
        %ne3A_4753 = arith.cmpi ne, %rem3A_4750, %ne3A_4752 : vector<16xi32>
        %lt3A_4754 = arith.constant 0 : i32
        %lt3A_4755 = vector.broadcast %lt3A_4754 : i32 to vector<16xi32>
        %lt3A_4756 = arith.cmpi slt, %rem3A_4750, %lt3A_4755 : vector<16xi32>
        %lt3A_4757 = arith.constant 0 : i32
        %lt3A_4758 = arith.cmpi slt, %select_n3A_4748, %lt3A_4757 : i32
        %ne3A_4759 = vector.broadcast %lt3A_4758 : i1 to vector<16xi1>
        %ne3A_4760 = vector.broadcast %ne3A_4759 : vector<16xi1> to vector<16xi1>
        %ne3A_4761 = arith.xori %lt3A_4756, %ne3A_4760 : vector<16xi1>
        %and3A_4762 = arith.andi %ne3A_4761, %ne3A_4753 : vector<16xi1>
        %add3A_4763 = vector.broadcast %select_n3A_4748 : i32 to vector<16xi32>
        %add3A_4764 = arith.addi %rem3A_4750, %add3A_4763 : vector<16xi32>
        %select_n3A_4765 = arith.select %and3A_4762, %add3A_4764, %rem3A_4750 : vector<16xi1>, vector<16xi32>
        %add3A_4766 = arith.constant 0 : i32
        %add3A_4767 = vector.broadcast %add3A_4766 : i32 to vector<16xi32>
        %add3A_4768 = arith.addi %add3A_4767, %select_n3A_4765 : vector<16xi32>
        %gather3A_4769 = tpu.vector_load_idx %arg5[%add3A_4768, %add3A_4743] : memref<64x8xi32, #tpu.memory_space<vmem>>[vector<16xi32>, vector<16xi32>], vector<16xi32>,
        %mul3A_4770 = arith.constant 8192 : i32
        %mul3A_4771 = vector.broadcast %mul3A_4770 : i32 to vector<16xi32>
        %mul3A_4772 = arith.muli %add3A_4743, %mul3A_4771 : vector<16xi32>
        %add3A_4773 = arith.addi %gather3A_4769, %mul3A_4772 : vector<16xi32>
        %swap3A_4774 = arith.constant 16 : index
        %swap3A_4775 = tpu.vector_load %arg7[%swap3A_4774] {strides = array<i32>} : memref<128xi32, #tpu.memory_space<vmem>>, vector<16xi32>,
        tpu.vector_store %arg7[%swap3A_4774], %add3A_4773 {strides = array<i32>} : memref<128xi32, #tpu.memory_space<vmem>>, vector<16xi32>,
        %jit3A_4776 = arith.constant 8 : i32
        %div3A_4777 = vector.broadcast %jit3A_4776 : i32 to vector<16xi32>
        %div3A_4778 = arith.divsi %iota3A, %div3A_4777 : vector<16xi32>
        %sign3A_4779 = arith.constant 0 : i32
        %sign3A_4780 = vector.broadcast %sign3A_4779 : i32 to vector<16xi32>
        %sign3A_4781 = arith.cmpi sgt, %iota3A, %sign3A_4780 : vector<16xi32>
        %sign3A_4782 = arith.extui %sign3A_4781 : vector<16xi1> to vector<16xi32>
        %sign3A_4783 = arith.constant 0 : i32
        %sign3A_4784 = vector.broadcast %sign3A_4783 : i32 to vector<16xi32>
        %sign3A_4785 = arith.cmpi slt, %iota3A, %sign3A_4784 : vector<16xi32>
        %sign3A_4786 = arith.extui %sign3A_4785 : vector<16xi1> to vector<16xi32>
        %sign3A_4787 = arith.subi %sign3A_4782, %sign3A_4786 : vector<16xi32>
        %sign3A_4788 = arith.constant 0 : i32
        %sign3A_4789 = arith.cmpi sgt, %jit3A_4776, %sign3A_4788 : i32
        %sign3A_4790 = arith.extui %sign3A_4789 : i1 to i32
        %sign3A_4791 = arith.constant 0 : i32
        %sign3A_4792 = arith.cmpi slt, %jit3A_4776, %sign3A_4791 : i32
        %sign3A_4793 = arith.extui %sign3A_4792 : i1 to i32
        %sign3A_4794 = arith.subi %sign3A_4790, %sign3A_4793 : i32
        %ne3A_4795 = vector.broadcast %sign3A_4794 : i32 to vector<16xi32>
        %ne3A_4796 = arith.cmpi ne, %sign3A_4787, %ne3A_4795 : vector<16xi32>
        %rem3A_4797 = vector.broadcast %jit3A_4776 : i32 to vector<16xi32>
        %rem3A_4798 = arith.remsi %iota3A, %rem3A_4797 : vector<16xi32>
        %ne3A_4799 = arith.constant 0 : i32
        %ne3A_4800 = vector.broadcast %ne3A_4799 : i32 to vector<16xi32>
        %ne3A_4801 = arith.cmpi ne, %rem3A_4798, %ne3A_4800 : vector<16xi32>
        %and3A_4802 = arith.andi %ne3A_4796, %ne3A_4801 : vector<16xi1>
        %sub3A_4803 = arith.constant 1 : i32
        %sub3A_4804 = vector.broadcast %sub3A_4803 : i32 to vector<16xi32>
        %sub3A_4805 = arith.subi %div3A_4778, %sub3A_4804 : vector<16xi32>
        %select_n3A_4806 = arith.select %and3A_4802, %sub3A_4805, %div3A_4778 : vector<16xi1>, vector<16xi32>
        %add3A_4807 = arith.constant 4 : i32
        %add3A_4808 = vector.broadcast %add3A_4807 : i32 to vector<16xi32>
        %add3A_4809 = arith.addi %add3A_4808, %select_n3A_4806 : vector<16xi32>
        %jit3A_4810 = arith.constant 8 : i32
        %eq3A_4811 = arith.constant 0 : i32
        %eq3A_4812 = arith.cmpi eq, %jit3A_4810, %eq3A_4811 : i32
        %jit3A_4813 = arith.constant 1 : i32
        %select_n3A_4814 = arith.select %eq3A_4812, %jit3A_4813, %jit3A_4810 : i32
        %rem3A_4815 = vector.broadcast %select_n3A_4814 : i32 to vector<16xi32>
        %rem3A_4816 = arith.remsi %iota3A, %rem3A_4815 : vector<16xi32>
        %ne3A_4817 = arith.constant 0 : i32
        %ne3A_4818 = vector.broadcast %ne3A_4817 : i32 to vector<16xi32>
        %ne3A_4819 = arith.cmpi ne, %rem3A_4816, %ne3A_4818 : vector<16xi32>
        %lt3A_4820 = arith.constant 0 : i32
        %lt3A_4821 = vector.broadcast %lt3A_4820 : i32 to vector<16xi32>
        %lt3A_4822 = arith.cmpi slt, %rem3A_4816, %lt3A_4821 : vector<16xi32>
        %lt3A_4823 = arith.constant 0 : i32
        %lt3A_4824 = arith.cmpi slt, %select_n3A_4814, %lt3A_4823 : i32
        %ne3A_4825 = vector.broadcast %lt3A_4824 : i1 to vector<16xi1>
        %ne3A_4826 = vector.broadcast %ne3A_4825 : vector<16xi1> to vector<16xi1>
        %ne3A_4827 = arith.xori %lt3A_4822, %ne3A_4826 : vector<16xi1>
        %and3A_4828 = arith.andi %ne3A_4827, %ne3A_4819 : vector<16xi1>
        %add3A_4829 = vector.broadcast %select_n3A_4814 : i32 to vector<16xi32>
        %add3A_4830 = arith.addi %rem3A_4816, %add3A_4829 : vector<16xi32>
        %select_n3A_4831 = arith.select %and3A_4828, %add3A_4830, %rem3A_4816 : vector<16xi1>, vector<16xi32>
        %add3A_4832 = arith.constant 0 : i32
        %add3A_4833 = vector.broadcast %add3A_4832 : i32 to vector<16xi32>
        %add3A_4834 = arith.addi %add3A_4833, %select_n3A_4831 : vector<16xi32>
        %gather3A_4835 = tpu.vector_load_idx %arg5[%add3A_4834, %add3A_4809] : memref<64x8xi32, #tpu.memory_space<vmem>>[vector<16xi32>, vector<16xi32>], vector<16xi32>,
        %mul3A_4836 = arith.constant 8192 : i32
        %mul3A_4837 = vector.broadcast %mul3A_4836 : i32 to vector<16xi32>
        %mul3A_4838 = arith.muli %add3A_4809, %mul3A_4837 : vector<16xi32>
        %add3A_4839 = arith.addi %gather3A_4835, %mul3A_4838 : vector<16xi32>
        %swap3A_4840 = arith.constant 32 : index
        %swap3A_4841 = tpu.vector_load %arg7[%swap3A_4840] {strides = array<i32>} : memref<128xi32, #tpu.memory_space<vmem>>, vector<16xi32>,
        tpu.vector_store %arg7[%swap3A_4840], %add3A_4839 {strides = array<i32>} : memref<128xi32, #tpu.memory_space<vmem>>, vector<16xi32>,
        %jit3A_4842 = arith.constant 8 : i32
        %div3A_4843 = vector.broadcast %jit3A_4842 : i32 to vector<16xi32>
        %div3A_4844 = arith.divsi %iota3A, %div3A_4843 : vector<16xi32>
        %sign3A_4845 = arith.constant 0 : i32
        %sign3A_4846 = vector.broadcast %sign3A_4845 : i32 to vector<16xi32>
        %sign3A_4847 = arith.cmpi sgt, %iota3A, %sign3A_4846 : vector<16xi32>
        %sign3A_4848 = arith.extui %sign3A_4847 : vector<16xi1> to vector<16xi32>
        %sign3A_4849 = arith.constant 0 : i32
        %sign3A_4850 = vector.broadcast %sign3A_4849 : i32 to vector<16xi32>
        %sign3A_4851 = arith.cmpi slt, %iota3A, %sign3A_4850 : vector<16xi32>
        %sign3A_4852 = arith.extui %sign3A_4851 : vector<16xi1> to vector<16xi32>
        %sign3A_4853 = arith.subi %sign3A_4848, %sign3A_4852 : vector<16xi32>
        %sign3A_4854 = arith.constant 0 : i32
        %sign3A_4855 = arith.cmpi sgt, %jit3A_4842, %sign3A_4854 : i32
        %sign3A_4856 = arith.extui %sign3A_4855 : i1 to i32
        %sign3A_4857 = arith.constant 0 : i32
        %sign3A_4858 = arith.cmpi slt, %jit3A_4842, %sign3A_4857 : i32
        %sign3A_4859 = arith.extui %sign3A_4858 : i1 to i32
        %sign3A_4860 = arith.subi %sign3A_4856, %sign3A_4859 : i32
        %ne3A_4861 = vector.broadcast %sign3A_4860 : i32 to vector<16xi32>
        %ne3A_4862 = arith.cmpi ne, %sign3A_4853, %ne3A_4861 : vector<16xi32>
        %rem3A_4863 = vector.broadcast %jit3A_4842 : i32 to vector<16xi32>
        %rem3A_4864 = arith.remsi %iota3A, %rem3A_4863 : vector<16xi32>
        %ne3A_4865 = arith.constant 0 : i32
        %ne3A_4866 = vector.broadcast %ne3A_4865 : i32 to vector<16xi32>
        %ne3A_4867 = arith.cmpi ne, %rem3A_4864, %ne3A_4866 : vector<16xi32>
        %and3A_4868 = arith.andi %ne3A_4862, %ne3A_4867 : vector<16xi1>
        %sub3A_4869 = arith.constant 1 : i32
        %sub3A_4870 = vector.broadcast %sub3A_4869 : i32 to vector<16xi32>
        %sub3A_4871 = arith.subi %div3A_4844, %sub3A_4870 : vector<16xi32>
        %select_n3A_4872 = arith.select %and3A_4868, %sub3A_4871, %div3A_4844 : vector<16xi1>, vector<16xi32>
        %add3A_4873 = arith.constant 6 : i32
        %add3A_4874 = vector.broadcast %add3A_4873 : i32 to vector<16xi32>
        %add3A_4875 = arith.addi %add3A_4874, %select_n3A_4872 : vector<16xi32>
        %jit3A_4876 = arith.constant 8 : i32
        %eq3A_4877 = arith.constant 0 : i32
        %eq3A_4878 = arith.cmpi eq, %jit3A_4876, %eq3A_4877 : i32
        %jit3A_4879 = arith.constant 1 : i32
        %select_n3A_4880 = arith.select %eq3A_4878, %jit3A_4879, %jit3A_4876 : i32
        %rem3A_4881 = vector.broadcast %select_n3A_4880 : i32 to vector<16xi32>
        %rem3A_4882 = arith.remsi %iota3A, %rem3A_4881 : vector<16xi32>
        %ne3A_4883 = arith.constant 0 : i32
        %ne3A_4884 = vector.broadcast %ne3A_4883 : i32 to vector<16xi32>
        %ne3A_4885 = arith.cmpi ne, %rem3A_4882, %ne3A_4884 : vector<16xi32>
        %lt3A_4886 = arith.constant 0 : i32
        %lt3A_4887 = vector.broadcast %lt3A_4886 : i32 to vector<16xi32>
        %lt3A_4888 = arith.cmpi slt, %rem3A_4882, %lt3A_4887 : vector<16xi32>
        %lt3A_4889 = arith.constant 0 : i32
        %lt3A_4890 = arith.cmpi slt, %select_n3A_4880, %lt3A_4889 : i32
        %ne3A_4891 = vector.broadcast %lt3A_4890 : i1 to vector<16xi1>
        %ne3A_4892 = vector.broadcast %ne3A_4891 : vector<16xi1> to vector<16xi1>
        %ne3A_4893 = arith.xori %lt3A_4888, %ne3A_4892 : vector<16xi1>
        %and3A_4894 = arith.andi %ne3A_4893, %ne3A_4885 : vector<16xi1>
        %add3A_4895 = vector.broadcast %select_n3A_4880 : i32 to vector<16xi32>
        %add3A_4896 = arith.addi %rem3A_4882, %add3A_4895 : vector<16xi32>
        %select_n3A_4897 = arith.select %and3A_4894, %add3A_4896, %rem3A_4882 : vector<16xi1>, vector<16xi32>
        %add3A_4898 = arith.constant 0 : i32
        %add3A_4899 = vector.broadcast %add3A_4898 : i32 to vector<16xi32>
        %add3A_4900 = arith.addi %add3A_4899, %select_n3A_4897 : vector<16xi32>
        %gather3A_4901 = tpu.vector_load_idx %arg5[%add3A_4900, %add3A_4875] : memref<64x8xi32, #tpu.memory_space<vmem>>[vector<16xi32>, vector<16xi32>], vector<16xi32>,
        %mul3A_4902 = arith.constant 8192 : i32
        %mul3A_4903 = vector.broadcast %mul3A_4902 : i32 to vector<16xi32>
        %mul3A_4904 = arith.muli %add3A_4875, %mul3A_4903 : vector<16xi32>
        %add3A_4905 = arith.addi %gather3A_4901, %mul3A_4904 : vector<16xi32>
        %swap3A_4906 = arith.constant 48 : index
        %swap3A_4907 = tpu.vector_load %arg7[%swap3A_4906] {strides = array<i32>} : memref<128xi32, #tpu.memory_space<vmem>>, vector<16xi32>,
        tpu.vector_store %arg7[%swap3A_4906], %add3A_4905 {strides = array<i32>} : memref<128xi32, #tpu.memory_space<vmem>>, vector<16xi32>,
        %jit3A_4908 = arith.constant 8 : i32
        %div3A_4909 = vector.broadcast %jit3A_4908 : i32 to vector<16xi32>
        %div3A_4910 = arith.divsi %iota3A, %div3A_4909 : vector<16xi32>
        %sign3A_4911 = arith.constant 0 : i32
        %sign3A_4912 = vector.broadcast %sign3A_4911 : i32 to vector<16xi32>
        %sign3A_4913 = arith.cmpi sgt, %iota3A, %sign3A_4912 : vector<16xi32>
        %sign3A_4914 = arith.extui %sign3A_4913 : vector<16xi1> to vector<16xi32>
        %sign3A_4915 = arith.constant 0 : i32
        %sign3A_4916 = vector.broadcast %sign3A_4915 : i32 to vector<16xi32>
        %sign3A_4917 = arith.cmpi slt, %iota3A, %sign3A_4916 : vector<16xi32>
        %sign3A_4918 = arith.extui %sign3A_4917 : vector<16xi1> to vector<16xi32>
        %sign3A_4919 = arith.subi %sign3A_4914, %sign3A_4918 : vector<16xi32>
        %sign3A_4920 = arith.constant 0 : i32
        %sign3A_4921 = arith.cmpi sgt, %jit3A_4908, %sign3A_4920 : i32
        %sign3A_4922 = arith.extui %sign3A_4921 : i1 to i32
        %sign3A_4923 = arith.constant 0 : i32
        %sign3A_4924 = arith.cmpi slt, %jit3A_4908, %sign3A_4923 : i32
        %sign3A_4925 = arith.extui %sign3A_4924 : i1 to i32
        %sign3A_4926 = arith.subi %sign3A_4922, %sign3A_4925 : i32
        %ne3A_4927 = vector.broadcast %sign3A_4926 : i32 to vector<16xi32>
        %ne3A_4928 = arith.cmpi ne, %sign3A_4919, %ne3A_4927 : vector<16xi32>
        %rem3A_4929 = vector.broadcast %jit3A_4908 : i32 to vector<16xi32>
        %rem3A_4930 = arith.remsi %iota3A, %rem3A_4929 : vector<16xi32>
        %ne3A_4931 = arith.constant 0 : i32
        %ne3A_4932 = vector.broadcast %ne3A_4931 : i32 to vector<16xi32>
        %ne3A_4933 = arith.cmpi ne, %rem3A_4930, %ne3A_4932 : vector<16xi32>
        %and3A_4934 = arith.andi %ne3A_4928, %ne3A_4933 : vector<16xi1>
        %sub3A_4935 = arith.constant 1 : i32
        %sub3A_4936 = vector.broadcast %sub3A_4935 : i32 to vector<16xi32>
        %sub3A_4937 = arith.subi %div3A_4910, %sub3A_4936 : vector<16xi32>
        %select_n3A_4938 = arith.select %and3A_4934, %sub3A_4937, %div3A_4910 : vector<16xi1>, vector<16xi32>
        %add3A_4939 = arith.constant 0 : i32
        %add3A_4940 = vector.broadcast %add3A_4939 : i32 to vector<16xi32>
        %add3A_4941 = arith.addi %add3A_4940, %select_n3A_4938 : vector<16xi32>
        %jit3A_4942 = arith.constant 8 : i32
        %eq3A_4943 = arith.constant 0 : i32
        %eq3A_4944 = arith.cmpi eq, %jit3A_4942, %eq3A_4943 : i32
        %jit3A_4945 = arith.constant 1 : i32
        %select_n3A_4946 = arith.select %eq3A_4944, %jit3A_4945, %jit3A_4942 : i32
        %rem3A_4947 = vector.broadcast %select_n3A_4946 : i32 to vector<16xi32>
        %rem3A_4948 = arith.remsi %iota3A, %rem3A_4947 : vector<16xi32>
        %ne3A_4949 = arith.constant 0 : i32
        %ne3A_4950 = vector.broadcast %ne3A_4949 : i32 to vector<16xi32>
        %ne3A_4951 = arith.cmpi ne, %rem3A_4948, %ne3A_4950 : vector<16xi32>
        %lt3A_4952 = arith.constant 0 : i32
        %lt3A_4953 = vector.broadcast %lt3A_4952 : i32 to vector<16xi32>
        %lt3A_4954 = arith.cmpi slt, %rem3A_4948, %lt3A_4953 : vector<16xi32>
        %lt3A_4955 = arith.constant 0 : i32
        %lt3A_4956 = arith.cmpi slt, %select_n3A_4946, %lt3A_4955 : i32
        %ne3A_4957 = vector.broadcast %lt3A_4956 : i1 to vector<16xi1>
        %ne3A_4958 = vector.broadcast %ne3A_4957 : vector<16xi1> to vector<16xi1>
        %ne3A_4959 = arith.xori %lt3A_4954, %ne3A_4958 : vector<16xi1>
        %and3A_4960 = arith.andi %ne3A_4959, %ne3A_4951 : vector<16xi1>
        %add3A_4961 = vector.broadcast %select_n3A_4946 : i32 to vector<16xi32>
        %add3A_4962 = arith.addi %rem3A_4948, %add3A_4961 : vector<16xi32>
        %select_n3A_4963 = arith.select %and3A_4960, %add3A_4962, %rem3A_4948 : vector<16xi1>, vector<16xi32>
        %add3A_4964 = arith.constant 8 : i32
        %add3A_4965 = vector.broadcast %add3A_4964 : i32 to vector<16xi32>
        %add3A_4966 = arith.addi %add3A_4965, %select_n3A_4963 : vector<16xi32>
        %gather3A_4967 = tpu.vector_load_idx %arg5[%add3A_4966, %add3A_4941] : memref<64x8xi32, #tpu.memory_space<vmem>>[vector<16xi32>, vector<16xi32>], vector<16xi32>,
        %mul3A_4968 = arith.constant 8192 : i32
        %mul3A_4969 = vector.broadcast %mul3A_4968 : i32 to vector<16xi32>
        %mul3A_4970 = arith.muli %add3A_4941, %mul3A_4969 : vector<16xi32>
        %add3A_4971 = arith.addi %gather3A_4967, %mul3A_4970 : vector<16xi32>
        %swap3A_4972 = arith.constant 64 : index
        %swap3A_4973 = tpu.vector_load %arg7[%swap3A_4972] {strides = array<i32>} : memref<128xi32, #tpu.memory_space<vmem>>, vector<16xi32>,
        tpu.vector_store %arg7[%swap3A_4972], %add3A_4971 {strides = array<i32>} : memref<128xi32, #tpu.memory_space<vmem>>, vector<16xi32>,
        %jit3A_4974 = arith.constant 8 : i32
        %div3A_4975 = vector.broadcast %jit3A_4974 : i32 to vector<16xi32>
        %div3A_4976 = arith.divsi %iota3A, %div3A_4975 : vector<16xi32>
        %sign3A_4977 = arith.constant 0 : i32
        %sign3A_4978 = vector.broadcast %sign3A_4977 : i32 to vector<16xi32>
        %sign3A_4979 = arith.cmpi sgt, %iota3A, %sign3A_4978 : vector<16xi32>
        %sign3A_4980 = arith.extui %sign3A_4979 : vector<16xi1> to vector<16xi32>
        %sign3A_4981 = arith.constant 0 : i32
        %sign3A_4982 = vector.broadcast %sign3A_4981 : i32 to vector<16xi32>
        %sign3A_4983 = arith.cmpi slt, %iota3A, %sign3A_4982 : vector<16xi32>
        %sign3A_4984 = arith.extui %sign3A_4983 : vector<16xi1> to vector<16xi32>
        %sign3A_4985 = arith.subi %sign3A_4980, %sign3A_4984 : vector<16xi32>
        %sign3A_4986 = arith.constant 0 : i32
        %sign3A_4987 = arith.cmpi sgt, %jit3A_4974, %sign3A_4986 : i32
        %sign3A_4988 = arith.extui %sign3A_4987 : i1 to i32
        %sign3A_4989 = arith.constant 0 : i32
        %sign3A_4990 = arith.cmpi slt, %jit3A_4974, %sign3A_4989 : i32
        %sign3A_4991 = arith.extui %sign3A_4990 : i1 to i32
        %sign3A_4992 = arith.subi %sign3A_4988, %sign3A_4991 : i32
        %ne3A_4993 = vector.broadcast %sign3A_4992 : i32 to vector<16xi32>
        %ne3A_4994 = arith.cmpi ne, %sign3A_4985, %ne3A_4993 : vector<16xi32>
        %rem3A_4995 = vector.broadcast %jit3A_4974 : i32 to vector<16xi32>
        %rem3A_4996 = arith.remsi %iota3A, %rem3A_4995 : vector<16xi32>
        %ne3A_4997 = arith.constant 0 : i32
        %ne3A_4998 = vector.broadcast %ne3A_4997 : i32 to vector<16xi32>
        %ne3A_4999 = arith.cmpi ne, %rem3A_4996, %ne3A_4998 : vector<16xi32>
        %and3A_5000 = arith.andi %ne3A_4994, %ne3A_4999 : vector<16xi1>
        %sub3A_5001 = arith.constant 1 : i32
        %sub3A_5002 = vector.broadcast %sub3A_5001 : i32 to vector<16xi32>
        %sub3A_5003 = arith.subi %div3A_4976, %sub3A_5002 : vector<16xi32>
        %select_n3A_5004 = arith.select %and3A_5000, %sub3A_5003, %div3A_4976 : vector<16xi1>, vector<16xi32>
        %add3A_5005 = arith.constant 2 : i32
        %add3A_5006 = vector.broadcast %add3A_5005 : i32 to vector<16xi32>
        %add3A_5007 = arith.addi %add3A_5006, %select_n3A_5004 : vector<16xi32>
        %jit3A_5008 = arith.constant 8 : i32
        %eq3A_5009 = arith.constant 0 : i32
        %eq3A_5010 = arith.cmpi eq, %jit3A_5008, %eq3A_5009 : i32
        %jit3A_5011 = arith.constant 1 : i32
        %select_n3A_5012 = arith.select %eq3A_5010, %jit3A_5011, %jit3A_5008 : i32
        %rem3A_5013 = vector.broadcast %select_n3A_5012 : i32 to vector<16xi32>
        %rem3A_5014 = arith.remsi %iota3A, %rem3A_5013 : vector<16xi32>
        %ne3A_5015 = arith.constant 0 : i32
        %ne3A_5016 = vector.broadcast %ne3A_5015 : i32 to vector<16xi32>
        %ne3A_5017 = arith.cmpi ne, %rem3A_5014, %ne3A_5016 : vector<16xi32>
        %lt3A_5018 = arith.constant 0 : i32
        %lt3A_5019 = vector.broadcast %lt3A_5018 : i32 to vector<16xi32>
        %lt3A_5020 = arith.cmpi slt, %rem3A_5014, %lt3A_5019 : vector<16xi32>
        %lt3A_5021 = arith.constant 0 : i32
        %lt3A_5022 = arith.cmpi slt, %select_n3A_5012, %lt3A_5021 : i32
        %ne3A_5023 = vector.broadcast %lt3A_5022 : i1 to vector<16xi1>
        %ne3A_5024 = vector.broadcast %ne3A_5023 : vector<16xi1> to vector<16xi1>
        %ne3A_5025 = arith.xori %lt3A_5020, %ne3A_5024 : vector<16xi1>
        %and3A_5026 = arith.andi %ne3A_5025, %ne3A_5017 : vector<16xi1>
        %add3A_5027 = vector.broadcast %select_n3A_5012 : i32 to vector<16xi32>
        %add3A_5028 = arith.addi %rem3A_5014, %add3A_5027 : vector<16xi32>
        %select_n3A_5029 = arith.select %and3A_5026, %add3A_5028, %rem3A_5014 : vector<16xi1>, vector<16xi32>
        %add3A_5030 = arith.constant 8 : i32
        %add3A_5031 = vector.broadcast %add3A_5030 : i32 to vector<16xi32>
        %add3A_5032 = arith.addi %add3A_5031, %select_n3A_5029 : vector<16xi32>
        %gather3A_5033 = tpu.vector_load_idx %arg5[%add3A_5032, %add3A_5007] : memref<64x8xi32, #tpu.memory_space<vmem>>[vector<16xi32>, vector<16xi32>], vector<16xi32>,
        %mul3A_5034 = arith.constant 8192 : i32
        %mul3A_5035 = vector.broadcast %mul3A_5034 : i32 to vector<16xi32>
        %mul3A_5036 = arith.muli %add3A_5007, %mul3A_5035 : vector<16xi32>
        %add3A_5037 = arith.addi %gather3A_5033, %mul3A_5036 : vector<16xi32>
        %swap3A_5038 = arith.constant 80 : index
        %swap3A_5039 = tpu.vector_load %arg7[%swap3A_5038] {strides = array<i32>} : memref<128xi32, #tpu.memory_space<vmem>>, vector<16xi32>,
        tpu.vector_store %arg7[%swap3A_5038], %add3A_5037 {strides = array<i32>} : memref<128xi32, #tpu.memory_space<vmem>>, vector<16xi32>,
        %jit3A_5040 = arith.constant 8 : i32
        %div3A_5041 = vector.broadcast %jit3A_5040 : i32 to vector<16xi32>
        %div3A_5042 = arith.divsi %iota3A, %div3A_5041 : vector<16xi32>
        %sign3A_5043 = arith.constant 0 : i32
        %sign3A_5044 = vector.broadcast %sign3A_5043 : i32 to vector<16xi32>
        %sign3A_5045 = arith.cmpi sgt, %iota3A, %sign3A_5044 : vector<16xi32>
        %sign3A_5046 = arith.extui %sign3A_5045 : vector<16xi1> to vector<16xi32>
        %sign3A_5047 = arith.constant 0 : i32
        %sign3A_5048 = vector.broadcast %sign3A_5047 : i32 to vector<16xi32>
        %sign3A_5049 = arith.cmpi slt, %iota3A, %sign3A_5048 : vector<16xi32>
        %sign3A_5050 = arith.extui %sign3A_5049 : vector<16xi1> to vector<16xi32>
        %sign3A_5051 = arith.subi %sign3A_5046, %sign3A_5050 : vector<16xi32>
        %sign3A_5052 = arith.constant 0 : i32
        %sign3A_5053 = arith.cmpi sgt, %jit3A_5040, %sign3A_5052 : i32
        %sign3A_5054 = arith.extui %sign3A_5053 : i1 to i32
        %sign3A_5055 = arith.constant 0 : i32
        %sign3A_5056 = arith.cmpi slt, %jit3A_5040, %sign3A_5055 : i32
        %sign3A_5057 = arith.extui %sign3A_5056 : i1 to i32
        %sign3A_5058 = arith.subi %sign3A_5054, %sign3A_5057 : i32
        %ne3A_5059 = vector.broadcast %sign3A_5058 : i32 to vector<16xi32>
        %ne3A_5060 = arith.cmpi ne, %sign3A_5051, %ne3A_5059 : vector<16xi32>
        %rem3A_5061 = vector.broadcast %jit3A_5040 : i32 to vector<16xi32>
        %rem3A_5062 = arith.remsi %iota3A, %rem3A_5061 : vector<16xi32>
        %ne3A_5063 = arith.constant 0 : i32
        %ne3A_5064 = vector.broadcast %ne3A_5063 : i32 to vector<16xi32>
        %ne3A_5065 = arith.cmpi ne, %rem3A_5062, %ne3A_5064 : vector<16xi32>
        %and3A_5066 = arith.andi %ne3A_5060, %ne3A_5065 : vector<16xi1>
        %sub3A_5067 = arith.constant 1 : i32
        %sub3A_5068 = vector.broadcast %sub3A_5067 : i32 to vector<16xi32>
        %sub3A_5069 = arith.subi %div3A_5042, %sub3A_5068 : vector<16xi32>
        %select_n3A_5070 = arith.select %and3A_5066, %sub3A_5069, %div3A_5042 : vector<16xi1>, vector<16xi32>
        %add3A_5071 = arith.constant 4 : i32
        %add3A_5072 = vector.broadcast %add3A_5071 : i32 to vector<16xi32>
        %add3A_5073 = arith.addi %add3A_5072, %select_n3A_5070 : vector<16xi32>
        %jit3A_5074 = arith.constant 8 : i32
        %eq3A_5075 = arith.constant 0 : i32
        %eq3A_5076 = arith.cmpi eq, %jit3A_5074, %eq3A_5075 : i32
        %jit3A_5077 = arith.constant 1 : i32
        %select_n3A_5078 = arith.select %eq3A_5076, %jit3A_5077, %jit3A_5074 : i32
        %rem3A_5079 = vector.broadcast %select_n3A_5078 : i32 to vector<16xi32>
        %rem3A_5080 = arith.remsi %iota3A, %rem3A_5079 : vector<16xi32>
        %ne3A_5081 = arith.constant 0 : i32
        %ne3A_5082 = vector.broadcast %ne3A_5081 : i32 to vector<16xi32>
        %ne3A_5083 = arith.cmpi ne, %rem3A_5080, %ne3A_5082 : vector<16xi32>
        %lt3A_5084 = arith.constant 0 : i32
        %lt3A_5085 = vector.broadcast %lt3A_5084 : i32 to vector<16xi32>
        %lt3A_5086 = arith.cmpi slt, %rem3A_5080, %lt3A_5085 : vector<16xi32>
        %lt3A_5087 = arith.constant 0 : i32
        %lt3A_5088 = arith.cmpi slt, %select_n3A_5078, %lt3A_5087 : i32
        %ne3A_5089 = vector.broadcast %lt3A_5088 : i1 to vector<16xi1>
        %ne3A_5090 = vector.broadcast %ne3A_5089 : vector<16xi1> to vector<16xi1>
        %ne3A_5091 = arith.xori %lt3A_5086, %ne3A_5090 : vector<16xi1>
        %and3A_5092 = arith.andi %ne3A_5091, %ne3A_5083 : vector<16xi1>
        %add3A_5093 = vector.broadcast %select_n3A_5078 : i32 to vector<16xi32>
        %add3A_5094 = arith.addi %rem3A_5080, %add3A_5093 : vector<16xi32>
        %select_n3A_5095 = arith.select %and3A_5092, %add3A_5094, %rem3A_5080 : vector<16xi1>, vector<16xi32>
        %add3A_5096 = arith.constant 8 : i32
        %add3A_5097 = vector.broadcast %add3A_5096 : i32 to vector<16xi32>
        %add3A_5098 = arith.addi %add3A_5097, %select_n3A_5095 : vector<16xi32>
        %gather3A_5099 = tpu.vector_load_idx %arg5[%add3A_5098, %add3A_5073] : memref<64x8xi32, #tpu.memory_space<vmem>>[vector<16xi32>, vector<16xi32>], vector<16xi32>,
        %mul3A_5100 = arith.constant 8192 : i32
        %mul3A_5101 = vector.broadcast %mul3A_5100 : i32 to vector<16xi32>
        %mul3A_5102 = arith.muli %add3A_5073, %mul3A_5101 : vector<16xi32>
        %add3A_5103 = arith.addi %gather3A_5099, %mul3A_5102 : vector<16xi32>
        %swap3A_5104 = arith.constant 96 : index
        %swap3A_5105 = tpu.vector_load %arg7[%swap3A_5104] {strides = array<i32>} : memref<128xi32, #tpu.memory_space<vmem>>, vector<16xi32>,
        tpu.vector_store %arg7[%swap3A_5104], %add3A_5103 {strides = array<i32>} : memref<128xi32, #tpu.memory_space<vmem>>, vector<16xi32>,
        %jit3A_5106 = arith.constant 8 : i32
        %div3A_5107 = vector.broadcast %jit3A_5106 : i32 to vector<16xi32>
        %div3A_5108 = arith.divsi %iota3A, %div3A_5107 : vector<16xi32>
        %sign3A_5109 = arith.constant 0 : i32
        %sign3A_5110 = vector.broadcast %sign3A_5109 : i32 to vector<16xi32>
        %sign3A_5111 = arith.cmpi sgt, %iota3A, %sign3A_5110 : vector<16xi32>
        %sign3A_5112 = arith.extui %sign3A_5111 : vector<16xi1> to vector<16xi32>
        %sign3A_5113 = arith.constant 0 : i32
        %sign3A_5114 = vector.broadcast %sign3A_5113 : i32 to vector<16xi32>
        %sign3A_5115 = arith.cmpi slt, %iota3A, %sign3A_5114 : vector<16xi32>
        %sign3A_5116 = arith.extui %sign3A_5115 : vector<16xi1> to vector<16xi32>
        %sign3A_5117 = arith.subi %sign3A_5112, %sign3A_5116 : vector<16xi32>
        %sign3A_5118 = arith.constant 0 : i32
        %sign3A_5119 = arith.cmpi sgt, %jit3A_5106, %sign3A_5118 : i32
        %sign3A_5120 = arith.extui %sign3A_5119 : i1 to i32
        %sign3A_5121 = arith.constant 0 : i32
        %sign3A_5122 = arith.cmpi slt, %jit3A_5106, %sign3A_5121 : i32
        %sign3A_5123 = arith.extui %sign3A_5122 : i1 to i32
        %sign3A_5124 = arith.subi %sign3A_5120, %sign3A_5123 : i32
        %ne3A_5125 = vector.broadcast %sign3A_5124 : i32 to vector<16xi32>
        %ne3A_5126 = arith.cmpi ne, %sign3A_5117, %ne3A_5125 : vector<16xi32>
        %rem3A_5127 = vector.broadcast %jit3A_5106 : i32 to vector<16xi32>
        %rem3A_5128 = arith.remsi %iota3A, %rem3A_5127 : vector<16xi32>
        %ne3A_5129 = arith.constant 0 : i32
        %ne3A_5130 = vector.broadcast %ne3A_5129 : i32 to vector<16xi32>
        %ne3A_5131 = arith.cmpi ne, %rem3A_5128, %ne3A_5130 : vector<16xi32>
        %and3A_5132 = arith.andi %ne3A_5126, %ne3A_5131 : vector<16xi1>
        %sub3A_5133 = arith.constant 1 : i32
        %sub3A_5134 = vector.broadcast %sub3A_5133 : i32 to vector<16xi32>
        %sub3A_5135 = arith.subi %div3A_5108, %sub3A_5134 : vector<16xi32>
        %select_n3A_5136 = arith.select %and3A_5132, %sub3A_5135, %div3A_5108 : vector<16xi1>, vector<16xi32>
        %add3A_5137 = arith.constant 6 : i32
        %add3A_5138 = vector.broadcast %add3A_5137 : i32 to vector<16xi32>
        %add3A_5139 = arith.addi %add3A_5138, %select_n3A_5136 : vector<16xi32>
        %jit3A_5140 = arith.constant 8 : i32
        %eq3A_5141 = arith.constant 0 : i32
        %eq3A_5142 = arith.cmpi eq, %jit3A_5140, %eq3A_5141 : i32
        %jit3A_5143 = arith.constant 1 : i32
        %select_n3A_5144 = arith.select %eq3A_5142, %jit3A_5143, %jit3A_5140 : i32
        %rem3A_5145 = vector.broadcast %select_n3A_5144 : i32 to vector<16xi32>
        %rem3A_5146 = arith.remsi %iota3A, %rem3A_5145 : vector<16xi32>
        %ne3A_5147 = arith.constant 0 : i32
        %ne3A_5148 = vector.broadcast %ne3A_5147 : i32 to vector<16xi32>
        %ne3A_5149 = arith.cmpi ne, %rem3A_5146, %ne3A_5148 : vector<16xi32>
        %lt3A_5150 = arith.constant 0 : i32
        %lt3A_5151 = vector.broadcast %lt3A_5150 : i32 to vector<16xi32>
        %lt3A_5152 = arith.cmpi slt, %rem3A_5146, %lt3A_5151 : vector<16xi32>
        %lt3A_5153 = arith.constant 0 : i32
        %lt3A_5154 = arith.cmpi slt, %select_n3A_5144, %lt3A_5153 : i32
        %ne3A_5155 = vector.broadcast %lt3A_5154 : i1 to vector<16xi1>
        %ne3A_5156 = vector.broadcast %ne3A_5155 : vector<16xi1> to vector<16xi1>
        %ne3A_5157 = arith.xori %lt3A_5152, %ne3A_5156 : vector<16xi1>
        %and3A_5158 = arith.andi %ne3A_5157, %ne3A_5149 : vector<16xi1>
        %add3A_5159 = vector.broadcast %select_n3A_5144 : i32 to vector<16xi32>
        %add3A_5160 = arith.addi %rem3A_5146, %add3A_5159 : vector<16xi32>
        %select_n3A_5161 = arith.select %and3A_5158, %add3A_5160, %rem3A_5146 : vector<16xi1>, vector<16xi32>
        %add3A_5162 = arith.constant 8 : i32
        %add3A_5163 = vector.broadcast %add3A_5162 : i32 to vector<16xi32>
        %add3A_5164 = arith.addi %add3A_5163, %select_n3A_5161 : vector<16xi32>
        %gather3A_5165 = tpu.vector_load_idx %arg5[%add3A_5164, %add3A_5139] : memref<64x8xi32, #tpu.memory_space<vmem>>[vector<16xi32>, vector<16xi32>], vector<16xi32>,
        %mul3A_5166 = arith.constant 8192 : i32
        %mul3A_5167 = vector.broadcast %mul3A_5166 : i32 to vector<16xi32>
        %mul3A_5168 = arith.muli %add3A_5139, %mul3A_5167 : vector<16xi32>
        %add3A_5169 = arith.addi %gather3A_5165, %mul3A_5168 : vector<16xi32>
        %swap3A_5170 = arith.constant 112 : index
        %swap3A_5171 = tpu.vector_load %arg7[%swap3A_5170] {strides = array<i32>} : memref<128xi32, #tpu.memory_space<vmem>>, vector<16xi32>,
        tpu.vector_store %arg7[%swap3A_5170], %add3A_5169 {strides = array<i32>} : memref<128xi32, #tpu.memory_space<vmem>>, vector<16xi32>,
        %dma_start3A_5172 = arith.constant 0 : i32
        %dma_start3A_5173 = arith.constant 0 : i32
        %dma_start3A_5174 = arith.constant 0 : i32
        %dma_start3A_5175 = tpu.memref_slice %arg2[%dma_start3A_5173, %dma_start3A_5174] : memref<65536x128xf32, #tpu.memory_space<hbm>> -> memref<65536x128xf32, #tpu.memory_space<hbm>>
        %dma_start3A_5176 = tpu.memref_slice %arg15[%dma_start3A_5172] : memref<4x!tpu.dma_semaphore, #tpu.memory_space<semaphore_mem>> -> memref<1x!tpu.dma_semaphore, #tpu.memory_space<semaphore_mem>>
        %dma_start3A_5177 = tpu.memref_squeeze %dma_start3A_5176 : memref<1x!tpu.dma_semaphore, #tpu.memory_space<semaphore_mem>> -> memref<!tpu.dma_semaphore, #tpu.memory_space<semaphore_mem>>
        tpu.enqueue_indirect_dma source(%dma_start3A_5175 : memref<65536x128xf32, #tpu.memory_space<hbm>>) target(%arg11 : memref<128x128xf32, #tpu.memory_space<vmem>>) offsets(%arg7 : memref<128xi32, #tpu.memory_space<vmem>>) semaphore(%dma_start3A_5177 : memref<!tpu.dma_semaphore, #tpu.memory_space<semaphore_mem>>)
      } else {
      }
      %dma_wait3A_4575 = arith.constant 2 : i32
      %dma_wait3A_4576 = arith.constant 0 : i32
      %dma_wait3A_4577 = arith.constant 0 : i32
      %dma_wait3A_4578 = tpu.memref_slice %arg2[%dma_wait3A_4576, %dma_wait3A_4577] : memref<65536x128xf32, #tpu.memory_space<hbm>> -> memref<128x128xf32, #tpu.memory_space<hbm>>
      %dma_wait3A_4579 = tpu.memref_slice %arg15[%dma_wait3A_4575] : memref<4x!tpu.dma_semaphore, #tpu.memory_space<semaphore_mem>> -> memref<1x!tpu.dma_semaphore, #tpu.memory_space<semaphore_mem>>
      %dma_wait3A_4580 = tpu.memref_squeeze %dma_wait3A_4579 : memref<1x!tpu.dma_semaphore, #tpu.memory_space<semaphore_mem>> -> memref<!tpu.dma_semaphore, #tpu.memory_space<semaphore_mem>>
      %dma_wait3A_4581 = arith.constant 0 : i32
      %dma_wait3A_4582 = arith.constant 0 : i32
      %dma_wait3A_4583 = tpu.memref_slice %arg2[%dma_wait3A_4581, %dma_wait3A_4582] : memref<65536x128xf32, #tpu.memory_space<hbm>> -> memref<128x128xf32, #tpu.memory_space<hbm>>
      tpu.wait_dma2 semaphore(%dma_wait3A_4580 : memref<!tpu.dma_semaphore, #tpu.memory_space<semaphore_mem>>) src(%dma_wait3A_4583 : memref<128x128xf32, #tpu.memory_space<hbm>>) dst(%arg13 : memref<128x128xf32, #tpu.memory_space<vmem>>)
      %add3A_4584 = arith.constant 6 : i32
      %add3A_4585 = arith.addi %mul3A_1167, %add3A_4584 : i32
      %mul3A_4586 = arith.constant 128 : i32
      %mul3A_4587 = arith.muli %add3A_4585, %mul3A_4586 : i32
      %add3A_4588 = arith.addi %mul3A_34, %mul3A_4587 : i32
      %dma_start3A_4589 = arith.constant 2 : i32
      %dma_start3A_4590 = arith.constant 0 : i32
      %dma_start3A_4591 = tpu.memref_slice %arg4[%select_n3A, %add3A_4588, %dma_start3A_4590] : memref<16x32768x128xf32, #tpu.memory_space<hbm>> -> memref<1x128x128xf32, #tpu.memory_space<hbm>>
      %dma_start3A_4592 = tpu.memref_squeeze %dma_start3A_4591 : memref<1x128x128xf32, #tpu.memory_space<hbm>> -> memref<128x128xf32, #tpu.memory_space<hbm>>
      %dma_start3A_4593 = tpu.memref_slice %arg16[%dma_start3A_4589] : memref<4x!tpu.dma_semaphore, #tpu.memory_space<semaphore_mem>> -> memref<1x!tpu.dma_semaphore, #tpu.memory_space<semaphore_mem>>
      %dma_start3A_4594 = tpu.memref_squeeze %dma_start3A_4593 : memref<1x!tpu.dma_semaphore, #tpu.memory_space<semaphore_mem>> -> memref<!tpu.dma_semaphore, #tpu.memory_space<semaphore_mem>>
      %dma_start3A_4595 = arith.constant 0 : i32
      %dma_start3A_4596 = tpu.memref_slice %arg4[%select_n3A, %add3A_4588, %dma_start3A_4595] : memref<16x32768x128xf32, #tpu.memory_space<hbm>> -> memref<1x128x128xf32, #tpu.memory_space<hbm>>
      %dma_start3A_4597 = tpu.memref_squeeze %dma_start3A_4596 : memref<1x128x128xf32, #tpu.memory_space<hbm>> -> memref<128x128xf32, #tpu.memory_space<hbm>>
      tpu.enqueue_dma source(%arg13 : memref<128x128xf32, #tpu.memory_space<vmem>>) target(%dma_start3A_4597 : memref<128x128xf32, #tpu.memory_space<hbm>>) target_semaphore(%dma_start3A_4594 : memref<!tpu.dma_semaphore, #tpu.memory_space<semaphore_mem>>)
      %lt3A_4598 = arith.constant 15 : i32
      %lt3A_4599 = arith.cmpi slt, %scan3A_1165, %lt3A_4598 : i32
      %convert_element_type3A_4600 = arith.extui %lt3A_4599 : i1 to i32
      %cond3A_4601 = arith.constant 0 : i32
      %cond3A_4602 = arith.cmpi ne, %convert_element_type3A_4600, %cond3A_4601 : i32
      scf.if %cond3A_4602 {
        %dma_wait3A_4626 = arith.constant 1 : i32
        %dma_wait3A_4627 = arith.constant 0 : i32
        %dma_wait3A_4628 = arith.constant 0 : i32
        %dma_wait3A_4629 = tpu.memref_slice %arg2[%dma_wait3A_4627, %dma_wait3A_4628] : memref<65536x128xf32, #tpu.memory_space<hbm>> -> memref<128x128xf32, #tpu.memory_space<hbm>>
        %dma_wait3A_4630 = tpu.memref_slice %arg16[%dma_wait3A_4626] : memref<4x!tpu.dma_semaphore, #tpu.memory_space<semaphore_mem>> -> memref<1x!tpu.dma_semaphore, #tpu.memory_space<semaphore_mem>>
        %dma_wait3A_4631 = tpu.memref_squeeze %dma_wait3A_4630 : memref<1x!tpu.dma_semaphore, #tpu.memory_space<semaphore_mem>> -> memref<!tpu.dma_semaphore, #tpu.memory_space<semaphore_mem>>
        %dma_wait3A_4632 = arith.constant 0 : i32
        %dma_wait3A_4633 = arith.constant 0 : i32
        %dma_wait3A_4634 = tpu.memref_slice %arg2[%dma_wait3A_4632, %dma_wait3A_4633] : memref<65536x128xf32, #tpu.memory_space<hbm>> -> memref<128x128xf32, #tpu.memory_space<hbm>>
        tpu.wait_dma2 semaphore(%dma_wait3A_4631 : memref<!tpu.dma_semaphore, #tpu.memory_space<semaphore_mem>>) src(%dma_wait3A_4634 : memref<128x128xf32, #tpu.memory_space<hbm>>) dst(%arg12 : memref<128x128xf32, #tpu.memory_space<vmem>>)
        %jit3A_4635 = arith.constant 8 : i32
        %div3A_4636 = vector.broadcast %jit3A_4635 : i32 to vector<16xi32>
        %div3A_4637 = arith.divsi %iota3A, %div3A_4636 : vector<16xi32>
        %sign3A_4638 = arith.constant 0 : i32
        %sign3A_4639 = vector.broadcast %sign3A_4638 : i32 to vector<16xi32>
        %sign3A_4640 = arith.cmpi sgt, %iota3A, %sign3A_4639 : vector<16xi32>
        %sign3A_4641 = arith.extui %sign3A_4640 : vector<16xi1> to vector<16xi32>
        %sign3A_4642 = arith.constant 0 : i32
        %sign3A_4643 = vector.broadcast %sign3A_4642 : i32 to vector<16xi32>
        %sign3A_4644 = arith.cmpi slt, %iota3A, %sign3A_4643 : vector<16xi32>
        %sign3A_4645 = arith.extui %sign3A_4644 : vector<16xi1> to vector<16xi32>
        %sign3A_4646 = arith.subi %sign3A_4641, %sign3A_4645 : vector<16xi32>
        %sign3A_4647 = arith.constant 0 : i32
        %sign3A_4648 = arith.cmpi sgt, %jit3A_4635, %sign3A_4647 : i32
        %sign3A_4649 = arith.extui %sign3A_4648 : i1 to i32
        %sign3A_4650 = arith.constant 0 : i32
        %sign3A_4651 = arith.cmpi slt, %jit3A_4635, %sign3A_4650 : i32
        %sign3A_4652 = arith.extui %sign3A_4651 : i1 to i32
        %sign3A_4653 = arith.subi %sign3A_4649, %sign3A_4652 : i32
        %ne3A_4654 = vector.broadcast %sign3A_4653 : i32 to vector<16xi32>
        %ne3A_4655 = arith.cmpi ne, %sign3A_4646, %ne3A_4654 : vector<16xi32>
        %rem3A_4656 = vector.broadcast %jit3A_4635 : i32 to vector<16xi32>
        %rem3A_4657 = arith.remsi %iota3A, %rem3A_4656 : vector<16xi32>
        %ne3A_4658 = arith.constant 0 : i32
        %ne3A_4659 = vector.broadcast %ne3A_4658 : i32 to vector<16xi32>
        %ne3A_4660 = arith.cmpi ne, %rem3A_4657, %ne3A_4659 : vector<16xi32>
        %and3A_4661 = arith.andi %ne3A_4655, %ne3A_4660 : vector<16xi1>
        %sub3A_4662 = arith.constant 1 : i32
        %sub3A_4663 = vector.broadcast %sub3A_4662 : i32 to vector<16xi32>
        %sub3A_4664 = arith.subi %div3A_4637, %sub3A_4663 : vector<16xi32>
        %select_n3A_4665 = arith.select %and3A_4661, %sub3A_4664, %div3A_4637 : vector<16xi1>, vector<16xi32>
        %add3A_4666 = arith.constant 0 : i32
        %add3A_4667 = vector.broadcast %add3A_4666 : i32 to vector<16xi32>
        %add3A_4668 = arith.addi %add3A_4667, %select_n3A_4665 : vector<16xi32>
        %jit3A_4669 = arith.constant 8 : i32
        %eq3A_4670 = arith.constant 0 : i32
        %eq3A_4671 = arith.cmpi eq, %jit3A_4669, %eq3A_4670 : i32
        %jit3A_4672 = arith.constant 1 : i32
        %select_n3A_4673 = arith.select %eq3A_4671, %jit3A_4672, %jit3A_4669 : i32
        %rem3A_4674 = vector.broadcast %select_n3A_4673 : i32 to vector<16xi32>
        %rem3A_4675 = arith.remsi %iota3A, %rem3A_4674 : vector<16xi32>
        %ne3A_4676 = arith.constant 0 : i32
        %ne3A_4677 = vector.broadcast %ne3A_4676 : i32 to vector<16xi32>
        %ne3A_4678 = arith.cmpi ne, %rem3A_4675, %ne3A_4677 : vector<16xi32>
        %lt3A_4679 = arith.constant 0 : i32
        %lt3A_4680 = vector.broadcast %lt3A_4679 : i32 to vector<16xi32>
        %lt3A_4681 = arith.cmpi slt, %rem3A_4675, %lt3A_4680 : vector<16xi32>
        %lt3A_4682 = arith.constant 0 : i32
        %lt3A_4683 = arith.cmpi slt, %select_n3A_4673, %lt3A_4682 : i32
        %ne3A_4684 = vector.broadcast %lt3A_4683 : i1 to vector<16xi1>
        %ne3A_4685 = vector.broadcast %ne3A_4684 : vector<16xi1> to vector<16xi1>
        %ne3A_4686 = arith.xori %lt3A_4681, %ne3A_4685 : vector<16xi1>
        %and3A_4687 = arith.andi %ne3A_4686, %ne3A_4678 : vector<16xi1>
        %add3A_4688 = vector.broadcast %select_n3A_4673 : i32 to vector<16xi32>
        %add3A_4689 = arith.addi %rem3A_4675, %add3A_4688 : vector<16xi32>
        %select_n3A_4690 = arith.select %and3A_4687, %add3A_4689, %rem3A_4675 : vector<16xi1>, vector<16xi32>
        %add3A_4691 = arith.constant 16 : i32
        %add3A_4692 = vector.broadcast %add3A_4691 : i32 to vector<16xi32>
        %add3A_4693 = arith.addi %add3A_4692, %select_n3A_4690 : vector<16xi32>
        %gather3A_4694 = tpu.vector_load_idx %arg5[%add3A_4693, %add3A_4668] : memref<64x8xi32, #tpu.memory_space<vmem>>[vector<16xi32>, vector<16xi32>], vector<16xi32>,
        %mul3A_4695 = arith.constant 8192 : i32
        %mul3A_4696 = vector.broadcast %mul3A_4695 : i32 to vector<16xi32>
        %mul3A_4697 = arith.muli %add3A_4668, %mul3A_4696 : vector<16xi32>
        %add3A_4698 = arith.addi %gather3A_4694, %mul3A_4697 : vector<16xi32>
        %swap3A_4699 = arith.constant 0 : index
        %swap3A_4700 = tpu.vector_load %arg8[%swap3A_4699] {strides = array<i32>} : memref<128xi32, #tpu.memory_space<vmem>>, vector<16xi32>,
        tpu.vector_store %arg8[%swap3A_4699], %add3A_4698 {strides = array<i32>} : memref<128xi32, #tpu.memory_space<vmem>>, vector<16xi32>,
        %jit3A_4701 = arith.constant 8 : i32
        %div3A_4702 = vector.broadcast %jit3A_4701 : i32 to vector<16xi32>
        %div3A_4703 = arith.divsi %iota3A, %div3A_4702 : vector<16xi32>
        %sign3A_4704 = arith.constant 0 : i32
        %sign3A_4705 = vector.broadcast %sign3A_4704 : i32 to vector<16xi32>
        %sign3A_4706 = arith.cmpi sgt, %iota3A, %sign3A_4705 : vector<16xi32>
        %sign3A_4707 = arith.extui %sign3A_4706 : vector<16xi1> to vector<16xi32>
        %sign3A_4708 = arith.constant 0 : i32
        %sign3A_4709 = vector.broadcast %sign3A_4708 : i32 to vector<16xi32>
        %sign3A_4710 = arith.cmpi slt, %iota3A, %sign3A_4709 : vector<16xi32>
        %sign3A_4711 = arith.extui %sign3A_4710 : vector<16xi1> to vector<16xi32>
        %sign3A_4712 = arith.subi %sign3A_4707, %sign3A_4711 : vector<16xi32>
        %sign3A_4713 = arith.constant 0 : i32
        %sign3A_4714 = arith.cmpi sgt, %jit3A_4701, %sign3A_4713 : i32
        %sign3A_4715 = arith.extui %sign3A_4714 : i1 to i32
        %sign3A_4716 = arith.constant 0 : i32
        %sign3A_4717 = arith.cmpi slt, %jit3A_4701, %sign3A_4716 : i32
        %sign3A_4718 = arith.extui %sign3A_4717 : i1 to i32
        %sign3A_4719 = arith.subi %sign3A_4715, %sign3A_4718 : i32
        %ne3A_4720 = vector.broadcast %sign3A_4719 : i32 to vector<16xi32>
        %ne3A_4721 = arith.cmpi ne, %sign3A_4712, %ne3A_4720 : vector<16xi32>
        %rem3A_4722 = vector.broadcast %jit3A_4701 : i32 to vector<16xi32>
        %rem3A_4723 = arith.remsi %iota3A, %rem3A_4722 : vector<16xi32>
        %ne3A_4724 = arith.constant 0 : i32
        %ne3A_4725 = vector.broadcast %ne3A_4724 : i32 to vector<16xi32>
        %ne3A_4726 = arith.cmpi ne, %rem3A_4723, %ne3A_4725 : vector<16xi32>
        %and3A_4727 = arith.andi %ne3A_4721, %ne3A_4726 : vector<16xi1>
        %sub3A_4728 = arith.constant 1 : i32
        %sub3A_4729 = vector.broadcast %sub3A_4728 : i32 to vector<16xi32>
        %sub3A_4730 = arith.subi %div3A_4703, %sub3A_4729 : vector<16xi32>
        %select_n3A_4731 = arith.select %and3A_4727, %sub3A_4730, %div3A_4703 : vector<16xi1>, vector<16xi32>
        %add3A_4732 = arith.constant 2 : i32
        %add3A_4733 = vector.broadcast %add3A_4732 : i32 to vector<16xi32>
        %add3A_4734 = arith.addi %add3A_4733, %select_n3A_4731 : vector<16xi32>
        %jit3A_4735 = arith.constant 8 : i32
        %eq3A_4736 = arith.constant 0 : i32
        %eq3A_4737 = arith.cmpi eq, %jit3A_4735, %eq3A_4736 : i32
        %jit3A_4738 = arith.constant 1 : i32
        %select_n3A_4739 = arith.select %eq3A_4737, %jit3A_4738, %jit3A_4735 : i32
        %rem3A_4740 = vector.broadcast %select_n3A_4739 : i32 to vector<16xi32>
        %rem3A_4741 = arith.remsi %iota3A, %rem3A_4740 : vector<16xi32>
        %ne3A_4742 = arith.constant 0 : i32
        %ne3A_4743 = vector.broadcast %ne3A_4742 : i32 to vector<16xi32>
        %ne3A_4744 = arith.cmpi ne, %rem3A_4741, %ne3A_4743 : vector<16xi32>
        %lt3A_4745 = arith.constant 0 : i32
        %lt3A_4746 = vector.broadcast %lt3A_4745 : i32 to vector<16xi32>
        %lt3A_4747 = arith.cmpi slt, %rem3A_4741, %lt3A_4746 : vector<16xi32>
        %lt3A_4748 = arith.constant 0 : i32
        %lt3A_4749 = arith.cmpi slt, %select_n3A_4739, %lt3A_4748 : i32
        %ne3A_4750 = vector.broadcast %lt3A_4749 : i1 to vector<16xi1>
        %ne3A_4751 = vector.broadcast %ne3A_4750 : vector<16xi1> to vector<16xi1>
        %ne3A_4752 = arith.xori %lt3A_4747, %ne3A_4751 : vector<16xi1>
        %and3A_4753 = arith.andi %ne3A_4752, %ne3A_4744 : vector<16xi1>
        %add3A_4754 = vector.broadcast %select_n3A_4739 : i32 to vector<16xi32>
        %add3A_4755 = arith.addi %rem3A_4741, %add3A_4754 : vector<16xi32>
        %select_n3A_4756 = arith.select %and3A_4753, %add3A_4755, %rem3A_4741 : vector<16xi1>, vector<16xi32>
        %add3A_4757 = arith.constant 16 : i32
        %add3A_4758 = vector.broadcast %add3A_4757 : i32 to vector<16xi32>
        %add3A_4759 = arith.addi %add3A_4758, %select_n3A_4756 : vector<16xi32>
        %gather3A_4760 = tpu.vector_load_idx %arg5[%add3A_4759, %add3A_4734] : memref<64x8xi32, #tpu.memory_space<vmem>>[vector<16xi32>, vector<16xi32>], vector<16xi32>,
        %mul3A_4761 = arith.constant 8192 : i32
        %mul3A_4762 = vector.broadcast %mul3A_4761 : i32 to vector<16xi32>
        %mul3A_4763 = arith.muli %add3A_4734, %mul3A_4762 : vector<16xi32>
        %add3A_4764 = arith.addi %gather3A_4760, %mul3A_4763 : vector<16xi32>
        %swap3A_4765 = arith.constant 16 : index
        %swap3A_4766 = tpu.vector_load %arg8[%swap3A_4765] {strides = array<i32>} : memref<128xi32, #tpu.memory_space<vmem>>, vector<16xi32>,
        tpu.vector_store %arg8[%swap3A_4765], %add3A_4764 {strides = array<i32>} : memref<128xi32, #tpu.memory_space<vmem>>, vector<16xi32>,
        %jit3A_4767 = arith.constant 8 : i32
        %div3A_4768 = vector.broadcast %jit3A_4767 : i32 to vector<16xi32>
        %div3A_4769 = arith.divsi %iota3A, %div3A_4768 : vector<16xi32>
        %sign3A_4770 = arith.constant 0 : i32
        %sign3A_4771 = vector.broadcast %sign3A_4770 : i32 to vector<16xi32>
        %sign3A_4772 = arith.cmpi sgt, %iota3A, %sign3A_4771 : vector<16xi32>
        %sign3A_4773 = arith.extui %sign3A_4772 : vector<16xi1> to vector<16xi32>
        %sign3A_4774 = arith.constant 0 : i32
        %sign3A_4775 = vector.broadcast %sign3A_4774 : i32 to vector<16xi32>
        %sign3A_4776 = arith.cmpi slt, %iota3A, %sign3A_4775 : vector<16xi32>
        %sign3A_4777 = arith.extui %sign3A_4776 : vector<16xi1> to vector<16xi32>
        %sign3A_4778 = arith.subi %sign3A_4773, %sign3A_4777 : vector<16xi32>
        %sign3A_4779 = arith.constant 0 : i32
        %sign3A_4780 = arith.cmpi sgt, %jit3A_4767, %sign3A_4779 : i32
        %sign3A_4781 = arith.extui %sign3A_4780 : i1 to i32
        %sign3A_4782 = arith.constant 0 : i32
        %sign3A_4783 = arith.cmpi slt, %jit3A_4767, %sign3A_4782 : i32
        %sign3A_4784 = arith.extui %sign3A_4783 : i1 to i32
        %sign3A_4785 = arith.subi %sign3A_4781, %sign3A_4784 : i32
        %ne3A_4786 = vector.broadcast %sign3A_4785 : i32 to vector<16xi32>
        %ne3A_4787 = arith.cmpi ne, %sign3A_4778, %ne3A_4786 : vector<16xi32>
        %rem3A_4788 = vector.broadcast %jit3A_4767 : i32 to vector<16xi32>
        %rem3A_4789 = arith.remsi %iota3A, %rem3A_4788 : vector<16xi32>
        %ne3A_4790 = arith.constant 0 : i32
        %ne3A_4791 = vector.broadcast %ne3A_4790 : i32 to vector<16xi32>
        %ne3A_4792 = arith.cmpi ne, %rem3A_4789, %ne3A_4791 : vector<16xi32>
        %and3A_4793 = arith.andi %ne3A_4787, %ne3A_4792 : vector<16xi1>
        %sub3A_4794 = arith.constant 1 : i32
        %sub3A_4795 = vector.broadcast %sub3A_4794 : i32 to vector<16xi32>
        %sub3A_4796 = arith.subi %div3A_4769, %sub3A_4795 : vector<16xi32>
        %select_n3A_4797 = arith.select %and3A_4793, %sub3A_4796, %div3A_4769 : vector<16xi1>, vector<16xi32>
        %add3A_4798 = arith.constant 4 : i32
        %add3A_4799 = vector.broadcast %add3A_4798 : i32 to vector<16xi32>
        %add3A_4800 = arith.addi %add3A_4799, %select_n3A_4797 : vector<16xi32>
        %jit3A_4801 = arith.constant 8 : i32
        %eq3A_4802 = arith.constant 0 : i32
        %eq3A_4803 = arith.cmpi eq, %jit3A_4801, %eq3A_4802 : i32
        %jit3A_4804 = arith.constant 1 : i32
        %select_n3A_4805 = arith.select %eq3A_4803, %jit3A_4804, %jit3A_4801 : i32
        %rem3A_4806 = vector.broadcast %select_n3A_4805 : i32 to vector<16xi32>
        %rem3A_4807 = arith.remsi %iota3A, %rem3A_4806 : vector<16xi32>
        %ne3A_4808 = arith.constant 0 : i32
        %ne3A_4809 = vector.broadcast %ne3A_4808 : i32 to vector<16xi32>
        %ne3A_4810 = arith.cmpi ne, %rem3A_4807, %ne3A_4809 : vector<16xi32>
        %lt3A_4811 = arith.constant 0 : i32
        %lt3A_4812 = vector.broadcast %lt3A_4811 : i32 to vector<16xi32>
        %lt3A_4813 = arith.cmpi slt, %rem3A_4807, %lt3A_4812 : vector<16xi32>
        %lt3A_4814 = arith.constant 0 : i32
        %lt3A_4815 = arith.cmpi slt, %select_n3A_4805, %lt3A_4814 : i32
        %ne3A_4816 = vector.broadcast %lt3A_4815 : i1 to vector<16xi1>
        %ne3A_4817 = vector.broadcast %ne3A_4816 : vector<16xi1> to vector<16xi1>
        %ne3A_4818 = arith.xori %lt3A_4813, %ne3A_4817 : vector<16xi1>
        %and3A_4819 = arith.andi %ne3A_4818, %ne3A_4810 : vector<16xi1>
        %add3A_4820 = vector.broadcast %select_n3A_4805 : i32 to vector<16xi32>
        %add3A_4821 = arith.addi %rem3A_4807, %add3A_4820 : vector<16xi32>
        %select_n3A_4822 = arith.select %and3A_4819, %add3A_4821, %rem3A_4807 : vector<16xi1>, vector<16xi32>
        %add3A_4823 = arith.constant 16 : i32
        %add3A_4824 = vector.broadcast %add3A_4823 : i32 to vector<16xi32>
        %add3A_4825 = arith.addi %add3A_4824, %select_n3A_4822 : vector<16xi32>
        %gather3A_4826 = tpu.vector_load_idx %arg5[%add3A_4825, %add3A_4800] : memref<64x8xi32, #tpu.memory_space<vmem>>[vector<16xi32>, vector<16xi32>], vector<16xi32>,
        %mul3A_4827 = arith.constant 8192 : i32
        %mul3A_4828 = vector.broadcast %mul3A_4827 : i32 to vector<16xi32>
        %mul3A_4829 = arith.muli %add3A_4800, %mul3A_4828 : vector<16xi32>
        %add3A_4830 = arith.addi %gather3A_4826, %mul3A_4829 : vector<16xi32>
        %swap3A_4831 = arith.constant 32 : index
        %swap3A_4832 = tpu.vector_load %arg8[%swap3A_4831] {strides = array<i32>} : memref<128xi32, #tpu.memory_space<vmem>>, vector<16xi32>,
        tpu.vector_store %arg8[%swap3A_4831], %add3A_4830 {strides = array<i32>} : memref<128xi32, #tpu.memory_space<vmem>>, vector<16xi32>,
        %jit3A_4833 = arith.constant 8 : i32
        %div3A_4834 = vector.broadcast %jit3A_4833 : i32 to vector<16xi32>
        %div3A_4835 = arith.divsi %iota3A, %div3A_4834 : vector<16xi32>
        %sign3A_4836 = arith.constant 0 : i32
        %sign3A_4837 = vector.broadcast %sign3A_4836 : i32 to vector<16xi32>
        %sign3A_4838 = arith.cmpi sgt, %iota3A, %sign3A_4837 : vector<16xi32>
        %sign3A_4839 = arith.extui %sign3A_4838 : vector<16xi1> to vector<16xi32>
        %sign3A_4840 = arith.constant 0 : i32
        %sign3A_4841 = vector.broadcast %sign3A_4840 : i32 to vector<16xi32>
        %sign3A_4842 = arith.cmpi slt, %iota3A, %sign3A_4841 : vector<16xi32>
        %sign3A_4843 = arith.extui %sign3A_4842 : vector<16xi1> to vector<16xi32>
        %sign3A_4844 = arith.subi %sign3A_4839, %sign3A_4843 : vector<16xi32>
        %sign3A_4845 = arith.constant 0 : i32
        %sign3A_4846 = arith.cmpi sgt, %jit3A_4833, %sign3A_4845 : i32
        %sign3A_4847 = arith.extui %sign3A_4846 : i1 to i32
        %sign3A_4848 = arith.constant 0 : i32
        %sign3A_4849 = arith.cmpi slt, %jit3A_4833, %sign3A_4848 : i32
        %sign3A_4850 = arith.extui %sign3A_4849 : i1 to i32
        %sign3A_4851 = arith.subi %sign3A_4847, %sign3A_4850 : i32
        %ne3A_4852 = vector.broadcast %sign3A_4851 : i32 to vector<16xi32>
        %ne3A_4853 = arith.cmpi ne, %sign3A_4844, %ne3A_4852 : vector<16xi32>
        %rem3A_4854 = vector.broadcast %jit3A_4833 : i32 to vector<16xi32>
        %rem3A_4855 = arith.remsi %iota3A, %rem3A_4854 : vector<16xi32>
        %ne3A_4856 = arith.constant 0 : i32
        %ne3A_4857 = vector.broadcast %ne3A_4856 : i32 to vector<16xi32>
        %ne3A_4858 = arith.cmpi ne, %rem3A_4855, %ne3A_4857 : vector<16xi32>
        %and3A_4859 = arith.andi %ne3A_4853, %ne3A_4858 : vector<16xi1>
        %sub3A_4860 = arith.constant 1 : i32
        %sub3A_4861 = vector.broadcast %sub3A_4860 : i32 to vector<16xi32>
        %sub3A_4862 = arith.subi %div3A_4835, %sub3A_4861 : vector<16xi32>
        %select_n3A_4863 = arith.select %and3A_4859, %sub3A_4862, %div3A_4835 : vector<16xi1>, vector<16xi32>
        %add3A_4864 = arith.constant 6 : i32
        %add3A_4865 = vector.broadcast %add3A_4864 : i32 to vector<16xi32>
        %add3A_4866 = arith.addi %add3A_4865, %select_n3A_4863 : vector<16xi32>
        %jit3A_4867 = arith.constant 8 : i32
        %eq3A_4868 = arith.constant 0 : i32
        %eq3A_4869 = arith.cmpi eq, %jit3A_4867, %eq3A_4868 : i32
        %jit3A_4870 = arith.constant 1 : i32
        %select_n3A_4871 = arith.select %eq3A_4869, %jit3A_4870, %jit3A_4867 : i32
        %rem3A_4872 = vector.broadcast %select_n3A_4871 : i32 to vector<16xi32>
        %rem3A_4873 = arith.remsi %iota3A, %rem3A_4872 : vector<16xi32>
        %ne3A_4874 = arith.constant 0 : i32
        %ne3A_4875 = vector.broadcast %ne3A_4874 : i32 to vector<16xi32>
        %ne3A_4876 = arith.cmpi ne, %rem3A_4873, %ne3A_4875 : vector<16xi32>
        %lt3A_4877 = arith.constant 0 : i32
        %lt3A_4878 = vector.broadcast %lt3A_4877 : i32 to vector<16xi32>
        %lt3A_4879 = arith.cmpi slt, %rem3A_4873, %lt3A_4878 : vector<16xi32>
        %lt3A_4880 = arith.constant 0 : i32
        %lt3A_4881 = arith.cmpi slt, %select_n3A_4871, %lt3A_4880 : i32
        %ne3A_4882 = vector.broadcast %lt3A_4881 : i1 to vector<16xi1>
        %ne3A_4883 = vector.broadcast %ne3A_4882 : vector<16xi1> to vector<16xi1>
        %ne3A_4884 = arith.xori %lt3A_4879, %ne3A_4883 : vector<16xi1>
        %and3A_4885 = arith.andi %ne3A_4884, %ne3A_4876 : vector<16xi1>
        %add3A_4886 = vector.broadcast %select_n3A_4871 : i32 to vector<16xi32>
        %add3A_4887 = arith.addi %rem3A_4873, %add3A_4886 : vector<16xi32>
        %select_n3A_4888 = arith.select %and3A_4885, %add3A_4887, %rem3A_4873 : vector<16xi1>, vector<16xi32>
        %add3A_4889 = arith.constant 16 : i32
        %add3A_4890 = vector.broadcast %add3A_4889 : i32 to vector<16xi32>
        %add3A_4891 = arith.addi %add3A_4890, %select_n3A_4888 : vector<16xi32>
        %gather3A_4892 = tpu.vector_load_idx %arg5[%add3A_4891, %add3A_4866] : memref<64x8xi32, #tpu.memory_space<vmem>>[vector<16xi32>, vector<16xi32>], vector<16xi32>,
        %mul3A_4893 = arith.constant 8192 : i32
        %mul3A_4894 = vector.broadcast %mul3A_4893 : i32 to vector<16xi32>
        %mul3A_4895 = arith.muli %add3A_4866, %mul3A_4894 : vector<16xi32>
        %add3A_4896 = arith.addi %gather3A_4892, %mul3A_4895 : vector<16xi32>
        %swap3A_4897 = arith.constant 48 : index
        %swap3A_4898 = tpu.vector_load %arg8[%swap3A_4897] {strides = array<i32>} : memref<128xi32, #tpu.memory_space<vmem>>, vector<16xi32>,
        tpu.vector_store %arg8[%swap3A_4897], %add3A_4896 {strides = array<i32>} : memref<128xi32, #tpu.memory_space<vmem>>, vector<16xi32>,
        %jit3A_4899 = arith.constant 8 : i32
        %div3A_4900 = vector.broadcast %jit3A_4899 : i32 to vector<16xi32>
        %div3A_4901 = arith.divsi %iota3A, %div3A_4900 : vector<16xi32>
        %sign3A_4902 = arith.constant 0 : i32
        %sign3A_4903 = vector.broadcast %sign3A_4902 : i32 to vector<16xi32>
        %sign3A_4904 = arith.cmpi sgt, %iota3A, %sign3A_4903 : vector<16xi32>
        %sign3A_4905 = arith.extui %sign3A_4904 : vector<16xi1> to vector<16xi32>
        %sign3A_4906 = arith.constant 0 : i32
        %sign3A_4907 = vector.broadcast %sign3A_4906 : i32 to vector<16xi32>
        %sign3A_4908 = arith.cmpi slt, %iota3A, %sign3A_4907 : vector<16xi32>
        %sign3A_4909 = arith.extui %sign3A_4908 : vector<16xi1> to vector<16xi32>
        %sign3A_4910 = arith.subi %sign3A_4905, %sign3A_4909 : vector<16xi32>
        %sign3A_4911 = arith.constant 0 : i32
        %sign3A_4912 = arith.cmpi sgt, %jit3A_4899, %sign3A_4911 : i32
        %sign3A_4913 = arith.extui %sign3A_4912 : i1 to i32
        %sign3A_4914 = arith.constant 0 : i32
        %sign3A_4915 = arith.cmpi slt, %jit3A_4899, %sign3A_4914 : i32
        %sign3A_4916 = arith.extui %sign3A_4915 : i1 to i32
        %sign3A_4917 = arith.subi %sign3A_4913, %sign3A_4916 : i32
        %ne3A_4918 = vector.broadcast %sign3A_4917 : i32 to vector<16xi32>
        %ne3A_4919 = arith.cmpi ne, %sign3A_4910, %ne3A_4918 : vector<16xi32>
        %rem3A_4920 = vector.broadcast %jit3A_4899 : i32 to vector<16xi32>
        %rem3A_4921 = arith.remsi %iota3A, %rem3A_4920 : vector<16xi32>
        %ne3A_4922 = arith.constant 0 : i32
        %ne3A_4923 = vector.broadcast %ne3A_4922 : i32 to vector<16xi32>
        %ne3A_4924 = arith.cmpi ne, %rem3A_4921, %ne3A_4923 : vector<16xi32>
        %and3A_4925 = arith.andi %ne3A_4919, %ne3A_4924 : vector<16xi1>
        %sub3A_4926 = arith.constant 1 : i32
        %sub3A_4927 = vector.broadcast %sub3A_4926 : i32 to vector<16xi32>
        %sub3A_4928 = arith.subi %div3A_4901, %sub3A_4927 : vector<16xi32>
        %select_n3A_4929 = arith.select %and3A_4925, %sub3A_4928, %div3A_4901 : vector<16xi1>, vector<16xi32>
        %add3A_4930 = arith.constant 0 : i32
        %add3A_4931 = vector.broadcast %add3A_4930 : i32 to vector<16xi32>
        %add3A_4932 = arith.addi %add3A_4931, %select_n3A_4929 : vector<16xi32>
        %jit3A_4933 = arith.constant 8 : i32
        %eq3A_4934 = arith.constant 0 : i32
        %eq3A_4935 = arith.cmpi eq, %jit3A_4933, %eq3A_4934 : i32
        %jit3A_4936 = arith.constant 1 : i32
        %select_n3A_4937 = arith.select %eq3A_4935, %jit3A_4936, %jit3A_4933 : i32
        %rem3A_4938 = vector.broadcast %select_n3A_4937 : i32 to vector<16xi32>
        %rem3A_4939 = arith.remsi %iota3A, %rem3A_4938 : vector<16xi32>
        %ne3A_4940 = arith.constant 0 : i32
        %ne3A_4941 = vector.broadcast %ne3A_4940 : i32 to vector<16xi32>
        %ne3A_4942 = arith.cmpi ne, %rem3A_4939, %ne3A_4941 : vector<16xi32>
        %lt3A_4943 = arith.constant 0 : i32
        %lt3A_4944 = vector.broadcast %lt3A_4943 : i32 to vector<16xi32>
        %lt3A_4945 = arith.cmpi slt, %rem3A_4939, %lt3A_4944 : vector<16xi32>
        %lt3A_4946 = arith.constant 0 : i32
        %lt3A_4947 = arith.cmpi slt, %select_n3A_4937, %lt3A_4946 : i32
        %ne3A_4948 = vector.broadcast %lt3A_4947 : i1 to vector<16xi1>
        %ne3A_4949 = vector.broadcast %ne3A_4948 : vector<16xi1> to vector<16xi1>
        %ne3A_4950 = arith.xori %lt3A_4945, %ne3A_4949 : vector<16xi1>
        %and3A_4951 = arith.andi %ne3A_4950, %ne3A_4942 : vector<16xi1>
        %add3A_4952 = vector.broadcast %select_n3A_4937 : i32 to vector<16xi32>
        %add3A_4953 = arith.addi %rem3A_4939, %add3A_4952 : vector<16xi32>
        %select_n3A_4954 = arith.select %and3A_4951, %add3A_4953, %rem3A_4939 : vector<16xi1>, vector<16xi32>
        %add3A_4955 = arith.constant 24 : i32
        %add3A_4956 = vector.broadcast %add3A_4955 : i32 to vector<16xi32>
        %add3A_4957 = arith.addi %add3A_4956, %select_n3A_4954 : vector<16xi32>
        %gather3A_4958 = tpu.vector_load_idx %arg5[%add3A_4957, %add3A_4932] : memref<64x8xi32, #tpu.memory_space<vmem>>[vector<16xi32>, vector<16xi32>], vector<16xi32>,
        %mul3A_4959 = arith.constant 8192 : i32
        %mul3A_4960 = vector.broadcast %mul3A_4959 : i32 to vector<16xi32>
        %mul3A_4961 = arith.muli %add3A_4932, %mul3A_4960 : vector<16xi32>
        %add3A_4962 = arith.addi %gather3A_4958, %mul3A_4961 : vector<16xi32>
        %swap3A_4963 = arith.constant 64 : index
        %swap3A_4964 = tpu.vector_load %arg8[%swap3A_4963] {strides = array<i32>} : memref<128xi32, #tpu.memory_space<vmem>>, vector<16xi32>,
        tpu.vector_store %arg8[%swap3A_4963], %add3A_4962 {strides = array<i32>} : memref<128xi32, #tpu.memory_space<vmem>>, vector<16xi32>,
        %jit3A_4965 = arith.constant 8 : i32
        %div3A_4966 = vector.broadcast %jit3A_4965 : i32 to vector<16xi32>
        %div3A_4967 = arith.divsi %iota3A, %div3A_4966 : vector<16xi32>
        %sign3A_4968 = arith.constant 0 : i32
        %sign3A_4969 = vector.broadcast %sign3A_4968 : i32 to vector<16xi32>
        %sign3A_4970 = arith.cmpi sgt, %iota3A, %sign3A_4969 : vector<16xi32>
        %sign3A_4971 = arith.extui %sign3A_4970 : vector<16xi1> to vector<16xi32>
        %sign3A_4972 = arith.constant 0 : i32
        %sign3A_4973 = vector.broadcast %sign3A_4972 : i32 to vector<16xi32>
        %sign3A_4974 = arith.cmpi slt, %iota3A, %sign3A_4973 : vector<16xi32>
        %sign3A_4975 = arith.extui %sign3A_4974 : vector<16xi1> to vector<16xi32>
        %sign3A_4976 = arith.subi %sign3A_4971, %sign3A_4975 : vector<16xi32>
        %sign3A_4977 = arith.constant 0 : i32
        %sign3A_4978 = arith.cmpi sgt, %jit3A_4965, %sign3A_4977 : i32
        %sign3A_4979 = arith.extui %sign3A_4978 : i1 to i32
        %sign3A_4980 = arith.constant 0 : i32
        %sign3A_4981 = arith.cmpi slt, %jit3A_4965, %sign3A_4980 : i32
        %sign3A_4982 = arith.extui %sign3A_4981 : i1 to i32
        %sign3A_4983 = arith.subi %sign3A_4979, %sign3A_4982 : i32
        %ne3A_4984 = vector.broadcast %sign3A_4983 : i32 to vector<16xi32>
        %ne3A_4985 = arith.cmpi ne, %sign3A_4976, %ne3A_4984 : vector<16xi32>
        %rem3A_4986 = vector.broadcast %jit3A_4965 : i32 to vector<16xi32>
        %rem3A_4987 = arith.remsi %iota3A, %rem3A_4986 : vector<16xi32>
        %ne3A_4988 = arith.constant 0 : i32
        %ne3A_4989 = vector.broadcast %ne3A_4988 : i32 to vector<16xi32>
        %ne3A_4990 = arith.cmpi ne, %rem3A_4987, %ne3A_4989 : vector<16xi32>
        %and3A_4991 = arith.andi %ne3A_4985, %ne3A_4990 : vector<16xi1>
        %sub3A_4992 = arith.constant 1 : i32
        %sub3A_4993 = vector.broadcast %sub3A_4992 : i32 to vector<16xi32>
        %sub3A_4994 = arith.subi %div3A_4967, %sub3A_4993 : vector<16xi32>
        %select_n3A_4995 = arith.select %and3A_4991, %sub3A_4994, %div3A_4967 : vector<16xi1>, vector<16xi32>
        %add3A_4996 = arith.constant 2 : i32
        %add3A_4997 = vector.broadcast %add3A_4996 : i32 to vector<16xi32>
        %add3A_4998 = arith.addi %add3A_4997, %select_n3A_4995 : vector<16xi32>
        %jit3A_4999 = arith.constant 8 : i32
        %eq3A_5000 = arith.constant 0 : i32
        %eq3A_5001 = arith.cmpi eq, %jit3A_4999, %eq3A_5000 : i32
        %jit3A_5002 = arith.constant 1 : i32
        %select_n3A_5003 = arith.select %eq3A_5001, %jit3A_5002, %jit3A_4999 : i32
        %rem3A_5004 = vector.broadcast %select_n3A_5003 : i32 to vector<16xi32>
        %rem3A_5005 = arith.remsi %iota3A, %rem3A_5004 : vector<16xi32>
        %ne3A_5006 = arith.constant 0 : i32
        %ne3A_5007 = vector.broadcast %ne3A_5006 : i32 to vector<16xi32>
        %ne3A_5008 = arith.cmpi ne, %rem3A_5005, %ne3A_5007 : vector<16xi32>
        %lt3A_5009 = arith.constant 0 : i32
        %lt3A_5010 = vector.broadcast %lt3A_5009 : i32 to vector<16xi32>
        %lt3A_5011 = arith.cmpi slt, %rem3A_5005, %lt3A_5010 : vector<16xi32>
        %lt3A_5012 = arith.constant 0 : i32
        %lt3A_5013 = arith.cmpi slt, %select_n3A_5003, %lt3A_5012 : i32
        %ne3A_5014 = vector.broadcast %lt3A_5013 : i1 to vector<16xi1>
        %ne3A_5015 = vector.broadcast %ne3A_5014 : vector<16xi1> to vector<16xi1>
        %ne3A_5016 = arith.xori %lt3A_5011, %ne3A_5015 : vector<16xi1>
        %and3A_5017 = arith.andi %ne3A_5016, %ne3A_5008 : vector<16xi1>
        %add3A_5018 = vector.broadcast %select_n3A_5003 : i32 to vector<16xi32>
        %add3A_5019 = arith.addi %rem3A_5005, %add3A_5018 : vector<16xi32>
        %select_n3A_5020 = arith.select %and3A_5017, %add3A_5019, %rem3A_5005 : vector<16xi1>, vector<16xi32>
        %add3A_5021 = arith.constant 24 : i32
        %add3A_5022 = vector.broadcast %add3A_5021 : i32 to vector<16xi32>
        %add3A_5023 = arith.addi %add3A_5022, %select_n3A_5020 : vector<16xi32>
        %gather3A_5024 = tpu.vector_load_idx %arg5[%add3A_5023, %add3A_4998] : memref<64x8xi32, #tpu.memory_space<vmem>>[vector<16xi32>, vector<16xi32>], vector<16xi32>,
        %mul3A_5025 = arith.constant 8192 : i32
        %mul3A_5026 = vector.broadcast %mul3A_5025 : i32 to vector<16xi32>
        %mul3A_5027 = arith.muli %add3A_4998, %mul3A_5026 : vector<16xi32>
        %add3A_5028 = arith.addi %gather3A_5024, %mul3A_5027 : vector<16xi32>
        %swap3A_5029 = arith.constant 80 : index
        %swap3A_5030 = tpu.vector_load %arg8[%swap3A_5029] {strides = array<i32>} : memref<128xi32, #tpu.memory_space<vmem>>, vector<16xi32>,
        tpu.vector_store %arg8[%swap3A_5029], %add3A_5028 {strides = array<i32>} : memref<128xi32, #tpu.memory_space<vmem>>, vector<16xi32>,
        %jit3A_5031 = arith.constant 8 : i32
        %div3A_5032 = vector.broadcast %jit3A_5031 : i32 to vector<16xi32>
        %div3A_5033 = arith.divsi %iota3A, %div3A_5032 : vector<16xi32>
        %sign3A_5034 = arith.constant 0 : i32
        %sign3A_5035 = vector.broadcast %sign3A_5034 : i32 to vector<16xi32>
        %sign3A_5036 = arith.cmpi sgt, %iota3A, %sign3A_5035 : vector<16xi32>
        %sign3A_5037 = arith.extui %sign3A_5036 : vector<16xi1> to vector<16xi32>
        %sign3A_5038 = arith.constant 0 : i32
        %sign3A_5039 = vector.broadcast %sign3A_5038 : i32 to vector<16xi32>
        %sign3A_5040 = arith.cmpi slt, %iota3A, %sign3A_5039 : vector<16xi32>
        %sign3A_5041 = arith.extui %sign3A_5040 : vector<16xi1> to vector<16xi32>
        %sign3A_5042 = arith.subi %sign3A_5037, %sign3A_5041 : vector<16xi32>
        %sign3A_5043 = arith.constant 0 : i32
        %sign3A_5044 = arith.cmpi sgt, %jit3A_5031, %sign3A_5043 : i32
        %sign3A_5045 = arith.extui %sign3A_5044 : i1 to i32
        %sign3A_5046 = arith.constant 0 : i32
        %sign3A_5047 = arith.cmpi slt, %jit3A_5031, %sign3A_5046 : i32
        %sign3A_5048 = arith.extui %sign3A_5047 : i1 to i32
        %sign3A_5049 = arith.subi %sign3A_5045, %sign3A_5048 : i32
        %ne3A_5050 = vector.broadcast %sign3A_5049 : i32 to vector<16xi32>
        %ne3A_5051 = arith.cmpi ne, %sign3A_5042, %ne3A_5050 : vector<16xi32>
        %rem3A_5052 = vector.broadcast %jit3A_5031 : i32 to vector<16xi32>
        %rem3A_5053 = arith.remsi %iota3A, %rem3A_5052 : vector<16xi32>
        %ne3A_5054 = arith.constant 0 : i32
        %ne3A_5055 = vector.broadcast %ne3A_5054 : i32 to vector<16xi32>
        %ne3A_5056 = arith.cmpi ne, %rem3A_5053, %ne3A_5055 : vector<16xi32>
        %and3A_5057 = arith.andi %ne3A_5051, %ne3A_5056 : vector<16xi1>
        %sub3A_5058 = arith.constant 1 : i32
        %sub3A_5059 = vector.broadcast %sub3A_5058 : i32 to vector<16xi32>
        %sub3A_5060 = arith.subi %div3A_5033, %sub3A_5059 : vector<16xi32>
        %select_n3A_5061 = arith.select %and3A_5057, %sub3A_5060, %div3A_5033 : vector<16xi1>, vector<16xi32>
        %add3A_5062 = arith.constant 4 : i32
        %add3A_5063 = vector.broadcast %add3A_5062 : i32 to vector<16xi32>
        %add3A_5064 = arith.addi %add3A_5063, %select_n3A_5061 : vector<16xi32>
        %jit3A_5065 = arith.constant 8 : i32
        %eq3A_5066 = arith.constant 0 : i32
        %eq3A_5067 = arith.cmpi eq, %jit3A_5065, %eq3A_5066 : i32
        %jit3A_5068 = arith.constant 1 : i32
        %select_n3A_5069 = arith.select %eq3A_5067, %jit3A_5068, %jit3A_5065 : i32
        %rem3A_5070 = vector.broadcast %select_n3A_5069 : i32 to vector<16xi32>
        %rem3A_5071 = arith.remsi %iota3A, %rem3A_5070 : vector<16xi32>
        %ne3A_5072 = arith.constant 0 : i32
        %ne3A_5073 = vector.broadcast %ne3A_5072 : i32 to vector<16xi32>
        %ne3A_5074 = arith.cmpi ne, %rem3A_5071, %ne3A_5073 : vector<16xi32>
        %lt3A_5075 = arith.constant 0 : i32
        %lt3A_5076 = vector.broadcast %lt3A_5075 : i32 to vector<16xi32>
        %lt3A_5077 = arith.cmpi slt, %rem3A_5071, %lt3A_5076 : vector<16xi32>
        %lt3A_5078 = arith.constant 0 : i32
        %lt3A_5079 = arith.cmpi slt, %select_n3A_5069, %lt3A_5078 : i32
        %ne3A_5080 = vector.broadcast %lt3A_5079 : i1 to vector<16xi1>
        %ne3A_5081 = vector.broadcast %ne3A_5080 : vector<16xi1> to vector<16xi1>
        %ne3A_5082 = arith.xori %lt3A_5077, %ne3A_5081 : vector<16xi1>
        %and3A_5083 = arith.andi %ne3A_5082, %ne3A_5074 : vector<16xi1>
        %add3A_5084 = vector.broadcast %select_n3A_5069 : i32 to vector<16xi32>
        %add3A_5085 = arith.addi %rem3A_5071, %add3A_5084 : vector<16xi32>
        %select_n3A_5086 = arith.select %and3A_5083, %add3A_5085, %rem3A_5071 : vector<16xi1>, vector<16xi32>
        %add3A_5087 = arith.constant 24 : i32
        %add3A_5088 = vector.broadcast %add3A_5087 : i32 to vector<16xi32>
        %add3A_5089 = arith.addi %add3A_5088, %select_n3A_5086 : vector<16xi32>
        %gather3A_5090 = tpu.vector_load_idx %arg5[%add3A_5089, %add3A_5064] : memref<64x8xi32, #tpu.memory_space<vmem>>[vector<16xi32>, vector<16xi32>], vector<16xi32>,
        %mul3A_5091 = arith.constant 8192 : i32
        %mul3A_5092 = vector.broadcast %mul3A_5091 : i32 to vector<16xi32>
        %mul3A_5093 = arith.muli %add3A_5064, %mul3A_5092 : vector<16xi32>
        %add3A_5094 = arith.addi %gather3A_5090, %mul3A_5093 : vector<16xi32>
        %swap3A_5095 = arith.constant 96 : index
        %swap3A_5096 = tpu.vector_load %arg8[%swap3A_5095] {strides = array<i32>} : memref<128xi32, #tpu.memory_space<vmem>>, vector<16xi32>,
        tpu.vector_store %arg8[%swap3A_5095], %add3A_5094 {strides = array<i32>} : memref<128xi32, #tpu.memory_space<vmem>>, vector<16xi32>,
        %jit3A_5097 = arith.constant 8 : i32
        %div3A_5098 = vector.broadcast %jit3A_5097 : i32 to vector<16xi32>
        %div3A_5099 = arith.divsi %iota3A, %div3A_5098 : vector<16xi32>
        %sign3A_5100 = arith.constant 0 : i32
        %sign3A_5101 = vector.broadcast %sign3A_5100 : i32 to vector<16xi32>
        %sign3A_5102 = arith.cmpi sgt, %iota3A, %sign3A_5101 : vector<16xi32>
        %sign3A_5103 = arith.extui %sign3A_5102 : vector<16xi1> to vector<16xi32>
        %sign3A_5104 = arith.constant 0 : i32
        %sign3A_5105 = vector.broadcast %sign3A_5104 : i32 to vector<16xi32>
        %sign3A_5106 = arith.cmpi slt, %iota3A, %sign3A_5105 : vector<16xi32>
        %sign3A_5107 = arith.extui %sign3A_5106 : vector<16xi1> to vector<16xi32>
        %sign3A_5108 = arith.subi %sign3A_5103, %sign3A_5107 : vector<16xi32>
        %sign3A_5109 = arith.constant 0 : i32
        %sign3A_5110 = arith.cmpi sgt, %jit3A_5097, %sign3A_5109 : i32
        %sign3A_5111 = arith.extui %sign3A_5110 : i1 to i32
        %sign3A_5112 = arith.constant 0 : i32
        %sign3A_5113 = arith.cmpi slt, %jit3A_5097, %sign3A_5112 : i32
        %sign3A_5114 = arith.extui %sign3A_5113 : i1 to i32
        %sign3A_5115 = arith.subi %sign3A_5111, %sign3A_5114 : i32
        %ne3A_5116 = vector.broadcast %sign3A_5115 : i32 to vector<16xi32>
        %ne3A_5117 = arith.cmpi ne, %sign3A_5108, %ne3A_5116 : vector<16xi32>
        %rem3A_5118 = vector.broadcast %jit3A_5097 : i32 to vector<16xi32>
        %rem3A_5119 = arith.remsi %iota3A, %rem3A_5118 : vector<16xi32>
        %ne3A_5120 = arith.constant 0 : i32
        %ne3A_5121 = vector.broadcast %ne3A_5120 : i32 to vector<16xi32>
        %ne3A_5122 = arith.cmpi ne, %rem3A_5119, %ne3A_5121 : vector<16xi32>
        %and3A_5123 = arith.andi %ne3A_5117, %ne3A_5122 : vector<16xi1>
        %sub3A_5124 = arith.constant 1 : i32
        %sub3A_5125 = vector.broadcast %sub3A_5124 : i32 to vector<16xi32>
        %sub3A_5126 = arith.subi %div3A_5099, %sub3A_5125 : vector<16xi32>
        %select_n3A_5127 = arith.select %and3A_5123, %sub3A_5126, %div3A_5099 : vector<16xi1>, vector<16xi32>
        %add3A_5128 = arith.constant 6 : i32
        %add3A_5129 = vector.broadcast %add3A_5128 : i32 to vector<16xi32>
        %add3A_5130 = arith.addi %add3A_5129, %select_n3A_5127 : vector<16xi32>
        %jit3A_5131 = arith.constant 8 : i32
        %eq3A_5132 = arith.constant 0 : i32
        %eq3A_5133 = arith.cmpi eq, %jit3A_5131, %eq3A_5132 : i32
        %jit3A_5134 = arith.constant 1 : i32
        %select_n3A_5135 = arith.select %eq3A_5133, %jit3A_5134, %jit3A_5131 : i32
        %rem3A_5136 = vector.broadcast %select_n3A_5135 : i32 to vector<16xi32>
        %rem3A_5137 = arith.remsi %iota3A, %rem3A_5136 : vector<16xi32>
        %ne3A_5138 = arith.constant 0 : i32
        %ne3A_5139 = vector.broadcast %ne3A_5138 : i32 to vector<16xi32>
        %ne3A_5140 = arith.cmpi ne, %rem3A_5137, %ne3A_5139 : vector<16xi32>
        %lt3A_5141 = arith.constant 0 : i32
        %lt3A_5142 = vector.broadcast %lt3A_5141 : i32 to vector<16xi32>
        %lt3A_5143 = arith.cmpi slt, %rem3A_5137, %lt3A_5142 : vector<16xi32>
        %lt3A_5144 = arith.constant 0 : i32
        %lt3A_5145 = arith.cmpi slt, %select_n3A_5135, %lt3A_5144 : i32
        %ne3A_5146 = vector.broadcast %lt3A_5145 : i1 to vector<16xi1>
        %ne3A_5147 = vector.broadcast %ne3A_5146 : vector<16xi1> to vector<16xi1>
        %ne3A_5148 = arith.xori %lt3A_5143, %ne3A_5147 : vector<16xi1>
        %and3A_5149 = arith.andi %ne3A_5148, %ne3A_5140 : vector<16xi1>
        %add3A_5150 = vector.broadcast %select_n3A_5135 : i32 to vector<16xi32>
        %add3A_5151 = arith.addi %rem3A_5137, %add3A_5150 : vector<16xi32>
        %select_n3A_5152 = arith.select %and3A_5149, %add3A_5151, %rem3A_5137 : vector<16xi1>, vector<16xi32>
        %add3A_5153 = arith.constant 24 : i32
        %add3A_5154 = vector.broadcast %add3A_5153 : i32 to vector<16xi32>
        %add3A_5155 = arith.addi %add3A_5154, %select_n3A_5152 : vector<16xi32>
        %gather3A_5156 = tpu.vector_load_idx %arg5[%add3A_5155, %add3A_5130] : memref<64x8xi32, #tpu.memory_space<vmem>>[vector<16xi32>, vector<16xi32>], vector<16xi32>,
        %mul3A_5157 = arith.constant 8192 : i32
        %mul3A_5158 = vector.broadcast %mul3A_5157 : i32 to vector<16xi32>
        %mul3A_5159 = arith.muli %add3A_5130, %mul3A_5158 : vector<16xi32>
        %add3A_5160 = arith.addi %gather3A_5156, %mul3A_5159 : vector<16xi32>
        %swap3A_5161 = arith.constant 112 : index
        %swap3A_5162 = tpu.vector_load %arg8[%swap3A_5161] {strides = array<i32>} : memref<128xi32, #tpu.memory_space<vmem>>, vector<16xi32>,
        tpu.vector_store %arg8[%swap3A_5161], %add3A_5160 {strides = array<i32>} : memref<128xi32, #tpu.memory_space<vmem>>, vector<16xi32>,
        %dma_start3A_5163 = arith.constant 1 : i32
        %dma_start3A_5164 = arith.constant 0 : i32
        %dma_start3A_5165 = arith.constant 0 : i32
        %dma_start3A_5166 = tpu.memref_slice %arg2[%dma_start3A_5164, %dma_start3A_5165] : memref<65536x128xf32, #tpu.memory_space<hbm>> -> memref<65536x128xf32, #tpu.memory_space<hbm>>
        %dma_start3A_5167 = tpu.memref_slice %arg15[%dma_start3A_5163] : memref<4x!tpu.dma_semaphore, #tpu.memory_space<semaphore_mem>> -> memref<1x!tpu.dma_semaphore, #tpu.memory_space<semaphore_mem>>
        %dma_start3A_5168 = tpu.memref_squeeze %dma_start3A_5167 : memref<1x!tpu.dma_semaphore, #tpu.memory_space<semaphore_mem>> -> memref<!tpu.dma_semaphore, #tpu.memory_space<semaphore_mem>>
        tpu.enqueue_indirect_dma source(%dma_start3A_5166 : memref<65536x128xf32, #tpu.memory_space<hbm>>) target(%arg12 : memref<128x128xf32, #tpu.memory_space<vmem>>) offsets(%arg8 : memref<128xi32, #tpu.memory_space<vmem>>) semaphore(%dma_start3A_5168 : memref<!tpu.dma_semaphore, #tpu.memory_space<semaphore_mem>>)
      } else {
      }
      %dma_wait3A_4603 = arith.constant 3 : i32
      %dma_wait3A_4604 = arith.constant 0 : i32
      %dma_wait3A_4605 = arith.constant 0 : i32
      %dma_wait3A_4606 = tpu.memref_slice %arg2[%dma_wait3A_4604, %dma_wait3A_4605] : memref<65536x128xf32, #tpu.memory_space<hbm>> -> memref<128x128xf32, #tpu.memory_space<hbm>>
      %dma_wait3A_4607 = tpu.memref_slice %arg15[%dma_wait3A_4603] : memref<4x!tpu.dma_semaphore, #tpu.memory_space<semaphore_mem>> -> memref<1x!tpu.dma_semaphore, #tpu.memory_space<semaphore_mem>>
      %dma_wait3A_4608 = tpu.memref_squeeze %dma_wait3A_4607 : memref<1x!tpu.dma_semaphore, #tpu.memory_space<semaphore_mem>> -> memref<!tpu.dma_semaphore, #tpu.memory_space<semaphore_mem>>
      %dma_wait3A_4609 = arith.constant 0 : i32
      %dma_wait3A_4610 = arith.constant 0 : i32
      %dma_wait3A_4611 = tpu.memref_slice %arg2[%dma_wait3A_4609, %dma_wait3A_4610] : memref<65536x128xf32, #tpu.memory_space<hbm>> -> memref<128x128xf32, #tpu.memory_space<hbm>>
      tpu.wait_dma2 semaphore(%dma_wait3A_4608 : memref<!tpu.dma_semaphore, #tpu.memory_space<semaphore_mem>>) src(%dma_wait3A_4611 : memref<128x128xf32, #tpu.memory_space<hbm>>) dst(%arg14 : memref<128x128xf32, #tpu.memory_space<vmem>>)
      %add3A_4612 = arith.constant 7 : i32
      %add3A_4613 = arith.addi %mul3A_1167, %add3A_4612 : i32
      %mul3A_4614 = arith.constant 128 : i32
      %mul3A_4615 = arith.muli %add3A_4613, %mul3A_4614 : i32
      %add3A_4616 = arith.addi %mul3A_34, %mul3A_4615 : i32
      %dma_start3A_4617 = arith.constant 3 : i32
      %dma_start3A_4618 = arith.constant 0 : i32
      %dma_start3A_4619 = tpu.memref_slice %arg4[%select_n3A, %add3A_4616, %dma_start3A_4618] : memref<16x32768x128xf32, #tpu.memory_space<hbm>> -> memref<1x128x128xf32, #tpu.memory_space<hbm>>
      %dma_start3A_4620 = tpu.memref_squeeze %dma_start3A_4619 : memref<1x128x128xf32, #tpu.memory_space<hbm>> -> memref<128x128xf32, #tpu.memory_space<hbm>>
      %dma_start3A_4621 = tpu.memref_slice %arg16[%dma_start3A_4617] : memref<4x!tpu.dma_semaphore, #tpu.memory_space<semaphore_mem>> -> memref<1x!tpu.dma_semaphore, #tpu.memory_space<semaphore_mem>>
      %dma_start3A_4622 = tpu.memref_squeeze %dma_start3A_4621 : memref<1x!tpu.dma_semaphore, #tpu.memory_space<semaphore_mem>> -> memref<!tpu.dma_semaphore, #tpu.memory_space<semaphore_mem>>
      %dma_start3A_4623 = arith.constant 0 : i32
      %dma_start3A_4624 = tpu.memref_slice %arg4[%select_n3A, %add3A_4616, %dma_start3A_4623] : memref<16x32768x128xf32, #tpu.memory_space<hbm>> -> memref<1x128x128xf32, #tpu.memory_space<hbm>>
      %dma_start3A_4625 = tpu.memref_squeeze %dma_start3A_4624 : memref<1x128x128xf32, #tpu.memory_space<hbm>> -> memref<128x128xf32, #tpu.memory_space<hbm>>
      tpu.enqueue_dma source(%arg14 : memref<128x128xf32, #tpu.memory_space<vmem>>) target(%dma_start3A_4625 : memref<128x128xf32, #tpu.memory_space<hbm>>) target_semaphore(%dma_start3A_4622 : memref<!tpu.dma_semaphore, #tpu.memory_space<semaphore_mem>>)
    }
    %scan3A_1128 = arith.constant 16 : i32
    %dma_wait3A_1129 = arith.constant 0 : i32
    %dma_wait3A_1130 = arith.constant 0 : i32
    %dma_wait3A_1131 = arith.constant 0 : i32
    %dma_wait3A_1132 = tpu.memref_slice %arg2[%dma_wait3A_1130, %dma_wait3A_1131] : memref<65536x128xf32, #tpu.memory_space<hbm>> -> memref<128x128xf32, #tpu.memory_space<hbm>>
    %dma_wait3A_1133 = tpu.memref_slice %arg16[%dma_wait3A_1129] : memref<4x!tpu.dma_semaphore, #tpu.memory_space<semaphore_mem>> -> memref<1x!tpu.dma_semaphore, #tpu.memory_space<semaphore_mem>>
    %dma_wait3A_1134 = tpu.memref_squeeze %dma_wait3A_1133 : memref<1x!tpu.dma_semaphore, #tpu.memory_space<semaphore_mem>> -> memref<!tpu.dma_semaphore, #tpu.memory_space<semaphore_mem>>
    %dma_wait3A_1135 = arith.constant 0 : i32
    %dma_wait3A_1136 = arith.constant 0 : i32
    %dma_wait3A_1137 = tpu.memref_slice %arg2[%dma_wait3A_1135, %dma_wait3A_1136] : memref<65536x128xf32, #tpu.memory_space<hbm>> -> memref<128x128xf32, #tpu.memory_space<hbm>>
    tpu.wait_dma2 semaphore(%dma_wait3A_1134 : memref<!tpu.dma_semaphore, #tpu.memory_space<semaphore_mem>>) src(%dma_wait3A_1137 : memref<128x128xf32, #tpu.memory_space<hbm>>) dst(%arg11 : memref<128x128xf32, #tpu.memory_space<vmem>>)
    %dma_wait3A_1138 = arith.constant 1 : i32
    %dma_wait3A_1139 = arith.constant 0 : i32
    %dma_wait3A_1140 = arith.constant 0 : i32
    %dma_wait3A_1141 = tpu.memref_slice %arg2[%dma_wait3A_1139, %dma_wait3A_1140] : memref<65536x128xf32, #tpu.memory_space<hbm>> -> memref<128x128xf32, #tpu.memory_space<hbm>>
    %dma_wait3A_1142 = tpu.memref_slice %arg16[%dma_wait3A_1138] : memref<4x!tpu.dma_semaphore, #tpu.memory_space<semaphore_mem>> -> memref<1x!tpu.dma_semaphore, #tpu.memory_space<semaphore_mem>>
    %dma_wait3A_1143 = tpu.memref_squeeze %dma_wait3A_1142 : memref<1x!tpu.dma_semaphore, #tpu.memory_space<semaphore_mem>> -> memref<!tpu.dma_semaphore, #tpu.memory_space<semaphore_mem>>
    %dma_wait3A_1144 = arith.constant 0 : i32
    %dma_wait3A_1145 = arith.constant 0 : i32
    %dma_wait3A_1146 = tpu.memref_slice %arg2[%dma_wait3A_1144, %dma_wait3A_1145] : memref<65536x128xf32, #tpu.memory_space<hbm>> -> memref<128x128xf32, #tpu.memory_space<hbm>>
    tpu.wait_dma2 semaphore(%dma_wait3A_1143 : memref<!tpu.dma_semaphore, #tpu.memory_space<semaphore_mem>>) src(%dma_wait3A_1146 : memref<128x128xf32, #tpu.memory_space<hbm>>) dst(%arg12 : memref<128x128xf32, #tpu.memory_space<vmem>>)
    %dma_wait3A_1147 = arith.constant 2 : i32
    %dma_wait3A_1148 = arith.constant 0 : i32
    %dma_wait3A_1149 = arith.constant 0 : i32
    %dma_wait3A_1150 = tpu.memref_slice %arg2[%dma_wait3A_1148, %dma_wait3A_1149] : memref<65536x128xf32, #tpu.memory_space<hbm>> -> memref<128x128xf32, #tpu.memory_space<hbm>>
    %dma_wait3A_1151 = tpu.memref_slice %arg16[%dma_wait3A_1147] : memref<4x!tpu.dma_semaphore, #tpu.memory_space<semaphore_mem>> -> memref<1x!tpu.dma_semaphore, #tpu.memory_space<semaphore_mem>>
    %dma_wait3A_1152 = tpu.memref_squeeze %dma_wait3A_1151 : memref<1x!tpu.dma_semaphore, #tpu.memory_space<semaphore_mem>> -> memref<!tpu.dma_semaphore, #tpu.memory_space<semaphore_mem>>
    %dma_wait3A_1153 = arith.constant 0 : i32
    %dma_wait3A_1154 = arith.constant 0 : i32
    %dma_wait3A_1155 = tpu.memref_slice %arg2[%dma_wait3A_1153, %dma_wait3A_1154] : memref<65536x128xf32, #tpu.memory_space<hbm>> -> memref<128x128xf32, #tpu.memory_space<hbm>>
    tpu.wait_dma2 semaphore(%dma_wait3A_1152 : memref<!tpu.dma_semaphore, #tpu.memory_space<semaphore_mem>>) src(%dma_wait3A_1155 : memref<128x128xf32, #tpu.memory_space<hbm>>) dst(%arg13 : memref<128x128xf32, #tpu.memory_space<vmem>>)
    %dma_wait3A_1156 = arith.constant 3 : i32
    %dma_wait3A_1157 = arith.constant 0 : i32
    %dma_wait3A_1158 = arith.constant 0 : i32
    %dma_wait3A_1159 = tpu.memref_slice %arg2[%dma_wait3A_1157, %dma_wait3A_1158] : memref<65536x128xf32, #tpu.memory_space<hbm>> -> memref<128x128xf32, #tpu.memory_space<hbm>>
    %dma_wait3A_1160 = tpu.memref_slice %arg16[%dma_wait3A_1156] : memref<4x!tpu.dma_semaphore, #tpu.memory_space<semaphore_mem>> -> memref<1x!tpu.dma_semaphore, #tpu.memory_space<semaphore_mem>>
    %dma_wait3A_1161 = tpu.memref_squeeze %dma_wait3A_1160 : memref<1x!tpu.dma_semaphore, #tpu.memory_space<semaphore_mem>> -> memref<!tpu.dma_semaphore, #tpu.memory_space<semaphore_mem>>
    %dma_wait3A_1162 = arith.constant 0 : i32
    %dma_wait3A_1163 = arith.constant 0 : i32
    %dma_wait3A_1164 = tpu.memref_slice %arg2[%dma_wait3A_1162, %dma_wait3A_1163] : memref<65536x128xf32, #tpu.memory_space<hbm>> -> memref<128x128xf32, #tpu.memory_space<hbm>>
    tpu.wait_dma2 semaphore(%dma_wait3A_1161 : memref<!tpu.dma_semaphore, #tpu.memory_space<semaphore_mem>>) src(%dma_wait3A_1164 : memref<128x128xf32, #tpu.memory_space<hbm>>) dst(%arg14 : memref<128x128xf32, #tpu.memory_space<vmem>>)
    return
  }
}

</mosaic_0001>

<sc_bundles>
// kernel: kernel.3.cloned.1.call-start
scs
__scs_entry_jumppad:
0x0: {  	(pc) =	sbr.rel $0x88, $3  }
0x1: {  	(tag) =	ssettag $0x0;
	lr =	simm.s32 $0x1  }
0x2: {  	[smem:$0x3F9F] =	sst lr;
	_ =	strace $0xD0000000  }
0x3: {  	_ = 	snop  }
0x4: {  	_ = 	snop  }
0x5: {  	_ = 	snop  }
0x6: {  	_ = 	snop  }
0x7: {  	_ = 	snop  }
__scs_overlays_trampoline_lowered:
0x8: {  	[smem:$0x3FAE] =	sst s0  }
0x9: {  	[smem:$0x3FAF] =	sst s1  }
0xa: {  	[smem:$0x3FB0] =	sst s2  }
0xb: {  	[smem:$0x3FB1] =	sst s3  }
0xc: {  	[smem:$0x3FB2] =	sst s4  }
0xd: {  	[smem:$0x3FB3] =	sst s5  }
0xe: {  	[smem:$0x3FB4] =	sst s6  }
0xf: {  	[smem:$0x3FB5] =	sst s7  }
0x10: {  	[smem:$0x3FB6] =	sst s8  }
0x11: {  	[smem:$0x3FB7] =	sst s9;
	s0 =	simm.s32 @!p0 $0x0  }
0x12: {  	s1 =	sld [smem:$0x3F9D];
	s0 =	simm.s32 @p0 $0x1  }
0x13: {  	[smem:$0x3FB8] =	sst s0;
	s0 =	simm.s32 @!p1 $0x0  }
0x14: {  	s2 =	sld [smem:$0x3F9C];
	s0 =	simm.s32 @p1 $0x1  }
0x15: {  	[smem:$0x3FB9] =	sst s0;
	s0 =	simm.s32 @!p2 $0x0  }
0x16: {  	s3 =	sld [smem:$0x3FDB];
	s0 =	simm.s32 @p2 $0x1  }
0x17: {  	s4 =	simm.s32 $0x1BF5;
	[smem:$0x3FBB] =	sst s0  }
0x18: {  	s0 =	sld [smem:$0x3F9E];
	_ =	swait.ge [sflag:s4], $0x0  }
0x19: {  	s7 =	sld [smem:$0x3F9F]  }
0x1a: {  	s8 =	sadd.s32 $0xFFFFE003, lr  }
0x1b: {  	s9 =	sadd.s32 $0xFFFFFEF7, lr;
	s5 =	simm.s32 $0xFFFFFFFF;
	p2 =	slt.u32 s8, $0xFFFFF086  }
0x1c: {  	p1 =	slt.u32 s9, $0xF7A;
	s5 =	simm.s32 @!p2 $0x0  }
0x1d: {  	s5 =	simm.s32 @p1 $0x1;
	p0 =	seq.s32 s7, s2  }
0x1e: {  	s7 =	smul.u32 @!p0 $0xF7A, s2;
	p2 =	seq.s32 @!p0 s5, $0x0  }
0x1f: {  	s9 =	smul.u32 $0xF7A, s1;
	s8 =	simm.s32 @!p0 $0x1BF5;
	p2 =	por !p2, p0  }
0x20: {  	[sflag:s8] =	ssyncset.s32 @!p0 $0xFFFFF086;
	s6 =	sadd.s32 @!p0 s3, s7;
	s7 =	simm.s32 @!p0 $0x108  }
0x21: {  	s3 =	sadd.s32 s3, s9;
	s6 =	sadd.s32 @!p0 $0x88, s6;
	s7 =	simm.s32 @p2 $0x1082  }
0x22: {  	[simem:s7], [sflag:s8] =	dma.local @!p0 [hbm:s6], $0xF7A  }
0x23: {  	s9 =	sor.u32 $0xD0000000, s2;
	s6 =	simm.s32 $0x108;
	_ =	swait.ge @!p0 [sflag:s8], $0x0  }
0x24: {  	s3 =	sadd.s32 $0x88, s3;
	s6 =	simm.s32 @!p1 $0x1082;
	[sflag:s4] =	ssyncset.s32 $0xFFFFF086  }
0x25: {  	[simem:s6], [sflag:s4] =	dma.local [hbm:s3], $0xF7A  }
0x26: {  	[smem:$0x3F9F] =	sst s1;
	(tag) =	ssettag s2;
	_ =	strace s9  }
0x27: {  	s1 =	sld [smem:$0x3FAF]  }
0x28: {  	s2 =	sld [smem:$0x3FB0]  }
0x29: {  	s4 =	sld [smem:$0x3FB2]  }
0x2a: {  	p0 =	seq.s32 s5, $0x0;
	s5 =	sld [smem:$0x3FB3]  }
0x2b: {  	s6 =	sld [smem:$0x3FB4]  }
0x2c: {  	s7 =	sld [smem:$0x3FB5]  }
0x2d: {  	s3 =	simm.s32 $0x108;
	s8 =	sld [smem:$0x3FB6]  }
0x2e: {  	s3 =	simm.s32 @!p0 $0x1082;
	s9 =	sld [smem:$0x3FB7]  }
0x2f: {  	lr =	sadd.s32 s0, s3;
	s0 =	sld [smem:$0x3FAE]  }
0x30: {  	s3 =	sld [smem:$0x3FB1]  }
0x31: {  	[smem:$0x3FBA] =	sst s10  }
0x32: {  	s10 =	sld [smem:$0x3FB8];
	_ =	sdelay $0x3  }
0x33: {  	p0 =	seq.s32 s10, $0x1;
	s10 =	sld [smem:$0x3FBA];
	_ =	sdelay $0x3  }
0x34: {  	[smem:$0x3FBA] =	sst s10  }
0x35: {  	s10 =	sld [smem:$0x3FB9];
	_ =	sdelay $0x3  }
0x36: {  	p1 =	seq.s32 s10, $0x1;
	s10 =	sld [smem:$0x3FBA];
	_ =	sdelay $0x3  }
0x37: {  	[smem:$0x3FBA] =	sst s10  }
0x38: {  	s10 =	sld [smem:$0x3FBB]  }
0x39: {  	_ = 	snop;
	(pc) =	sbr.ind lr, $3  }
0x3a: {  	_ = 	snop  }
0x3b: {  	_ = 	snop  }
0x3c: {  	p2 =	seq.s32 s10, $0x1;
	s10 =	sld [smem:$0x3FBA]  }
0x3d: {  	_ =	shalt  }
0x3e: {  	_ =	shalt  }
0x3f: {  	_ =	shalt  }
0x40: {  	_ =	shalt  }
0x41: {  	_ =	shalt  }
0x42: {  	_ =	shalt  }
0x43: {  	_ =	shalt  }
0x44: {  	_ =	shalt  }
0x45: {  	_ =	shalt  }
0x46: {  	_ =	shalt  }
0x47: {  	_ =	shalt  }
0x48: {  	_ =	shalt  }
0x49: {  	_ =	shalt  }
0x4a: {  	_ =	shalt  }
0x4b: {  	_ =	shalt  }
0x4c: {  	_ =	shalt  }
0x4d: {  	_ =	shalt  }
0x4e: {  	_ =	shalt  }
0x4f: {  	_ =	shalt  }
0x50: {  	_ =	shalt  }
0x51: {  	_ =	shalt  }
0x52: {  	_ =	shalt  }
0x53: {  	_ =	shalt  }
0x54: {  	_ =	shalt  }
0x55: {  	_ =	shalt  }
0x56: {  	_ =	shalt  }
0x57: {  	_ =	shalt  }
0x58: {  	_ =	shalt  }
0x59: {  	_ =	shalt  }
0x5a: {  	_ =	shalt  }
0x5b: {  	_ =	shalt  }
0x5c: {  	_ =	shalt  }
0x5d: {  	_ =	shalt  }
0x5e: {  	_ =	shalt  }
0x5f: {  	_ =	shalt  }
0x60: {  	_ =	shalt  }
0x61: {  	_ =	shalt  }
0x62: {  	_ =	shalt  }
0x63: {  	_ =	shalt  }
0x64: {  	_ =	shalt  }
0x65: {  	_ =	shalt  }
0x66: {  	_ =	shalt  }
0x67: {  	_ =	shalt  }
0x68: {  	_ =	shalt  }
0x69: {  	_ =	shalt  }
0x6a: {  	_ =	shalt  }
0x6b: {  	_ =	shalt  }
0x6c: {  	_ =	shalt  }
0x6d: {  	_ =	shalt  }
0x6e: {  	_ =	shalt  }
0x6f: {  	_ =	shalt  }
0x70: {  	_ =	shalt  }
0x71: {  	_ =	shalt  }
0x72: {  	_ =	shalt  }
0x73: {  	_ =	shalt  }
0x74: {  	_ =	shalt  }
0x75: {  	_ =	shalt  }
0x76: {  	_ =	shalt  }
0x77: {  	_ =	shalt  }
0x78: {  	_ =	shalt  }
0x79: {  	_ =	shalt  }
0x7a: {  	_ =	shalt  }
0x7b: {  	_ =	shalt  }
0x7c: {  	_ =	shalt  }
0x7d: {  	_ =	shalt  }
0x7e: {  	_ =	shalt  }
0x7f: {  	_ =	shalt  }
0x80: {  	_ =	shalt  }
0x81: {  	_ =	shalt  }
0x82: {  	_ =	shalt  }
0x83: {  	_ =	shalt  }
0x84: {  	_ =	shalt  }
0x85: {  	_ =	shalt  }
0x86: {  	_ =	shalt  }
0x87: {  	_ =	shalt  }
.Lfunc_end0:
.L_simem_size_0:
called_computation_lowered:
.L_overlay_start_0:
0x88: {  	s2 =	sld [smem:$0x3FD9]  }
0x89: {  	s3 =	sld [smem:$0x3FFE];
	_ =	sdelay $0x1  }
0x8a: {  	s1 =	srdreg.scid  }
0x8b: {  	s0 =	sand.u32 $0x1, s1  }
0x8c: {  	s17 =	sshll.u32 s0, $0xA;
	s2 =	sadd.s32 s3, s2  }
0x8d: {  	s2 =	sadd.s32 s2, s17  }
0x8e: {  	[smem:$0x3FC6] =	sst s2  }
0x8f: {  	_ = 	snop  }
0x90: {  	s2 =	sld [smem:$0x3FC8]  }
0x91: {  	s18 =	sld [smem:$0x3FD0];
	(tm) =	ssettm $0x1  }
0x92: {  	s4 =	sld [smem:$0x3FFB];
	_ =	sdelay $0x3  }
0x93: {  	_ =	strace s4  }
0x94: {  	s4 =	sld [smem:$0x3FFC];
	_ =	sdelay $0x3  }
0x95: {  	_ =	strace s4  }
0x96: {  	s4 =	sld [smem:$0x3FFD];
	_ =	sdelay $0x3  }
0x97: {  	_ =	strace s4  }
0x98: {  	_ =	strace $0x8FFFFFFF  }
0x99: {  	s19 =	sld [smem:$0x3FDB];
	_ =	sdelay $0x1  }
0x9a: {  	s5 =	simm.s32 $_scs_section_size  }
0x9b: {  	s6 =	simm.s32 $_size__tile_overlayer_lowered;
	s7 =	simm.s32 $_tile_overlayer_lowered  }
0x9c: {  	s22 =	simm.s32 $0x1BFF;
	s21 =	sshll.u32 s7, $0x1;
	s4 =	sadd.s32 s5, s19  }
0x9d: {  	s8 =	simm.s32 $0x0;
	s20 =	sshll.u32 s6, $0x1;
	s6 =	sadd.s32 s21, s4  }
0x9e: {  	[timem:s8], [sflag:s22] =	dma.local [hbm:s6], s20  }
0x9f: {  	_ =	swait.ge [sflag:s22], s20  }
0xa0: {  	s5 =	ssub.s32 $0x0, s20;
	[sflag:s22] =	ssyncset.done $0x0  }
0xa1: {  	[sflag:s22] =	ssyncadd.s32 s5;
	_ =	sdelay $0x1  }
0xa2: {  	s23 =	simm.s32 $0x1B8B  }
0xa3: {  	_ =	swait.ge [sflag:s23], $0x1  }
0xa4: {  	[sflag:s23] =	ssyncset.done $0x0  }
0xa5: {  	s25 =	simm.s32 $0x1B8E;
	s24 =	sld [smem:$0x3FFE];
	[sflag:s23] =	ssyncadd.s32 $0xFFFFFFFF  }
0xa6: {  	s26 =	simm.s32 $execute0_lowered;
	[smem:$0x3FD2] =	sst s25  }
0xa7: {  	s6 =	sshll.u32 s26, $0x1;
	_ =	strace $0x80000046;
	[dreg:$0x1] =	wrdreg $0xFFFFFFFF  }
0xa8: {  	s28 =	simm.s32 $_size_execute0_lowered;
	s4 =	sadd.s32 s4, s6;
	[dreg:$0x0] =	wrdreg $0x0  }
0xa9: {  	s6 =	sshll.u32 s28, $0x1;
	[dreg:$0x2] =	wrdreg s4  }
0xaa: {  	[dreg:$0x3] =	wrdreg s6  }
0xab: {  	[dreg:$0x4] =	wrdreg $0xC0  }
0xac: {  	_ =	task [dreg:s8], $0x5FFFF  }
0xad: {  	[dreg:$0x1] =	wrdreg $0xFFFFFFFF  }
0xae: {  	[dreg:$0x0] =	wrdreg $0x60  }
0xaf: {  	[dreg:$0x2] =	wrdreg s2  }
0xb0: {  	[dreg:$0x3] =	wrdreg s24  }
0xb1: {  	[dreg:$0x4] =	wrdreg s18  }
0xb2: {  	[dreg:$0x5] =	wrdreg $0x9  }
0xb3: {  	_ =	task.clear_ibuf [dreg:s8], $0x6FFFF;
	_ =	strace $0x90000046  }
0xb4: {  	s29 =	simm.s32 $0x9;
	_ =	strace $0x80000048  }
0xb5: {  	_ =	swait.ge [sflag:s29], $0x1  }
0xb6: {  	[sflag:s29] =	ssyncadd.s32 $0xFFFFFFFF  }
0xb7: {  	_ =	strace $0x90000048  }
0xb8: {  	_ =	sfence  }
0xb9: {  	s30 =	sld [smem:$0x0];
	_ =	sdelay $0x2  }
0xba: {  	s31 =	sshll.u32 s1, $0xD;
	s1 =	sshrl.u32 s1, $0x2  }
0xbb: {  	s3 =	sand.u32 $0x4000, s31;
	s1 =	sadd.s32 s1, s30  }
0xbc: {  	s0 =	sor.u32 s3, s0;
	s1 =	sshll.u32 s1, $0x11  }
0xbd: {  	s0 =	sor.u32 s1, s0  }
0xbe: {  	s0 =	sadd.s32 $0x8F2B, s0  }
0xbf: {  	[sflag:s0] =	ssyncadd.remote.s32 $0x1  }
0xc0: {  	_ =	sfence.sel $0xFFFF  }
0xc1: {  	[dreg:$0x0] =	wrdreg $0xFFFFFFFF;
	(pc) =	sbr.abs _section_cstart, $3  }
0xc2: {  	[dreg:$0x1] =	wrdreg $0xFFFFFFFF  }
0xc3: {  	_ =	task.clear_ibuf [dreg:s8], $0x2FFFF;
	_ =	strace $0x9FFFFFFF  }
0xc4: {  	(tm) =	ssettm $0x7FFFFFFF  }
0xc5: {  	_ =	shalt  }
tec
execute0_lowered:
.L_overlay_start_1:
0x0: {  	(tag) =	ssettag $0x1  }
0x1: {  	v0 =	vimm.s32 $0x381;
	vm14 =	vcmask $0x300  }
0x2: {  	vm13 =	vcmask $0x704;
	vm12 =	vcmask $0xB08;
	vm11 =	vcmask $0xF0C  }
0x3: {  	v1 =	vimm.s32 $0x383;
	vm10 =	vcmask $0x1310;
	vm9 =	vcmask $0x1714  }
0x4: {  	vm8 =	vcmask $0x1B18;
	vm7 =	vcmask $0x1F1C;
	vm6 =	vcmask $0x2320  }
0x5: {  	vm5 =	vcmask $0x2724;
	vm3 =	vcmask $0x2B28;
	vm4 =	vcmask $0x2F2C  }
0x6: {  	vm2 =	vcmask $0x3330;
	vm0 =	vcmask $0x3734;
	v2 =	vlaneseq.u32  }
0x7: {  	vm1 =	vcmask $0x3B38;
	v4 =	vimm.s32 $0x385;
	v5 =	vimm.s32 $0x387  }
0x8: {  	v6 =	vimm.s32 $0x781;
	v9 =	vimm.s32 $0x783;
	v10 =	vimm.s32 $0x785  }
0x9: {  	v11 =	vimm.s32 $0x787;
	v12 =	vimm.s32 $0xB81;
	v13 =	vimm.s32 $0xB83  }
0xa: {  	v14 =	vimm.s32 $0xB85;
	v15 =	vimm.s32 $0xB87;
	v16 =	vimm.s32 $0xF81  }
0xb: {  	v17 =	vimm.s32 $0xF83;
	v18 =	vimm.s32 $0xF85;
	v19 =	vimm.s32 $0xF87  }
0xc: {  	v20 =	vimm.s32 $0x1381;
	v21 =	vimm.s32 $0x1383;
	v22 =	vimm.s32 $0x1385  }
0xd: {  	v23 =	vimm.s32 $0x1387;
	v24 =	vimm.s32 $0x1781;
	v25 =	vimm.s32 $0x1783  }
0xe: {  	v26 =	vimm.s32 $0x1785;
	v27 =	vimm.s32 $0x1787;
	v28 =	vimm.s32 $0x1B81  }
0xf: {  	v29 =	vimm.s32 $0x1B83;
	v30 =	vimm.s32 $0x1B85;
	v31 =	vimm.s32 $0x1B87  }
0x10: {  	v32 =	vimm.s32 $0x1F81;
	v33 =	vimm.s32 $0x1F83;
	v34 =	vimm.s32 $0x1F85  }
0x11: {  	v35 =	vimm.s32 $0x1F87;
	v0 =	vsel vm14, $0x0, v0;
	v1 =	vsel vm14, $0x2, v1  }
0x12: {  	v4 =	vsel vm14, $0x4, v4;
	v5 =	vsel vm14, $0x6, v5;
	v6 =	vsel vm14, $0x400, v6  }
0x13: {  	v9 =	vsel vm14, $0x402, v9;
	v10 =	vsel vm14, $0x404, v10;
	v11 =	vsel vm14, $0x406, v11  }
0x14: {  	v12 =	vsel vm14, $0x800, v12;
	v13 =	vsel vm14, $0x802, v13;
	v14 =	vsel vm14, $0x804, v14  }
0x15: {  	v15 =	vsel vm14, $0x806, v15;
	v16 =	vsel vm14, $0xC00, v16;
	v17 =	vsel vm14, $0xC02, v17  }
0x16: {  	v18 =	vsel vm14, $0xC04, v18;
	v19 =	vsel vm14, $0xC06, v19;
	v20 =	vsel vm14, $0x1000, v20  }
0x17: {  	v21 =	vsel vm14, $0x1002, v21;
	v22 =	vsel vm14, $0x1004, v22;
	v23 =	vsel vm14, $0x1006, v23  }
0x18: {  	v24 =	vsel vm14, $0x1400, v24;
	v25 =	vsel vm14, $0x1402, v25;
	v26 =	vsel vm14, $0x1404, v26  }
0x19: {  	v27 =	vsel vm14, $0x1406, v27;
	v28 =	vsel vm14, $0x1800, v28;
	v29 =	vsel vm14, $0x1802, v29  }
0x1a: {  	v30 =	vsel vm14, $0x1804, v30;
	v31 =	vsel vm14, $0x1806, v31;
	v32 =	vsel vm14, $0x1C00, v32  }
0x1b: {  	v33 =	vsel vm14, $0x1C02, v33;
	v34 =	vsel vm14, $0x1C04, v34;
	v35 =	vsel vm14, $0x1C06, v35  }
0x1c: {  	v0 =	vsel vm13, $0x80, v0;
	v1 =	vsel vm13, $0x82, v1;
	v4 =	vsel vm13, $0x84, v4  }
0x1d: {  	v5 =	vsel vm13, $0x86, v5;
	v6 =	vsel vm13, $0x480, v6;
	v9 =	vsel vm13, $0x482, v9  }
0x1e: {  	v10 =	vsel vm13, $0x484, v10;
	v11 =	vsel vm13, $0x486, v11;
	v12 =	vsel vm13, $0x880, v12  }
0x1f: {  	v13 =	vsel vm13, $0x882, v13;
	v14 =	vsel vm13, $0x884, v14;
	v15 =	vsel vm13, $0x886, v15  }
0x20: {  	v16 =	vsel vm13, $0xC80, v16;
	v17 =	vsel vm13, $0xC82, v17;
	v18 =	vsel vm13, $0xC84, v18  }
0x21: {  	v19 =	vsel vm13, $0xC86, v19;
	v20 =	vsel vm13, $0x1080, v20;
	v21 =	vsel vm13, $0x1082, v21  }
0x22: {  	v22 =	vsel vm13, $0x1084, v22;
	v23 =	vsel vm13, $0x1086, v23;
	v24 =	vsel vm13, $0x1480, v24  }
0x23: {  	v25 =	vsel vm13, $0x1482, v25;
	v26 =	vsel vm13, $0x1484, v26;
	v27 =	vsel vm13, $0x1486, v27  }
0x24: {  	v28 =	vsel vm13, $0x1880, v28;
	v29 =	vsel vm13, $0x1882, v29;
	v30 =	vsel vm13, $0x1884, v30  }
0x25: {  	v31 =	vsel vm13, $0x1886, v31;
	v32 =	vsel vm13, $0x1C80, v32;
	v33 =	vsel vm13, $0x1C82, v33  }
0x26: {  	v34 =	vsel vm13, $0x1C84, v34;
	v35 =	vsel vm13, $0x1C86, v35;
	v0 =	vsel vm12, $0x100, v0  }
0x27: {  	v1 =	vsel vm12, $0x102, v1;
	v4 =	vsel vm12, $0x104, v4;
	v5 =	vsel vm12, $0x106, v5  }
0x28: {  	v6 =	vsel vm12, $0x500, v6;
	v9 =	vsel vm12, $0x502, v9;
	v10 =	vsel vm12, $0x504, v10  }
0x29: {  	v11 =	vsel vm12, $0x506, v11;
	v12 =	vsel vm12, $0x900, v12;
	v13 =	vsel vm12, $0x902, v13  }
0x2a: {  	v14 =	vsel vm12, $0x904, v14;
	v15 =	vsel vm12, $0x906, v15;
	v16 =	vsel vm12, $0xD00, v16  }
0x2b: {  	v17 =	vsel vm12, $0xD02, v17;
	v18 =	vsel vm12, $0xD04, v18;
	v19 =	vsel vm12, $0xD06, v19  }
0x2c: {  	v20 =	vsel vm12, $0x1100, v20;
	v21 =	vsel vm12, $0x1102, v21;
	v22 =	vsel vm12, $0x1104, v22  }
0x2d: {  	v23 =	vsel vm12, $0x1106, v23;
	v24 =	vsel vm12, $0x1500, v24;
	v25 =	vsel vm12, $0x1502, v25  }
0x2e: {  	v26 =	vsel vm12, $0x1504, v26;
	v27 =	vsel vm12, $0x1506, v27;
	v28 =	vsel vm12, $0x1900, v28  }
0x2f: {  	v29 =	vsel vm12, $0x1902, v29;
	v30 =	vsel vm12, $0x1904, v30;
	v31 =	vsel vm12, $0x1906, v31  }
0x30: {  	v32 =	vsel vm12, $0x1D00, v32;
	v33 =	vsel vm12, $0x1D02, v33;
	v34 =	vsel vm12, $0x1D04, v34  }
0x31: {  	v35 =	vsel vm12, $0x1D06, v35;
	v0 =	vsel vm11, $0x180, v0;
	v1 =	vsel vm11, $0x182, v1  }
0x32: {  	v4 =	vsel vm11, $0x184, v4;
	v5 =	vsel vm11, $0x186, v5;
	v6 =	vsel vm11, $0x580, v6  }
0x33: {  	v9 =	vsel vm11, $0x582, v9;
	v10 =	vsel vm11, $0x584, v10;
	v11 =	vsel vm11, $0x586, v11  }
0x34: {  	v12 =	vsel vm11, $0x980, v12;
	v13 =	vsel vm11, $0x982, v13;
	v14 =	vsel vm11, $0x984, v14  }
0x35: {  	v15 =	vsel vm11, $0x986, v15;
	v16 =	vsel vm11, $0xD80, v16;
	v17 =	vsel vm11, $0xD82, v17  }
0x36: {  	v18 =	vsel vm11, $0xD84, v18;
	v19 =	vsel vm11, $0xD86, v19;
	v20 =	vsel vm11, $0x1180, v20  }
0x37: {  	v21 =	vsel vm11, $0x1182, v21;
	v22 =	vsel vm11, $0x1184, v22;
	v23 =	vsel vm11, $0x1186, v23  }
0x38: {  	v24 =	vsel vm11, $0x1580, v24;
	v25 =	vsel vm11, $0x1582, v25;
	v26 =	vsel vm11, $0x1584, v26  }
0x39: {  	v27 =	vsel vm11, $0x1586, v27;
	v28 =	vsel vm11, $0x1980, v28;
	v29 =	vsel vm11, $0x1982, v29  }
0x3a: {  	v30 =	vsel vm11, $0x1984, v30;
	v31 =	vsel vm11, $0x1986, v31;
	v32 =	vsel vm11, $0x1D80, v32  }
0x3b: {  	v33 =	vsel vm11, $0x1D82, v33;
	v34 =	vsel vm11, $0x1D84, v34;
	v35 =	vsel vm11, $0x1D86, v35  }
0x3c: {  	v0 =	vsel vm10, $0x200, v0;
	v1 =	vsel vm10, $0x202, v1;
	v4 =	vsel vm10, $0x204, v4  }
0x3d: {  	v5 =	vsel vm10, $0x206, v5;
	v6 =	vsel vm10, $0x600, v6;
	v9 =	vsel vm10, $0x602, v9  }
0x3e: {  	v10 =	vsel vm10, $0x604, v10;
	v11 =	vsel vm10, $0x606, v11;
	v12 =	vsel vm10, $0xA00, v12  }
0x3f: {  	v13 =	vsel vm10, $0xA02, v13;
	v14 =	vsel vm10, $0xA04, v14;
	v15 =	vsel vm10, $0xA06, v15  }
0x40: {  	v16 =	vsel vm10, $0xE00, v16;
	v17 =	vsel vm10, $0xE02, v17;
	v18 =	vsel vm10, $0xE04, v18  }
0x41: {  	v19 =	vsel vm10, $0xE06, v19;
	v20 =	vsel vm10, $0x1200, v20;
	v21 =	vsel vm10, $0x1202, v21  }
0x42: {  	v22 =	vsel vm10, $0x1204, v22;
	v23 =	vsel vm10, $0x1206, v23;
	v24 =	vsel vm10, $0x1600, v24  }
0x43: {  	v25 =	vsel vm10, $0x1602, v25;
	v26 =	vsel vm10, $0x1604, v26;
	v27 =	vsel vm10, $0x1606, v27  }
0x44: {  	v28 =	vsel vm10, $0x1A00, v28;
	v29 =	vsel vm10, $0x1A02, v29;
	v30 =	vsel vm10, $0x1A04, v30  }
0x45: {  	v31 =	vsel vm10, $0x1A06, v31;
	v32 =	vsel vm10, $0x1E00, v32;
	v33 =	vsel vm10, $0x1E02, v33  }
0x46: {  	v34 =	vsel vm10, $0x1E04, v34;
	v35 =	vsel vm10, $0x1E06, v35;
	v0 =	vsel vm9, $0x280, v0  }
0x47: {  	v1 =	vsel vm9, $0x282, v1;
	v4 =	vsel vm9, $0x284, v4;
	v5 =	vsel vm9, $0x286, v5  }
0x48: {  	v6 =	vsel vm9, $0x680, v6;
	v9 =	vsel vm9, $0x682, v9;
	v10 =	vsel vm9, $0x684, v10  }
0x49: {  	v11 =	vsel vm9, $0x686, v11;
	v12 =	vsel vm9, $0xA80, v12;
	v13 =	vsel vm9, $0xA82, v13  }
0x4a: {  	v14 =	vsel vm9, $0xA84, v14;
	v15 =	vsel vm9, $0xA86, v15;
	v16 =	vsel vm9, $0xE80, v16  }
0x4b: {  	v17 =	vsel vm9, $0xE82, v17;
	v18 =	vsel vm9, $0xE84, v18;
	v19 =	vsel vm9, $0xE86, v19  }
0x4c: {  	v20 =	vsel vm9, $0x1280, v20;
	v21 =	vsel vm9, $0x1282, v21;
	v22 =	vsel vm9, $0x1284, v22  }
0x4d: {  	v23 =	vsel vm9, $0x1286, v23;
	v24 =	vsel vm9, $0x1680, v24;
	v25 =	vsel vm9, $0x1682, v25  }
0x4e: {  	v26 =	vsel vm9, $0x1684, v26;
	v27 =	vsel vm9, $0x1686, v27;
	v28 =	vsel vm9, $0x1A80, v28  }
0x4f: {  	v29 =	vsel vm9, $0x1A82, v29;
	v30 =	vsel vm9, $0x1A84, v30;
	v31 =	vsel vm9, $0x1A86, v31  }
0x50: {  	v32 =	vsel vm9, $0x1E80, v32;
	v33 =	vsel vm9, $0x1E82, v33;
	v34 =	vsel vm9, $0x1E84, v34  }
0x51: {  	v35 =	vsel vm9, $0x1E86, v35;
	v0 =	vsel vm8, $0x300, v0;
	v1 =	vsel vm8, $0x302, v1  }
0x52: {  	v4 =	vsel vm8, $0x304, v4;
	v5 =	vsel vm8, $0x306, v5;
	v6 =	vsel vm8, $0x700, v6  }
0x53: {  	v9 =	vsel vm8, $0x702, v9;
	v10 =	vsel vm8, $0x704, v10;
	v11 =	vsel vm8, $0x706, v11  }
0x54: {  	v12 =	vsel vm8, $0xB00, v12;
	v13 =	vsel vm8, $0xB02, v13;
	v14 =	vsel vm8, $0xB04, v14  }
0x55: {  	v15 =	vsel vm8, $0xB06, v15;
	v16 =	vsel vm8, $0xF00, v16;
	v17 =	vsel vm8, $0xF02, v17  }
0x56: {  	v18 =	vsel vm8, $0xF04, v18;
	v19 =	vsel vm8, $0xF06, v19;
	v20 =	vsel vm8, $0x1300, v20  }
0x57: {  	v21 =	vsel vm8, $0x1302, v21;
	v22 =	vsel vm8, $0x1304, v22;
	v23 =	vsel vm8, $0x1306, v23  }
0x58: {  	v24 =	vsel vm8, $0x1700, v24;
	v25 =	vsel vm8, $0x1702, v25;
	v26 =	vsel vm8, $0x1704, v26  }
0x59: {  	v27 =	vsel vm8, $0x1706, v27;
	v28 =	vsel vm8, $0x1B00, v28;
	v29 =	vsel vm8, $0x1B02, v29  }
0x5a: {  	v30 =	vsel vm8, $0x1B04, v30;
	v31 =	vsel vm8, $0x1B06, v31;
	v32 =	vsel vm8, $0x1F00, v32  }
0x5b: {  	v33 =	vsel vm8, $0x1F02, v33;
	v34 =	vsel vm8, $0x1F04, v34;
	v35 =	vsel vm8, $0x1F06, v35  }
0x5c: {  	v0 =	vsel vm7, $0x380, v0;
	v1 =	vsel vm7, $0x382, v1;
	v4 =	vsel vm7, $0x384, v4  }
0x5d: {  	v5 =	vsel vm7, $0x386, v5;
	v6 =	vsel vm7, $0x780, v6;
	v9 =	vsel vm7, $0x782, v9  }
0x5e: {  	v10 =	vsel vm7, $0x784, v10;
	v11 =	vsel vm7, $0x786, v11;
	v12 =	vsel vm7, $0xB80, v12  }
0x5f: {  	v13 =	vsel vm7, $0xB82, v13;
	v14 =	vsel vm7, $0xB84, v14;
	v15 =	vsel vm7, $0xB86, v15  }
0x60: {  	v16 =	vsel vm7, $0xF80, v16;
	v17 =	vsel vm7, $0xF82, v17;
	v18 =	vsel vm7, $0xF84, v18  }
0x61: {  	v19 =	vsel vm7, $0xF86, v19;
	v20 =	vsel vm7, $0x1380, v20;
	v21 =	vsel vm7, $0x1382, v21  }
0x62: {  	v22 =	vsel vm7, $0x1384, v22;
	v23 =	vsel vm7, $0x1386, v23;
	v24 =	vsel vm7, $0x1780, v24  }
0x63: {  	v25 =	vsel vm7, $0x1782, v25;
	v26 =	vsel vm7, $0x1784, v26;
	v27 =	vsel vm7, $0x1786, v27  }
0x64: {  	v28 =	vsel vm7, $0x1B80, v28;
	v29 =	vsel vm7, $0x1B82, v29;
	v30 =	vsel vm7, $0x1B84, v30  }
0x65: {  	v31 =	vsel vm7, $0x1B86, v31;
	v32 =	vsel vm7, $0x1F80, v32;
	v33 =	vsel vm7, $0x1F82, v33  }
0x66: {  	v34 =	vsel vm7, $0x1F84, v34;
	v35 =	vsel vm7, $0x1F86, v35;
	v0 =	vsel vm6, $0x1, v0  }
0x67: {  	v1 =	vsel vm6, $0x3, v1;
	v4 =	vsel vm6, $0x5, v4;
	v5 =	vsel vm6, $0x7, v5  }
0x68: {  	v6 =	vsel vm6, $0x401, v6;
	v9 =	vsel vm6, $0x403, v9;
	v10 =	vsel vm6, $0x405, v10  }
0x69: {  	v11 =	vsel vm6, $0x407, v11;
	v12 =	vsel vm6, $0x801, v12;
	v13 =	vsel vm6, $0x803, v13  }
0x6a: {  	v14 =	vsel vm6, $0x805, v14;
	v15 =	vsel vm6, $0x807, v15;
	v16 =	vsel vm6, $0xC01, v16  }
0x6b: {  	v17 =	vsel vm6, $0xC03, v17;
	v18 =	vsel vm6, $0xC05, v18;
	v19 =	vsel vm6, $0xC07, v19  }
0x6c: {  	v20 =	vsel vm6, $0x1001, v20;
	v21 =	vsel vm6, $0x1003, v21;
	v22 =	vsel vm6, $0x1005, v22  }
0x6d: {  	v23 =	vsel vm6, $0x1007, v23;
	v24 =	vsel vm6, $0x1401, v24;
	v25 =	vsel vm6, $0x1403, v25  }
0x6e: {  	v26 =	vsel vm6, $0x1405, v26;
	v27 =	vsel vm6, $0x1407, v27;
	v28 =	vsel vm6, $0x1801, v28  }
0x6f: {  	v29 =	vsel vm6, $0x1803, v29;
	v30 =	vsel vm6, $0x1805, v30;
	v31 =	vsel vm6, $0x1807, v31  }
0x70: {  	v32 =	vsel vm6, $0x1C01, v32;
	v33 =	vsel vm6, $0x1C03, v33;
	v34 =	vsel vm6, $0x1C05, v34  }
0x71: {  	v35 =	vsel vm6, $0x1C07, v35;
	v0 =	vsel vm5, $0x81, v0;
	v1 =	vsel vm5, $0x83, v1  }
0x72: {  	v4 =	vsel vm5, $0x85, v4;
	v5 =	vsel vm5, $0x87, v5;
	v6 =	vsel vm5, $0x481, v6  }
0x73: {  	v9 =	vsel vm5, $0x483, v9;
	v10 =	vsel vm5, $0x485, v10;
	v11 =	vsel vm5, $0x487, v11  }
0x74: {  	v12 =	vsel vm5, $0x881, v12;
	v13 =	vsel vm5, $0x883, v13;
	v14 =	vsel vm5, $0x885, v14  }
0x75: {  	v15 =	vsel vm5, $0x887, v15;
	v16 =	vsel vm5, $0xC81, v16;
	v17 =	vsel vm5, $0xC83, v17  }
0x76: {  	v18 =	vsel vm5, $0xC85, v18;
	v19 =	vsel vm5, $0xC87, v19;
	v20 =	vsel vm5, $0x1081, v20  }
0x77: {  	v21 =	vsel vm5, $0x1083, v21;
	v22 =	vsel vm5, $0x1085, v22;
	v23 =	vsel vm5, $0x1087, v23  }
0x78: {  	v24 =	vsel vm5, $0x1481, v24;
	v25 =	vsel vm5, $0x1483, v25;
	v26 =	vsel vm5, $0x1485, v26  }
0x79: {  	v27 =	vsel vm5, $0x1487, v27;
	v28 =	vsel vm5, $0x1881, v28;
	v29 =	vsel vm5, $0x1883, v29  }
0x7a: {  	v30 =	vsel vm5, $0x1885, v30;
	v31 =	vsel vm5, $0x1887, v31;
	v32 =	vsel vm5, $0x1C81, v32  }
0x7b: {  	v33 =	vsel vm5, $0x1C83, v33;
	v34 =	vsel vm5, $0x1C85, v34;
	v35 =	vsel vm5, $0x1C87, v35  }
0x7c: {  	v0 =	vsel vm3, $0x101, v0;
	v1 =	vsel vm3, $0x103, v1;
	v4 =	vsel vm3, $0x105, v4  }
0x7d: {  	v5 =	vsel vm3, $0x107, v5;
	v6 =	vsel vm3, $0x501, v6;
	v9 =	vsel vm3, $0x503, v9  }
0x7e: {  	v10 =	vsel vm3, $0x505, v10;
	v11 =	vsel vm3, $0x507, v11;
	v12 =	vsel vm3, $0x901, v12  }
0x7f: {  	v13 =	vsel vm3, $0x903, v13;
	v14 =	vsel vm3, $0x905, v14;
	v15 =	vsel vm3, $0x907, v15  }
0x80: {  	v16 =	vsel vm3, $0xD01, v16;
	v17 =	vsel vm3, $0xD03, v17;
	v18 =	vsel vm3, $0xD05, v18  }
0x81: {  	v19 =	vsel vm3, $0xD07, v19;
	v20 =	vsel vm3, $0x1101, v20;
	v21 =	vsel vm3, $0x1103, v21  }
0x82: {  	v22 =	vsel vm3, $0x1105, v22;
	v23 =	vsel vm3, $0x1107, v23;
	v24 =	vsel vm3, $0x1501, v24  }
0x83: {  	v25 =	vsel vm3, $0x1503, v25;
	v26 =	vsel vm3, $0x1505, v26;
	v27 =	vsel vm3, $0x1507, v27  }
0x84: {  	v28 =	vsel vm3, $0x1901, v28;
	v29 =	vsel vm3, $0x1903, v29;
	v30 =	vsel vm3, $0x1905, v30  }
0x85: {  	v31 =	vsel vm3, $0x1907, v31;
	v32 =	vsel vm3, $0x1D01, v32;
	v33 =	vsel vm3, $0x1D03, v33  }
0x86: {  	v34 =	vsel vm3, $0x1D05, v34;
	v35 =	vsel vm3, $0x1D07, v35;
	v0 =	vsel vm4, $0x181, v0  }
0x87: {  	v1 =	vsel vm4, $0x183, v1;
	v4 =	vsel vm4, $0x185, v4;
	v5 =	vsel vm4, $0x187, v5  }
0x88: {  	v6 =	vsel vm4, $0x581, v6;
	v9 =	vsel vm4, $0x583, v9;
	v10 =	vsel vm4, $0x585, v10  }
0x89: {  	v11 =	vsel vm4, $0x587, v11;
	v12 =	vsel vm4, $0x981, v12;
	v13 =	vsel vm4, $0x983, v13  }
0x8a: {  	v14 =	vsel vm4, $0x985, v14;
	v15 =	vsel vm4, $0x987, v15;
	v16 =	vsel vm4, $0xD81, v16  }
0x8b: {  	v17 =	vsel vm4, $0xD83, v17;
	v18 =	vsel vm4, $0xD85, v18;
	v19 =	vsel vm4, $0xD87, v19  }
0x8c: {  	v20 =	vsel vm4, $0x1181, v20;
	v21 =	vsel vm4, $0x1183, v21;
	v22 =	vsel vm4, $0x1185, v22  }
0x8d: {  	v23 =	vsel vm4, $0x1187, v23;
	v24 =	vsel vm4, $0x1581, v24;
	v25 =	vsel vm4, $0x1583, v25  }
0x8e: {  	v26 =	vsel vm4, $0x1585, v26;
	v27 =	vsel vm4, $0x1587, v27;
	v28 =	vsel vm4, $0x1981, v28  }
0x8f: {  	v29 =	vsel vm4, $0x1983, v29;
	v30 =	vsel vm4, $0x1985, v30;
	v31 =	vsel vm4, $0x1987, v31  }
0x90: {  	v32 =	vsel vm4, $0x1D81, v32;
	v33 =	vsel vm4, $0x1D83, v33;
	v34 =	vsel vm4, $0x1D85, v34  }
0x91: {  	v35 =	vsel vm4, $0x1D87, v35;
	v0 =	vsel vm2, $0x201, v0;
	v4 =	vsel vm2, $0x205, v4  }
0x92: {  	v7 =	vsel vm2, $0x207, v5;
	v6 =	vsel vm2, $0x601, v6;
	v9 =	vsel vm2, $0x603, v9  }
0x93: {  	v10 =	vsel vm2, $0x605, v10;
	v11 =	vsel vm2, $0x607, v11;
	v12 =	vsel vm2, $0xA01, v12  }
0x94: {  	v13 =	vsel vm2, $0xA03, v13;
	v14 =	vsel vm2, $0xA05, v14;
	v15 =	vsel vm2, $0xA07, v15  }
0x95: {  	v16 =	vsel vm2, $0xE01, v16;
	v17 =	vsel vm2, $0xE03, v17;
	v18 =	vsel vm2, $0xE05, v18  }
0x96: {  	v19 =	vsel vm2, $0xE07, v19;
	v20 =	vsel vm2, $0x1201, v20;
	v21 =	vsel vm2, $0x1203, v21  }
0x97: {  	v22 =	vsel vm2, $0x1205, v22;
	v23 =	vsel vm2, $0x1207, v23;
	v24 =	vsel vm2, $0x1601, v24  }
0x98: {  	s1 =	rddreg [dreg:$0x0];
	v25 =	vsel vm2, $0x1603, v25;
	v26 =	vsel vm2, $0x1605, v26;
	v27 =	vsel vm2, $0x1607, v27  }
0x99: {  	s0 =	srdreg.scid;
	s4 =	rddreg [dreg:$0x1];
	v28 =	vsel vm2, $0x1A01, v28;
	v29 =	vsel vm2, $0x1A03, v29;
	v30 =	vsel vm2, $0x1A05, v30  }
0x9a: {  	s7 =	stileid.u32;
	s10 =	rddreg [dreg:$0x2];
	v31 =	vsel vm2, $0x1A07, v31;
	v32 =	vsel vm2, $0x1E01, v32;
	v33 =	vsel vm2, $0x1E03, v33  }
0x9b: {  	s5 =	simm.s32 $0x1;
	s28 =	simm.s32 $0x4180;
	s29 =	simm.s32 $0x10200;
	v34 =	vsel vm2, $0x1E05, v34;
	v35 =	vsel vm2, $0x1E07, v35;
	v3 =	vsel vm0, $0x281, v0  }
0x9c: {  	s30 =	simm.s32 $0x2;
	s31 =	simm.s32 $0xA;
	s2 =	sand.u32 $0x1, s0;
	v0 =	vshrl.u32 v2, $0x3;
	v2 =	vsel vm2, $0x203, v1;
	v4 =	vsel vm0, $0x285, v4  }
0x9d: {  	s4 =	sadd.s32 $0x400, s4;
	s0 =	simm.s32 $0x3;
	s3 =	sor.u32 s2, s7;
	v7 =	vsel vm0, $0x287, v7;
	v8 =	vsel vm0, $0x681, v6;
	v9 =	vsel vm0, $0x683, v9  }
0x9e: {  	p1 =	seq.s32 s2, $0x1;
	s6 =	ssub.s32 $0x2, s2;
	p0 =	seq.s32 s3, $0x0;
	v10 =	vsel vm0, $0x685, v10;
	v11 =	vsel vm0, $0x687, v11;
	v12 =	vsel vm0, $0xA81, v12  }
0x9f: {  	s8 =	sshll.u32 s2, $0x12;
	s3 =	simm.s32 $0x0;
	p0 =	por !p0, !p1;
	v13 =	vsel vm0, $0xA83, v13;
	v14 =	vsel vm0, $0xA85, v14;
	v15 =	vsel vm0, $0xA87, v15  }
0xa0: {  	s2 =	sshll.u32 s2, $0x15;
	[smem:$0x7FF] =	sst s3;
	p0 =	por !p0, !p0;
	v16 =	vsel vm0, $0xE81, v16;
	v17 =	vsel vm0, $0xE83, v17;
	v18 =	vsel vm0, $0xE85, v18  }
0xa1: {  	s15 =	sshrl.u32 s6, $0x1;
	_ =	strace $0x80000047;
	s5 =	simm.s32 @!p0 $0x0;
	v19 =	vsel vm0, $0xE87, v19;
	v20 =	vsel vm0, $0x1281, v20;
	v21 =	vsel vm0, $0x1283, v21  }
0xa2: {  	s5 =	ssub.s32 s7, s5;
	s7 =	ssub.s32 s6, s15;
	s6 =	simm.s32 $0x1;
	v22 =	vsel vm0, $0x1285, v22;
	v23 =	vsel vm0, $0x1287, v23;
	v24 =	vsel vm0, $0x1681, v24  }
0xa3: {  	s9 =	sshll.u32 s5, $0x13;
	s5 =	sshll.u32 s5, $0x16;
	s7 =	smax.u32 s7, $0x1;
	v25 =	vsel vm0, $0x1683, v25;
	v26 =	vsel vm0, $0x1685, v26;
	v27 =	vsel vm0, $0x1687, v27  }
0xa4: {  	s16 =	sor.u32 s8, s9;
	s2 =	sor.u32 s2, s5;
	[dreg:$0x7] =	wrdreg s7;
	v28 =	vsel vm0, $0x1A81, v28;
	v29 =	vsel vm0, $0x1A83, v29;
	v30 =	vsel vm0, $0x1A85, v30  }
0xa5: {  	s9 =	simm.s32 $0x4;
	[dreg:$0x4] =	wrdreg s16;
	s8 =	sshrl.u32 s16, $0x3;
	v31 =	vsel vm0, $0x1A87, v31;
	v32 =	vsel vm0, $0x1E81, v32;
	v33 =	vsel vm0, $0x1E83, v33  }
0xa6: {  	s18 =	sshrl.u32 s2, $0x3;
	s19 =	sor.u32 $0x18000, s2;
	s21 =	sor.u32 $0x14000, s2;
	v34 =	vsel vm0, $0x1E85, v34;
	v35 =	vsel vm0, $0x1E87, v35;
	v0 =	vmul.u32 $0x2000, v0  }
0xa7: {  	s22 =	sor.u32 $0x10000, s2;
	s23 =	sor.u32 $0xC000, s2;
	s25 =	sor.u32 $0x8000, s2;
	v1 =	vsel vm1, $0x301, v3;
	v2 =	vsel vm0, $0x283, v2;
	v4 =	vsel vm1, $0x305, v4  }
0xa8: {  	s26 =	sor.u32 $0x4000, s2;
	s2 =	sor.u32 $0x1C000, s2;
	s8 =	sadd.s32 s4, s8;
	v6 =	vsel vm1, $0x307, v7;
	v8 =	vsel vm1, $0x701, v8;
	v9 =	vsel vm1, $0x703, v9  }
0xa9: {  	s5 =	sadd.s32 s18, s10;
	s20 =	sshrl.u32 s19, $0x3;
	s7 =	sshrl.u32 s22, $0x3;
	v10 =	vsel vm1, $0x705, v10;
	v11 =	vsel vm1, $0x707, v11;
	v12 =	vsel vm1, $0xB01, v12  }
0xaa: {  	s24 =	sshrl.u32 s23, $0x3;
	s2 =	sshrl.u32 s2, $0x3;
	s19 =	simm.s32 $0x2000;
	v13 =	vsel vm1, $0xB03, v13;
	v14 =	vsel vm1, $0xB05, v14;
	v15 =	vsel vm1, $0xB07, v15  }
0xab: {  	s22 =	simm.s32 $0x4200;
	[dreg:$0x5] =	wrdreg s8;
	s17 =	sadd.s32 $0x400, s8;
	v16 =	vsel vm1, $0xF01, v16;
	v17 =	vsel vm1, $0xF03, v17;
	v18 =	vsel vm1, $0xF05, v18  }
0xac: {  	[dreg:$0x8] =	wrdreg s5;
	s11 =	sadd.s32 s20, s10;
	s5 =	sshrl.u32 s21, $0x3;
	v19 =	vsel vm1, $0xF07, v19;
	v20 =	vsel vm1, $0x1301, v20;
	v21 =	vsel vm1, $0x1303, v21  }
0xad: {  	s13 =	sadd.s32 s7, s10;
	s14 =	sadd.s32 s24, s10;
	s7 =	sshrl.u32 s26, $0x3;
	v22 =	vsel vm1, $0x1305, v22;
	v23 =	vsel vm1, $0x1307, v23;
	v24 =	vsel vm1, $0x1701, v24  }
0xae: {  	s20 =	simm.s32 $0x80;
	s24 =	simm.s32 $0x8200;
	s26 =	simm.s32 $0xC200;
	v25 =	vsel vm1, $0x1703, v25;
	v26 =	vsel vm1, $0x1705, v26;
	v27 =	vsel vm1, $0x1707, v27  }
0xaf: {  	s8 =	simm.s32 $0x6;
	s21 =	simm.s32 $0x8;
	[dreg:$0x6] =	wrdreg s17;
	v28 =	vsel vm1, $0x1B01, v28;
	v29 =	vsel vm1, $0x1B03, v29;
	v30 =	vsel vm1, $0x1B05, v30  }
0xb0: {  	s12 =	sadd.s32 s5, s10;
	s5 =	sshrl.u32 s25, $0x3;
	s16 =	sadd.s32 s7, s10;
	v31 =	vsel vm1, $0x1B07, v31;
	v32 =	vsel vm1, $0x1F01, v32;
	v33 =	vsel vm1, $0x1F03, v33  }
0xb1: {  	s17 =	sadd.s32 s2, s10;
	s25 =	simm.s32 $0x4100;
	s2 =	simm.s32 $0x5;
	v34 =	vsel vm1, $0x1F05, v34;
	v35 =	vsel vm1, $0x1F07, v35;
	v2 =	vsel vm1, $0x303, v2  }
0xb2: {  	s7 =	simm.s32 $0x7;
	s15 =	sadd.s32 s5, s10;
	s10 =	simm.s32 $0x0;
	v3 =	vor.u32 $0x4000, v0;
	v5 =	vor.u32 $0x8000, v0;
	v7 =	vor.u32 $0xC000, v0  }
.LBB2_1:
0xb3: {  	[dreg:$0x9] =	wrdreg s10  }
0xb4: {  	s5 =	rddreg [dreg:$0x5];
	s23 =	simm.s32 $0x9  }
0xb5: {  	[tilespmem:s3], [sflag:$0x9] =	stream.linear.gather [hbm4b:s5+s3], $0x2000, $0x38;
	[tilespmem:$0x14200] =	vst v63  }
0xb6: {  	_ =	swait.ge [sflag:s23], $0x2000  }
0xb7: {  	[sflag:s23] =	ssyncset.done $0x0  }
0xb8: {  	s10 =	rddreg [dreg:$0x6];
	[sflag:s23] =	ssyncadd.s32 $0xFFFFE000  }
0xb9: {  	[tilespmem:s19], [sflag:$0xA] =	stream.linear.gather [hbm4b:s10+s3], $0x2000, $0x38;
	[tilespmem:$0x14200] =	vst v63  }
0xba: {  	v36 =	vld.idx.msk [tilespmem:v1+s3+$0x0], $0xffff;
	_ =	sdelay $0x4  }
0xbb: {  	v36 =	vadd.s32 v0, v36  }
0xbc: {  	[tilespmem:$0x4000] =	vst v36  }
0xbd: {  	v36 =	vld.idx.msk [tilespmem:v2+s3+$0x0], $0xffff;
	_ =	sdelay $0x4  }
0xbe: {  	v36 =	vadd.s32 v3, v36  }
0xbf: {  	[tilespmem:$0x4010] =	vst v36  }
0xc0: {  	v36 =	vld.idx.msk [tilespmem:v4+s3+$0x0], $0xffff;
	_ =	sdelay $0x4  }
0xc1: {  	v36 =	vadd.s32 v5, v36  }
0xc2: {  	[tilespmem:$0x4020] =	vst v36  }
0xc3: {  	v36 =	vld.idx.msk [tilespmem:v6+s3+$0x0], $0xffff;
	_ =	sdelay $0x4  }
0xc4: {  	v36 =	vadd.s32 v7, v36  }
0xc5: {  	[tilespmem:$0x4030] =	vst v36  }
0xc6: {  	v36 =	vld.idx.msk [tilespmem:v8+s3+$0x0], $0xffff;
	_ =	sdelay $0x4  }
0xc7: {  	v36 =	vadd.s32 v0, v36  }
0xc8: {  	[tilespmem:$0x4040] =	vst v36  }
0xc9: {  	v36 =	vld.idx.msk [tilespmem:v9+s3+$0x0], $0xffff;
	_ =	sdelay $0x4  }
0xca: {  	v36 =	vadd.s32 v3, v36  }
0xcb: {  	[tilespmem:$0x4050] =	vst v36  }
0xcc: {  	v36 =	vld.idx.msk [tilespmem:v10+s3+$0x0], $0xffff;
	_ =	sdelay $0x4  }
0xcd: {  	v36 =	vadd.s32 v5, v36  }
0xce: {  	[tilespmem:$0x4060] =	vst v36  }
0xcf: {  	v36 =	vld.idx.msk [tilespmem:v11+s3+$0x0], $0xffff;
	_ =	sdelay $0x4  }
0xd0: {  	v36 =	vadd.s32 v7, v36  }
0xd1: {  	s18 =	simm.s32 $0x4000;
	[tilespmem:$0x4070] =	vst v36  }
0xd2: {  	[tilespmem:s22], [sflag:$0x1] =	stream.indirect.gather [hbm4b:s1+s20], $0x80, s18, s20, $0xb8;
	[tilespmem:$0x14200] =	vst v63  }
0xd3: {  	v36 =	vld.idx.msk [tilespmem:v12+s3+$0x0], $0xffff;
	_ =	sdelay $0x4  }
0xd4: {  	v36 =	vadd.s32 v0, v36  }
0xd5: {  	[tilespmem:$0x4080] =	vst v36  }
0xd6: {  	v36 =	vld.idx.msk [tilespmem:v13+s3+$0x0], $0xffff;
	_ =	sdelay $0x4  }
0xd7: {  	v36 =	vadd.s32 v3, v36  }
0xd8: {  	[tilespmem:$0x4090] =	vst v36  }
0xd9: {  	v36 =	vld.idx.msk [tilespmem:v14+s3+$0x0], $0xffff;
	_ =	sdelay $0x4  }
0xda: {  	v36 =	vadd.s32 v5, v36  }
0xdb: {  	[tilespmem:$0x40A0] =	vst v36  }
0xdc: {  	v36 =	vld.idx.msk [tilespmem:v15+s3+$0x0], $0xffff;
	_ =	sdelay $0x4  }
0xdd: {  	v36 =	vadd.s32 v7, v36  }
0xde: {  	[tilespmem:$0x40B0] =	vst v36  }
0xdf: {  	v36 =	vld.idx.msk [tilespmem:v16+s3+$0x0], $0xffff;
	_ =	sdelay $0x4  }
0xe0: {  	v36 =	vadd.s32 v0, v36  }
0xe1: {  	[tilespmem:$0x40C0] =	vst v36  }
0xe2: {  	v36 =	vld.idx.msk [tilespmem:v17+s3+$0x0], $0xffff;
	_ =	sdelay $0x4  }
0xe3: {  	v36 =	vadd.s32 v3, v36  }
0xe4: {  	[tilespmem:$0x40D0] =	vst v36  }
0xe5: {  	v36 =	vld.idx.msk [tilespmem:v18+s3+$0x0], $0xffff;
	_ =	sdelay $0x4  }
0xe6: {  	v36 =	vadd.s32 v5, v36  }
0xe7: {  	[tilespmem:$0x40E0] =	vst v36  }
0xe8: {  	v36 =	vld.idx.msk [tilespmem:v19+s3+$0x0], $0xffff;
	_ =	sdelay $0x4  }
0xe9: {  	v36 =	vadd.s32 v7, v36  }
0xea: {  	s23 =	simm.s32 $0x4080;
	[tilespmem:$0x40F0] =	vst v36  }
0xeb: {  	[tilespmem:s24], [sflag:$0x2] =	stream.indirect.gather [hbm4b:s1+s20], $0x80, s23, s20, $0xb8;
	[tilespmem:$0x14200] =	vst v63  }
0xec: {  	s23 =	simm.s32 $0x0  }
.LBB2_2:
0xed: {  	p0 =	seq.s32 s23, $0x0  }
0xee: {  	s5 =	simm.s32 @!p0 $0x7  }
0xef: {  	_ =	swait.ge @!p0 [sflag:s5], $0x4000  }
0xf0: {  	[sflag:s5] =	ssyncset.done @!p0 $0x0  }
0xf1: {  	[sflag:s5] =	ssyncadd.s32 @!p0 $0xFFFFC000  }
0xf2: {  	v36 =	vld.idx.msk [tilespmem:v20+s3+$0x0], $0xffff;
	_ =	sdelay $0x4  }
0xf3: {  	v36 =	vadd.s32 v0, v36  }
0xf4: {  	[tilespmem:$0x4100] =	vst v36  }
0xf5: {  	v36 =	vld.idx.msk [tilespmem:v21+s3+$0x0], $0xffff;
	_ =	sdelay $0x4  }
0xf6: {  	v36 =	vadd.s32 v3, v36  }
0xf7: {  	[tilespmem:$0x4110] =	vst v36  }
0xf8: {  	v36 =	vld.idx.msk [tilespmem:v22+s3+$0x0], $0xffff;
	_ =	sdelay $0x4  }
0xf9: {  	v36 =	vadd.s32 v5, v36  }
0xfa: {  	[tilespmem:$0x4120] =	vst v36  }
0xfb: {  	v36 =	vld.idx.msk [tilespmem:v23+s3+$0x0], $0xffff;
	_ =	sdelay $0x4  }
0xfc: {  	v36 =	vadd.s32 v7, v36  }
0xfd: {  	[tilespmem:$0x4130] =	vst v36  }
0xfe: {  	v36 =	vld.idx.msk [tilespmem:v24+s3+$0x0], $0xffff;
	_ =	sdelay $0x4  }
0xff: {  	v36 =	vadd.s32 v0, v36  }
0x100: {  	[tilespmem:$0x4140] =	vst v36  }
0x101: {  	v36 =	vld.idx.msk [tilespmem:v25+s3+$0x0], $0xffff;
	_ =	sdelay $0x4  }
0x102: {  	v36 =	vadd.s32 v3, v36  }
0x103: {  	[tilespmem:$0x4150] =	vst v36  }
0x104: {  	v36 =	vld.idx.msk [tilespmem:v26+s3+$0x0], $0xffff;
	_ =	sdelay $0x4  }
0x105: {  	v36 =	vadd.s32 v5, v36  }
0x106: {  	[tilespmem:$0x4160] =	vst v36  }
0x107: {  	v36 =	vld.idx.msk [tilespmem:v27+s3+$0x0], $0xffff;
	_ =	sdelay $0x4  }
0x108: {  	v36 =	vadd.s32 v7, v36  }
0x109: {  	[tilespmem:$0x4170] =	vst v36  }
0x10a: {  	[tilespmem:s26], [sflag:$0x3] =	stream.indirect.gather [hbm4b:s1+s20], $0x80, s25, s20, $0xb8;
	[tilespmem:$0x14200] =	vst v63  }
0x10b: {  	_ =	swait.ge [sflag:s6], $0x4000  }
0x10c: {  	[sflag:s6] =	ssyncset.done $0x0;
	s10 =	rddreg [dreg:$0x8]  }
0x10d: {  	[sflag:s6] =	ssyncadd.s32 $0xFFFFC000;
	s5 =	sadd.s32 s23, s10  }
0x10e: {  	[hbm4b:s5+s3] =	stream.linear.scatter [tilespmem:s22], [sflag:$0x5], $0x4000, $0x38;
	[tilespmem:$0x14200] =	vst v63  }
0x10f: {  	s5 =	simm.s32 @!p0 $0x8  }
0x110: {  	_ =	swait.ge @!p0 [sflag:s5], $0x4000  }
0x111: {  	[sflag:s5] =	ssyncset.done @!p0 $0x0  }
0x112: {  	[sflag:s5] =	ssyncadd.s32 @!p0 $0xFFFFC000  }
0x113: {  	v59 =	vld.idx.msk [tilespmem:v28+s3+$0x0], $0xffff;
	_ =	sdelay $0x4  }
0x114: {  	v36 =	vadd.s32 v0, v59  }
0x115: {  	[tilespmem:$0x4180] =	vst v36  }
0x116: {  	v36 =	vld.idx.msk [tilespmem:v29+s3+$0x0], $0xffff;
	_ =	sdelay $0x4  }
0x117: {  	v36 =	vadd.s32 v3, v36  }
0x118: {  	[tilespmem:$0x4190] =	vst v36  }
0x119: {  	v36 =	vld.idx.msk [tilespmem:v30+s3+$0x0], $0xffff;
	_ =	sdelay $0x4  }
0x11a: {  	v36 =	vadd.s32 v5, v36  }
0x11b: {  	[tilespmem:$0x41A0] =	vst v36  }
0x11c: {  	v36 =	vld.idx.msk [tilespmem:v31+s3+$0x0], $0xffff;
	_ =	sdelay $0x4  }
0x11d: {  	v36 =	vadd.s32 v7, v36  }
0x11e: {  	[tilespmem:$0x41B0] =	vst v36  }
0x11f: {  	v36 =	vld.idx.msk [tilespmem:v32+s3+$0x0], $0xffff;
	_ =	sdelay $0x4  }
0x120: {  	v36 =	vadd.s32 v0, v36  }
0x121: {  	[tilespmem:$0x41C0] =	vst v36  }
0x122: {  	v36 =	vld.idx.msk [tilespmem:v33+s3+$0x0], $0xffff;
	_ =	sdelay $0x4  }
0x123: {  	v36 =	vadd.s32 v3, v36  }
0x124: {  	[tilespmem:$0x41D0] =	vst v36  }
0x125: {  	v36 =	vld.idx.msk [tilespmem:v34+s3+$0x0], $0xffff;
	_ =	sdelay $0x4  }
0x126: {  	v36 =	vadd.s32 v5, v36  }
0x127: {  	[tilespmem:$0x41E0] =	vst v36  }
0x128: {  	v36 =	vld.idx.msk [tilespmem:v35+s3+$0x0], $0xffff;
	_ =	sdelay $0x2  }
0x129: {  	p0 =	seq.s32 s23, $0x3C000;
	s5 =	rddreg [dreg:$0x4]  }
0x12a: {  	s18 =	sadd.s32 @!p0 s23, s5  }
0x12b: {  	s5 =	sadd.s32 @!p0 $0x4000, s18;
	v36 =	vadd.s32 v7, v36  }
0x12c: {  	s5 =	sshrl.u32 @!p0 s5, $0x3;
	[tilespmem:$0x41F0] =	vst v36  }
0x12d: {  	[tilespmem:s29], [sflag:$0x4] =	stream.indirect.gather [hbm4b:s1+s20], $0x80, s28, s20, $0xb8;
	[tilespmem:$0x14200] =	vst v63  }
0x12e: {  	s10 =	sadd.s32 @!p0 s4, s5;
	s5 =	simm.s32 @!p0 $0x0  }
0x12f: {  	[tilespmem:s5], [sflag:$0x9] =	stream.linear.gather @!p0 [hbm4b:s10+s5], $0x2000, $0x38;
	[tilespmem:$0x14200] =	vst v63  }
0x130: {  	_ =	swait.ge [sflag:s30], $0x4000  }
0x131: {  	[sflag:s30] =	ssyncset.done $0x0  }
0x132: {  	s10 =	sadd.s32 s23, s16;
	[sflag:s30] =	ssyncadd.s32 $0xFFFFC000  }
0x133: {  	[hbm4b:s10+s3] =	stream.linear.scatter [tilespmem:s24], [sflag:$0x6], $0x4000, $0x38;
	[tilespmem:$0x14200] =	vst v63  }
0x134: {  	_ =	swait.ge [sflag:s31], $0x2000  }
0x135: {  	[sflag:s31] =	ssyncset.done $0x0  }
0x136: {  	[sflag:s31] =	ssyncadd.s32 $0xFFFFE000  }
0x137: {  	_ =	swait.ge [sflag:s2], $0x4000  }
0x138: {  	[sflag:s2] =	ssyncset.done $0x0  }
0x139: {  	[sflag:s2] =	ssyncadd.s32 $0xFFFFC000  }
0x13a: {  	v60 =	vld.idx.msk [tilespmem:v1+s19+$0x0], $0xffff;
	_ =	sdelay $0x4  }
0x13b: {  	v36 =	vadd.s32 v0, v60  }
0x13c: {  	[tilespmem:$0x4000] =	vst v36  }
0x13d: {  	v36 =	vld.idx.msk [tilespmem:v2+s19+$0x0], $0xffff;
	_ =	sdelay $0x4  }
0x13e: {  	v36 =	vadd.s32 v3, v36  }
0x13f: {  	[tilespmem:$0x4010] =	vst v36  }
0x140: {  	v36 =	vld.idx.msk [tilespmem:v4+s19+$0x0], $0xffff;
	_ =	sdelay $0x4  }
0x141: {  	v36 =	vadd.s32 v5, v36  }
0x142: {  	[tilespmem:$0x4020] =	vst v36  }
0x143: {  	v36 =	vld.idx.msk [tilespmem:v6+s19+$0x0], $0xffff;
	_ =	sdelay $0x4  }
0x144: {  	v36 =	vadd.s32 v7, v36  }
0x145: {  	[tilespmem:$0x4030] =	vst v36  }
0x146: {  	v36 =	vld.idx.msk [tilespmem:v8+s19+$0x0], $0xffff;
	_ =	sdelay $0x4  }
0x147: {  	v36 =	vadd.s32 v0, v36  }
0x148: {  	[tilespmem:$0x4040] =	vst v36  }
0x149: {  	v36 =	vld.idx.msk [tilespmem:v9+s19+$0x0], $0xffff;
	_ =	sdelay $0x4  }
0x14a: {  	v36 =	vadd.s32 v3, v36  }
0x14b: {  	[tilespmem:$0x4050] =	vst v36  }
0x14c: {  	v36 =	vld.idx.msk [tilespmem:v10+s19+$0x0], $0xffff;
	_ =	sdelay $0x4  }
0x14d: {  	v36 =	vadd.s32 v5, v36  }
0x14e: {  	[tilespmem:$0x4060] =	vst v36  }
0x14f: {  	v36 =	vld.idx.msk [tilespmem:v11+s19+$0x0], $0xffff;
	_ =	sdelay $0x4  }
0x150: {  	v36 =	vadd.s32 v7, v36  }
0x151: {  	s10 =	simm.s32 $0x4000;
	[tilespmem:$0x4070] =	vst v36  }
0x152: {  	[tilespmem:s22], [sflag:$0x1] =	stream.indirect.gather [hbm4b:s1+s20], $0x80, s10, s20, $0xb8;
	[tilespmem:$0x14200] =	vst v63  }
0x153: {  	_ =	swait.ge [sflag:s0], $0x4000  }
0x154: {  	[sflag:s0] =	ssyncset.done $0x0  }
0x155: {  	s10 =	sadd.s32 s23, s15;
	[sflag:s0] =	ssyncadd.s32 $0xFFFFC000  }
0x156: {  	[hbm4b:s10+s3] =	stream.linear.scatter [tilespmem:s26], [sflag:$0x7], $0x4000, $0x38;
	[tilespmem:$0x14200] =	vst v63  }
0x157: {  	_ =	swait.ge [sflag:s8], $0x4000  }
0x158: {  	[sflag:s8] =	ssyncset.done $0x0  }
0x159: {  	[sflag:s8] =	ssyncadd.s32 $0xFFFFC000  }
0x15a: {  	v61 =	vld.idx.msk [tilespmem:v12+s19+$0x0], $0xffff;
	_ =	sdelay $0x4  }
0x15b: {  	v36 =	vadd.s32 v0, v61  }
0x15c: {  	[tilespmem:$0x4080] =	vst v36  }
0x15d: {  	v36 =	vld.idx.msk [tilespmem:v13+s19+$0x0], $0xffff;
	_ =	sdelay $0x4  }
0x15e: {  	v36 =	vadd.s32 v3, v36  }
0x15f: {  	[tilespmem:$0x4090] =	vst v36  }
0x160: {  	v36 =	vld.idx.msk [tilespmem:v14+s19+$0x0], $0xffff;
	_ =	sdelay $0x4  }
0x161: {  	v36 =	vadd.s32 v5, v36  }
0x162: {  	[tilespmem:$0x40A0] =	vst v36  }
0x163: {  	v36 =	vld.idx.msk [tilespmem:v15+s19+$0x0], $0xffff;
	_ =	sdelay $0x4  }
0x164: {  	v36 =	vadd.s32 v7, v36  }
0x165: {  	[tilespmem:$0x40B0] =	vst v36  }
0x166: {  	v36 =	vld.idx.msk [tilespmem:v16+s19+$0x0], $0xffff;
	_ =	sdelay $0x4  }
0x167: {  	v36 =	vadd.s32 v0, v36  }
0x168: {  	[tilespmem:$0x40C0] =	vst v36  }
0x169: {  	v36 =	vld.idx.msk [tilespmem:v17+s19+$0x0], $0xffff;
	_ =	sdelay $0x4  }
0x16a: {  	v36 =	vadd.s32 v3, v36  }
0x16b: {  	[tilespmem:$0x40D0] =	vst v36  }
0x16c: {  	v36 =	vld.idx.msk [tilespmem:v18+s19+$0x0], $0xffff;
	_ =	sdelay $0x4  }
0x16d: {  	v36 =	vadd.s32 v5, v36  }
0x16e: {  	[tilespmem:$0x40E0] =	vst v36  }
0x16f: {  	v36 =	vld.idx.msk [tilespmem:v19+s19+$0x0], $0xffff;
	_ =	sdelay $0x4  }
0x170: {  	v36 =	vadd.s32 v7, v36  }
0x171: {  	s10 =	simm.s32 $0x4080;
	[tilespmem:$0x40F0] =	vst v36  }
0x172: {  	[tilespmem:s24], [sflag:$0x2] =	stream.indirect.gather [hbm4b:s1+s20], $0x80, s10, s20, $0xb8;
	[tilespmem:$0x14200] =	vst v63  }
0x173: {  	_ =	swait.ge [sflag:s9], $0x4000  }
0x174: {  	[sflag:s9] =	ssyncset.done $0x0  }
0x175: {  	s10 =	sadd.s32 s23, s14;
	[sflag:s9] =	ssyncadd.s32 $0xFFFFC000  }
0x176: {  	[hbm4b:s10+s3] =	stream.linear.scatter [tilespmem:s29], [sflag:$0x8], $0x4000, $0x38;
	[tilespmem:$0x14200] =	vst v63  }
0x177: {  	_ =	swait.ge [sflag:s7], $0x4000  }
0x178: {  	[sflag:s7] =	ssyncset.done $0x0  }
0x179: {  	[sflag:s7] =	ssyncadd.s32 $0xFFFFC000  }
0x17a: {  	v62 =	vld.idx.msk [tilespmem:v20+s19+$0x0], $0xffff;
	_ =	sdelay $0x4  }
0x17b: {  	v36 =	vadd.s32 v0, v62  }
0x17c: {  	[tilespmem:$0x4100] =	vst v36  }
0x17d: {  	v36 =	vld.idx.msk [tilespmem:v21+s19+$0x0], $0xffff;
	_ =	sdelay $0x4  }
0x17e: {  	v36 =	vadd.s32 v3, v36  }
0x17f: {  	[tilespmem:$0x4110] =	vst v36  }
0x180: {  	v36 =	vld.idx.msk [tilespmem:v22+s19+$0x0], $0xffff;
	_ =	sdelay $0x4  }
0x181: {  	v36 =	vadd.s32 v5, v36  }
0x182: {  	[tilespmem:$0x4120] =	vst v36  }
0x183: {  	v36 =	vld.idx.msk [tilespmem:v23+s19+$0x0], $0xffff;
	_ =	sdelay $0x4  }
0x184: {  	v36 =	vadd.s32 v7, v36  }
0x185: {  	[tilespmem:$0x4130] =	vst v36  }
0x186: {  	v36 =	vld.idx.msk [tilespmem:v24+s19+$0x0], $0xffff;
	_ =	sdelay $0x4  }
0x187: {  	v36 =	vadd.s32 v0, v36  }
0x188: {  	[tilespmem:$0x4140] =	vst v36  }
0x189: {  	v36 =	vld.idx.msk [tilespmem:v25+s19+$0x0], $0xffff;
	_ =	sdelay $0x4  }
0x18a: {  	v36 =	vadd.s32 v3, v36  }
0x18b: {  	[tilespmem:$0x4150] =	vst v36  }
0x18c: {  	v36 =	vld.idx.msk [tilespmem:v26+s19+$0x0], $0xffff;
	_ =	sdelay $0x4  }
0x18d: {  	v36 =	vadd.s32 v5, v36  }
0x18e: {  	[tilespmem:$0x4160] =	vst v36  }
0x18f: {  	v36 =	vld.idx.msk [tilespmem:v27+s19+$0x0], $0xffff;
	_ =	sdelay $0x4  }
0x190: {  	v36 =	vadd.s32 v7, v36  }
0x191: {  	[tilespmem:$0x4170] =	vst v36  }
0x192: {  	[tilespmem:s26], [sflag:$0x3] =	stream.indirect.gather [hbm4b:s1+s20], $0x80, s25, s20, $0xb8;
	[tilespmem:$0x14200] =	vst v63  }
0x193: {  	_ =	swait.ge [sflag:s6], $0x4000  }
0x194: {  	[sflag:s6] =	ssyncset.done $0x0  }
0x195: {  	s10 =	sadd.s32 s23, s13;
	[sflag:s6] =	ssyncadd.s32 $0xFFFFC000  }
0x196: {  	[hbm4b:s10+s3] =	stream.linear.scatter [tilespmem:s22], [sflag:$0x5], $0x4000, $0x38;
	[tilespmem:$0x14200] =	vst v63  }
0x197: {  	_ =	swait.ge [sflag:s21], $0x4000  }
0x198: {  	[sflag:s21] =	ssyncset.done $0x0  }
0x199: {  	[sflag:s21] =	ssyncadd.s32 $0xFFFFC000  }
0x19a: {  	v63 =	vld.idx.msk [tilespmem:v28+s19+$0x0], $0xffff;
	_ =	sdelay $0x4  }
0x19b: {  	v36 =	vadd.s32 v0, v63  }
0x19c: {  	[tilespmem:$0x4180] =	vst v36  }
0x19d: {  	v36 =	vld.idx.msk [tilespmem:v29+s19+$0x0], $0xffff;
	_ =	sdelay $0x4  }
0x19e: {  	v36 =	vadd.s32 v3, v36  }
0x19f: {  	[tilespmem:$0x4190] =	vst v36  }
0x1a0: {  	v36 =	vld.idx.msk [tilespmem:v30+s19+$0x0], $0xffff;
	_ =	sdelay $0x4  }
0x1a1: {  	v36 =	vadd.s32 v5, v36  }
0x1a2: {  	[tilespmem:$0x41A0] =	vst v36  }
0x1a3: {  	v36 =	vld.idx.msk [tilespmem:v31+s19+$0x0], $0xffff;
	_ =	sdelay $0x4  }
0x1a4: {  	v36 =	vadd.s32 v7, v36  }
0x1a5: {  	[tilespmem:$0x41B0] =	vst v36  }
0x1a6: {  	v36 =	vld.idx.msk [tilespmem:v32+s19+$0x0], $0xffff;
	_ =	sdelay $0x4  }
0x1a7: {  	v36 =	vadd.s32 v0, v36  }
0x1a8: {  	[tilespmem:$0x41C0] =	vst v36  }
0x1a9: {  	v36 =	vld.idx.msk [tilespmem:v33+s19+$0x0], $0xffff;
	_ =	sdelay $0x4  }
0x1aa: {  	v36 =	vadd.s32 v3, v36  }
0x1ab: {  	[tilespmem:$0x41D0] =	vst v36  }
0x1ac: {  	v36 =	vld.idx.msk [tilespmem:v34+s19+$0x0], $0xffff;
	_ =	sdelay $0x4  }
0x1ad: {  	v36 =	vadd.s32 v5, v36  }
0x1ae: {  	[tilespmem:$0x41E0] =	vst v36  }
0x1af: {  	v36 =	vld.idx.msk [tilespmem:v35+s19+$0x0], $0xffff;
	_ =	sdelay $0x4  }
0x1b0: {  	s10 =	sadd.s32 @!p0 $0x6000, s18;
	v36 =	vadd.s32 v7, v36  }
0x1b1: {  	s10 =	sshrl.u32 @!p0 s10, $0x3;
	[tilespmem:$0x41F0] =	vst v36  }
0x1b2: {  	[tilespmem:s29], [sflag:$0x4] =	stream.indirect.gather [hbm4b:s1+s20], $0x80, s28, s20, $0xb8;
	[tilespmem:$0x14200] =	vst v63  }
0x1b3: {  	s18 =	simm.s32 @!p0 $0x2000;
	s10 =	sadd.s32 @!p0 s4, s10  }
0x1b4: {  	[tilespmem:s18], [sflag:$0xA] =	stream.linear.gather @!p0 [hbm4b:s10+s5], $0x2000, $0x38;
	[tilespmem:$0x14200] =	vst v63  }
0x1b5: {  	_ =	swait.ge [sflag:s30], $0x4000  }
0x1b6: {  	[sflag:s30] =	ssyncset.done $0x0  }
0x1b7: {  	s18 =	sadd.s32 s23, s12;
	s5 =	simm.s32 @!p0 $0x9;
	[sflag:s30] =	ssyncadd.s32 $0xFFFFC000  }
0x1b8: {  	[hbm4b:s18+s3] =	stream.linear.scatter [tilespmem:s24], [sflag:$0x6], $0x4000, $0x38;
	[tilespmem:$0x14200] =	vst v63  }
0x1b9: {  	_ =	swait.ge @!p0 [sflag:s5], $0x2000  }
0x1ba: {  	[sflag:s5] =	ssyncset.done @!p0 $0x0  }
0x1bb: {  	[sflag:s5] =	ssyncadd.s32 @!p0 $0xFFFFE000  }
0x1bc: {  	_ =	swait.ge @!p0 [sflag:s2], $0x4000  }
0x1bd: {  	[sflag:s2] =	ssyncset.done @!p0 $0x0  }
0x1be: {  	[sflag:s2] =	ssyncadd.s32 @!p0 $0xFFFFC000  }
0x1bf: {  	v36 =	vld.idx.msk @!p0 [tilespmem:v1+s3+$0x0], $0xffff;
	_ =	sdelay $0x4  }
0x1c0: {  	v36 =	vadd.s32 @!p0 v0, v36  }
0x1c1: {  	[tilespmem:$0x4000] =	vst @!p0 v36  }
0x1c2: {  	v36 =	vld.idx.msk @!p0 [tilespmem:v2+s3+$0x0], $0xffff;
	_ =	sdelay $0x4  }
0x1c3: {  	v36 =	vadd.s32 @!p0 v3, v36  }
0x1c4: {  	[tilespmem:$0x4010] =	vst @!p0 v36  }
0x1c5: {  	v36 =	vld.idx.msk @!p0 [tilespmem:v4+s3+$0x0], $0xffff;
	_ =	sdelay $0x4  }
0x1c6: {  	v36 =	vadd.s32 @!p0 v5, v36  }
0x1c7: {  	[tilespmem:$0x4020] =	vst @!p0 v36  }
0x1c8: {  	v36 =	vld.idx.msk @!p0 [tilespmem:v6+s3+$0x0], $0xffff;
	_ =	sdelay $0x4  }
0x1c9: {  	v36 =	vadd.s32 @!p0 v7, v36  }
0x1ca: {  	[tilespmem:$0x4030] =	vst @!p0 v36  }
0x1cb: {  	v36 =	vld.idx.msk @!p0 [tilespmem:v8+s3+$0x0], $0xffff;
	_ =	sdelay $0x4  }
0x1cc: {  	v36 =	vadd.s32 @!p0 v0, v36  }
0x1cd: {  	[tilespmem:$0x4040] =	vst @!p0 v36  }
0x1ce: {  	v36 =	vld.idx.msk @!p0 [tilespmem:v9+s3+$0x0], $0xffff;
	_ =	sdelay $0x4  }
0x1cf: {  	v36 =	vadd.s32 @!p0 v3, v36  }
0x1d0: {  	[tilespmem:$0x4050] =	vst @!p0 v36  }
0x1d1: {  	v36 =	vld.idx.msk @!p0 [tilespmem:v10+s3+$0x0], $0xffff;
	_ =	sdelay $0x4  }
0x1d2: {  	v36 =	vadd.s32 @!p0 v5, v36  }
0x1d3: {  	[tilespmem:$0x4060] =	vst @!p0 v36  }
0x1d4: {  	v36 =	vld.idx.msk @!p0 [tilespmem:v11+s3+$0x0], $0xffff;
	_ =	sdelay $0x4  }
0x1d5: {  	v36 =	vadd.s32 @!p0 v7, v36  }
0x1d6: {  	s5 =	simm.s32 @!p0 $0x4000;
	[tilespmem:$0x4070] =	vst @!p0 v36  }
0x1d7: {  	[tilespmem:s22], [sflag:$0x1] =	stream.indirect.gather @!p0 [hbm4b:s1+s20], $0x80, s5, s20, $0xb8;
	[tilespmem:$0x14200] =	vst v63  }
0x1d8: {  	_ =	swait.ge [sflag:s0], $0x4000  }
0x1d9: {  	[sflag:s0] =	ssyncset.done $0x0  }
0x1da: {  	s10 =	sadd.s32 s23, s11;
	[sflag:s0] =	ssyncadd.s32 $0xFFFFC000  }
0x1db: {  	[hbm4b:s10+s3] =	stream.linear.scatter [tilespmem:s26], [sflag:$0x7], $0x4000, $0x38;
	[tilespmem:$0x14200] =	vst v63  }
0x1dc: {  	_ =	swait.ge @!p0 [sflag:s8], $0x4000  }
0x1dd: {  	[sflag:s8] =	ssyncset.done @!p0 $0x0  }
0x1de: {  	[sflag:s8] =	ssyncadd.s32 @!p0 $0xFFFFC000  }
0x1df: {  	v36 =	vld.idx.msk @!p0 [tilespmem:v12+s3+$0x0], $0xffff;
	_ =	sdelay $0x4  }
0x1e0: {  	v36 =	vadd.s32 @!p0 v0, v36  }
0x1e1: {  	[tilespmem:$0x4080] =	vst @!p0 v36  }
0x1e2: {  	v36 =	vld.idx.msk @!p0 [tilespmem:v13+s3+$0x0], $0xffff;
	_ =	sdelay $0x4  }
0x1e3: {  	v36 =	vadd.s32 @!p0 v3, v36  }
0x1e4: {  	[tilespmem:$0x4090] =	vst @!p0 v36  }
0x1e5: {  	v36 =	vld.idx.msk @!p0 [tilespmem:v14+s3+$0x0], $0xffff;
	_ =	sdelay $0x4  }
0x1e6: {  	v36 =	vadd.s32 @!p0 v5, v36  }
0x1e7: {  	[tilespmem:$0x40A0] =	vst @!p0 v36  }
0x1e8: {  	v36 =	vld.idx.msk @!p0 [tilespmem:v15+s3+$0x0], $0xffff;
	_ =	sdelay $0x4  }
0x1e9: {  	v36 =	vadd.s32 @!p0 v7, v36  }
0x1ea: {  	[tilespmem:$0x40B0] =	vst @!p0 v36  }
0x1eb: {  	v36 =	vld.idx.msk @!p0 [tilespmem:v16+s3+$0x0], $0xffff;
	_ =	sdelay $0x4  }
0x1ec: {  	v36 =	vadd.s32 @!p0 v0, v36  }
0x1ed: {  	[tilespmem:$0x40C0] =	vst @!p0 v36  }
0x1ee: {  	v36 =	vld.idx.msk @!p0 [tilespmem:v17+s3+$0x0], $0xffff;
	_ =	sdelay $0x4  }
0x1ef: {  	v36 =	vadd.s32 @!p0 v3, v36  }
0x1f0: {  	[tilespmem:$0x40D0] =	vst @!p0 v36  }
0x1f1: {  	v36 =	vld.idx.msk @!p0 [tilespmem:v18+s3+$0x0], $0xffff;
	_ =	sdelay $0x4  }
0x1f2: {  	v36 =	vadd.s32 @!p0 v5, v36  }
0x1f3: {  	[tilespmem:$0x40E0] =	vst @!p0 v36  }
0x1f4: {  	v36 =	vld.idx.msk @!p0 [tilespmem:v19+s3+$0x0], $0xffff;
	_ =	sdelay $0x4  }
0x1f5: {  	v36 =	vadd.s32 @!p0 v7, v36  }
0x1f6: {  	s18 =	sadd.s32 s23, s17;
	s23 =	sadd.s32 $0x4000, s23;
	s5 =	simm.s32 @!p0 $0x4080;
	[tilespmem:$0x40F0] =	vst @!p0 v36  }
0x1f7: {  	[tilespmem:s24], [sflag:$0x2] =	stream.indirect.gather @!p0 [hbm4b:s1+s20], $0x80, s5, s20, $0xb8;
	[tilespmem:$0x14200] =	vst v63  }
0x1f8: {  	p0 =	sne.s32 s23, $0x40000  }
.Ltmp0:
0x1f9: {  	_ = 	snop;
	(pc) =	sbr.rel @p0 .LBB2_2-.Ltmp0, $4  }
0x1fa: {  	_ =	swait.ge [sflag:s9], $0x4000  }
0x1fb: {  	[sflag:s9] =	ssyncset.done $0x0  }
0x1fc: {  	[sflag:s9] =	ssyncadd.s32 $0xFFFFC000  }
0x1fd: {  	[hbm4b:s18+s3] =	stream.linear.scatter [tilespmem:s29], [sflag:$0x8], $0x4000, $0x38;
	[tilespmem:$0x14200] =	vst v63  }
0x1fe: {  	_ =	swait.ge [sflag:s2], $0x4000  }
0x1ff: {  	[sflag:s2] =	ssyncset.done $0x0  }
0x200: {  	[sflag:s2] =	ssyncadd.s32 $0xFFFFC000  }
0x201: {  	_ =	swait.ge [sflag:s8], $0x4000  }
0x202: {  	[sflag:s8] =	ssyncset.done $0x0  }
0x203: {  	[sflag:s8] =	ssyncadd.s32 $0xFFFFC000  }
0x204: {  	_ =	swait.ge [sflag:s7], $0x4000  }
0x205: {  	[sflag:s7] =	ssyncset.done $0x0  }
0x206: {  	[sflag:s7] =	ssyncadd.s32 $0xFFFFC000  }
0x207: {  	_ =	swait.ge [sflag:s21], $0x4000  }
0x208: {  	s10 =	rddreg [dreg:$0x9]  }
0x209: {  	s5 =	rddreg [dreg:$0x7];
	s10 =	sadd.s32 $0x1, s10  }
0x20a: {  	p0 =	sne.s32 s10, s5  }
.Ltmp1:
0x20b: {  	_ = 	snop;
	(pc) =	sbr.rel @p0 .LBB2_1-.Ltmp1, $3  }
0x20c: {  	_ =	sdelay $0x1  }
0x20d: {  	[sflag:s21] =	ssyncset.done $0x0  }
0x20e: {  	[sflag:s21] =	ssyncadd.s32 $0xFFFFC000  }
0x20f: {  	_ =	sfence.sel $0x180000  }
0x210: {  	[bflag:$0x0] =	sbarrier.arrive $0xFFFF  }
0x211: {  	_ =	strace $0x90000047  }
0x212: {  	s0 =	stileid.u32;
	[bflag:$0x2] =	sbarrier.arrive $0xFFFF  }
0x213: {  	p0 =	sne.s32 s0, $0x0;
	s0 =	rddreg [dreg:$0x3]  }
0x214: {  	s0 =	sadd.s32 @!p0 $0x100000, s0  }
0x215: {  	[sflag:s0] =	ssyncadd.tile.s32 @!p0 $0x1;
	_ =	shalt  }
.Lfunc_end2:
_tile_overlayer_lowered:
.L_overlay_start_2:
0x216: {  	(tag) =	ssettag $0x2  }
0x217: {  	s0 =	rddreg [dreg:$0x0];
	s2 =	stileid.u32  }
0x218: {  	s1 =	rddreg [dreg:$0x1];
	p0 =	sne.s32 s2, $0x0  }
0x219: {  	s3 =	rddreg [dreg:$0x2];
	[bflag:$0x3] =	sbarrier.arrive $0xFFFF;
	s2 =	simm.s32 @!p0 $0x1C0B  }
0x21a: {  	[timem:s3], [sflag:s2] =	dma.local @!p0 [hbm:s0], s1  }
0x21b: {  	s0 =	simm.s32 @!p0 $0xB  }
0x21c: {  	_ =	swait.ge @!p0 [sflag:s0], s1  }
0x21d: {  	s1 =	ssub.s32 @!p0 $0x0, s1;
	[sflag:s0] =	ssyncset.done @!p0 $0x0  }
0x21e: {  	[sflag:s0] =	ssyncadd.s32 @!p0 s1  }
0x21f: {  	[bflag:$0x3] =	sbarrier.arrive $0xFFFF  }
0x220: {  	_ =	shalt  }

</sc_bundles>
